<compile_context>
chip_gen: v7x
topology: tpu7x:2x2x1
jax: 0.10.2.dev20260603
libtpu: 0.0.44.dev20260713+nightly
codegen_flags: <defaults>
</compile_context>

<pallas_src>
import functools

import jax
import jax.numpy as jnp
from jax import lax
from jax.experimental import pallas as pl
from jax.experimental.pallas import tpu as pltpu
from jax.experimental.pallas import tpu_sc as plsc

_N = 10000
_NPAD = 10240
_E = 320000
_G = 64
_H = 64
_KEY = 128
_NW = 32
_CH = 128
_CPT = 81
_RPT = _NPAD // 16


def _make_scatter():
    mesh = plsc.VectorSubcoreMesh(core_axis_name="c", subcore_axis_name="s")

    @functools.partial(
        pl.kernel,
        out_type=jax.ShapeDtypeStruct((2, _NPAD, _H), jnp.float32),
        mesh=mesh,
        compiler_params=pltpu.CompilerParams(use_tc_tiling_on_sc=False),
        scratch_types=[
            pltpu.VMEM((_CPT, _CH), jnp.int32),
            pltpu.VMEM((_CPT, _CH), jnp.int32),
            pltpu.VMEM((_CH, _H), jnp.float32),
            pltpu.VMEM((_CH, _H), jnp.float32),
            pltpu.VMEM((_CH, _H), jnp.float32),
            pltpu.VMEM_SHARED((_NPAD, _H), jnp.float32),
            pltpu.SemaphoreType.DMA,
            pltpu.SemaphoreType.DMA,
        ],
    )
    def scat(h_hbm, src_hbm, dst_hbm, zeros_hbm, out_hbm,
             src_v, dst_v, buf_a, buf_b, bounce, agg, sem_a, sem_b):
        c = lax.axis_index("c")
        s = lax.axis_index("s")
        wid = c * 16 + s

        ci = pltpu.async_copy(src_hbm.at[wid], src_v, sem_a)
        cj = pltpu.async_copy(dst_hbm.at[wid], dst_v, sem_b)

        pltpu.sync_copy(zeros_hbm, bounce)

        @pl.loop(0, _RPT // _CH)
        def _zero(i):
            pltpu.sync_copy(bounce, agg.at[pl.ds(s * _RPT + i * _CH, _CH)])

        ci.wait()
        cj.wait()
        plsc.subcore_barrier()

        pltpu.async_copy(h_hbm.at[src_v.at[0]], buf_a, sem_a)

        @pl.loop(0, (_CPT - 1) // 2)
        def _edges(i):
            j = i * 2
            pltpu.async_copy(h_hbm.at[src_v.at[j + 1]], buf_b, sem_b)
            pltpu.make_async_copy(h_hbm.at[src_v.at[j]], buf_a, sem_a).wait()
            pltpu.sync_copy(buf_a, agg.at[dst_v.at[j]], add=True)
            pltpu.async_copy(h_hbm.at[src_v.at[j + 2]], buf_a, sem_a)
            pltpu.make_async_copy(h_hbm.at[src_v.at[j + 1]], buf_b, sem_b).wait()
            pltpu.sync_copy(buf_b, agg.at[dst_v.at[j + 1]], add=True)

        pltpu.make_async_copy(h_hbm.at[src_v.at[_CPT - 1]], buf_a, sem_a).wait()
        pltpu.sync_copy(buf_a, agg.at[dst_v.at[_CPT - 1]], add=True)
        plsc.subcore_barrier()

        @pl.loop(0, _RPT // _CH)
        def _out(i):
            base = s * _RPT + i * _CH
            pltpu.sync_copy(agg.at[pl.ds(base, _CH)], bounce)
            pltpu.sync_copy(bounce, out_hbm.at[c, pl.ds(base, _CH)])

    return scat


_scatter = _make_scatter()

_BLK = 1024
_NBLK = _NPAD // _BLK


def _mlp_pool(z, b3_ref, w1t, w1b, b1_ref, w2_ref, b2_ref, hn_ref, pool_ref,
              zr=None):
    z1 = lax.dot_general(z, w1t, (((1,), (0,)), ((), ())),
                         preferred_element_type=jnp.float32)
    if zr is not None:
        z1 = z1 + lax.dot_general(zr, w1b, (((1,), (0,)), ((), ())),
                                  preferred_element_type=jnp.float32)
    z1 = jnp.maximum(z1 + b1_ref[...], 0.0)
    z2 = lax.dot_general(z1, w2_ref[...], (((1,), (0,)), ((), ())),
                         preferred_element_type=jnp.float32) + b2_ref[...]
    hn = jnp.maximum(z2, 0.0)
    hn_ref[...] = hn
    seg = b3_ref[0, 0, :]
    onehot = (seg[:, None] == lax.broadcasted_iota(jnp.int32, (_BLK, _G), 1)
              ).astype(jnp.float32)
    part = lax.dot_general(onehot, hn, (((0,), (0,)), ((), ())),
                           preferred_element_type=jnp.float32)

    @pl.when(pl.program_id(0) == 0)
    def _():
        pool_ref[...] = part

    @pl.when(pl.program_id(0) > 0)
    def _():
        pool_ref[...] += part


def _layer0_body(aggl_ref, aggr_ref, h_ref, b3_ref, w1_ref, b1_ref, w2_ref,
                 b2_ref, hn_ref, pool_ref):
    zl = aggl_ref[0] + aggl_ref[1] + h_ref[:, 0:_H]
    zr = aggr_ref[0] + aggr_ref[1] + h_ref[:, _H:2 * _H]
    _mlp_pool(zl, b3_ref, w1_ref[0:_H, :], w1_ref[_H:2 * _H, :], b1_ref,
              w2_ref, b2_ref, hn_ref, pool_ref, zr=zr)


def _layer_body(agg_ref, h_ref, b3_ref, w1_ref, b1_ref, w2_ref, b2_ref,
                hn_ref, pool_ref):
    z = agg_ref[0] + agg_ref[1] + h_ref[...]
    _mlp_pool(z, b3_ref, w1_ref[...], None, b1_ref, w2_ref, b2_ref,
              hn_ref, pool_ref)


def _common_specs(din):
    return ([
        pl.BlockSpec((1, 1, _BLK), lambda i: (i, 0, 0)),
        pl.BlockSpec((din, _H), lambda i: (0, 0)),
        pl.BlockSpec((1, _H), lambda i: (0, 0)),
        pl.BlockSpec((_H, _H), lambda i: (0, 0)),
        pl.BlockSpec((1, _H), lambda i: (0, 0)),
    ], [
        pl.BlockSpec((_BLK, _H), lambda i: (i, 0)),
        pl.BlockSpec((_G, _H), lambda i: (0, 0)),
    ], [
        jax.ShapeDtypeStruct((_NPAD, _H), jnp.float32),
        jax.ShapeDtypeStruct((_G, _H), jnp.float32),
    ])


def _make_layer0():
    tail, outs, oshape = _common_specs(2 * _H)
    return pl.pallas_call(
        _layer0_body,
        grid=(_NBLK,),
        in_specs=[
            pl.BlockSpec((2, _BLK, _H), lambda i: (0, i, 0)),
            pl.BlockSpec((2, _BLK, _H), lambda i: (0, i, 0)),
            pl.BlockSpec((_BLK, 2 * _H), lambda i: (i, 0)),
        ] + tail,
        out_specs=outs,
        out_shape=oshape,
    )


def _make_layer():
    tail, outs, oshape = _common_specs(_H)
    return pl.pallas_call(
        _layer_body,
        grid=(_NBLK,),
        in_specs=[
            pl.BlockSpec((2, _BLK, _H), lambda i: (0, i, 0)),
            pl.BlockSpec((_BLK, _H), lambda i: (i, 0)),
        ] + tail,
        out_specs=outs,
        out_shape=oshape,
    )


_layer0 = _make_layer0()
_layer = _make_layer()


def _head_body(emb_ref, w1_ref, b1_ref, w2_ref, b2_ref, out_ref):
    k = lax.dot_general(emb_ref[...], w1_ref[...], (((1,), (0,)), ((), ())),
                        preferred_element_type=jnp.float32) + b1_ref[...]
    k = jnp.where(k > 0, k, 0.01 * k)
    k2 = lax.dot_general(k, w2_ref[...], (((1,), (0,)), ((), ())),
                         preferred_element_type=jnp.float32) + b2_ref[...]
    out_ref[...] = jax.nn.sigmoid(k2)


_head = pl.pallas_call(
    _head_body, out_shape=jax.ShapeDtypeStruct((_G, _KEY), jnp.float32))


def kernel(x, edge_index, batch, params):
    src = edge_index[0].astype(jnp.int32)
    dst = edge_index[1].astype(jnp.int32)
    ept_real = _E // _NW
    npad_edges = _CPT * _CH - ept_real
    pad = _N + ((jnp.arange(npad_edges, dtype=jnp.int32)[None, :]
                 + 7 * jnp.arange(_NW, dtype=jnp.int32)[:, None])
                % (_NPAD - _N))
    srcf = jnp.concatenate([src.reshape(_NW, ept_real), pad], axis=1)
    dstf = jnp.concatenate([dst.reshape(_NW, ept_real), pad], axis=1)
    order = jnp.argsort(dstf, axis=1)
    srcf = jnp.take_along_axis(srcf, order, axis=1)
    dstf = jnp.take_along_axis(dstf, order, axis=1)
    srcr = srcf.reshape(_NW, _CH, _CPT).transpose(0, 2, 1)
    dstr = dstf.reshape(_NW, _CH, _CPT).transpose(0, 2, 1)
    batch3 = jnp.concatenate(
        [batch.astype(jnp.int32), jnp.full((_NPAD - _N,), _G, jnp.int32)]
    ).reshape(_NPAD // _BLK, 1, _BLK)
    zeros = jnp.zeros((_CH, _H), jnp.float32)
    h = jnp.pad(x, ((0, _NPAD - _N), (0, 0)))

    (w1, b1, w2, b2) = params["layers"][0]
    aggl = _scatter(h[:, 0:_H], srcr, dstr, zeros)
    aggr = _scatter(h[:, _H:2 * _H], srcr, dstr, zeros)
    h, p = _layer0(aggl, aggr, h, batch3, w1, b1.reshape(1, _H),
                   w2, b2.reshape(1, _H))
    pooled = [p]

    for (w1, b1, w2, b2) in params["layers"][1:]:
        aggp = _scatter(h, srcr, dstr, zeros)
        h, p = _layer(aggp, h, batch3, w1, b1.reshape(1, _H),
                      w2, b2.reshape(1, _H))
        pooled.append(p)

    emb = jnp.concatenate(pooled, axis=1)
    fc1w, fc1b = params["fc1"]
    fc2w, fc2b = params["fc2"]
    return _head(emb, fc1w, fc1b.reshape(1, _H), fc2w, fc2b.reshape(1, _KEY))

# --- scband reference (transcript-rebuilt; emitter-appended) ---
"""Pipeline reference for scband-galamodel-28123445854358 (READ-ONLY COPY).

The authoritative reference and input builder live on the scoring server;
editing this copy changes nothing except your own understanding.
"""

import jax, jax.numpy as jnp
import numpy as np

N = 10000
E = 320000
D_IN = 128
H = 64
L = 5
G = 64
KEY_SIZE = 128


def _glorot(key, shape):
    fan_in, fan_out = shape[0], shape[1]
    lim = float(np.sqrt(6.0 / (fan_in + fan_out)))
    return jax.random.uniform(key, shape, jnp.float32, -lim, lim)


def setup_inputs(seed: int = 0) -> dict:
    key = jax.random.key(seed)
    ks = jax.random.split(key, 32)
    x = jax.random.normal(ks[0], (N, D_IN), jnp.float32)
    edge_index = jax.random.randint(ks[1], (2, E), 0, N, dtype=jnp.int32)
    batch = jnp.sort(jax.random.randint(ks[2], (N,), 0, G, dtype=jnp.int32))
    layers = []
    kc = 3
    for l in range(L):
        din = D_IN if l == 0 else H
        W1 = _glorot(ks[kc], (din, H)); kc += 1
        b1 = jnp.zeros((H,), jnp.float32)
        W2 = _glorot(ks[kc], (H, H)); kc += 1
        b2 = jnp.zeros((H,), jnp.float32)
        layers.append((W1, b1, W2, b2))
    fc1 = (_glorot(ks[kc], (H * L, H)), jnp.zeros((H,), jnp.float32)); kc += 1
    fc2 = (_glorot(ks[kc], (H, KEY_SIZE)), jnp.zeros((KEY_SIZE,), jnp.float32)); kc += 1
    params = {"layers": layers, "fc1": fc1, "fc2": fc2}
    return {"x": x, "edge_index": edge_index, "batch": batch, "params": params}


def reference(x, edge_index, batch, params):
    # GALAModel.forward with return_all=False, eval mode (dropout off).
    # GIN: num_layers GINConv (eps=0) layers; per-layer global_add_pool;
    # concat -> embeddings [G, H*L]; fc1 + leaky_relu(0.01) + fc2 + sigmoid.
    src = edge_index[0]
    dst = edge_index[1]
    h = x
    pooled = []
    for (W1, b1, W2, b2) in params["layers"]:
        agg = jnp.zeros_like(h).at[dst].add(h[src])  # sum aggregation (scatter-add)
        z = agg + h  # (1 + eps) * h + sum_neighbors, eps = 0
        z = jnp.maximum(z @ W1 + b1, 0.0)
        z = z @ W2 + b2
        h = jnp.maximum(z, 0.0)
        pooled.append(jax.ops.segment_sum(h, batch, num_segments=G))
    emb = jnp.concatenate(pooled, axis=1)
    fc1W, fc1b = params["fc1"]
    fc2W, fc2b = params["fc2"]
    k = emb @ fc1W + fc1b
    k = jnp.where(k > 0, k, 0.01 * k)  # leaky_relu(0.01)
    key_pred = jax.nn.sigmoid(k @ fc2W + fc2b)
    return key_pred

if __name__ == "__main__":
    import jax
    _d = setup_inputs()
    print(jax.jit(kernel)(*tuple(_d.values())))

</pallas_src>

<mosaic_0001>
#map = affine_map<(d0, d1) -> (0, 0)>
#map1 = affine_map<(d0, d1) -> (0, 0, 0)>
module attributes {stable_mosaic.version = 14 : i64} {
  func.func @scat(%arg0: i32, %arg1: i32, %arg2: memref<10240x64xf32, #tpu.memory_space<hbm>>, %arg3: memref<32x81x128xi32, #tpu.memory_space<hbm>>, %arg4: memref<32x81x128xi32, #tpu.memory_space<hbm>>, %arg5: memref<128x64xf32, #tpu.memory_space<hbm>>, %arg6: memref<2x10240x64xf32, #tpu.memory_space<hbm>>, %arg7: memref<81x128xi32, #tpu.memory_space<vmem>>, %arg8: memref<81x128xi32, #tpu.memory_space<vmem>>, %arg9: memref<128x64xf32, #tpu.memory_space<vmem>>, %arg10: memref<128x64xf32, #tpu.memory_space<vmem>>, %arg11: memref<128x64xf32, #tpu.memory_space<vmem>>, %arg12: memref<10240x64xf32, #tpu.memory_space<vmem_shared>>, %arg13: memref<!tpu.dma_semaphore, #tpu.memory_space<semaphore_mem>>, %arg14: memref<!tpu.dma_semaphore, #tpu.memory_space<semaphore_mem>>) attributes {dimension_semantics = [#tpu.dimension_semantics<core_parallel>, #tpu.dimension_semantics<subcore_parallel>], iteration_bounds = array<i64: 2, 16>, scalar_prefetch = 0 : i64, scratch_operands = 8 : i64, tpu.core_type = #tpu.core_type<sc_vector_subcore>, window_params = [{transform_indices = #map}, {transform_indices = #map1}, {transform_indices = #map1}, {transform_indices = #map}, {transform_indices = #map1}]} {
    %mul3A = arith.constant 16 : i32
    %mul3A_0 = arith.muli %arg0, %mul3A : i32
    %add3A = arith.addi %mul3A_0, %arg1 : i32
    %dma_start3A = arith.constant 0 : i32
    %dma_start3A_1 = arith.constant 0 : i32
    %dma_start3A_2 = tpu.memref_slice %arg3[%add3A, %dma_start3A, %dma_start3A_1] : memref<32x81x128xi32, #tpu.memory_space<hbm>> -> memref<1x81x128xi32, #tpu.memory_space<hbm>>
    %dma_start3A_3 = tpu.memref_squeeze %dma_start3A_2 : memref<1x81x128xi32, #tpu.memory_space<hbm>> -> memref<81x128xi32, #tpu.memory_space<hbm>>
    %dma_start3A_4 = arith.constant 0 : i32
    %dma_start3A_5 = arith.constant 0 : i32
    %dma_start3A_6 = tpu.memref_slice %arg3[%add3A, %dma_start3A_4, %dma_start3A_5] : memref<32x81x128xi32, #tpu.memory_space<hbm>> -> memref<1x81x128xi32, #tpu.memory_space<hbm>>
    %dma_start3A_7 = tpu.memref_squeeze %dma_start3A_6 : memref<1x81x128xi32, #tpu.memory_space<hbm>> -> memref<81x128xi32, #tpu.memory_space<hbm>>
    tpu.enqueue_dma source(%dma_start3A_7 : memref<81x128xi32, #tpu.memory_space<hbm>>) target(%arg7 : memref<81x128xi32, #tpu.memory_space<vmem>>) target_semaphore(%arg13 : memref<!tpu.dma_semaphore, #tpu.memory_space<semaphore_mem>>)
    %dma_start3A_8 = arith.constant 0 : i32
    %dma_start3A_9 = arith.constant 0 : i32
    %dma_start3A_10 = tpu.memref_slice %arg4[%add3A, %dma_start3A_8, %dma_start3A_9] : memref<32x81x128xi32, #tpu.memory_space<hbm>> -> memref<1x81x128xi32, #tpu.memory_space<hbm>>
    %dma_start3A_11 = tpu.memref_squeeze %dma_start3A_10 : memref<1x81x128xi32, #tpu.memory_space<hbm>> -> memref<81x128xi32, #tpu.memory_space<hbm>>
    %dma_start3A_12 = arith.constant 0 : i32
    %dma_start3A_13 = arith.constant 0 : i32
    %dma_start3A_14 = tpu.memref_slice %arg4[%add3A, %dma_start3A_12, %dma_start3A_13] : memref<32x81x128xi32, #tpu.memory_space<hbm>> -> memref<1x81x128xi32, #tpu.memory_space<hbm>>
    %dma_start3A_15 = tpu.memref_squeeze %dma_start3A_14 : memref<1x81x128xi32, #tpu.memory_space<hbm>> -> memref<81x128xi32, #tpu.memory_space<hbm>>
    tpu.enqueue_dma source(%dma_start3A_15 : memref<81x128xi32, #tpu.memory_space<hbm>>) target(%arg8 : memref<81x128xi32, #tpu.memory_space<vmem>>) target_semaphore(%arg14 : memref<!tpu.dma_semaphore, #tpu.memory_space<semaphore_mem>>)
    "tpu.region"() ({
      %run_scoped3A_60 = tpu.sem_alloc : memref<!tpu.dma_semaphore, #tpu.memory_space<semaphore_mem>>
      tpu.enqueue_dma source(%arg5 : memref<128x64xf32, #tpu.memory_space<hbm>>) target(%arg11 : memref<128x64xf32, #tpu.memory_space<vmem>>) target_semaphore(%run_scoped3A_60 : memref<!tpu.dma_semaphore, #tpu.memory_space<semaphore_mem>>)
      tpu.wait_dma2 semaphore(%run_scoped3A_60 : memref<!tpu.dma_semaphore, #tpu.memory_space<semaphore_mem>>) src(%arg5 : memref<128x64xf32, #tpu.memory_space<hbm>>) dst(%arg11 : memref<128x64xf32, #tpu.memory_space<vmem>>)
      tpu.yield
    }) : () -> ()
    %scan3A = arith.constant 0 : i32
    %scan3A_16 = arith.constant 5 : i32
    %scan3A_17 = arith.addi %scan3A, %scan3A_16 : i32
    %scan3A_18 = arith.constant 1 : i32
    scf.for %scan3A_60 = %scan3A to %scan3A_17 step %scan3A_18  : i32 {
      %mul3A_61 = arith.constant 1 : i32
      %mul3A_62 = arith.muli %scan3A_60, %mul3A_61 : i32
      %add3A_63 = arith.constant 0 : i32
      %add3A_64 = arith.addi %add3A_63, %mul3A_62 : i32
      %mul3A_65 = arith.constant 640 : i32
      %mul3A_66 = arith.muli %arg1, %mul3A_65 : i32
      %mul3A_67 = arith.constant 128 : i32
      %mul3A_68 = arith.muli %add3A_64, %mul3A_67 : i32
      %add3A_69 = arith.addi %mul3A_66, %mul3A_68 : i32
      "tpu.region"() ({
        %run_scoped3A_70 = tpu.sem_alloc : memref<!tpu.dma_semaphore, #tpu.memory_space<semaphore_mem>>
        %dma_start3A_71 = arith.constant 0 : i32
        %dma_start3A_72 = tpu.memref_slice %arg12[%add3A_69, %dma_start3A_71] : memref<10240x64xf32, #tpu.memory_space<vmem_shared>> -> memref<128x64xf32, #tpu.memory_space<vmem_shared>>
        %dma_start3A_73 = arith.constant 0 : i32
        %dma_start3A_74 = tpu.memref_slice %arg12[%add3A_69, %dma_start3A_73] : memref<10240x64xf32, #tpu.memory_space<vmem_shared>> -> memref<128x64xf32, #tpu.memory_space<vmem_shared>>
        tpu.enqueue_dma source(%arg11 : memref<128x64xf32, #tpu.memory_space<vmem>>) target(%dma_start3A_74 : memref<128x64xf32, #tpu.memory_space<vmem_shared>>) target_semaphore(%run_scoped3A_70 : memref<!tpu.dma_semaphore, #tpu.memory_space<semaphore_mem>>)
        %dma_wait3A_75 = arith.constant 0 : i32
        %dma_wait3A_76 = tpu.memref_slice %arg12[%add3A_69, %dma_wait3A_75] : memref<10240x64xf32, #tpu.memory_space<vmem_shared>> -> memref<128x64xf32, #tpu.memory_space<vmem_shared>>
        %dma_wait3A_77 = arith.constant 0 : i32
        %dma_wait3A_78 = tpu.memref_slice %arg12[%add3A_69, %dma_wait3A_77] : memref<10240x64xf32, #tpu.memory_space<vmem_shared>> -> memref<128x64xf32, #tpu.memory_space<vmem_shared>>
        tpu.wait_dma2 semaphore(%run_scoped3A_70 : memref<!tpu.dma_semaphore, #tpu.memory_space<semaphore_mem>>) src(%arg11 : memref<128x64xf32, #tpu.memory_space<vmem>>) dst(%dma_wait3A_78 : memref<128x64xf32, #tpu.memory_space<vmem_shared>>)
        tpu.yield
      }) : () -> ()
    }
    %scan3A_19 = arith.constant 5 : i32
    %dma_wait3A = arith.constant 0 : i32
    %dma_wait3A_20 = arith.constant 0 : i32
    %dma_wait3A_21 = tpu.memref_slice %arg3[%add3A, %dma_wait3A, %dma_wait3A_20] : memref<32x81x128xi32, #tpu.memory_space<hbm>> -> memref<1x81x128xi32, #tpu.memory_space<hbm>>
    %dma_wait3A_22 = tpu.memref_squeeze %dma_wait3A_21 : memref<1x81x128xi32, #tpu.memory_space<hbm>> -> memref<81x128xi32, #tpu.memory_space<hbm>>
    %dma_wait3A_23 = arith.constant 0 : i32
    %dma_wait3A_24 = arith.constant 0 : i32
    %dma_wait3A_25 = tpu.memref_slice %arg3[%add3A, %dma_wait3A_23, %dma_wait3A_24] : memref<32x81x128xi32, #tpu.memory_space<hbm>> -> memref<1x81x128xi32, #tpu.memory_space<hbm>>
    %dma_wait3A_26 = tpu.memref_squeeze %dma_wait3A_25 : memref<1x81x128xi32, #tpu.memory_space<hbm>> -> memref<81x128xi32, #tpu.memory_space<hbm>>
    tpu.wait_dma2 semaphore(%arg13 : memref<!tpu.dma_semaphore, #tpu.memory_space<semaphore_mem>>) src(%dma_wait3A_26 : memref<81x128xi32, #tpu.memory_space<hbm>>) dst(%arg7 : memref<81x128xi32, #tpu.memory_space<vmem>>)
    %dma_wait3A_27 = arith.constant 0 : i32
    %dma_wait3A_28 = arith.constant 0 : i32
    %dma_wait3A_29 = tpu.memref_slice %arg4[%add3A, %dma_wait3A_27, %dma_wait3A_28] : memref<32x81x128xi32, #tpu.memory_space<hbm>> -> memref<1x81x128xi32, #tpu.memory_space<hbm>>
    %dma_wait3A_30 = tpu.memref_squeeze %dma_wait3A_29 : memref<1x81x128xi32, #tpu.memory_space<hbm>> -> memref<81x128xi32, #tpu.memory_space<hbm>>
    %dma_wait3A_31 = arith.constant 0 : i32
    %dma_wait3A_32 = arith.constant 0 : i32
    %dma_wait3A_33 = tpu.memref_slice %arg4[%add3A, %dma_wait3A_31, %dma_wait3A_32] : memref<32x81x128xi32, #tpu.memory_space<hbm>> -> memref<1x81x128xi32, #tpu.memory_space<hbm>>
    %dma_wait3A_34 = tpu.memref_squeeze %dma_wait3A_33 : memref<1x81x128xi32, #tpu.memory_space<hbm>> -> memref<81x128xi32, #tpu.memory_space<hbm>>
    tpu.wait_dma2 semaphore(%arg14 : memref<!tpu.dma_semaphore, #tpu.memory_space<semaphore_mem>>) src(%dma_wait3A_34 : memref<81x128xi32, #tpu.memory_space<hbm>>) dst(%arg8 : memref<81x128xi32, #tpu.memory_space<vmem>>)
    %barrier3A = arith.constant 0 : index
    tpu.barrier barrier_id(%barrier3A)
    %dma_start3A_35 = arith.constant 0 : i32
    %dma_start3A_36 = arith.constant 0 : i32
    %dma_start3A_37 = tpu.memref_slice %arg7[%dma_start3A_35, %dma_start3A_36] : memref<81x128xi32, #tpu.memory_space<vmem>> -> memref<1x128xi32, #tpu.memory_space<vmem>>
    %dma_start3A_38 = tpu.memref_squeeze %dma_start3A_37 : memref<1x128xi32, #tpu.memory_space<vmem>> -> memref<128xi32, #tpu.memory_space<vmem>>
    %dma_start3A_39 = arith.constant 0 : i32
    %dma_start3A_40 = arith.constant 0 : i32
    %dma_start3A_41 = tpu.memref_slice %arg2[%dma_start3A_39, %dma_start3A_40] : memref<10240x64xf32, #tpu.memory_space<hbm>> -> memref<10240x64xf32, #tpu.memory_space<hbm>>
    tpu.enqueue_indirect_dma source(%dma_start3A_41 : memref<10240x64xf32, #tpu.memory_space<hbm>>) target(%arg9 : memref<128x64xf32, #tpu.memory_space<vmem>>) offsets(%dma_start3A_38 : memref<128xi32, #tpu.memory_space<vmem>>) semaphore(%arg13 : memref<!tpu.dma_semaphore, #tpu.memory_space<semaphore_mem>>)
    %scan3A_42 = arith.constant 0 : i32
    %scan3A_43 = arith.constant 40 : i32
    %scan3A_44 = arith.addi %scan3A_42, %scan3A_43 : i32
    %scan3A_45 = arith.constant 1 : i32
    scf.for %scan3A_60 = %scan3A_42 to %scan3A_44 step %scan3A_45  : i32 {
      %mul3A_61 = arith.constant 1 : i32
      %mul3A_62 = arith.muli %scan3A_60, %mul3A_61 : i32
      %add3A_63 = arith.constant 0 : i32
      %add3A_64 = arith.addi %add3A_63, %mul3A_62 : i32
      %mul3A_65 = arith.constant 2 : i32
      %mul3A_66 = arith.muli %add3A_64, %mul3A_65 : i32
      %add3A_67 = arith.constant 1 : i32
      %add3A_68 = arith.addi %mul3A_66, %add3A_67 : i32
      %dma_start3A_69 = arith.constant 0 : i32
      %dma_start3A_70 = tpu.memref_slice %arg7[%add3A_68, %dma_start3A_69] : memref<81x128xi32, #tpu.memory_space<vmem>> -> memref<1x128xi32, #tpu.memory_space<vmem>>
      %dma_start3A_71 = tpu.memref_squeeze %dma_start3A_70 : memref<1x128xi32, #tpu.memory_space<vmem>> -> memref<128xi32, #tpu.memory_space<vmem>>
      %dma_start3A_72 = arith.constant 0 : i32
      %dma_start3A_73 = arith.constant 0 : i32
      %dma_start3A_74 = tpu.memref_slice %arg2[%dma_start3A_72, %dma_start3A_73] : memref<10240x64xf32, #tpu.memory_space<hbm>> -> memref<10240x64xf32, #tpu.memory_space<hbm>>
      tpu.enqueue_indirect_dma source(%dma_start3A_74 : memref<10240x64xf32, #tpu.memory_space<hbm>>) target(%arg10 : memref<128x64xf32, #tpu.memory_space<vmem>>) offsets(%dma_start3A_71 : memref<128xi32, #tpu.memory_space<vmem>>) semaphore(%arg14 : memref<!tpu.dma_semaphore, #tpu.memory_space<semaphore_mem>>)
      %dma_wait3A_75 = arith.constant 0 : i32
      %dma_wait3A_76 = tpu.memref_slice %arg7[%mul3A_66, %dma_wait3A_75] : memref<81x128xi32, #tpu.memory_space<vmem>> -> memref<1x128xi32, #tpu.memory_space<vmem>>
      %dma_wait3A_77 = tpu.memref_squeeze %dma_wait3A_76 : memref<1x128xi32, #tpu.memory_space<vmem>> -> memref<128xi32, #tpu.memory_space<vmem>>
      %dma_wait3A_78 = arith.constant 0 : i32
      %dma_wait3A_79 = arith.constant 0 : i32
      %dma_wait3A_80 = tpu.memref_slice %arg2[%dma_wait3A_78, %dma_wait3A_79] : memref<10240x64xf32, #tpu.memory_space<hbm>> -> memref<10240x64xf32, #tpu.memory_space<hbm>>
      tpu.wait_indirect_dma semaphore(%arg13 : memref<!tpu.dma_semaphore, #tpu.memory_space<semaphore_mem>>) src(%dma_wait3A_80 : memref<10240x64xf32, #tpu.memory_space<hbm>>) dst(%arg9 : memref<128x64xf32, #tpu.memory_space<vmem>>)
      "tpu.region"() ({
        %run_scoped3A_99 = tpu.sem_alloc : memref<!tpu.dma_semaphore, #tpu.memory_space<semaphore_mem>>
        %dma_start3A_100 = arith.constant 0 : i32
        %dma_start3A_101 = tpu.memref_slice %arg8[%mul3A_66, %dma_start3A_100] : memref<81x128xi32, #tpu.memory_space<vmem>> -> memref<1x128xi32, #tpu.memory_space<vmem>>
        %dma_start3A_102 = tpu.memref_squeeze %dma_start3A_101 : memref<1x128xi32, #tpu.memory_space<vmem>> -> memref<128xi32, #tpu.memory_space<vmem>>
        %dma_start3A_103 = arith.constant 0 : i32
        %dma_start3A_104 = arith.constant 0 : i32
        %dma_start3A_105 = tpu.memref_slice %arg12[%dma_start3A_103, %dma_start3A_104] : memref<10240x64xf32, #tpu.memory_space<vmem_shared>> -> memref<10240x64xf32, #tpu.memory_space<vmem_shared>>
        tpu.enqueue_indirect_dma source(%arg9 : memref<128x64xf32, #tpu.memory_space<vmem>>) target(%dma_start3A_105 : memref<10240x64xf32, #tpu.memory_space<vmem_shared>>) offsets(%dma_start3A_102 : memref<128xi32, #tpu.memory_space<vmem>>) semaphore(%run_scoped3A_99 : memref<!tpu.dma_semaphore, #tpu.memory_space<semaphore_mem>>) {add = true}
        %dma_wait3A_106 = arith.constant 0 : i32
        %dma_wait3A_107 = tpu.memref_slice %arg8[%mul3A_66, %dma_wait3A_106] : memref<81x128xi32, #tpu.memory_space<vmem>> -> memref<1x128xi32, #tpu.memory_space<vmem>>
        %dma_wait3A_108 = tpu.memref_squeeze %dma_wait3A_107 : memref<1x128xi32, #tpu.memory_space<vmem>> -> memref<128xi32, #tpu.memory_space<vmem>>
        %dma_wait3A_109 = arith.constant 0 : i32
        %dma_wait3A_110 = arith.constant 0 : i32
        %dma_wait3A_111 = tpu.memref_slice %arg12[%dma_wait3A_109, %dma_wait3A_110] : memref<10240x64xf32, #tpu.memory_space<vmem_shared>> -> memref<10240x64xf32, #tpu.memory_space<vmem_shared>>
        tpu.wait_indirect_dma semaphore(%run_scoped3A_99 : memref<!tpu.dma_semaphore, #tpu.memory_space<semaphore_mem>>) src(%arg9 : memref<128x64xf32, #tpu.memory_space<vmem>>) dst(%dma_wait3A_111 : memref<10240x64xf32, #tpu.memory_space<vmem_shared>>)
        tpu.yield
      }) : () -> ()
      %add3A_81 = arith.constant 2 : i32
      %add3A_82 = arith.addi %mul3A_66, %add3A_81 : i32
      %dma_start3A_83 = arith.constant 0 : i32
      %dma_start3A_84 = tpu.memref_slice %arg7[%add3A_82, %dma_start3A_83] : memref<81x128xi32, #tpu.memory_space<vmem>> -> memref<1x128xi32, #tpu.memory_space<vmem>>
      %dma_start3A_85 = tpu.memref_squeeze %dma_start3A_84 : memref<1x128xi32, #tpu.memory_space<vmem>> -> memref<128xi32, #tpu.memory_space<vmem>>
      %dma_start3A_86 = arith.constant 0 : i32
      %dma_start3A_87 = arith.constant 0 : i32
      %dma_start3A_88 = tpu.memref_slice %arg2[%dma_start3A_86, %dma_start3A_87] : memref<10240x64xf32, #tpu.memory_space<hbm>> -> memref<10240x64xf32, #tpu.memory_space<hbm>>
      tpu.enqueue_indirect_dma source(%dma_start3A_88 : memref<10240x64xf32, #tpu.memory_space<hbm>>) target(%arg9 : memref<128x64xf32, #tpu.memory_space<vmem>>) offsets(%dma_start3A_85 : memref<128xi32, #tpu.memory_space<vmem>>) semaphore(%arg13 : memref<!tpu.dma_semaphore, #tpu.memory_space<semaphore_mem>>)
      %add3A_89 = arith.constant 1 : i32
      %add3A_90 = arith.addi %mul3A_66, %add3A_89 : i32
      %dma_wait3A_91 = arith.constant 0 : i32
      %dma_wait3A_92 = tpu.memref_slice %arg7[%add3A_90, %dma_wait3A_91] : memref<81x128xi32, #tpu.memory_space<vmem>> -> memref<1x128xi32, #tpu.memory_space<vmem>>
      %dma_wait3A_93 = tpu.memref_squeeze %dma_wait3A_92 : memref<1x128xi32, #tpu.memory_space<vmem>> -> memref<128xi32, #tpu.memory_space<vmem>>
      %dma_wait3A_94 = arith.constant 0 : i32
      %dma_wait3A_95 = arith.constant 0 : i32
      %dma_wait3A_96 = tpu.memref_slice %arg2[%dma_wait3A_94, %dma_wait3A_95] : memref<10240x64xf32, #tpu.memory_space<hbm>> -> memref<10240x64xf32, #tpu.memory_space<hbm>>
      tpu.wait_indirect_dma semaphore(%arg14 : memref<!tpu.dma_semaphore, #tpu.memory_space<semaphore_mem>>) src(%dma_wait3A_96 : memref<10240x64xf32, #tpu.memory_space<hbm>>) dst(%arg10 : memref<128x64xf32, #tpu.memory_space<vmem>>)
      %add3A_97 = arith.constant 1 : i32
      %add3A_98 = arith.addi %mul3A_66, %add3A_97 : i32
      "tpu.region"() ({
        %run_scoped3A_99 = tpu.sem_alloc : memref<!tpu.dma_semaphore, #tpu.memory_space<semaphore_mem>>
        %dma_start3A_100 = arith.constant 0 : i32
        %dma_start3A_101 = tpu.memref_slice %arg8[%add3A_98, %dma_start3A_100] : memref<81x128xi32, #tpu.memory_space<vmem>> -> memref<1x128xi32, #tpu.memory_space<vmem>>
        %dma_start3A_102 = tpu.memref_squeeze %dma_start3A_101 : memref<1x128xi32, #tpu.memory_space<vmem>> -> memref<128xi32, #tpu.memory_space<vmem>>
        %dma_start3A_103 = arith.constant 0 : i32
        %dma_start3A_104 = arith.constant 0 : i32
        %dma_start3A_105 = tpu.memref_slice %arg12[%dma_start3A_103, %dma_start3A_104] : memref<10240x64xf32, #tpu.memory_space<vmem_shared>> -> memref<10240x64xf32, #tpu.memory_space<vmem_shared>>
        tpu.enqueue_indirect_dma source(%arg10 : memref<128x64xf32, #tpu.memory_space<vmem>>) target(%dma_start3A_105 : memref<10240x64xf32, #tpu.memory_space<vmem_shared>>) offsets(%dma_start3A_102 : memref<128xi32, #tpu.memory_space<vmem>>) semaphore(%run_scoped3A_99 : memref<!tpu.dma_semaphore, #tpu.memory_space<semaphore_mem>>) {add = true}
        %dma_wait3A_106 = arith.constant 0 : i32
        %dma_wait3A_107 = tpu.memref_slice %arg8[%add3A_98, %dma_wait3A_106] : memref<81x128xi32, #tpu.memory_space<vmem>> -> memref<1x128xi32, #tpu.memory_space<vmem>>
        %dma_wait3A_108 = tpu.memref_squeeze %dma_wait3A_107 : memref<1x128xi32, #tpu.memory_space<vmem>> -> memref<128xi32, #tpu.memory_space<vmem>>
        %dma_wait3A_109 = arith.constant 0 : i32
        %dma_wait3A_110 = arith.constant 0 : i32
        %dma_wait3A_111 = tpu.memref_slice %arg12[%dma_wait3A_109, %dma_wait3A_110] : memref<10240x64xf32, #tpu.memory_space<vmem_shared>> -> memref<10240x64xf32, #tpu.memory_space<vmem_shared>>
        tpu.wait_indirect_dma semaphore(%run_scoped3A_99 : memref<!tpu.dma_semaphore, #tpu.memory_space<semaphore_mem>>) src(%arg10 : memref<128x64xf32, #tpu.memory_space<vmem>>) dst(%dma_wait3A_111 : memref<10240x64xf32, #tpu.memory_space<vmem_shared>>)
        tpu.yield
      }) : () -> ()
    }
    %scan3A_46 = arith.constant 40 : i32
    %dma_wait3A_47 = arith.constant 80 : i32
    %dma_wait3A_48 = arith.constant 0 : i32
    %dma_wait3A_49 = tpu.memref_slice %arg7[%dma_wait3A_47, %dma_wait3A_48] : memref<81x128xi32, #tpu.memory_space<vmem>> -> memref<1x128xi32, #tpu.memory_space<vmem>>
    %dma_wait3A_50 = tpu.memref_squeeze %dma_wait3A_49 : memref<1x128xi32, #tpu.memory_space<vmem>> -> memref<128xi32, #tpu.memory_space<vmem>>
    %dma_wait3A_51 = arith.constant 0 : i32
    %dma_wait3A_52 = arith.constant 0 : i32
    %dma_wait3A_53 = tpu.memref_slice %arg2[%dma_wait3A_51, %dma_wait3A_52] : memref<10240x64xf32, #tpu.memory_space<hbm>> -> memref<10240x64xf32, #tpu.memory_space<hbm>>
    tpu.wait_indirect_dma semaphore(%arg13 : memref<!tpu.dma_semaphore, #tpu.memory_space<semaphore_mem>>) src(%dma_wait3A_53 : memref<10240x64xf32, #tpu.memory_space<hbm>>) dst(%arg9 : memref<128x64xf32, #tpu.memory_space<vmem>>)
    %run_scoped3A = arith.constant 80 : i32
    "tpu.region"() ({
      %run_scoped3A_60 = tpu.sem_alloc : memref<!tpu.dma_semaphore, #tpu.memory_space<semaphore_mem>>
      %dma_start3A_61 = arith.constant 0 : i32
      %dma_start3A_62 = tpu.memref_slice %arg8[%run_scoped3A, %dma_start3A_61] : memref<81x128xi32, #tpu.memory_space<vmem>> -> memref<1x128xi32, #tpu.memory_space<vmem>>
      %dma_start3A_63 = tpu.memref_squeeze %dma_start3A_62 : memref<1x128xi32, #tpu.memory_space<vmem>> -> memref<128xi32, #tpu.memory_space<vmem>>
      %dma_start3A_64 = arith.constant 0 : i32
      %dma_start3A_65 = arith.constant 0 : i32
      %dma_start3A_66 = tpu.memref_slice %arg12[%dma_start3A_64, %dma_start3A_65] : memref<10240x64xf32, #tpu.memory_space<vmem_shared>> -> memref<10240x64xf32, #tpu.memory_space<vmem_shared>>
      tpu.enqueue_indirect_dma source(%arg9 : memref<128x64xf32, #tpu.memory_space<vmem>>) target(%dma_start3A_66 : memref<10240x64xf32, #tpu.memory_space<vmem_shared>>) offsets(%dma_start3A_63 : memref<128xi32, #tpu.memory_space<vmem>>) semaphore(%run_scoped3A_60 : memref<!tpu.dma_semaphore, #tpu.memory_space<semaphore_mem>>) {add = true}
      %dma_wait3A_67 = arith.constant 0 : i32
      %dma_wait3A_68 = tpu.memref_slice %arg8[%run_scoped3A, %dma_wait3A_67] : memref<81x128xi32, #tpu.memory_space<vmem>> -> memref<1x128xi32, #tpu.memory_space<vmem>>
      %dma_wait3A_69 = tpu.memref_squeeze %dma_wait3A_68 : memref<1x128xi32, #tpu.memory_space<vmem>> -> memref<128xi32, #tpu.memory_space<vmem>>
      %dma_wait3A_70 = arith.constant 0 : i32
      %dma_wait3A_71 = arith.constant 0 : i32
      %dma_wait3A_72 = tpu.memref_slice %arg12[%dma_wait3A_70, %dma_wait3A_71] : memref<10240x64xf32, #tpu.memory_space<vmem_shared>> -> memref<10240x64xf32, #tpu.memory_space<vmem_shared>>
      tpu.wait_indirect_dma semaphore(%run_scoped3A_60 : memref<!tpu.dma_semaphore, #tpu.memory_space<semaphore_mem>>) src(%arg9 : memref<128x64xf32, #tpu.memory_space<vmem>>) dst(%dma_wait3A_72 : memref<10240x64xf32, #tpu.memory_space<vmem_shared>>)
      tpu.yield
    }) : () -> ()
    %barrier3A_54 = arith.constant 0 : index
    tpu.barrier barrier_id(%barrier3A_54)
    %scan3A_55 = arith.constant 0 : i32
    %scan3A_56 = arith.constant 5 : i32
    %scan3A_57 = arith.addi %scan3A_55, %scan3A_56 : i32
    %scan3A_58 = arith.constant 1 : i32
    scf.for %scan3A_60 = %scan3A_55 to %scan3A_57 step %scan3A_58  : i32 {
      %mul3A_61 = arith.constant 1 : i32
      %mul3A_62 = arith.muli %scan3A_60, %mul3A_61 : i32
      %add3A_63 = arith.constant 0 : i32
      %add3A_64 = arith.addi %add3A_63, %mul3A_62 : i32
      %mul3A_65 = arith.constant 640 : i32
      %mul3A_66 = arith.muli %arg1, %mul3A_65 : i32
      %mul3A_67 = arith.constant 128 : i32
      %mul3A_68 = arith.muli %add3A_64, %mul3A_67 : i32
      %add3A_69 = arith.addi %mul3A_66, %mul3A_68 : i32
      "tpu.region"() ({
        %run_scoped3A_70 = tpu.sem_alloc : memref<!tpu.dma_semaphore, #tpu.memory_space<semaphore_mem>>
        %dma_start3A_71 = arith.constant 0 : i32
        %dma_start3A_72 = tpu.memref_slice %arg12[%add3A_69, %dma_start3A_71] : memref<10240x64xf32, #tpu.memory_space<vmem_shared>> -> memref<128x64xf32, #tpu.memory_space<vmem_shared>>
        %dma_start3A_73 = arith.constant 0 : i32
        %dma_start3A_74 = tpu.memref_slice %arg12[%add3A_69, %dma_start3A_73] : memref<10240x64xf32, #tpu.memory_space<vmem_shared>> -> memref<128x64xf32, #tpu.memory_space<vmem_shared>>
        tpu.enqueue_dma source(%dma_start3A_74 : memref<128x64xf32, #tpu.memory_space<vmem_shared>>) target(%arg11 : memref<128x64xf32, #tpu.memory_space<vmem>>) target_semaphore(%run_scoped3A_70 : memref<!tpu.dma_semaphore, #tpu.memory_space<semaphore_mem>>)
        %dma_wait3A_75 = arith.constant 0 : i32
        %dma_wait3A_76 = tpu.memref_slice %arg12[%add3A_69, %dma_wait3A_75] : memref<10240x64xf32, #tpu.memory_space<vmem_shared>> -> memref<128x64xf32, #tpu.memory_space<vmem_shared>>
        %dma_wait3A_77 = arith.constant 0 : i32
        %dma_wait3A_78 = tpu.memref_slice %arg12[%add3A_69, %dma_wait3A_77] : memref<10240x64xf32, #tpu.memory_space<vmem_shared>> -> memref<128x64xf32, #tpu.memory_space<vmem_shared>>
        tpu.wait_dma2 semaphore(%run_scoped3A_70 : memref<!tpu.dma_semaphore, #tpu.memory_space<semaphore_mem>>) src(%dma_wait3A_78 : memref<128x64xf32, #tpu.memory_space<vmem_shared>>) dst(%arg11 : memref<128x64xf32, #tpu.memory_space<vmem>>)
        tpu.yield
      }) : () -> ()
      "tpu.region"() ({
        %run_scoped3A_70 = tpu.sem_alloc : memref<!tpu.dma_semaphore, #tpu.memory_space<semaphore_mem>>
        %dma_start3A_71 = arith.constant 0 : i32
        %dma_start3A_72 = tpu.memref_slice %arg6[%arg0, %add3A_69, %dma_start3A_71] : memref<2x10240x64xf32, #tpu.memory_space<hbm>> -> memref<1x128x64xf32, #tpu.memory_space<hbm>>
        %dma_start3A_73 = tpu.memref_squeeze %dma_start3A_72 : memref<1x128x64xf32, #tpu.memory_space<hbm>> -> memref<128x64xf32, #tpu.memory_space<hbm>>
        %dma_start3A_74 = arith.constant 0 : i32
        %dma_start3A_75 = tpu.memref_slice %arg6[%arg0, %add3A_69, %dma_start3A_74] : memref<2x10240x64xf32, #tpu.memory_space<hbm>> -> memref<1x128x64xf32, #tpu.memory_space<hbm>>
        %dma_start3A_76 = tpu.memref_squeeze %dma_start3A_75 : memref<1x128x64xf32, #tpu.memory_space<hbm>> -> memref<128x64xf32, #tpu.memory_space<hbm>>
        tpu.enqueue_dma source(%arg11 : memref<128x64xf32, #tpu.memory_space<vmem>>) target(%dma_start3A_76 : memref<128x64xf32, #tpu.memory_space<hbm>>) target_semaphore(%run_scoped3A_70 : memref<!tpu.dma_semaphore, #tpu.memory_space<semaphore_mem>>)
        %dma_wait3A_77 = arith.constant 0 : i32
        %dma_wait3A_78 = tpu.memref_slice %arg6[%arg0, %add3A_69, %dma_wait3A_77] : memref<2x10240x64xf32, #tpu.memory_space<hbm>> -> memref<1x128x64xf32, #tpu.memory_space<hbm>>
        %dma_wait3A_79 = tpu.memref_squeeze %dma_wait3A_78 : memref<1x128x64xf32, #tpu.memory_space<hbm>> -> memref<128x64xf32, #tpu.memory_space<hbm>>
        %dma_wait3A_80 = arith.constant 0 : i32
        %dma_wait3A_81 = tpu.memref_slice %arg6[%arg0, %add3A_69, %dma_wait3A_80] : memref<2x10240x64xf32, #tpu.memory_space<hbm>> -> memref<1x128x64xf32, #tpu.memory_space<hbm>>
        %dma_wait3A_82 = tpu.memref_squeeze %dma_wait3A_81 : memref<1x128x64xf32, #tpu.memory_space<hbm>> -> memref<128x64xf32, #tpu.memory_space<hbm>>
        tpu.wait_dma2 semaphore(%run_scoped3A_70 : memref<!tpu.dma_semaphore, #tpu.memory_space<semaphore_mem>>) src(%arg11 : memref<128x64xf32, #tpu.memory_space<vmem>>) dst(%dma_wait3A_82 : memref<128x64xf32, #tpu.memory_space<hbm>>)
        tpu.yield
      }) : () -> ()
    }
    %scan3A_59 = arith.constant 5 : i32
    return
  }
}

#map = affine_map<(d0, d1) -> (0, 0)>
#map1 = affine_map<(d0, d1) -> (0, 0, 0)>
module attributes {stable_mosaic.version = 14 : i64} {
  func.func @scat(%arg0: i32, %arg1: i32, %arg2: memref<10240x64xf32, #tpu.memory_space<hbm>>, %arg3: memref<32x81x128xi32, #tpu.memory_space<hbm>>, %arg4: memref<32x81x128xi32, #tpu.memory_space<hbm>>, %arg5: memref<128x64xf32, #tpu.memory_space<hbm>>, %arg6: memref<2x10240x64xf32, #tpu.memory_space<hbm>>, %arg7: memref<81x128xi32, #tpu.memory_space<vmem>>, %arg8: memref<81x128xi32, #tpu.memory_space<vmem>>, %arg9: memref<128x64xf32, #tpu.memory_space<vmem>>, %arg10: memref<128x64xf32, #tpu.memory_space<vmem>>, %arg11: memref<128x64xf32, #tpu.memory_space<vmem>>, %arg12: memref<10240x64xf32, #tpu.memory_space<vmem_shared>>, %arg13: memref<!tpu.dma_semaphore, #tpu.memory_space<semaphore_mem>>, %arg14: memref<!tpu.dma_semaphore, #tpu.memory_space<semaphore_mem>>) attributes {dimension_semantics = [#tpu.dimension_semantics<core_parallel>, #tpu.dimension_semantics<subcore_parallel>], iteration_bounds = array<i64: 2, 16>, scalar_prefetch = 0 : i64, scratch_operands = 8 : i64, tpu.core_type = #tpu.core_type<sc_vector_subcore>, window_params = [{transform_indices = #map}, {transform_indices = #map1}, {transform_indices = #map1}, {transform_indices = #map}, {transform_indices = #map1}]} {
    %mul3A = arith.constant 16 : i32
    %mul3A_0 = arith.muli %arg0, %mul3A : i32
    %add3A = arith.addi %mul3A_0, %arg1 : i32
    %dma_start3A = arith.constant 0 : i32
    %dma_start3A_1 = arith.constant 0 : i32
    %dma_start3A_2 = tpu.memref_slice %arg3[%add3A, %dma_start3A, %dma_start3A_1] : memref<32x81x128xi32, #tpu.memory_space<hbm>> -> memref<1x81x128xi32, #tpu.memory_space<hbm>>
    %dma_start3A_3 = tpu.memref_squeeze %dma_start3A_2 : memref<1x81x128xi32, #tpu.memory_space<hbm>> -> memref<81x128xi32, #tpu.memory_space<hbm>>
    %dma_start3A_4 = arith.constant 0 : i32
    %dma_start3A_5 = arith.constant 0 : i32
    %dma_start3A_6 = tpu.memref_slice %arg3[%add3A, %dma_start3A_4, %dma_start3A_5] : memref<32x81x128xi32, #tpu.memory_space<hbm>> -> memref<1x81x128xi32, #tpu.memory_space<hbm>>
    %dma_start3A_7 = tpu.memref_squeeze %dma_start3A_6 : memref<1x81x128xi32, #tpu.memory_space<hbm>> -> memref<81x128xi32, #tpu.memory_space<hbm>>
    tpu.enqueue_dma source(%dma_start3A_7 : memref<81x128xi32, #tpu.memory_space<hbm>>) target(%arg7 : memref<81x128xi32, #tpu.memory_space<vmem>>) target_semaphore(%arg13 : memref<!tpu.dma_semaphore, #tpu.memory_space<semaphore_mem>>)
    %dma_start3A_8 = arith.constant 0 : i32
    %dma_start3A_9 = arith.constant 0 : i32
    %dma_start3A_10 = tpu.memref_slice %arg4[%add3A, %dma_start3A_8, %dma_start3A_9] : memref<32x81x128xi32, #tpu.memory_space<hbm>> -> memref<1x81x128xi32, #tpu.memory_space<hbm>>
    %dma_start3A_11 = tpu.memref_squeeze %dma_start3A_10 : memref<1x81x128xi32, #tpu.memory_space<hbm>> -> memref<81x128xi32, #tpu.memory_space<hbm>>
    %dma_start3A_12 = arith.constant 0 : i32
    %dma_start3A_13 = arith.constant 0 : i32
    %dma_start3A_14 = tpu.memref_slice %arg4[%add3A, %dma_start3A_12, %dma_start3A_13] : memref<32x81x128xi32, #tpu.memory_space<hbm>> -> memref<1x81x128xi32, #tpu.memory_space<hbm>>
    %dma_start3A_15 = tpu.memref_squeeze %dma_start3A_14 : memref<1x81x128xi32, #tpu.memory_space<hbm>> -> memref<81x128xi32, #tpu.memory_space<hbm>>
    tpu.enqueue_dma source(%dma_start3A_15 : memref<81x128xi32, #tpu.memory_space<hbm>>) target(%arg8 : memref<81x128xi32, #tpu.memory_space<vmem>>) target_semaphore(%arg14 : memref<!tpu.dma_semaphore, #tpu.memory_space<semaphore_mem>>)
    "tpu.region"() ({
      %run_scoped3A_60 = tpu.sem_alloc : memref<!tpu.dma_semaphore, #tpu.memory_space<semaphore_mem>>
      tpu.enqueue_dma source(%arg5 : memref<128x64xf32, #tpu.memory_space<hbm>>) target(%arg11 : memref<128x64xf32, #tpu.memory_space<vmem>>) target_semaphore(%run_scoped3A_60 : memref<!tpu.dma_semaphore, #tpu.memory_space<semaphore_mem>>)
      tpu.wait_dma2 semaphore(%run_scoped3A_60 : memref<!tpu.dma_semaphore, #tpu.memory_space<semaphore_mem>>) src(%arg5 : memref<128x64xf32, #tpu.memory_space<hbm>>) dst(%arg11 : memref<128x64xf32, #tpu.memory_space<vmem>>)
      tpu.yield
    }) : () -> ()
    %scan3A = arith.constant 0 : i32
    %scan3A_16 = arith.constant 5 : i32
    %scan3A_17 = arith.addi %scan3A, %scan3A_16 : i32
    %scan3A_18 = arith.constant 1 : i32
    scf.for %scan3A_60 = %scan3A to %scan3A_17 step %scan3A_18  : i32 {
      %mul3A_61 = arith.constant 1 : i32
      %mul3A_62 = arith.muli %scan3A_60, %mul3A_61 : i32
      %add3A_63 = arith.constant 0 : i32
      %add3A_64 = arith.addi %add3A_63, %mul3A_62 : i32
      %mul3A_65 = arith.constant 640 : i32
      %mul3A_66 = arith.muli %arg1, %mul3A_65 : i32
      %mul3A_67 = arith.constant 128 : i32
      %mul3A_68 = arith.muli %add3A_64, %mul3A_67 : i32
      %add3A_69 = arith.addi %mul3A_66, %mul3A_68 : i32
      "tpu.region"() ({
        %run_scoped3A_70 = tpu.sem_alloc : memref<!tpu.dma_semaphore, #tpu.memory_space<semaphore_mem>>
        %dma_start3A_71 = arith.constant 0 : i32
        %dma_start3A_72 = tpu.memref_slice %arg12[%add3A_69, %dma_start3A_71] : memref<10240x64xf32, #tpu.memory_space<vmem_shared>> -> memref<128x64xf32, #tpu.memory_space<vmem_shared>>
        %dma_start3A_73 = arith.constant 0 : i32
        %dma_start3A_74 = tpu.memref_slice %arg12[%add3A_69, %dma_start3A_73] : memref<10240x64xf32, #tpu.memory_space<vmem_shared>> -> memref<128x64xf32, #tpu.memory_space<vmem_shared>>
        tpu.enqueue_dma source(%arg11 : memref<128x64xf32, #tpu.memory_space<vmem>>) target(%dma_start3A_74 : memref<128x64xf32, #tpu.memory_space<vmem_shared>>) target_semaphore(%run_scoped3A_70 : memref<!tpu.dma_semaphore, #tpu.memory_space<semaphore_mem>>)
        %dma_wait3A_75 = arith.constant 0 : i32
        %dma_wait3A_76 = tpu.memref_slice %arg12[%add3A_69, %dma_wait3A_75] : memref<10240x64xf32, #tpu.memory_space<vmem_shared>> -> memref<128x64xf32, #tpu.memory_space<vmem_shared>>
        %dma_wait3A_77 = arith.constant 0 : i32
        %dma_wait3A_78 = tpu.memref_slice %arg12[%add3A_69, %dma_wait3A_77] : memref<10240x64xf32, #tpu.memory_space<vmem_shared>> -> memref<128x64xf32, #tpu.memory_space<vmem_shared>>
        tpu.wait_dma2 semaphore(%run_scoped3A_70 : memref<!tpu.dma_semaphore, #tpu.memory_space<semaphore_mem>>) src(%arg11 : memref<128x64xf32, #tpu.memory_space<vmem>>) dst(%dma_wait3A_78 : memref<128x64xf32, #tpu.memory_space<vmem_shared>>)
        tpu.yield
      }) : () -> ()
    }
    %scan3A_19 = arith.constant 5 : i32
    %dma_wait3A = arith.constant 0 : i32
    %dma_wait3A_20 = arith.constant 0 : i32
    %dma_wait3A_21 = tpu.memref_slice %arg3[%add3A, %dma_wait3A, %dma_wait3A_20] : memref<32x81x128xi32, #tpu.memory_space<hbm>> -> memref<1x81x128xi32, #tpu.memory_space<hbm>>
    %dma_wait3A_22 = tpu.memref_squeeze %dma_wait3A_21 : memref<1x81x128xi32, #tpu.memory_space<hbm>> -> memref<81x128xi32, #tpu.memory_space<hbm>>
    %dma_wait3A_23 = arith.constant 0 : i32
    %dma_wait3A_24 = arith.constant 0 : i32
    %dma_wait3A_25 = tpu.memref_slice %arg3[%add3A, %dma_wait3A_23, %dma_wait3A_24] : memref<32x81x128xi32, #tpu.memory_space<hbm>> -> memref<1x81x128xi32, #tpu.memory_space<hbm>>
    %dma_wait3A_26 = tpu.memref_squeeze %dma_wait3A_25 : memref<1x81x128xi32, #tpu.memory_space<hbm>> -> memref<81x128xi32, #tpu.memory_space<hbm>>
    tpu.wait_dma2 semaphore(%arg13 : memref<!tpu.dma_semaphore, #tpu.memory_space<semaphore_mem>>) src(%dma_wait3A_26 : memref<81x128xi32, #tpu.memory_space<hbm>>) dst(%arg7 : memref<81x128xi32, #tpu.memory_space<vmem>>)
    %dma_wait3A_27 = arith.constant 0 : i32
    %dma_wait3A_28 = arith.constant 0 : i32
    %dma_wait3A_29 = tpu.memref_slice %arg4[%add3A, %dma_wait3A_27, %dma_wait3A_28] : memref<32x81x128xi32, #tpu.memory_space<hbm>> -> memref<1x81x128xi32, #tpu.memory_space<hbm>>
    %dma_wait3A_30 = tpu.memref_squeeze %dma_wait3A_29 : memref<1x81x128xi32, #tpu.memory_space<hbm>> -> memref<81x128xi32, #tpu.memory_space<hbm>>
    %dma_wait3A_31 = arith.constant 0 : i32
    %dma_wait3A_32 = arith.constant 0 : i32
    %dma_wait3A_33 = tpu.memref_slice %arg4[%add3A, %dma_wait3A_31, %dma_wait3A_32] : memref<32x81x128xi32, #tpu.memory_space<hbm>> -> memref<1x81x128xi32, #tpu.memory_space<hbm>>
    %dma_wait3A_34 = tpu.memref_squeeze %dma_wait3A_33 : memref<1x81x128xi32, #tpu.memory_space<hbm>> -> memref<81x128xi32, #tpu.memory_space<hbm>>
    tpu.wait_dma2 semaphore(%arg14 : memref<!tpu.dma_semaphore, #tpu.memory_space<semaphore_mem>>) src(%dma_wait3A_34 : memref<81x128xi32, #tpu.memory_space<hbm>>) dst(%arg8 : memref<81x128xi32, #tpu.memory_space<vmem>>)
    %barrier3A = arith.constant 0 : index
    tpu.barrier barrier_id(%barrier3A)
    %dma_start3A_35 = arith.constant 0 : i32
    %dma_start3A_36 = arith.constant 0 : i32
    %dma_start3A_37 = tpu.memref_slice %arg7[%dma_start3A_35, %dma_start3A_36] : memref<81x128xi32, #tpu.memory_space<vmem>> -> memref<1x128xi32, #tpu.memory_space<vmem>>
    %dma_start3A_38 = tpu.memref_squeeze %dma_start3A_37 : memref<1x128xi32, #tpu.memory_space<vmem>> -> memref<128xi32, #tpu.memory_space<vmem>>
    %dma_start3A_39 = arith.constant 0 : i32
    %dma_start3A_40 = arith.constant 0 : i32
    %dma_start3A_41 = tpu.memref_slice %arg2[%dma_start3A_39, %dma_start3A_40] : memref<10240x64xf32, #tpu.memory_space<hbm>> -> memref<10240x64xf32, #tpu.memory_space<hbm>>
    tpu.enqueue_indirect_dma source(%dma_start3A_41 : memref<10240x64xf32, #tpu.memory_space<hbm>>) target(%arg9 : memref<128x64xf32, #tpu.memory_space<vmem>>) offsets(%dma_start3A_38 : memref<128xi32, #tpu.memory_space<vmem>>) semaphore(%arg13 : memref<!tpu.dma_semaphore, #tpu.memory_space<semaphore_mem>>)
    %scan3A_42 = arith.constant 0 : i32
    %scan3A_43 = arith.constant 40 : i32
    %scan3A_44 = arith.addi %scan3A_42, %scan3A_43 : i32
    %scan3A_45 = arith.constant 1 : i32
    scf.for %scan3A_60 = %scan3A_42 to %scan3A_44 step %scan3A_45  : i32 {
      %mul3A_61 = arith.constant 1 : i32
      %mul3A_62 = arith.muli %scan3A_60, %mul3A_61 : i32
      %add3A_63 = arith.constant 0 : i32
      %add3A_64 = arith.addi %add3A_63, %mul3A_62 : i32
      %mul3A_65 = arith.constant 2 : i32
      %mul3A_66 = arith.muli %add3A_64, %mul3A_65 : i32
      %add3A_67 = arith.constant 1 : i32
      %add3A_68 = arith.addi %mul3A_66, %add3A_67 : i32
      %dma_start3A_69 = arith.constant 0 : i32
      %dma_start3A_70 = tpu.memref_slice %arg7[%add3A_68, %dma_start3A_69] : memref<81x128xi32, #tpu.memory_space<vmem>> -> memref<1x128xi32, #tpu.memory_space<vmem>>
      %dma_start3A_71 = tpu.memref_squeeze %dma_start3A_70 : memref<1x128xi32, #tpu.memory_space<vmem>> -> memref<128xi32, #tpu.memory_space<vmem>>
      %dma_start3A_72 = arith.constant 0 : i32
      %dma_start3A_73 = arith.constant 0 : i32
      %dma_start3A_74 = tpu.memref_slice %arg2[%dma_start3A_72, %dma_start3A_73] : memref<10240x64xf32, #tpu.memory_space<hbm>> -> memref<10240x64xf32, #tpu.memory_space<hbm>>
      tpu.enqueue_indirect_dma source(%dma_start3A_74 : memref<10240x64xf32, #tpu.memory_space<hbm>>) target(%arg10 : memref<128x64xf32, #tpu.memory_space<vmem>>) offsets(%dma_start3A_71 : memref<128xi32, #tpu.memory_space<vmem>>) semaphore(%arg14 : memref<!tpu.dma_semaphore, #tpu.memory_space<semaphore_mem>>)
      %dma_wait3A_75 = arith.constant 0 : i32
      %dma_wait3A_76 = tpu.memref_slice %arg7[%mul3A_66, %dma_wait3A_75] : memref<81x128xi32, #tpu.memory_space<vmem>> -> memref<1x128xi32, #tpu.memory_space<vmem>>
      %dma_wait3A_77 = tpu.memref_squeeze %dma_wait3A_76 : memref<1x128xi32, #tpu.memory_space<vmem>> -> memref<128xi32, #tpu.memory_space<vmem>>
      %dma_wait3A_78 = arith.constant 0 : i32
      %dma_wait3A_79 = arith.constant 0 : i32
      %dma_wait3A_80 = tpu.memref_slice %arg2[%dma_wait3A_78, %dma_wait3A_79] : memref<10240x64xf32, #tpu.memory_space<hbm>> -> memref<10240x64xf32, #tpu.memory_space<hbm>>
      tpu.wait_indirect_dma semaphore(%arg13 : memref<!tpu.dma_semaphore, #tpu.memory_space<semaphore_mem>>) src(%dma_wait3A_80 : memref<10240x64xf32, #tpu.memory_space<hbm>>) dst(%arg9 : memref<128x64xf32, #tpu.memory_space<vmem>>)
      "tpu.region"() ({
        %run_scoped3A_99 = tpu.sem_alloc : memref<!tpu.dma_semaphore, #tpu.memory_space<semaphore_mem>>
        %dma_start3A_100 = arith.constant 0 : i32
        %dma_start3A_101 = tpu.memref_slice %arg8[%mul3A_66, %dma_start3A_100] : memref<81x128xi32, #tpu.memory_space<vmem>> -> memref<1x128xi32, #tpu.memory_space<vmem>>
        %dma_start3A_102 = tpu.memref_squeeze %dma_start3A_101 : memref<1x128xi32, #tpu.memory_space<vmem>> -> memref<128xi32, #tpu.memory_space<vmem>>
        %dma_start3A_103 = arith.constant 0 : i32
        %dma_start3A_104 = arith.constant 0 : i32
        %dma_start3A_105 = tpu.memref_slice %arg12[%dma_start3A_103, %dma_start3A_104] : memref<10240x64xf32, #tpu.memory_space<vmem_shared>> -> memref<10240x64xf32, #tpu.memory_space<vmem_shared>>
        tpu.enqueue_indirect_dma source(%arg9 : memref<128x64xf32, #tpu.memory_space<vmem>>) target(%dma_start3A_105 : memref<10240x64xf32, #tpu.memory_space<vmem_shared>>) offsets(%dma_start3A_102 : memref<128xi32, #tpu.memory_space<vmem>>) semaphore(%run_scoped3A_99 : memref<!tpu.dma_semaphore, #tpu.memory_space<semaphore_mem>>) {add = true}
        %dma_wait3A_106 = arith.constant 0 : i32
        %dma_wait3A_107 = tpu.memref_slice %arg8[%mul3A_66, %dma_wait3A_106] : memref<81x128xi32, #tpu.memory_space<vmem>> -> memref<1x128xi32, #tpu.memory_space<vmem>>
        %dma_wait3A_108 = tpu.memref_squeeze %dma_wait3A_107 : memref<1x128xi32, #tpu.memory_space<vmem>> -> memref<128xi32, #tpu.memory_space<vmem>>
        %dma_wait3A_109 = arith.constant 0 : i32
        %dma_wait3A_110 = arith.constant 0 : i32
        %dma_wait3A_111 = tpu.memref_slice %arg12[%dma_wait3A_109, %dma_wait3A_110] : memref<10240x64xf32, #tpu.memory_space<vmem_shared>> -> memref<10240x64xf32, #tpu.memory_space<vmem_shared>>
        tpu.wait_indirect_dma semaphore(%run_scoped3A_99 : memref<!tpu.dma_semaphore, #tpu.memory_space<semaphore_mem>>) src(%arg9 : memref<128x64xf32, #tpu.memory_space<vmem>>) dst(%dma_wait3A_111 : memref<10240x64xf32, #tpu.memory_space<vmem_shared>>)
        tpu.yield
      }) : () -> ()
      %add3A_81 = arith.constant 2 : i32
      %add3A_82 = arith.addi %mul3A_66, %add3A_81 : i32
      %dma_start3A_83 = arith.constant 0 : i32
      %dma_start3A_84 = tpu.memref_slice %arg7[%add3A_82, %dma_start3A_83] : memref<81x128xi32, #tpu.memory_space<vmem>> -> memref<1x128xi32, #tpu.memory_space<vmem>>
      %dma_start3A_85 = tpu.memref_squeeze %dma_start3A_84 : memref<1x128xi32, #tpu.memory_space<vmem>> -> memref<128xi32, #tpu.memory_space<vmem>>
      %dma_start3A_86 = arith.constant 0 : i32
      %dma_start3A_87 = arith.constant 0 : i32
      %dma_start3A_88 = tpu.memref_slice %arg2[%dma_start3A_86, %dma_start3A_87] : memref<10240x64xf32, #tpu.memory_space<hbm>> -> memref<10240x64xf32, #tpu.memory_space<hbm>>
      tpu.enqueue_indirect_dma source(%dma_start3A_88 : memref<10240x64xf32, #tpu.memory_space<hbm>>) target(%arg9 : memref<128x64xf32, #tpu.memory_space<vmem>>) offsets(%dma_start3A_85 : memref<128xi32, #tpu.memory_space<vmem>>) semaphore(%arg13 : memref<!tpu.dma_semaphore, #tpu.memory_space<semaphore_mem>>)
      %add3A_89 = arith.constant 1 : i32
      %add3A_90 = arith.addi %mul3A_66, %add3A_89 : i32
      %dma_wait3A_91 = arith.constant 0 : i32
      %dma_wait3A_92 = tpu.memref_slice %arg7[%add3A_90, %dma_wait3A_91] : memref<81x128xi32, #tpu.memory_space<vmem>> -> memref<1x128xi32, #tpu.memory_space<vmem>>
      %dma_wait3A_93 = tpu.memref_squeeze %dma_wait3A_92 : memref<1x128xi32, #tpu.memory_space<vmem>> -> memref<128xi32, #tpu.memory_space<vmem>>
      %dma_wait3A_94 = arith.constant 0 : i32
      %dma_wait3A_95 = arith.constant 0 : i32
      %dma_wait3A_96 = tpu.memref_slice %arg2[%dma_wait3A_94, %dma_wait3A_95] : memref<10240x64xf32, #tpu.memory_space<hbm>> -> memref<10240x64xf32, #tpu.memory_space<hbm>>
      tpu.wait_indirect_dma semaphore(%arg14 : memref<!tpu.dma_semaphore, #tpu.memory_space<semaphore_mem>>) src(%dma_wait3A_96 : memref<10240x64xf32, #tpu.memory_space<hbm>>) dst(%arg10 : memref<128x64xf32, #tpu.memory_space<vmem>>)
      %add3A_97 = arith.constant 1 : i32
      %add3A_98 = arith.addi %mul3A_66, %add3A_97 : i32
      "tpu.region"() ({
        %run_scoped3A_99 = tpu.sem_alloc : memref<!tpu.dma_semaphore, #tpu.memory_space<semaphore_mem>>
        %dma_start3A_100 = arith.constant 0 : i32
        %dma_start3A_101 = tpu.memref_slice %arg8[%add3A_98, %dma_start3A_100] : memref<81x128xi32, #tpu.memory_space<vmem>> -> memref<1x128xi32, #tpu.memory_space<vmem>>
        %dma_start3A_102 = tpu.memref_squeeze %dma_start3A_101 : memref<1x128xi32, #tpu.memory_space<vmem>> -> memref<128xi32, #tpu.memory_space<vmem>>
        %dma_start3A_103 = arith.constant 0 : i32
        %dma_start3A_104 = arith.constant 0 : i32
        %dma_start3A_105 = tpu.memref_slice %arg12[%dma_start3A_103, %dma_start3A_104] : memref<10240x64xf32, #tpu.memory_space<vmem_shared>> -> memref<10240x64xf32, #tpu.memory_space<vmem_shared>>
        tpu.enqueue_indirect_dma source(%arg10 : memref<128x64xf32, #tpu.memory_space<vmem>>) target(%dma_start3A_105 : memref<10240x64xf32, #tpu.memory_space<vmem_shared>>) offsets(%dma_start3A_102 : memref<128xi32, #tpu.memory_space<vmem>>) semaphore(%run_scoped3A_99 : memref<!tpu.dma_semaphore, #tpu.memory_space<semaphore_mem>>) {add = true}
        %dma_wait3A_106 = arith.constant 0 : i32
        %dma_wait3A_107 = tpu.memref_slice %arg8[%add3A_98, %dma_wait3A_106] : memref<81x128xi32, #tpu.memory_space<vmem>> -> memref<1x128xi32, #tpu.memory_space<vmem>>
        %dma_wait3A_108 = tpu.memref_squeeze %dma_wait3A_107 : memref<1x128xi32, #tpu.memory_space<vmem>> -> memref<128xi32, #tpu.memory_space<vmem>>
        %dma_wait3A_109 = arith.constant 0 : i32
        %dma_wait3A_110 = arith.constant 0 : i32
        %dma_wait3A_111 = tpu.memref_slice %arg12[%dma_wait3A_109, %dma_wait3A_110] : memref<10240x64xf32, #tpu.memory_space<vmem_shared>> -> memref<10240x64xf32, #tpu.memory_space<vmem_shared>>
        tpu.wait_indirect_dma semaphore(%run_scoped3A_99 : memref<!tpu.dma_semaphore, #tpu.memory_space<semaphore_mem>>) src(%arg10 : memref<128x64xf32, #tpu.memory_space<vmem>>) dst(%dma_wait3A_111 : memref<10240x64xf32, #tpu.memory_space<vmem_shared>>)
        tpu.yield
      }) : () -> ()
    }
    %scan3A_46 = arith.constant 40 : i32
    %dma_wait3A_47 = arith.constant 80 : i32
    %dma_wait3A_48 = arith.constant 0 : i32
    %dma_wait3A_49 = tpu.memref_slice %arg7[%dma_wait3A_47, %dma_wait3A_48] : memref<81x128xi32, #tpu.memory_space<vmem>> -> memref<1x128xi32, #tpu.memory_space<vmem>>
    %dma_wait3A_50 = tpu.memref_squeeze %dma_wait3A_49 : memref<1x128xi32, #tpu.memory_space<vmem>> -> memref<128xi32, #tpu.memory_space<vmem>>
    %dma_wait3A_51 = arith.constant 0 : i32
    %dma_wait3A_52 = arith.constant 0 : i32
    %dma_wait3A_53 = tpu.memref_slice %arg2[%dma_wait3A_51, %dma_wait3A_52] : memref<10240x64xf32, #tpu.memory_space<hbm>> -> memref<10240x64xf32, #tpu.memory_space<hbm>>
    tpu.wait_indirect_dma semaphore(%arg13 : memref<!tpu.dma_semaphore, #tpu.memory_space<semaphore_mem>>) src(%dma_wait3A_53 : memref<10240x64xf32, #tpu.memory_space<hbm>>) dst(%arg9 : memref<128x64xf32, #tpu.memory_space<vmem>>)
    %run_scoped3A = arith.constant 80 : i32
    "tpu.region"() ({
      %run_scoped3A_60 = tpu.sem_alloc : memref<!tpu.dma_semaphore, #tpu.memory_space<semaphore_mem>>
      %dma_start3A_61 = arith.constant 0 : i32
      %dma_start3A_62 = tpu.memref_slice %arg8[%run_scoped3A, %dma_start3A_61] : memref<81x128xi32, #tpu.memory_space<vmem>> -> memref<1x128xi32, #tpu.memory_space<vmem>>
      %dma_start3A_63 = tpu.memref_squeeze %dma_start3A_62 : memref<1x128xi32, #tpu.memory_space<vmem>> -> memref<128xi32, #tpu.memory_space<vmem>>
      %dma_start3A_64 = arith.constant 0 : i32
      %dma_start3A_65 = arith.constant 0 : i32
      %dma_start3A_66 = tpu.memref_slice %arg12[%dma_start3A_64, %dma_start3A_65] : memref<10240x64xf32, #tpu.memory_space<vmem_shared>> -> memref<10240x64xf32, #tpu.memory_space<vmem_shared>>
      tpu.enqueue_indirect_dma source(%arg9 : memref<128x64xf32, #tpu.memory_space<vmem>>) target(%dma_start3A_66 : memref<10240x64xf32, #tpu.memory_space<vmem_shared>>) offsets(%dma_start3A_63 : memref<128xi32, #tpu.memory_space<vmem>>) semaphore(%run_scoped3A_60 : memref<!tpu.dma_semaphore, #tpu.memory_space<semaphore_mem>>) {add = true}
      %dma_wait3A_67 = arith.constant 0 : i32
      %dma_wait3A_68 = tpu.memref_slice %arg8[%run_scoped3A, %dma_wait3A_67] : memref<81x128xi32, #tpu.memory_space<vmem>> -> memref<1x128xi32, #tpu.memory_space<vmem>>
      %dma_wait3A_69 = tpu.memref_squeeze %dma_wait3A_68 : memref<1x128xi32, #tpu.memory_space<vmem>> -> memref<128xi32, #tpu.memory_space<vmem>>
      %dma_wait3A_70 = arith.constant 0 : i32
      %dma_wait3A_71 = arith.constant 0 : i32
      %dma_wait3A_72 = tpu.memref_slice %arg12[%dma_wait3A_70, %dma_wait3A_71] : memref<10240x64xf32, #tpu.memory_space<vmem_shared>> -> memref<10240x64xf32, #tpu.memory_space<vmem_shared>>
      tpu.wait_indirect_dma semaphore(%run_scoped3A_60 : memref<!tpu.dma_semaphore, #tpu.memory_space<semaphore_mem>>) src(%arg9 : memref<128x64xf32, #tpu.memory_space<vmem>>) dst(%dma_wait3A_72 : memref<10240x64xf32, #tpu.memory_space<vmem_shared>>)
      tpu.yield
    }) : () -> ()
    %barrier3A_54 = arith.constant 0 : index
    tpu.barrier barrier_id(%barrier3A_54)
    %scan3A_55 = arith.constant 0 : i32
    %scan3A_56 = arith.constant 5 : i32
    %scan3A_57 = arith.addi %scan3A_55, %scan3A_56 : i32
    %scan3A_58 = arith.constant 1 : i32
    scf.for %scan3A_60 = %scan3A_55 to %scan3A_57 step %scan3A_58  : i32 {
      %mul3A_61 = arith.constant 1 : i32
      %mul3A_62 = arith.muli %scan3A_60, %mul3A_61 : i32
      %add3A_63 = arith.constant 0 : i32
      %add3A_64 = arith.addi %add3A_63, %mul3A_62 : i32
      %mul3A_65 = arith.constant 640 : i32
      %mul3A_66 = arith.muli %arg1, %mul3A_65 : i32
      %mul3A_67 = arith.constant 128 : i32
      %mul3A_68 = arith.muli %add3A_64, %mul3A_67 : i32
      %add3A_69 = arith.addi %mul3A_66, %mul3A_68 : i32
      "tpu.region"() ({
        %run_scoped3A_70 = tpu.sem_alloc : memref<!tpu.dma_semaphore, #tpu.memory_space<semaphore_mem>>
        %dma_start3A_71 = arith.constant 0 : i32
        %dma_start3A_72 = tpu.memref_slice %arg12[%add3A_69, %dma_start3A_71] : memref<10240x64xf32, #tpu.memory_space<vmem_shared>> -> memref<128x64xf32, #tpu.memory_space<vmem_shared>>
        %dma_start3A_73 = arith.constant 0 : i32
        %dma_start3A_74 = tpu.memref_slice %arg12[%add3A_69, %dma_start3A_73] : memref<10240x64xf32, #tpu.memory_space<vmem_shared>> -> memref<128x64xf32, #tpu.memory_space<vmem_shared>>
        tpu.enqueue_dma source(%dma_start3A_74 : memref<128x64xf32, #tpu.memory_space<vmem_shared>>) target(%arg11 : memref<128x64xf32, #tpu.memory_space<vmem>>) target_semaphore(%run_scoped3A_70 : memref<!tpu.dma_semaphore, #tpu.memory_space<semaphore_mem>>)
        %dma_wait3A_75 = arith.constant 0 : i32
        %dma_wait3A_76 = tpu.memref_slice %arg12[%add3A_69, %dma_wait3A_75] : memref<10240x64xf32, #tpu.memory_space<vmem_shared>> -> memref<128x64xf32, #tpu.memory_space<vmem_shared>>
        %dma_wait3A_77 = arith.constant 0 : i32
        %dma_wait3A_78 = tpu.memref_slice %arg12[%add3A_69, %dma_wait3A_77] : memref<10240x64xf32, #tpu.memory_space<vmem_shared>> -> memref<128x64xf32, #tpu.memory_space<vmem_shared>>
        tpu.wait_dma2 semaphore(%run_scoped3A_70 : memref<!tpu.dma_semaphore, #tpu.memory_space<semaphore_mem>>) src(%dma_wait3A_78 : memref<128x64xf32, #tpu.memory_space<vmem_shared>>) dst(%arg11 : memref<128x64xf32, #tpu.memory_space<vmem>>)
        tpu.yield
      }) : () -> ()
      "tpu.region"() ({
        %run_scoped3A_70 = tpu.sem_alloc : memref<!tpu.dma_semaphore, #tpu.memory_space<semaphore_mem>>
        %dma_start3A_71 = arith.constant 0 : i32
        %dma_start3A_72 = tpu.memref_slice %arg6[%arg0, %add3A_69, %dma_start3A_71] : memref<2x10240x64xf32, #tpu.memory_space<hbm>> -> memref<1x128x64xf32, #tpu.memory_space<hbm>>
        %dma_start3A_73 = tpu.memref_squeeze %dma_start3A_72 : memref<1x128x64xf32, #tpu.memory_space<hbm>> -> memref<128x64xf32, #tpu.memory_space<hbm>>
        %dma_start3A_74 = arith.constant 0 : i32
        %dma_start3A_75 = tpu.memref_slice %arg6[%arg0, %add3A_69, %dma_start3A_74] : memref<2x10240x64xf32, #tpu.memory_space<hbm>> -> memref<1x128x64xf32, #tpu.memory_space<hbm>>
        %dma_start3A_76 = tpu.memref_squeeze %dma_start3A_75 : memref<1x128x64xf32, #tpu.memory_space<hbm>> -> memref<128x64xf32, #tpu.memory_space<hbm>>
        tpu.enqueue_dma source(%arg11 : memref<128x64xf32, #tpu.memory_space<vmem>>) target(%dma_start3A_76 : memref<128x64xf32, #tpu.memory_space<hbm>>) target_semaphore(%run_scoped3A_70 : memref<!tpu.dma_semaphore, #tpu.memory_space<semaphore_mem>>)
        %dma_wait3A_77 = arith.constant 0 : i32
        %dma_wait3A_78 = tpu.memref_slice %arg6[%arg0, %add3A_69, %dma_wait3A_77] : memref<2x10240x64xf32, #tpu.memory_space<hbm>> -> memref<1x128x64xf32, #tpu.memory_space<hbm>>
        %dma_wait3A_79 = tpu.memref_squeeze %dma_wait3A_78 : memref<1x128x64xf32, #tpu.memory_space<hbm>> -> memref<128x64xf32, #tpu.memory_space<hbm>>
        %dma_wait3A_80 = arith.constant 0 : i32
        %dma_wait3A_81 = tpu.memref_slice %arg6[%arg0, %add3A_69, %dma_wait3A_80] : memref<2x10240x64xf32, #tpu.memory_space<hbm>> -> memref<1x128x64xf32, #tpu.memory_space<hbm>>
        %dma_wait3A_82 = tpu.memref_squeeze %dma_wait3A_81 : memref<1x128x64xf32, #tpu.memory_space<hbm>> -> memref<128x64xf32, #tpu.memory_space<hbm>>
        tpu.wait_dma2 semaphore(%run_scoped3A_70 : memref<!tpu.dma_semaphore, #tpu.memory_space<semaphore_mem>>) src(%arg11 : memref<128x64xf32, #tpu.memory_space<vmem>>) dst(%dma_wait3A_82 : memref<128x64xf32, #tpu.memory_space<hbm>>)
        tpu.yield
      }) : () -> ()
    }
    %scan3A_59 = arith.constant 5 : i32
    return
  }
}

#map = affine_map<(d0, d1) -> (0, 0)>
#map1 = affine_map<(d0, d1) -> (0, 0, 0)>
module attributes {stable_mosaic.version = 14 : i64} {
  func.func @scat(%arg0: i32, %arg1: i32, %arg2: memref<10240x64xf32, #tpu.memory_space<hbm>>, %arg3: memref<32x81x128xi32, #tpu.memory_space<hbm>>, %arg4: memref<32x81x128xi32, #tpu.memory_space<hbm>>, %arg5: memref<128x64xf32, #tpu.memory_space<hbm>>, %arg6: memref<2x10240x64xf32, #tpu.memory_space<hbm>>, %arg7: memref<81x128xi32, #tpu.memory_space<vmem>>, %arg8: memref<81x128xi32, #tpu.memory_space<vmem>>, %arg9: memref<128x64xf32, #tpu.memory_space<vmem>>, %arg10: memref<128x64xf32, #tpu.memory_space<vmem>>, %arg11: memref<128x64xf32, #tpu.memory_space<vmem>>, %arg12: memref<10240x64xf32, #tpu.memory_space<vmem_shared>>, %arg13: memref<!tpu.dma_semaphore, #tpu.memory_space<semaphore_mem>>, %arg14: memref<!tpu.dma_semaphore, #tpu.memory_space<semaphore_mem>>) attributes {dimension_semantics = [#tpu.dimension_semantics<core_parallel>, #tpu.dimension_semantics<subcore_parallel>], iteration_bounds = array<i64: 2, 16>, scalar_prefetch = 0 : i64, scratch_operands = 8 : i64, tpu.core_type = #tpu.core_type<sc_vector_subcore>, window_params = [{transform_indices = #map}, {transform_indices = #map1}, {transform_indices = #map1}, {transform_indices = #map}, {transform_indices = #map1}]} {
    %mul3A = arith.constant 16 : i32
    %mul3A_0 = arith.muli %arg0, %mul3A : i32
    %add3A = arith.addi %mul3A_0, %arg1 : i32
    %dma_start3A = arith.constant 0 : i32
    %dma_start3A_1 = arith.constant 0 : i32
    %dma_start3A_2 = tpu.memref_slice %arg3[%add3A, %dma_start3A, %dma_start3A_1] : memref<32x81x128xi32, #tpu.memory_space<hbm>> -> memref<1x81x128xi32, #tpu.memory_space<hbm>>
    %dma_start3A_3 = tpu.memref_squeeze %dma_start3A_2 : memref<1x81x128xi32, #tpu.memory_space<hbm>> -> memref<81x128xi32, #tpu.memory_space<hbm>>
    %dma_start3A_4 = arith.constant 0 : i32
    %dma_start3A_5 = arith.constant 0 : i32
    %dma_start3A_6 = tpu.memref_slice %arg3[%add3A, %dma_start3A_4, %dma_start3A_5] : memref<32x81x128xi32, #tpu.memory_space<hbm>> -> memref<1x81x128xi32, #tpu.memory_space<hbm>>
    %dma_start3A_7 = tpu.memref_squeeze %dma_start3A_6 : memref<1x81x128xi32, #tpu.memory_space<hbm>> -> memref<81x128xi32, #tpu.memory_space<hbm>>
    tpu.enqueue_dma source(%dma_start3A_7 : memref<81x128xi32, #tpu.memory_space<hbm>>) target(%arg7 : memref<81x128xi32, #tpu.memory_space<vmem>>) target_semaphore(%arg13 : memref<!tpu.dma_semaphore, #tpu.memory_space<semaphore_mem>>)
    %dma_start3A_8 = arith.constant 0 : i32
    %dma_start3A_9 = arith.constant 0 : i32
    %dma_start3A_10 = tpu.memref_slice %arg4[%add3A, %dma_start3A_8, %dma_start3A_9] : memref<32x81x128xi32, #tpu.memory_space<hbm>> -> memref<1x81x128xi32, #tpu.memory_space<hbm>>
    %dma_start3A_11 = tpu.memref_squeeze %dma_start3A_10 : memref<1x81x128xi32, #tpu.memory_space<hbm>> -> memref<81x128xi32, #tpu.memory_space<hbm>>
    %dma_start3A_12 = arith.constant 0 : i32
    %dma_start3A_13 = arith.constant 0 : i32
    %dma_start3A_14 = tpu.memref_slice %arg4[%add3A, %dma_start3A_12, %dma_start3A_13] : memref<32x81x128xi32, #tpu.memory_space<hbm>> -> memref<1x81x128xi32, #tpu.memory_space<hbm>>
    %dma_start3A_15 = tpu.memref_squeeze %dma_start3A_14 : memref<1x81x128xi32, #tpu.memory_space<hbm>> -> memref<81x128xi32, #tpu.memory_space<hbm>>
    tpu.enqueue_dma source(%dma_start3A_15 : memref<81x128xi32, #tpu.memory_space<hbm>>) target(%arg8 : memref<81x128xi32, #tpu.memory_space<vmem>>) target_semaphore(%arg14 : memref<!tpu.dma_semaphore, #tpu.memory_space<semaphore_mem>>)
    "tpu.region"() ({
      %run_scoped3A_60 = tpu.sem_alloc : memref<!tpu.dma_semaphore, #tpu.memory_space<semaphore_mem>>
      tpu.enqueue_dma source(%arg5 : memref<128x64xf32, #tpu.memory_space<hbm>>) target(%arg11 : memref<128x64xf32, #tpu.memory_space<vmem>>) target_semaphore(%run_scoped3A_60 : memref<!tpu.dma_semaphore, #tpu.memory_space<semaphore_mem>>)
      tpu.wait_dma2 semaphore(%run_scoped3A_60 : memref<!tpu.dma_semaphore, #tpu.memory_space<semaphore_mem>>) src(%arg5 : memref<128x64xf32, #tpu.memory_space<hbm>>) dst(%arg11 : memref<128x64xf32, #tpu.memory_space<vmem>>)
      tpu.yield
    }) : () -> ()
    %scan3A = arith.constant 0 : i32
    %scan3A_16 = arith.constant 5 : i32
    %scan3A_17 = arith.addi %scan3A, %scan3A_16 : i32
    %scan3A_18 = arith.constant 1 : i32
    scf.for %scan3A_60 = %scan3A to %scan3A_17 step %scan3A_18  : i32 {
      %mul3A_61 = arith.constant 1 : i32
      %mul3A_62 = arith.muli %scan3A_60, %mul3A_61 : i32
      %add3A_63 = arith.constant 0 : i32
      %add3A_64 = arith.addi %add3A_63, %mul3A_62 : i32
      %mul3A_65 = arith.constant 640 : i32
      %mul3A_66 = arith.muli %arg1, %mul3A_65 : i32
      %mul3A_67 = arith.constant 128 : i32
      %mul3A_68 = arith.muli %add3A_64, %mul3A_67 : i32
      %add3A_69 = arith.addi %mul3A_66, %mul3A_68 : i32
      "tpu.region"() ({
        %run_scoped3A_70 = tpu.sem_alloc : memref<!tpu.dma_semaphore, #tpu.memory_space<semaphore_mem>>
        %dma_start3A_71 = arith.constant 0 : i32
        %dma_start3A_72 = tpu.memref_slice %arg12[%add3A_69, %dma_start3A_71] : memref<10240x64xf32, #tpu.memory_space<vmem_shared>> -> memref<128x64xf32, #tpu.memory_space<vmem_shared>>
        %dma_start3A_73 = arith.constant 0 : i32
        %dma_start3A_74 = tpu.memref_slice %arg12[%add3A_69, %dma_start3A_73] : memref<10240x64xf32, #tpu.memory_space<vmem_shared>> -> memref<128x64xf32, #tpu.memory_space<vmem_shared>>
        tpu.enqueue_dma source(%arg11 : memref<128x64xf32, #tpu.memory_space<vmem>>) target(%dma_start3A_74 : memref<128x64xf32, #tpu.memory_space<vmem_shared>>) target_semaphore(%run_scoped3A_70 : memref<!tpu.dma_semaphore, #tpu.memory_space<semaphore_mem>>)
        %dma_wait3A_75 = arith.constant 0 : i32
        %dma_wait3A_76 = tpu.memref_slice %arg12[%add3A_69, %dma_wait3A_75] : memref<10240x64xf32, #tpu.memory_space<vmem_shared>> -> memref<128x64xf32, #tpu.memory_space<vmem_shared>>
        %dma_wait3A_77 = arith.constant 0 : i32
        %dma_wait3A_78 = tpu.memref_slice %arg12[%add3A_69, %dma_wait3A_77] : memref<10240x64xf32, #tpu.memory_space<vmem_shared>> -> memref<128x64xf32, #tpu.memory_space<vmem_shared>>
        tpu.wait_dma2 semaphore(%run_scoped3A_70 : memref<!tpu.dma_semaphore, #tpu.memory_space<semaphore_mem>>) src(%arg11 : memref<128x64xf32, #tpu.memory_space<vmem>>) dst(%dma_wait3A_78 : memref<128x64xf32, #tpu.memory_space<vmem_shared>>)
        tpu.yield
      }) : () -> ()
    }
    %scan3A_19 = arith.constant 5 : i32
    %dma_wait3A = arith.constant 0 : i32
    %dma_wait3A_20 = arith.constant 0 : i32
    %dma_wait3A_21 = tpu.memref_slice %arg3[%add3A, %dma_wait3A, %dma_wait3A_20] : memref<32x81x128xi32, #tpu.memory_space<hbm>> -> memref<1x81x128xi32, #tpu.memory_space<hbm>>
    %dma_wait3A_22 = tpu.memref_squeeze %dma_wait3A_21 : memref<1x81x128xi32, #tpu.memory_space<hbm>> -> memref<81x128xi32, #tpu.memory_space<hbm>>
    %dma_wait3A_23 = arith.constant 0 : i32
    %dma_wait3A_24 = arith.constant 0 : i32
    %dma_wait3A_25 = tpu.memref_slice %arg3[%add3A, %dma_wait3A_23, %dma_wait3A_24] : memref<32x81x128xi32, #tpu.memory_space<hbm>> -> memref<1x81x128xi32, #tpu.memory_space<hbm>>
    %dma_wait3A_26 = tpu.memref_squeeze %dma_wait3A_25 : memref<1x81x128xi32, #tpu.memory_space<hbm>> -> memref<81x128xi32, #tpu.memory_space<hbm>>
    tpu.wait_dma2 semaphore(%arg13 : memref<!tpu.dma_semaphore, #tpu.memory_space<semaphore_mem>>) src(%dma_wait3A_26 : memref<81x128xi32, #tpu.memory_space<hbm>>) dst(%arg7 : memref<81x128xi32, #tpu.memory_space<vmem>>)
    %dma_wait3A_27 = arith.constant 0 : i32
    %dma_wait3A_28 = arith.constant 0 : i32
    %dma_wait3A_29 = tpu.memref_slice %arg4[%add3A, %dma_wait3A_27, %dma_wait3A_28] : memref<32x81x128xi32, #tpu.memory_space<hbm>> -> memref<1x81x128xi32, #tpu.memory_space<hbm>>
    %dma_wait3A_30 = tpu.memref_squeeze %dma_wait3A_29 : memref<1x81x128xi32, #tpu.memory_space<hbm>> -> memref<81x128xi32, #tpu.memory_space<hbm>>
    %dma_wait3A_31 = arith.constant 0 : i32
    %dma_wait3A_32 = arith.constant 0 : i32
    %dma_wait3A_33 = tpu.memref_slice %arg4[%add3A, %dma_wait3A_31, %dma_wait3A_32] : memref<32x81x128xi32, #tpu.memory_space<hbm>> -> memref<1x81x128xi32, #tpu.memory_space<hbm>>
    %dma_wait3A_34 = tpu.memref_squeeze %dma_wait3A_33 : memref<1x81x128xi32, #tpu.memory_space<hbm>> -> memref<81x128xi32, #tpu.memory_space<hbm>>
    tpu.wait_dma2 semaphore(%arg14 : memref<!tpu.dma_semaphore, #tpu.memory_space<semaphore_mem>>) src(%dma_wait3A_34 : memref<81x128xi32, #tpu.memory_space<hbm>>) dst(%arg8 : memref<81x128xi32, #tpu.memory_space<vmem>>)
    %barrier3A = arith.constant 0 : index
    tpu.barrier barrier_id(%barrier3A)
    %dma_start3A_35 = arith.constant 0 : i32
    %dma_start3A_36 = arith.constant 0 : i32
    %dma_start3A_37 = tpu.memref_slice %arg7[%dma_start3A_35, %dma_start3A_36] : memref<81x128xi32, #tpu.memory_space<vmem>> -> memref<1x128xi32, #tpu.memory_space<vmem>>
    %dma_start3A_38 = tpu.memref_squeeze %dma_start3A_37 : memref<1x128xi32, #tpu.memory_space<vmem>> -> memref<128xi32, #tpu.memory_space<vmem>>
    %dma_start3A_39 = arith.constant 0 : i32
    %dma_start3A_40 = arith.constant 0 : i32
    %dma_start3A_41 = tpu.memref_slice %arg2[%dma_start3A_39, %dma_start3A_40] : memref<10240x64xf32, #tpu.memory_space<hbm>> -> memref<10240x64xf32, #tpu.memory_space<hbm>>
    tpu.enqueue_indirect_dma source(%dma_start3A_41 : memref<10240x64xf32, #tpu.memory_space<hbm>>) target(%arg9 : memref<128x64xf32, #tpu.memory_space<vmem>>) offsets(%dma_start3A_38 : memref<128xi32, #tpu.memory_space<vmem>>) semaphore(%arg13 : memref<!tpu.dma_semaphore, #tpu.memory_space<semaphore_mem>>)
    %scan3A_42 = arith.constant 0 : i32
    %scan3A_43 = arith.constant 40 : i32
    %scan3A_44 = arith.addi %scan3A_42, %scan3A_43 : i32
    %scan3A_45 = arith.constant 1 : i32
    scf.for %scan3A_60 = %scan3A_42 to %scan3A_44 step %scan3A_45  : i32 {
      %mul3A_61 = arith.constant 1 : i32
      %mul3A_62 = arith.muli %scan3A_60, %mul3A_61 : i32
      %add3A_63 = arith.constant 0 : i32
      %add3A_64 = arith.addi %add3A_63, %mul3A_62 : i32
      %mul3A_65 = arith.constant 2 : i32
      %mul3A_66 = arith.muli %add3A_64, %mul3A_65 : i32
      %add3A_67 = arith.constant 1 : i32
      %add3A_68 = arith.addi %mul3A_66, %add3A_67 : i32
      %dma_start3A_69 = arith.constant 0 : i32
      %dma_start3A_70 = tpu.memref_slice %arg7[%add3A_68, %dma_start3A_69] : memref<81x128xi32, #tpu.memory_space<vmem>> -> memref<1x128xi32, #tpu.memory_space<vmem>>
      %dma_start3A_71 = tpu.memref_squeeze %dma_start3A_70 : memref<1x128xi32, #tpu.memory_space<vmem>> -> memref<128xi32, #tpu.memory_space<vmem>>
      %dma_start3A_72 = arith.constant 0 : i32
      %dma_start3A_73 = arith.constant 0 : i32
      %dma_start3A_74 = tpu.memref_slice %arg2[%dma_start3A_72, %dma_start3A_73] : memref<10240x64xf32, #tpu.memory_space<hbm>> -> memref<10240x64xf32, #tpu.memory_space<hbm>>
      tpu.enqueue_indirect_dma source(%dma_start3A_74 : memref<10240x64xf32, #tpu.memory_space<hbm>>) target(%arg10 : memref<128x64xf32, #tpu.memory_space<vmem>>) offsets(%dma_start3A_71 : memref<128xi32, #tpu.memory_space<vmem>>) semaphore(%arg14 : memref<!tpu.dma_semaphore, #tpu.memory_space<semaphore_mem>>)
      %dma_wait3A_75 = arith.constant 0 : i32
      %dma_wait3A_76 = tpu.memref_slice %arg7[%mul3A_66, %dma_wait3A_75] : memref<81x128xi32, #tpu.memory_space<vmem>> -> memref<1x128xi32, #tpu.memory_space<vmem>>
      %dma_wait3A_77 = tpu.memref_squeeze %dma_wait3A_76 : memref<1x128xi32, #tpu.memory_space<vmem>> -> memref<128xi32, #tpu.memory_space<vmem>>
      %dma_wait3A_78 = arith.constant 0 : i32
      %dma_wait3A_79 = arith.constant 0 : i32
      %dma_wait3A_80 = tpu.memref_slice %arg2[%dma_wait3A_78, %dma_wait3A_79] : memref<10240x64xf32, #tpu.memory_space<hbm>> -> memref<10240x64xf32, #tpu.memory_space<hbm>>
      tpu.wait_indirect_dma semaphore(%arg13 : memref<!tpu.dma_semaphore, #tpu.memory_space<semaphore_mem>>) src(%dma_wait3A_80 : memref<10240x64xf32, #tpu.memory_space<hbm>>) dst(%arg9 : memref<128x64xf32, #tpu.memory_space<vmem>>)
      "tpu.region"() ({
        %run_scoped3A_99 = tpu.sem_alloc : memref<!tpu.dma_semaphore, #tpu.memory_space<semaphore_mem>>
        %dma_start3A_100 = arith.constant 0 : i32
        %dma_start3A_101 = tpu.memref_slice %arg8[%mul3A_66, %dma_start3A_100] : memref<81x128xi32, #tpu.memory_space<vmem>> -> memref<1x128xi32, #tpu.memory_space<vmem>>
        %dma_start3A_102 = tpu.memref_squeeze %dma_start3A_101 : memref<1x128xi32, #tpu.memory_space<vmem>> -> memref<128xi32, #tpu.memory_space<vmem>>
        %dma_start3A_103 = arith.constant 0 : i32
        %dma_start3A_104 = arith.constant 0 : i32
        %dma_start3A_105 = tpu.memref_slice %arg12[%dma_start3A_103, %dma_start3A_104] : memref<10240x64xf32, #tpu.memory_space<vmem_shared>> -> memref<10240x64xf32, #tpu.memory_space<vmem_shared>>
        tpu.enqueue_indirect_dma source(%arg9 : memref<128x64xf32, #tpu.memory_space<vmem>>) target(%dma_start3A_105 : memref<10240x64xf32, #tpu.memory_space<vmem_shared>>) offsets(%dma_start3A_102 : memref<128xi32, #tpu.memory_space<vmem>>) semaphore(%run_scoped3A_99 : memref<!tpu.dma_semaphore, #tpu.memory_space<semaphore_mem>>) {add = true}
        %dma_wait3A_106 = arith.constant 0 : i32
        %dma_wait3A_107 = tpu.memref_slice %arg8[%mul3A_66, %dma_wait3A_106] : memref<81x128xi32, #tpu.memory_space<vmem>> -> memref<1x128xi32, #tpu.memory_space<vmem>>
        %dma_wait3A_108 = tpu.memref_squeeze %dma_wait3A_107 : memref<1x128xi32, #tpu.memory_space<vmem>> -> memref<128xi32, #tpu.memory_space<vmem>>
        %dma_wait3A_109 = arith.constant 0 : i32
        %dma_wait3A_110 = arith.constant 0 : i32
        %dma_wait3A_111 = tpu.memref_slice %arg12[%dma_wait3A_109, %dma_wait3A_110] : memref<10240x64xf32, #tpu.memory_space<vmem_shared>> -> memref<10240x64xf32, #tpu.memory_space<vmem_shared>>
        tpu.wait_indirect_dma semaphore(%run_scoped3A_99 : memref<!tpu.dma_semaphore, #tpu.memory_space<semaphore_mem>>) src(%arg9 : memref<128x64xf32, #tpu.memory_space<vmem>>) dst(%dma_wait3A_111 : memref<10240x64xf32, #tpu.memory_space<vmem_shared>>)
        tpu.yield
      }) : () -> ()
      %add3A_81 = arith.constant 2 : i32
      %add3A_82 = arith.addi %mul3A_66, %add3A_81 : i32
      %dma_start3A_83 = arith.constant 0 : i32
      %dma_start3A_84 = tpu.memref_slice %arg7[%add3A_82, %dma_start3A_83] : memref<81x128xi32, #tpu.memory_space<vmem>> -> memref<1x128xi32, #tpu.memory_space<vmem>>
      %dma_start3A_85 = tpu.memref_squeeze %dma_start3A_84 : memref<1x128xi32, #tpu.memory_space<vmem>> -> memref<128xi32, #tpu.memory_space<vmem>>
      %dma_start3A_86 = arith.constant 0 : i32
      %dma_start3A_87 = arith.constant 0 : i32
      %dma_start3A_88 = tpu.memref_slice %arg2[%dma_start3A_86, %dma_start3A_87] : memref<10240x64xf32, #tpu.memory_space<hbm>> -> memref<10240x64xf32, #tpu.memory_space<hbm>>
      tpu.enqueue_indirect_dma source(%dma_start3A_88 : memref<10240x64xf32, #tpu.memory_space<hbm>>) target(%arg9 : memref<128x64xf32, #tpu.memory_space<vmem>>) offsets(%dma_start3A_85 : memref<128xi32, #tpu.memory_space<vmem>>) semaphore(%arg13 : memref<!tpu.dma_semaphore, #tpu.memory_space<semaphore_mem>>)
      %add3A_89 = arith.constant 1 : i32
      %add3A_90 = arith.addi %mul3A_66, %add3A_89 : i32
      %dma_wait3A_91 = arith.constant 0 : i32
      %dma_wait3A_92 = tpu.memref_slice %arg7[%add3A_90, %dma_wait3A_91] : memref<81x128xi32, #tpu.memory_space<vmem>> -> memref<1x128xi32, #tpu.memory_space<vmem>>
      %dma_wait3A_93 = tpu.memref_squeeze %dma_wait3A_92 : memref<1x128xi32, #tpu.memory_space<vmem>> -> memref<128xi32, #tpu.memory_space<vmem>>
      %dma_wait3A_94 = arith.constant 0 : i32
      %dma_wait3A_95 = arith.constant 0 : i32
      %dma_wait3A_96 = tpu.memref_slice %arg2[%dma_wait3A_94, %dma_wait3A_95] : memref<10240x64xf32, #tpu.memory_space<hbm>> -> memref<10240x64xf32, #tpu.memory_space<hbm>>
      tpu.wait_indirect_dma semaphore(%arg14 : memref<!tpu.dma_semaphore, #tpu.memory_space<semaphore_mem>>) src(%dma_wait3A_96 : memref<10240x64xf32, #tpu.memory_space<hbm>>) dst(%arg10 : memref<128x64xf32, #tpu.memory_space<vmem>>)
      %add3A_97 = arith.constant 1 : i32
      %add3A_98 = arith.addi %mul3A_66, %add3A_97 : i32
      "tpu.region"() ({
        %run_scoped3A_99 = tpu.sem_alloc : memref<!tpu.dma_semaphore, #tpu.memory_space<semaphore_mem>>
        %dma_start3A_100 = arith.constant 0 : i32
        %dma_start3A_101 = tpu.memref_slice %arg8[%add3A_98, %dma_start3A_100] : memref<81x128xi32, #tpu.memory_space<vmem>> -> memref<1x128xi32, #tpu.memory_space<vmem>>
        %dma_start3A_102 = tpu.memref_squeeze %dma_start3A_101 : memref<1x128xi32, #tpu.memory_space<vmem>> -> memref<128xi32, #tpu.memory_space<vmem>>
        %dma_start3A_103 = arith.constant 0 : i32
        %dma_start3A_104 = arith.constant 0 : i32
        %dma_start3A_105 = tpu.memref_slice %arg12[%dma_start3A_103, %dma_start3A_104] : memref<10240x64xf32, #tpu.memory_space<vmem_shared>> -> memref<10240x64xf32, #tpu.memory_space<vmem_shared>>
        tpu.enqueue_indirect_dma source(%arg10 : memref<128x64xf32, #tpu.memory_space<vmem>>) target(%dma_start3A_105 : memref<10240x64xf32, #tpu.memory_space<vmem_shared>>) offsets(%dma_start3A_102 : memref<128xi32, #tpu.memory_space<vmem>>) semaphore(%run_scoped3A_99 : memref<!tpu.dma_semaphore, #tpu.memory_space<semaphore_mem>>) {add = true}
        %dma_wait3A_106 = arith.constant 0 : i32
        %dma_wait3A_107 = tpu.memref_slice %arg8[%add3A_98, %dma_wait3A_106] : memref<81x128xi32, #tpu.memory_space<vmem>> -> memref<1x128xi32, #tpu.memory_space<vmem>>
        %dma_wait3A_108 = tpu.memref_squeeze %dma_wait3A_107 : memref<1x128xi32, #tpu.memory_space<vmem>> -> memref<128xi32, #tpu.memory_space<vmem>>
        %dma_wait3A_109 = arith.constant 0 : i32
        %dma_wait3A_110 = arith.constant 0 : i32
        %dma_wait3A_111 = tpu.memref_slice %arg12[%dma_wait3A_109, %dma_wait3A_110] : memref<10240x64xf32, #tpu.memory_space<vmem_shared>> -> memref<10240x64xf32, #tpu.memory_space<vmem_shared>>
        tpu.wait_indirect_dma semaphore(%run_scoped3A_99 : memref<!tpu.dma_semaphore, #tpu.memory_space<semaphore_mem>>) src(%arg10 : memref<128x64xf32, #tpu.memory_space<vmem>>) dst(%dma_wait3A_111 : memref<10240x64xf32, #tpu.memory_space<vmem_shared>>)
        tpu.yield
      }) : () -> ()
    }
    %scan3A_46 = arith.constant 40 : i32
    %dma_wait3A_47 = arith.constant 80 : i32
    %dma_wait3A_48 = arith.constant 0 : i32
    %dma_wait3A_49 = tpu.memref_slice %arg7[%dma_wait3A_47, %dma_wait3A_48] : memref<81x128xi32, #tpu.memory_space<vmem>> -> memref<1x128xi32, #tpu.memory_space<vmem>>
    %dma_wait3A_50 = tpu.memref_squeeze %dma_wait3A_49 : memref<1x128xi32, #tpu.memory_space<vmem>> -> memref<128xi32, #tpu.memory_space<vmem>>
    %dma_wait3A_51 = arith.constant 0 : i32
    %dma_wait3A_52 = arith.constant 0 : i32
    %dma_wait3A_53 = tpu.memref_slice %arg2[%dma_wait3A_51, %dma_wait3A_52] : memref<10240x64xf32, #tpu.memory_space<hbm>> -> memref<10240x64xf32, #tpu.memory_space<hbm>>
    tpu.wait_indirect_dma semaphore(%arg13 : memref<!tpu.dma_semaphore, #tpu.memory_space<semaphore_mem>>) src(%dma_wait3A_53 : memref<10240x64xf32, #tpu.memory_space<hbm>>) dst(%arg9 : memref<128x64xf32, #tpu.memory_space<vmem>>)
    %run_scoped3A = arith.constant 80 : i32
    "tpu.region"() ({
      %run_scoped3A_60 = tpu.sem_alloc : memref<!tpu.dma_semaphore, #tpu.memory_space<semaphore_mem>>
      %dma_start3A_61 = arith.constant 0 : i32
      %dma_start3A_62 = tpu.memref_slice %arg8[%run_scoped3A, %dma_start3A_61] : memref<81x128xi32, #tpu.memory_space<vmem>> -> memref<1x128xi32, #tpu.memory_space<vmem>>
      %dma_start3A_63 = tpu.memref_squeeze %dma_start3A_62 : memref<1x128xi32, #tpu.memory_space<vmem>> -> memref<128xi32, #tpu.memory_space<vmem>>
      %dma_start3A_64 = arith.constant 0 : i32
      %dma_start3A_65 = arith.constant 0 : i32
      %dma_start3A_66 = tpu.memref_slice %arg12[%dma_start3A_64, %dma_start3A_65] : memref<10240x64xf32, #tpu.memory_space<vmem_shared>> -> memref<10240x64xf32, #tpu.memory_space<vmem_shared>>
      tpu.enqueue_indirect_dma source(%arg9 : memref<128x64xf32, #tpu.memory_space<vmem>>) target(%dma_start3A_66 : memref<10240x64xf32, #tpu.memory_space<vmem_shared>>) offsets(%dma_start3A_63 : memref<128xi32, #tpu.memory_space<vmem>>) semaphore(%run_scoped3A_60 : memref<!tpu.dma_semaphore, #tpu.memory_space<semaphore_mem>>) {add = true}
      %dma_wait3A_67 = arith.constant 0 : i32
      %dma_wait3A_68 = tpu.memref_slice %arg8[%run_scoped3A, %dma_wait3A_67] : memref<81x128xi32, #tpu.memory_space<vmem>> -> memref<1x128xi32, #tpu.memory_space<vmem>>
      %dma_wait3A_69 = tpu.memref_squeeze %dma_wait3A_68 : memref<1x128xi32, #tpu.memory_space<vmem>> -> memref<128xi32, #tpu.memory_space<vmem>>
      %dma_wait3A_70 = arith.constant 0 : i32
      %dma_wait3A_71 = arith.constant 0 : i32
      %dma_wait3A_72 = tpu.memref_slice %arg12[%dma_wait3A_70, %dma_wait3A_71] : memref<10240x64xf32, #tpu.memory_space<vmem_shared>> -> memref<10240x64xf32, #tpu.memory_space<vmem_shared>>
      tpu.wait_indirect_dma semaphore(%run_scoped3A_60 : memref<!tpu.dma_semaphore, #tpu.memory_space<semaphore_mem>>) src(%arg9 : memref<128x64xf32, #tpu.memory_space<vmem>>) dst(%dma_wait3A_72 : memref<10240x64xf32, #tpu.memory_space<vmem_shared>>)
      tpu.yield
    }) : () -> ()
    %barrier3A_54 = arith.constant 0 : index
    tpu.barrier barrier_id(%barrier3A_54)
    %scan3A_55 = arith.constant 0 : i32
    %scan3A_56 = arith.constant 5 : i32
    %scan3A_57 = arith.addi %scan3A_55, %scan3A_56 : i32
    %scan3A_58 = arith.constant 1 : i32
    scf.for %scan3A_60 = %scan3A_55 to %scan3A_57 step %scan3A_58  : i32 {
      %mul3A_61 = arith.constant 1 : i32
      %mul3A_62 = arith.muli %scan3A_60, %mul3A_61 : i32
      %add3A_63 = arith.constant 0 : i32
      %add3A_64 = arith.addi %add3A_63, %mul3A_62 : i32
      %mul3A_65 = arith.constant 640 : i32
      %mul3A_66 = arith.muli %arg1, %mul3A_65 : i32
      %mul3A_67 = arith.constant 128 : i32
      %mul3A_68 = arith.muli %add3A_64, %mul3A_67 : i32
      %add3A_69 = arith.addi %mul3A_66, %mul3A_68 : i32
      "tpu.region"() ({
        %run_scoped3A_70 = tpu.sem_alloc : memref<!tpu.dma_semaphore, #tpu.memory_space<semaphore_mem>>
        %dma_start3A_71 = arith.constant 0 : i32
        %dma_start3A_72 = tpu.memref_slice %arg12[%add3A_69, %dma_start3A_71] : memref<10240x64xf32, #tpu.memory_space<vmem_shared>> -> memref<128x64xf32, #tpu.memory_space<vmem_shared>>
        %dma_start3A_73 = arith.constant 0 : i32
        %dma_start3A_74 = tpu.memref_slice %arg12[%add3A_69, %dma_start3A_73] : memref<10240x64xf32, #tpu.memory_space<vmem_shared>> -> memref<128x64xf32, #tpu.memory_space<vmem_shared>>
        tpu.enqueue_dma source(%dma_start3A_74 : memref<128x64xf32, #tpu.memory_space<vmem_shared>>) target(%arg11 : memref<128x64xf32, #tpu.memory_space<vmem>>) target_semaphore(%run_scoped3A_70 : memref<!tpu.dma_semaphore, #tpu.memory_space<semaphore_mem>>)
        %dma_wait3A_75 = arith.constant 0 : i32
        %dma_wait3A_76 = tpu.memref_slice %arg12[%add3A_69, %dma_wait3A_75] : memref<10240x64xf32, #tpu.memory_space<vmem_shared>> -> memref<128x64xf32, #tpu.memory_space<vmem_shared>>
        %dma_wait3A_77 = arith.constant 0 : i32
        %dma_wait3A_78 = tpu.memref_slice %arg12[%add3A_69, %dma_wait3A_77] : memref<10240x64xf32, #tpu.memory_space<vmem_shared>> -> memref<128x64xf32, #tpu.memory_space<vmem_shared>>
        tpu.wait_dma2 semaphore(%run_scoped3A_70 : memref<!tpu.dma_semaphore, #tpu.memory_space<semaphore_mem>>) src(%dma_wait3A_78 : memref<128x64xf32, #tpu.memory_space<vmem_shared>>) dst(%arg11 : memref<128x64xf32, #tpu.memory_space<vmem>>)
        tpu.yield
      }) : () -> ()
      "tpu.region"() ({
        %run_scoped3A_70 = tpu.sem_alloc : memref<!tpu.dma_semaphore, #tpu.memory_space<semaphore_mem>>
        %dma_start3A_71 = arith.constant 0 : i32
        %dma_start3A_72 = tpu.memref_slice %arg6[%arg0, %add3A_69, %dma_start3A_71] : memref<2x10240x64xf32, #tpu.memory_space<hbm>> -> memref<1x128x64xf32, #tpu.memory_space<hbm>>
        %dma_start3A_73 = tpu.memref_squeeze %dma_start3A_72 : memref<1x128x64xf32, #tpu.memory_space<hbm>> -> memref<128x64xf32, #tpu.memory_space<hbm>>
        %dma_start3A_74 = arith.constant 0 : i32
        %dma_start3A_75 = tpu.memref_slice %arg6[%arg0, %add3A_69, %dma_start3A_74] : memref<2x10240x64xf32, #tpu.memory_space<hbm>> -> memref<1x128x64xf32, #tpu.memory_space<hbm>>
        %dma_start3A_76 = tpu.memref_squeeze %dma_start3A_75 : memref<1x128x64xf32, #tpu.memory_space<hbm>> -> memref<128x64xf32, #tpu.memory_space<hbm>>
        tpu.enqueue_dma source(%arg11 : memref<128x64xf32, #tpu.memory_space<vmem>>) target(%dma_start3A_76 : memref<128x64xf32, #tpu.memory_space<hbm>>) target_semaphore(%run_scoped3A_70 : memref<!tpu.dma_semaphore, #tpu.memory_space<semaphore_mem>>)
        %dma_wait3A_77 = arith.constant 0 : i32
        %dma_wait3A_78 = tpu.memref_slice %arg6[%arg0, %add3A_69, %dma_wait3A_77] : memref<2x10240x64xf32, #tpu.memory_space<hbm>> -> memref<1x128x64xf32, #tpu.memory_space<hbm>>
        %dma_wait3A_79 = tpu.memref_squeeze %dma_wait3A_78 : memref<1x128x64xf32, #tpu.memory_space<hbm>> -> memref<128x64xf32, #tpu.memory_space<hbm>>
        %dma_wait3A_80 = arith.constant 0 : i32
        %dma_wait3A_81 = tpu.memref_slice %arg6[%arg0, %add3A_69, %dma_wait3A_80] : memref<2x10240x64xf32, #tpu.memory_space<hbm>> -> memref<1x128x64xf32, #tpu.memory_space<hbm>>
        %dma_wait3A_82 = tpu.memref_squeeze %dma_wait3A_81 : memref<1x128x64xf32, #tpu.memory_space<hbm>> -> memref<128x64xf32, #tpu.memory_space<hbm>>
        tpu.wait_dma2 semaphore(%run_scoped3A_70 : memref<!tpu.dma_semaphore, #tpu.memory_space<semaphore_mem>>) src(%arg11 : memref<128x64xf32, #tpu.memory_space<vmem>>) dst(%dma_wait3A_82 : memref<128x64xf32, #tpu.memory_space<hbm>>)
        tpu.yield
      }) : () -> ()
    }
    %scan3A_59 = arith.constant 5 : i32
    return
  }
}

#map = affine_map<(d0, d1) -> (0, 0)>
#map1 = affine_map<(d0, d1) -> (0, 0, 0)>
module attributes {stable_mosaic.version = 14 : i64} {
  func.func @scat(%arg0: i32, %arg1: i32, %arg2: memref<10240x64xf32, #tpu.memory_space<hbm>>, %arg3: memref<32x81x128xi32, #tpu.memory_space<hbm>>, %arg4: memref<32x81x128xi32, #tpu.memory_space<hbm>>, %arg5: memref<128x64xf32, #tpu.memory_space<hbm>>, %arg6: memref<2x10240x64xf32, #tpu.memory_space<hbm>>, %arg7: memref<81x128xi32, #tpu.memory_space<vmem>>, %arg8: memref<81x128xi32, #tpu.memory_space<vmem>>, %arg9: memref<128x64xf32, #tpu.memory_space<vmem>>, %arg10: memref<128x64xf32, #tpu.memory_space<vmem>>, %arg11: memref<128x64xf32, #tpu.memory_space<vmem>>, %arg12: memref<10240x64xf32, #tpu.memory_space<vmem_shared>>, %arg13: memref<!tpu.dma_semaphore, #tpu.memory_space<semaphore_mem>>, %arg14: memref<!tpu.dma_semaphore, #tpu.memory_space<semaphore_mem>>) attributes {dimension_semantics = [#tpu.dimension_semantics<core_parallel>, #tpu.dimension_semantics<subcore_parallel>], iteration_bounds = array<i64: 2, 16>, scalar_prefetch = 0 : i64, scratch_operands = 8 : i64, tpu.core_type = #tpu.core_type<sc_vector_subcore>, window_params = [{transform_indices = #map}, {transform_indices = #map1}, {transform_indices = #map1}, {transform_indices = #map}, {transform_indices = #map1}]} {
    %mul3A = arith.constant 16 : i32
    %mul3A_0 = arith.muli %arg0, %mul3A : i32
    %add3A = arith.addi %mul3A_0, %arg1 : i32
    %dma_start3A = arith.constant 0 : i32
    %dma_start3A_1 = arith.constant 0 : i32
    %dma_start3A_2 = tpu.memref_slice %arg3[%add3A, %dma_start3A, %dma_start3A_1] : memref<32x81x128xi32, #tpu.memory_space<hbm>> -> memref<1x81x128xi32, #tpu.memory_space<hbm>>
    %dma_start3A_3 = tpu.memref_squeeze %dma_start3A_2 : memref<1x81x128xi32, #tpu.memory_space<hbm>> -> memref<81x128xi32, #tpu.memory_space<hbm>>
    %dma_start3A_4 = arith.constant 0 : i32
    %dma_start3A_5 = arith.constant 0 : i32
    %dma_start3A_6 = tpu.memref_slice %arg3[%add3A, %dma_start3A_4, %dma_start3A_5] : memref<32x81x128xi32, #tpu.memory_space<hbm>> -> memref<1x81x128xi32, #tpu.memory_space<hbm>>
    %dma_start3A_7 = tpu.memref_squeeze %dma_start3A_6 : memref<1x81x128xi32, #tpu.memory_space<hbm>> -> memref<81x128xi32, #tpu.memory_space<hbm>>
    tpu.enqueue_dma source(%dma_start3A_7 : memref<81x128xi32, #tpu.memory_space<hbm>>) target(%arg7 : memref<81x128xi32, #tpu.memory_space<vmem>>) target_semaphore(%arg13 : memref<!tpu.dma_semaphore, #tpu.memory_space<semaphore_mem>>)
    %dma_start3A_8 = arith.constant 0 : i32
    %dma_start3A_9 = arith.constant 0 : i32
    %dma_start3A_10 = tpu.memref_slice %arg4[%add3A, %dma_start3A_8, %dma_start3A_9] : memref<32x81x128xi32, #tpu.memory_space<hbm>> -> memref<1x81x128xi32, #tpu.memory_space<hbm>>
    %dma_start3A_11 = tpu.memref_squeeze %dma_start3A_10 : memref<1x81x128xi32, #tpu.memory_space<hbm>> -> memref<81x128xi32, #tpu.memory_space<hbm>>
    %dma_start3A_12 = arith.constant 0 : i32
    %dma_start3A_13 = arith.constant 0 : i32
    %dma_start3A_14 = tpu.memref_slice %arg4[%add3A, %dma_start3A_12, %dma_start3A_13] : memref<32x81x128xi32, #tpu.memory_space<hbm>> -> memref<1x81x128xi32, #tpu.memory_space<hbm>>
    %dma_start3A_15 = tpu.memref_squeeze %dma_start3A_14 : memref<1x81x128xi32, #tpu.memory_space<hbm>> -> memref<81x128xi32, #tpu.memory_space<hbm>>
    tpu.enqueue_dma source(%dma_start3A_15 : memref<81x128xi32, #tpu.memory_space<hbm>>) target(%arg8 : memref<81x128xi32, #tpu.memory_space<vmem>>) target_semaphore(%arg14 : memref<!tpu.dma_semaphore, #tpu.memory_space<semaphore_mem>>)
    "tpu.region"() ({
      %run_scoped3A_60 = tpu.sem_alloc : memref<!tpu.dma_semaphore, #tpu.memory_space<semaphore_mem>>
      tpu.enqueue_dma source(%arg5 : memref<128x64xf32, #tpu.memory_space<hbm>>) target(%arg11 : memref<128x64xf32, #tpu.memory_space<vmem>>) target_semaphore(%run_scoped3A_60 : memref<!tpu.dma_semaphore, #tpu.memory_space<semaphore_mem>>)
      tpu.wait_dma2 semaphore(%run_scoped3A_60 : memref<!tpu.dma_semaphore, #tpu.memory_space<semaphore_mem>>) src(%arg5 : memref<128x64xf32, #tpu.memory_space<hbm>>) dst(%arg11 : memref<128x64xf32, #tpu.memory_space<vmem>>)
      tpu.yield
    }) : () -> ()
    %scan3A = arith.constant 0 : i32
    %scan3A_16 = arith.constant 5 : i32
    %scan3A_17 = arith.addi %scan3A, %scan3A_16 : i32
    %scan3A_18 = arith.constant 1 : i32
    scf.for %scan3A_60 = %scan3A to %scan3A_17 step %scan3A_18  : i32 {
      %mul3A_61 = arith.constant 1 : i32
      %mul3A_62 = arith.muli %scan3A_60, %mul3A_61 : i32
      %add3A_63 = arith.constant 0 : i32
      %add3A_64 = arith.addi %add3A_63, %mul3A_62 : i32
      %mul3A_65 = arith.constant 640 : i32
      %mul3A_66 = arith.muli %arg1, %mul3A_65 : i32
      %mul3A_67 = arith.constant 128 : i32
      %mul3A_68 = arith.muli %add3A_64, %mul3A_67 : i32
      %add3A_69 = arith.addi %mul3A_66, %mul3A_68 : i32
      "tpu.region"() ({
        %run_scoped3A_70 = tpu.sem_alloc : memref<!tpu.dma_semaphore, #tpu.memory_space<semaphore_mem>>
        %dma_start3A_71 = arith.constant 0 : i32
        %dma_start3A_72 = tpu.memref_slice %arg12[%add3A_69, %dma_start3A_71] : memref<10240x64xf32, #tpu.memory_space<vmem_shared>> -> memref<128x64xf32, #tpu.memory_space<vmem_shared>>
        %dma_start3A_73 = arith.constant 0 : i32
        %dma_start3A_74 = tpu.memref_slice %arg12[%add3A_69, %dma_start3A_73] : memref<10240x64xf32, #tpu.memory_space<vmem_shared>> -> memref<128x64xf32, #tpu.memory_space<vmem_shared>>
        tpu.enqueue_dma source(%arg11 : memref<128x64xf32, #tpu.memory_space<vmem>>) target(%dma_start3A_74 : memref<128x64xf32, #tpu.memory_space<vmem_shared>>) target_semaphore(%run_scoped3A_70 : memref<!tpu.dma_semaphore, #tpu.memory_space<semaphore_mem>>)
        %dma_wait3A_75 = arith.constant 0 : i32
        %dma_wait3A_76 = tpu.memref_slice %arg12[%add3A_69, %dma_wait3A_75] : memref<10240x64xf32, #tpu.memory_space<vmem_shared>> -> memref<128x64xf32, #tpu.memory_space<vmem_shared>>
        %dma_wait3A_77 = arith.constant 0 : i32
        %dma_wait3A_78 = tpu.memref_slice %arg12[%add3A_69, %dma_wait3A_77] : memref<10240x64xf32, #tpu.memory_space<vmem_shared>> -> memref<128x64xf32, #tpu.memory_space<vmem_shared>>
        tpu.wait_dma2 semaphore(%run_scoped3A_70 : memref<!tpu.dma_semaphore, #tpu.memory_space<semaphore_mem>>) src(%arg11 : memref<128x64xf32, #tpu.memory_space<vmem>>) dst(%dma_wait3A_78 : memref<128x64xf32, #tpu.memory_space<vmem_shared>>)
        tpu.yield
      }) : () -> ()
    }
    %scan3A_19 = arith.constant 5 : i32
    %dma_wait3A = arith.constant 0 : i32
    %dma_wait3A_20 = arith.constant 0 : i32
    %dma_wait3A_21 = tpu.memref_slice %arg3[%add3A, %dma_wait3A, %dma_wait3A_20] : memref<32x81x128xi32, #tpu.memory_space<hbm>> -> memref<1x81x128xi32, #tpu.memory_space<hbm>>
    %dma_wait3A_22 = tpu.memref_squeeze %dma_wait3A_21 : memref<1x81x128xi32, #tpu.memory_space<hbm>> -> memref<81x128xi32, #tpu.memory_space<hbm>>
    %dma_wait3A_23 = arith.constant 0 : i32
    %dma_wait3A_24 = arith.constant 0 : i32
    %dma_wait3A_25 = tpu.memref_slice %arg3[%add3A, %dma_wait3A_23, %dma_wait3A_24] : memref<32x81x128xi32, #tpu.memory_space<hbm>> -> memref<1x81x128xi32, #tpu.memory_space<hbm>>
    %dma_wait3A_26 = tpu.memref_squeeze %dma_wait3A_25 : memref<1x81x128xi32, #tpu.memory_space<hbm>> -> memref<81x128xi32, #tpu.memory_space<hbm>>
    tpu.wait_dma2 semaphore(%arg13 : memref<!tpu.dma_semaphore, #tpu.memory_space<semaphore_mem>>) src(%dma_wait3A_26 : memref<81x128xi32, #tpu.memory_space<hbm>>) dst(%arg7 : memref<81x128xi32, #tpu.memory_space<vmem>>)
    %dma_wait3A_27 = arith.constant 0 : i32
    %dma_wait3A_28 = arith.constant 0 : i32
    %dma_wait3A_29 = tpu.memref_slice %arg4[%add3A, %dma_wait3A_27, %dma_wait3A_28] : memref<32x81x128xi32, #tpu.memory_space<hbm>> -> memref<1x81x128xi32, #tpu.memory_space<hbm>>
    %dma_wait3A_30 = tpu.memref_squeeze %dma_wait3A_29 : memref<1x81x128xi32, #tpu.memory_space<hbm>> -> memref<81x128xi32, #tpu.memory_space<hbm>>
    %dma_wait3A_31 = arith.constant 0 : i32
    %dma_wait3A_32 = arith.constant 0 : i32
    %dma_wait3A_33 = tpu.memref_slice %arg4[%add3A, %dma_wait3A_31, %dma_wait3A_32] : memref<32x81x128xi32, #tpu.memory_space<hbm>> -> memref<1x81x128xi32, #tpu.memory_space<hbm>>
    %dma_wait3A_34 = tpu.memref_squeeze %dma_wait3A_33 : memref<1x81x128xi32, #tpu.memory_space<hbm>> -> memref<81x128xi32, #tpu.memory_space<hbm>>
    tpu.wait_dma2 semaphore(%arg14 : memref<!tpu.dma_semaphore, #tpu.memory_space<semaphore_mem>>) src(%dma_wait3A_34 : memref<81x128xi32, #tpu.memory_space<hbm>>) dst(%arg8 : memref<81x128xi32, #tpu.memory_space<vmem>>)
    %barrier3A = arith.constant 0 : index
    tpu.barrier barrier_id(%barrier3A)
    %dma_start3A_35 = arith.constant 0 : i32
    %dma_start3A_36 = arith.constant 0 : i32
    %dma_start3A_37 = tpu.memref_slice %arg7[%dma_start3A_35, %dma_start3A_36] : memref<81x128xi32, #tpu.memory_space<vmem>> -> memref<1x128xi32, #tpu.memory_space<vmem>>
    %dma_start3A_38 = tpu.memref_squeeze %dma_start3A_37 : memref<1x128xi32, #tpu.memory_space<vmem>> -> memref<128xi32, #tpu.memory_space<vmem>>
    %dma_start3A_39 = arith.constant 0 : i32
    %dma_start3A_40 = arith.constant 0 : i32
    %dma_start3A_41 = tpu.memref_slice %arg2[%dma_start3A_39, %dma_start3A_40] : memref<10240x64xf32, #tpu.memory_space<hbm>> -> memref<10240x64xf32, #tpu.memory_space<hbm>>
    tpu.enqueue_indirect_dma source(%dma_start3A_41 : memref<10240x64xf32, #tpu.memory_space<hbm>>) target(%arg9 : memref<128x64xf32, #tpu.memory_space<vmem>>) offsets(%dma_start3A_38 : memref<128xi32, #tpu.memory_space<vmem>>) semaphore(%arg13 : memref<!tpu.dma_semaphore, #tpu.memory_space<semaphore_mem>>)
    %scan3A_42 = arith.constant 0 : i32
    %scan3A_43 = arith.constant 40 : i32
    %scan3A_44 = arith.addi %scan3A_42, %scan3A_43 : i32
    %scan3A_45 = arith.constant 1 : i32
    scf.for %scan3A_60 = %scan3A_42 to %scan3A_44 step %scan3A_45  : i32 {
      %mul3A_61 = arith.constant 1 : i32
      %mul3A_62 = arith.muli %scan3A_60, %mul3A_61 : i32
      %add3A_63 = arith.constant 0 : i32
      %add3A_64 = arith.addi %add3A_63, %mul3A_62 : i32
      %mul3A_65 = arith.constant 2 : i32
      %mul3A_66 = arith.muli %add3A_64, %mul3A_65 : i32
      %add3A_67 = arith.constant 1 : i32
      %add3A_68 = arith.addi %mul3A_66, %add3A_67 : i32
      %dma_start3A_69 = arith.constant 0 : i32
      %dma_start3A_70 = tpu.memref_slice %arg7[%add3A_68, %dma_start3A_69] : memref<81x128xi32, #tpu.memory_space<vmem>> -> memref<1x128xi32, #tpu.memory_space<vmem>>
      %dma_start3A_71 = tpu.memref_squeeze %dma_start3A_70 : memref<1x128xi32, #tpu.memory_space<vmem>> -> memref<128xi32, #tpu.memory_space<vmem>>
      %dma_start3A_72 = arith.constant 0 : i32
      %dma_start3A_73 = arith.constant 0 : i32
      %dma_start3A_74 = tpu.memref_slice %arg2[%dma_start3A_72, %dma_start3A_73] : memref<10240x64xf32, #tpu.memory_space<hbm>> -> memref<10240x64xf32, #tpu.memory_space<hbm>>
      tpu.enqueue_indirect_dma source(%dma_start3A_74 : memref<10240x64xf32, #tpu.memory_space<hbm>>) target(%arg10 : memref<128x64xf32, #tpu.memory_space<vmem>>) offsets(%dma_start3A_71 : memref<128xi32, #tpu.memory_space<vmem>>) semaphore(%arg14 : memref<!tpu.dma_semaphore, #tpu.memory_space<semaphore_mem>>)
      %dma_wait3A_75 = arith.constant 0 : i32
      %dma_wait3A_76 = tpu.memref_slice %arg7[%mul3A_66, %dma_wait3A_75] : memref<81x128xi32, #tpu.memory_space<vmem>> -> memref<1x128xi32, #tpu.memory_space<vmem>>
      %dma_wait3A_77 = tpu.memref_squeeze %dma_wait3A_76 : memref<1x128xi32, #tpu.memory_space<vmem>> -> memref<128xi32, #tpu.memory_space<vmem>>
      %dma_wait3A_78 = arith.constant 0 : i32
      %dma_wait3A_79 = arith.constant 0 : i32
      %dma_wait3A_80 = tpu.memref_slice %arg2[%dma_wait3A_78, %dma_wait3A_79] : memref<10240x64xf32, #tpu.memory_space<hbm>> -> memref<10240x64xf32, #tpu.memory_space<hbm>>
      tpu.wait_indirect_dma semaphore(%arg13 : memref<!tpu.dma_semaphore, #tpu.memory_space<semaphore_mem>>) src(%dma_wait3A_80 : memref<10240x64xf32, #tpu.memory_space<hbm>>) dst(%arg9 : memref<128x64xf32, #tpu.memory_space<vmem>>)
      "tpu.region"() ({
        %run_scoped3A_99 = tpu.sem_alloc : memref<!tpu.dma_semaphore, #tpu.memory_space<semaphore_mem>>
        %dma_start3A_100 = arith.constant 0 : i32
        %dma_start3A_101 = tpu.memref_slice %arg8[%mul3A_66, %dma_start3A_100] : memref<81x128xi32, #tpu.memory_space<vmem>> -> memref<1x128xi32, #tpu.memory_space<vmem>>
        %dma_start3A_102 = tpu.memref_squeeze %dma_start3A_101 : memref<1x128xi32, #tpu.memory_space<vmem>> -> memref<128xi32, #tpu.memory_space<vmem>>
        %dma_start3A_103 = arith.constant 0 : i32
        %dma_start3A_104 = arith.constant 0 : i32
        %dma_start3A_105 = tpu.memref_slice %arg12[%dma_start3A_103, %dma_start3A_104] : memref<10240x64xf32, #tpu.memory_space<vmem_shared>> -> memref<10240x64xf32, #tpu.memory_space<vmem_shared>>
        tpu.enqueue_indirect_dma source(%arg9 : memref<128x64xf32, #tpu.memory_space<vmem>>) target(%dma_start3A_105 : memref<10240x64xf32, #tpu.memory_space<vmem_shared>>) offsets(%dma_start3A_102 : memref<128xi32, #tpu.memory_space<vmem>>) semaphore(%run_scoped3A_99 : memref<!tpu.dma_semaphore, #tpu.memory_space<semaphore_mem>>) {add = true}
        %dma_wait3A_106 = arith.constant 0 : i32
        %dma_wait3A_107 = tpu.memref_slice %arg8[%mul3A_66, %dma_wait3A_106] : memref<81x128xi32, #tpu.memory_space<vmem>> -> memref<1x128xi32, #tpu.memory_space<vmem>>
        %dma_wait3A_108 = tpu.memref_squeeze %dma_wait3A_107 : memref<1x128xi32, #tpu.memory_space<vmem>> -> memref<128xi32, #tpu.memory_space<vmem>>
        %dma_wait3A_109 = arith.constant 0 : i32
        %dma_wait3A_110 = arith.constant 0 : i32
        %dma_wait3A_111 = tpu.memref_slice %arg12[%dma_wait3A_109, %dma_wait3A_110] : memref<10240x64xf32, #tpu.memory_space<vmem_shared>> -> memref<10240x64xf32, #tpu.memory_space<vmem_shared>>
        tpu.wait_indirect_dma semaphore(%run_scoped3A_99 : memref<!tpu.dma_semaphore, #tpu.memory_space<semaphore_mem>>) src(%arg9 : memref<128x64xf32, #tpu.memory_space<vmem>>) dst(%dma_wait3A_111 : memref<10240x64xf32, #tpu.memory_space<vmem_shared>>)
        tpu.yield
      }) : () -> ()
      %add3A_81 = arith.constant 2 : i32
      %add3A_82 = arith.addi %mul3A_66, %add3A_81 : i32
      %dma_start3A_83 = arith.constant 0 : i32
      %dma_start3A_84 = tpu.memref_slice %arg7[%add3A_82, %dma_start3A_83] : memref<81x128xi32, #tpu.memory_space<vmem>> -> memref<1x128xi32, #tpu.memory_space<vmem>>
      %dma_start3A_85 = tpu.memref_squeeze %dma_start3A_84 : memref<1x128xi32, #tpu.memory_space<vmem>> -> memref<128xi32, #tpu.memory_space<vmem>>
      %dma_start3A_86 = arith.constant 0 : i32
      %dma_start3A_87 = arith.constant 0 : i32
      %dma_start3A_88 = tpu.memref_slice %arg2[%dma_start3A_86, %dma_start3A_87] : memref<10240x64xf32, #tpu.memory_space<hbm>> -> memref<10240x64xf32, #tpu.memory_space<hbm>>
      tpu.enqueue_indirect_dma source(%dma_start3A_88 : memref<10240x64xf32, #tpu.memory_space<hbm>>) target(%arg9 : memref<128x64xf32, #tpu.memory_space<vmem>>) offsets(%dma_start3A_85 : memref<128xi32, #tpu.memory_space<vmem>>) semaphore(%arg13 : memref<!tpu.dma_semaphore, #tpu.memory_space<semaphore_mem>>)
      %add3A_89 = arith.constant 1 : i32
      %add3A_90 = arith.addi %mul3A_66, %add3A_89 : i32
      %dma_wait3A_91 = arith.constant 0 : i32
      %dma_wait3A_92 = tpu.memref_slice %arg7[%add3A_90, %dma_wait3A_91] : memref<81x128xi32, #tpu.memory_space<vmem>> -> memref<1x128xi32, #tpu.memory_space<vmem>>
      %dma_wait3A_93 = tpu.memref_squeeze %dma_wait3A_92 : memref<1x128xi32, #tpu.memory_space<vmem>> -> memref<128xi32, #tpu.memory_space<vmem>>
      %dma_wait3A_94 = arith.constant 0 : i32
      %dma_wait3A_95 = arith.constant 0 : i32
      %dma_wait3A_96 = tpu.memref_slice %arg2[%dma_wait3A_94, %dma_wait3A_95] : memref<10240x64xf32, #tpu.memory_space<hbm>> -> memref<10240x64xf32, #tpu.memory_space<hbm>>
      tpu.wait_indirect_dma semaphore(%arg14 : memref<!tpu.dma_semaphore, #tpu.memory_space<semaphore_mem>>) src(%dma_wait3A_96 : memref<10240x64xf32, #tpu.memory_space<hbm>>) dst(%arg10 : memref<128x64xf32, #tpu.memory_space<vmem>>)
      %add3A_97 = arith.constant 1 : i32
      %add3A_98 = arith.addi %mul3A_66, %add3A_97 : i32
      "tpu.region"() ({
        %run_scoped3A_99 = tpu.sem_alloc : memref<!tpu.dma_semaphore, #tpu.memory_space<semaphore_mem>>
        %dma_start3A_100 = arith.constant 0 : i32
        %dma_start3A_101 = tpu.memref_slice %arg8[%add3A_98, %dma_start3A_100] : memref<81x128xi32, #tpu.memory_space<vmem>> -> memref<1x128xi32, #tpu.memory_space<vmem>>
        %dma_start3A_102 = tpu.memref_squeeze %dma_start3A_101 : memref<1x128xi32, #tpu.memory_space<vmem>> -> memref<128xi32, #tpu.memory_space<vmem>>
        %dma_start3A_103 = arith.constant 0 : i32
        %dma_start3A_104 = arith.constant 0 : i32
        %dma_start3A_105 = tpu.memref_slice %arg12[%dma_start3A_103, %dma_start3A_104] : memref<10240x64xf32, #tpu.memory_space<vmem_shared>> -> memref<10240x64xf32, #tpu.memory_space<vmem_shared>>
        tpu.enqueue_indirect_dma source(%arg10 : memref<128x64xf32, #tpu.memory_space<vmem>>) target(%dma_start3A_105 : memref<10240x64xf32, #tpu.memory_space<vmem_shared>>) offsets(%dma_start3A_102 : memref<128xi32, #tpu.memory_space<vmem>>) semaphore(%run_scoped3A_99 : memref<!tpu.dma_semaphore, #tpu.memory_space<semaphore_mem>>) {add = true}
        %dma_wait3A_106 = arith.constant 0 : i32
        %dma_wait3A_107 = tpu.memref_slice %arg8[%add3A_98, %dma_wait3A_106] : memref<81x128xi32, #tpu.memory_space<vmem>> -> memref<1x128xi32, #tpu.memory_space<vmem>>
        %dma_wait3A_108 = tpu.memref_squeeze %dma_wait3A_107 : memref<1x128xi32, #tpu.memory_space<vmem>> -> memref<128xi32, #tpu.memory_space<vmem>>
        %dma_wait3A_109 = arith.constant 0 : i32
        %dma_wait3A_110 = arith.constant 0 : i32
        %dma_wait3A_111 = tpu.memref_slice %arg12[%dma_wait3A_109, %dma_wait3A_110] : memref<10240x64xf32, #tpu.memory_space<vmem_shared>> -> memref<10240x64xf32, #tpu.memory_space<vmem_shared>>
        tpu.wait_indirect_dma semaphore(%run_scoped3A_99 : memref<!tpu.dma_semaphore, #tpu.memory_space<semaphore_mem>>) src(%arg10 : memref<128x64xf32, #tpu.memory_space<vmem>>) dst(%dma_wait3A_111 : memref<10240x64xf32, #tpu.memory_space<vmem_shared>>)
        tpu.yield
      }) : () -> ()
    }
    %scan3A_46 = arith.constant 40 : i32
    %dma_wait3A_47 = arith.constant 80 : i32
    %dma_wait3A_48 = arith.constant 0 : i32
    %dma_wait3A_49 = tpu.memref_slice %arg7[%dma_wait3A_47, %dma_wait3A_48] : memref<81x128xi32, #tpu.memory_space<vmem>> -> memref<1x128xi32, #tpu.memory_space<vmem>>
    %dma_wait3A_50 = tpu.memref_squeeze %dma_wait3A_49 : memref<1x128xi32, #tpu.memory_space<vmem>> -> memref<128xi32, #tpu.memory_space<vmem>>
    %dma_wait3A_51 = arith.constant 0 : i32
    %dma_wait3A_52 = arith.constant 0 : i32
    %dma_wait3A_53 = tpu.memref_slice %arg2[%dma_wait3A_51, %dma_wait3A_52] : memref<10240x64xf32, #tpu.memory_space<hbm>> -> memref<10240x64xf32, #tpu.memory_space<hbm>>
    tpu.wait_indirect_dma semaphore(%arg13 : memref<!tpu.dma_semaphore, #tpu.memory_space<semaphore_mem>>) src(%dma_wait3A_53 : memref<10240x64xf32, #tpu.memory_space<hbm>>) dst(%arg9 : memref<128x64xf32, #tpu.memory_space<vmem>>)
    %run_scoped3A = arith.constant 80 : i32
    "tpu.region"() ({
      %run_scoped3A_60 = tpu.sem_alloc : memref<!tpu.dma_semaphore, #tpu.memory_space<semaphore_mem>>
      %dma_start3A_61 = arith.constant 0 : i32
      %dma_start3A_62 = tpu.memref_slice %arg8[%run_scoped3A, %dma_start3A_61] : memref<81x128xi32, #tpu.memory_space<vmem>> -> memref<1x128xi32, #tpu.memory_space<vmem>>
      %dma_start3A_63 = tpu.memref_squeeze %dma_start3A_62 : memref<1x128xi32, #tpu.memory_space<vmem>> -> memref<128xi32, #tpu.memory_space<vmem>>
      %dma_start3A_64 = arith.constant 0 : i32
      %dma_start3A_65 = arith.constant 0 : i32
      %dma_start3A_66 = tpu.memref_slice %arg12[%dma_start3A_64, %dma_start3A_65] : memref<10240x64xf32, #tpu.memory_space<vmem_shared>> -> memref<10240x64xf32, #tpu.memory_space<vmem_shared>>
      tpu.enqueue_indirect_dma source(%arg9 : memref<128x64xf32, #tpu.memory_space<vmem>>) target(%dma_start3A_66 : memref<10240x64xf32, #tpu.memory_space<vmem_shared>>) offsets(%dma_start3A_63 : memref<128xi32, #tpu.memory_space<vmem>>) semaphore(%run_scoped3A_60 : memref<!tpu.dma_semaphore, #tpu.memory_space<semaphore_mem>>) {add = true}
      %dma_wait3A_67 = arith.constant 0 : i32
      %dma_wait3A_68 = tpu.memref_slice %arg8[%run_scoped3A, %dma_wait3A_67] : memref<81x128xi32, #tpu.memory_space<vmem>> -> memref<1x128xi32, #tpu.memory_space<vmem>>
      %dma_wait3A_69 = tpu.memref_squeeze %dma_wait3A_68 : memref<1x128xi32, #tpu.memory_space<vmem>> -> memref<128xi32, #tpu.memory_space<vmem>>
      %dma_wait3A_70 = arith.constant 0 : i32
      %dma_wait3A_71 = arith.constant 0 : i32
      %dma_wait3A_72 = tpu.memref_slice %arg12[%dma_wait3A_70, %dma_wait3A_71] : memref<10240x64xf32, #tpu.memory_space<vmem_shared>> -> memref<10240x64xf32, #tpu.memory_space<vmem_shared>>
      tpu.wait_indirect_dma semaphore(%run_scoped3A_60 : memref<!tpu.dma_semaphore, #tpu.memory_space<semaphore_mem>>) src(%arg9 : memref<128x64xf32, #tpu.memory_space<vmem>>) dst(%dma_wait3A_72 : memref<10240x64xf32, #tpu.memory_space<vmem_shared>>)
      tpu.yield
    }) : () -> ()
    %barrier3A_54 = arith.constant 0 : index
    tpu.barrier barrier_id(%barrier3A_54)
    %scan3A_55 = arith.constant 0 : i32
    %scan3A_56 = arith.constant 5 : i32
    %scan3A_57 = arith.addi %scan3A_55, %scan3A_56 : i32
    %scan3A_58 = arith.constant 1 : i32
    scf.for %scan3A_60 = %scan3A_55 to %scan3A_57 step %scan3A_58  : i32 {
      %mul3A_61 = arith.constant 1 : i32
      %mul3A_62 = arith.muli %scan3A_60, %mul3A_61 : i32
      %add3A_63 = arith.constant 0 : i32
      %add3A_64 = arith.addi %add3A_63, %mul3A_62 : i32
      %mul3A_65 = arith.constant 640 : i32
      %mul3A_66 = arith.muli %arg1, %mul3A_65 : i32
      %mul3A_67 = arith.constant 128 : i32
      %mul3A_68 = arith.muli %add3A_64, %mul3A_67 : i32
      %add3A_69 = arith.addi %mul3A_66, %mul3A_68 : i32
      "tpu.region"() ({
        %run_scoped3A_70 = tpu.sem_alloc : memref<!tpu.dma_semaphore, #tpu.memory_space<semaphore_mem>>
        %dma_start3A_71 = arith.constant 0 : i32
        %dma_start3A_72 = tpu.memref_slice %arg12[%add3A_69, %dma_start3A_71] : memref<10240x64xf32, #tpu.memory_space<vmem_shared>> -> memref<128x64xf32, #tpu.memory_space<vmem_shared>>
        %dma_start3A_73 = arith.constant 0 : i32
        %dma_start3A_74 = tpu.memref_slice %arg12[%add3A_69, %dma_start3A_73] : memref<10240x64xf32, #tpu.memory_space<vmem_shared>> -> memref<128x64xf32, #tpu.memory_space<vmem_shared>>
        tpu.enqueue_dma source(%dma_start3A_74 : memref<128x64xf32, #tpu.memory_space<vmem_shared>>) target(%arg11 : memref<128x64xf32, #tpu.memory_space<vmem>>) target_semaphore(%run_scoped3A_70 : memref<!tpu.dma_semaphore, #tpu.memory_space<semaphore_mem>>)
        %dma_wait3A_75 = arith.constant 0 : i32
        %dma_wait3A_76 = tpu.memref_slice %arg12[%add3A_69, %dma_wait3A_75] : memref<10240x64xf32, #tpu.memory_space<vmem_shared>> -> memref<128x64xf32, #tpu.memory_space<vmem_shared>>
        %dma_wait3A_77 = arith.constant 0 : i32
        %dma_wait3A_78 = tpu.memref_slice %arg12[%add3A_69, %dma_wait3A_77] : memref<10240x64xf32, #tpu.memory_space<vmem_shared>> -> memref<128x64xf32, #tpu.memory_space<vmem_shared>>
        tpu.wait_dma2 semaphore(%run_scoped3A_70 : memref<!tpu.dma_semaphore, #tpu.memory_space<semaphore_mem>>) src(%dma_wait3A_78 : memref<128x64xf32, #tpu.memory_space<vmem_shared>>) dst(%arg11 : memref<128x64xf32, #tpu.memory_space<vmem>>)
        tpu.yield
      }) : () -> ()
      "tpu.region"() ({
        %run_scoped3A_70 = tpu.sem_alloc : memref<!tpu.dma_semaphore, #tpu.memory_space<semaphore_mem>>
        %dma_start3A_71 = arith.constant 0 : i32
        %dma_start3A_72 = tpu.memref_slice %arg6[%arg0, %add3A_69, %dma_start3A_71] : memref<2x10240x64xf32, #tpu.memory_space<hbm>> -> memref<1x128x64xf32, #tpu.memory_space<hbm>>
        %dma_start3A_73 = tpu.memref_squeeze %dma_start3A_72 : memref<1x128x64xf32, #tpu.memory_space<hbm>> -> memref<128x64xf32, #tpu.memory_space<hbm>>
        %dma_start3A_74 = arith.constant 0 : i32
        %dma_start3A_75 = tpu.memref_slice %arg6[%arg0, %add3A_69, %dma_start3A_74] : memref<2x10240x64xf32, #tpu.memory_space<hbm>> -> memref<1x128x64xf32, #tpu.memory_space<hbm>>
        %dma_start3A_76 = tpu.memref_squeeze %dma_start3A_75 : memref<1x128x64xf32, #tpu.memory_space<hbm>> -> memref<128x64xf32, #tpu.memory_space<hbm>>
        tpu.enqueue_dma source(%arg11 : memref<128x64xf32, #tpu.memory_space<vmem>>) target(%dma_start3A_76 : memref<128x64xf32, #tpu.memory_space<hbm>>) target_semaphore(%run_scoped3A_70 : memref<!tpu.dma_semaphore, #tpu.memory_space<semaphore_mem>>)
        %dma_wait3A_77 = arith.constant 0 : i32
        %dma_wait3A_78 = tpu.memref_slice %arg6[%arg0, %add3A_69, %dma_wait3A_77] : memref<2x10240x64xf32, #tpu.memory_space<hbm>> -> memref<1x128x64xf32, #tpu.memory_space<hbm>>
        %dma_wait3A_79 = tpu.memref_squeeze %dma_wait3A_78 : memref<1x128x64xf32, #tpu.memory_space<hbm>> -> memref<128x64xf32, #tpu.memory_space<hbm>>
        %dma_wait3A_80 = arith.constant 0 : i32
        %dma_wait3A_81 = tpu.memref_slice %arg6[%arg0, %add3A_69, %dma_wait3A_80] : memref<2x10240x64xf32, #tpu.memory_space<hbm>> -> memref<1x128x64xf32, #tpu.memory_space<hbm>>
        %dma_wait3A_82 = tpu.memref_squeeze %dma_wait3A_81 : memref<1x128x64xf32, #tpu.memory_space<hbm>> -> memref<128x64xf32, #tpu.memory_space<hbm>>
        tpu.wait_dma2 semaphore(%run_scoped3A_70 : memref<!tpu.dma_semaphore, #tpu.memory_space<semaphore_mem>>) src(%arg11 : memref<128x64xf32, #tpu.memory_space<vmem>>) dst(%dma_wait3A_82 : memref<128x64xf32, #tpu.memory_space<hbm>>)
        tpu.yield
      }) : () -> ()
    }
    %scan3A_59 = arith.constant 5 : i32
    return
  }
}

#map = affine_map<(d0, d1) -> (0, 0)>
#map1 = affine_map<(d0, d1) -> (0, 0, 0)>
module attributes {stable_mosaic.version = 14 : i64} {
  func.func @scat(%arg0: i32, %arg1: i32, %arg2: memref<10240x64xf32, #tpu.memory_space<hbm>>, %arg3: memref<32x81x128xi32, #tpu.memory_space<hbm>>, %arg4: memref<32x81x128xi32, #tpu.memory_space<hbm>>, %arg5: memref<128x64xf32, #tpu.memory_space<hbm>>, %arg6: memref<2x10240x64xf32, #tpu.memory_space<hbm>>, %arg7: memref<81x128xi32, #tpu.memory_space<vmem>>, %arg8: memref<81x128xi32, #tpu.memory_space<vmem>>, %arg9: memref<128x64xf32, #tpu.memory_space<vmem>>, %arg10: memref<128x64xf32, #tpu.memory_space<vmem>>, %arg11: memref<128x64xf32, #tpu.memory_space<vmem>>, %arg12: memref<10240x64xf32, #tpu.memory_space<vmem_shared>>, %arg13: memref<!tpu.dma_semaphore, #tpu.memory_space<semaphore_mem>>, %arg14: memref<!tpu.dma_semaphore, #tpu.memory_space<semaphore_mem>>) attributes {dimension_semantics = [#tpu.dimension_semantics<core_parallel>, #tpu.dimension_semantics<subcore_parallel>], iteration_bounds = array<i64: 2, 16>, scalar_prefetch = 0 : i64, scratch_operands = 8 : i64, tpu.core_type = #tpu.core_type<sc_vector_subcore>, window_params = [{transform_indices = #map}, {transform_indices = #map1}, {transform_indices = #map1}, {transform_indices = #map}, {transform_indices = #map1}]} {
    %mul3A = arith.constant 16 : i32
    %mul3A_0 = arith.muli %arg0, %mul3A : i32
    %add3A = arith.addi %mul3A_0, %arg1 : i32
    %dma_start3A = arith.constant 0 : i32
    %dma_start3A_1 = arith.constant 0 : i32
    %dma_start3A_2 = tpu.memref_slice %arg3[%add3A, %dma_start3A, %dma_start3A_1] : memref<32x81x128xi32, #tpu.memory_space<hbm>> -> memref<1x81x128xi32, #tpu.memory_space<hbm>>
    %dma_start3A_3 = tpu.memref_squeeze %dma_start3A_2 : memref<1x81x128xi32, #tpu.memory_space<hbm>> -> memref<81x128xi32, #tpu.memory_space<hbm>>
    %dma_start3A_4 = arith.constant 0 : i32
    %dma_start3A_5 = arith.constant 0 : i32
    %dma_start3A_6 = tpu.memref_slice %arg3[%add3A, %dma_start3A_4, %dma_start3A_5] : memref<32x81x128xi32, #tpu.memory_space<hbm>> -> memref<1x81x128xi32, #tpu.memory_space<hbm>>
    %dma_start3A_7 = tpu.memref_squeeze %dma_start3A_6 : memref<1x81x128xi32, #tpu.memory_space<hbm>> -> memref<81x128xi32, #tpu.memory_space<hbm>>
    tpu.enqueue_dma source(%dma_start3A_7 : memref<81x128xi32, #tpu.memory_space<hbm>>) target(%arg7 : memref<81x128xi32, #tpu.memory_space<vmem>>) target_semaphore(%arg13 : memref<!tpu.dma_semaphore, #tpu.memory_space<semaphore_mem>>)
    %dma_start3A_8 = arith.constant 0 : i32
    %dma_start3A_9 = arith.constant 0 : i32
    %dma_start3A_10 = tpu.memref_slice %arg4[%add3A, %dma_start3A_8, %dma_start3A_9] : memref<32x81x128xi32, #tpu.memory_space<hbm>> -> memref<1x81x128xi32, #tpu.memory_space<hbm>>
    %dma_start3A_11 = tpu.memref_squeeze %dma_start3A_10 : memref<1x81x128xi32, #tpu.memory_space<hbm>> -> memref<81x128xi32, #tpu.memory_space<hbm>>
    %dma_start3A_12 = arith.constant 0 : i32
    %dma_start3A_13 = arith.constant 0 : i32
    %dma_start3A_14 = tpu.memref_slice %arg4[%add3A, %dma_start3A_12, %dma_start3A_13] : memref<32x81x128xi32, #tpu.memory_space<hbm>> -> memref<1x81x128xi32, #tpu.memory_space<hbm>>
    %dma_start3A_15 = tpu.memref_squeeze %dma_start3A_14 : memref<1x81x128xi32, #tpu.memory_space<hbm>> -> memref<81x128xi32, #tpu.memory_space<hbm>>
    tpu.enqueue_dma source(%dma_start3A_15 : memref<81x128xi32, #tpu.memory_space<hbm>>) target(%arg8 : memref<81x128xi32, #tpu.memory_space<vmem>>) target_semaphore(%arg14 : memref<!tpu.dma_semaphore, #tpu.memory_space<semaphore_mem>>)
    "tpu.region"() ({
      %run_scoped3A_60 = tpu.sem_alloc : memref<!tpu.dma_semaphore, #tpu.memory_space<semaphore_mem>>
      tpu.enqueue_dma source(%arg5 : memref<128x64xf32, #tpu.memory_space<hbm>>) target(%arg11 : memref<128x64xf32, #tpu.memory_space<vmem>>) target_semaphore(%run_scoped3A_60 : memref<!tpu.dma_semaphore, #tpu.memory_space<semaphore_mem>>)
      tpu.wait_dma2 semaphore(%run_scoped3A_60 : memref<!tpu.dma_semaphore, #tpu.memory_space<semaphore_mem>>) src(%arg5 : memref<128x64xf32, #tpu.memory_space<hbm>>) dst(%arg11 : memref<128x64xf32, #tpu.memory_space<vmem>>)
      tpu.yield
    }) : () -> ()
    %scan3A = arith.constant 0 : i32
    %scan3A_16 = arith.constant 5 : i32
    %scan3A_17 = arith.addi %scan3A, %scan3A_16 : i32
    %scan3A_18 = arith.constant 1 : i32
    scf.for %scan3A_60 = %scan3A to %scan3A_17 step %scan3A_18  : i32 {
      %mul3A_61 = arith.constant 1 : i32
      %mul3A_62 = arith.muli %scan3A_60, %mul3A_61 : i32
      %add3A_63 = arith.constant 0 : i32
      %add3A_64 = arith.addi %add3A_63, %mul3A_62 : i32
      %mul3A_65 = arith.constant 640 : i32
      %mul3A_66 = arith.muli %arg1, %mul3A_65 : i32
      %mul3A_67 = arith.constant 128 : i32
      %mul3A_68 = arith.muli %add3A_64, %mul3A_67 : i32
      %add3A_69 = arith.addi %mul3A_66, %mul3A_68 : i32
      "tpu.region"() ({
        %run_scoped3A_70 = tpu.sem_alloc : memref<!tpu.dma_semaphore, #tpu.memory_space<semaphore_mem>>
        %dma_start3A_71 = arith.constant 0 : i32
        %dma_start3A_72 = tpu.memref_slice %arg12[%add3A_69, %dma_start3A_71] : memref<10240x64xf32, #tpu.memory_space<vmem_shared>> -> memref<128x64xf32, #tpu.memory_space<vmem_shared>>
        %dma_start3A_73 = arith.constant 0 : i32
        %dma_start3A_74 = tpu.memref_slice %arg12[%add3A_69, %dma_start3A_73] : memref<10240x64xf32, #tpu.memory_space<vmem_shared>> -> memref<128x64xf32, #tpu.memory_space<vmem_shared>>
        tpu.enqueue_dma source(%arg11 : memref<128x64xf32, #tpu.memory_space<vmem>>) target(%dma_start3A_74 : memref<128x64xf32, #tpu.memory_space<vmem_shared>>) target_semaphore(%run_scoped3A_70 : memref<!tpu.dma_semaphore, #tpu.memory_space<semaphore_mem>>)
        %dma_wait3A_75 = arith.constant 0 : i32
        %dma_wait3A_76 = tpu.memref_slice %arg12[%add3A_69, %dma_wait3A_75] : memref<10240x64xf32, #tpu.memory_space<vmem_shared>> -> memref<128x64xf32, #tpu.memory_space<vmem_shared>>
        %dma_wait3A_77 = arith.constant 0 : i32
        %dma_wait3A_78 = tpu.memref_slice %arg12[%add3A_69, %dma_wait3A_77] : memref<10240x64xf32, #tpu.memory_space<vmem_shared>> -> memref<128x64xf32, #tpu.memory_space<vmem_shared>>
        tpu.wait_dma2 semaphore(%run_scoped3A_70 : memref<!tpu.dma_semaphore, #tpu.memory_space<semaphore_mem>>) src(%arg11 : memref<128x64xf32, #tpu.memory_space<vmem>>) dst(%dma_wait3A_78 : memref<128x64xf32, #tpu.memory_space<vmem_shared>>)
        tpu.yield
      }) : () -> ()
    }
    %scan3A_19 = arith.constant 5 : i32
    %dma_wait3A = arith.constant 0 : i32
    %dma_wait3A_20 = arith.constant 0 : i32
    %dma_wait3A_21 = tpu.memref_slice %arg3[%add3A, %dma_wait3A, %dma_wait3A_20] : memref<32x81x128xi32, #tpu.memory_space<hbm>> -> memref<1x81x128xi32, #tpu.memory_space<hbm>>
    %dma_wait3A_22 = tpu.memref_squeeze %dma_wait3A_21 : memref<1x81x128xi32, #tpu.memory_space<hbm>> -> memref<81x128xi32, #tpu.memory_space<hbm>>
    %dma_wait3A_23 = arith.constant 0 : i32
    %dma_wait3A_24 = arith.constant 0 : i32
    %dma_wait3A_25 = tpu.memref_slice %arg3[%add3A, %dma_wait3A_23, %dma_wait3A_24] : memref<32x81x128xi32, #tpu.memory_space<hbm>> -> memref<1x81x128xi32, #tpu.memory_space<hbm>>
    %dma_wait3A_26 = tpu.memref_squeeze %dma_wait3A_25 : memref<1x81x128xi32, #tpu.memory_space<hbm>> -> memref<81x128xi32, #tpu.memory_space<hbm>>
    tpu.wait_dma2 semaphore(%arg13 : memref<!tpu.dma_semaphore, #tpu.memory_space<semaphore_mem>>) src(%dma_wait3A_26 : memref<81x128xi32, #tpu.memory_space<hbm>>) dst(%arg7 : memref<81x128xi32, #tpu.memory_space<vmem>>)
    %dma_wait3A_27 = arith.constant 0 : i32
    %dma_wait3A_28 = arith.constant 0 : i32
    %dma_wait3A_29 = tpu.memref_slice %arg4[%add3A, %dma_wait3A_27, %dma_wait3A_28] : memref<32x81x128xi32, #tpu.memory_space<hbm>> -> memref<1x81x128xi32, #tpu.memory_space<hbm>>
    %dma_wait3A_30 = tpu.memref_squeeze %dma_wait3A_29 : memref<1x81x128xi32, #tpu.memory_space<hbm>> -> memref<81x128xi32, #tpu.memory_space<hbm>>
    %dma_wait3A_31 = arith.constant 0 : i32
    %dma_wait3A_32 = arith.constant 0 : i32
    %dma_wait3A_33 = tpu.memref_slice %arg4[%add3A, %dma_wait3A_31, %dma_wait3A_32] : memref<32x81x128xi32, #tpu.memory_space<hbm>> -> memref<1x81x128xi32, #tpu.memory_space<hbm>>
    %dma_wait3A_34 = tpu.memref_squeeze %dma_wait3A_33 : memref<1x81x128xi32, #tpu.memory_space<hbm>> -> memref<81x128xi32, #tpu.memory_space<hbm>>
    tpu.wait_dma2 semaphore(%arg14 : memref<!tpu.dma_semaphore, #tpu.memory_space<semaphore_mem>>) src(%dma_wait3A_34 : memref<81x128xi32, #tpu.memory_space<hbm>>) dst(%arg8 : memref<81x128xi32, #tpu.memory_space<vmem>>)
    %barrier3A = arith.constant 0 : index
    tpu.barrier barrier_id(%barrier3A)
    %dma_start3A_35 = arith.constant 0 : i32
    %dma_start3A_36 = arith.constant 0 : i32
    %dma_start3A_37 = tpu.memref_slice %arg7[%dma_start3A_35, %dma_start3A_36] : memref<81x128xi32, #tpu.memory_space<vmem>> -> memref<1x128xi32, #tpu.memory_space<vmem>>
    %dma_start3A_38 = tpu.memref_squeeze %dma_start3A_37 : memref<1x128xi32, #tpu.memory_space<vmem>> -> memref<128xi32, #tpu.memory_space<vmem>>
    %dma_start3A_39 = arith.constant 0 : i32
    %dma_start3A_40 = arith.constant 0 : i32
    %dma_start3A_41 = tpu.memref_slice %arg2[%dma_start3A_39, %dma_start3A_40] : memref<10240x64xf32, #tpu.memory_space<hbm>> -> memref<10240x64xf32, #tpu.memory_space<hbm>>
    tpu.enqueue_indirect_dma source(%dma_start3A_41 : memref<10240x64xf32, #tpu.memory_space<hbm>>) target(%arg9 : memref<128x64xf32, #tpu.memory_space<vmem>>) offsets(%dma_start3A_38 : memref<128xi32, #tpu.memory_space<vmem>>) semaphore(%arg13 : memref<!tpu.dma_semaphore, #tpu.memory_space<semaphore_mem>>)
    %scan3A_42 = arith.constant 0 : i32
    %scan3A_43 = arith.constant 40 : i32
    %scan3A_44 = arith.addi %scan3A_42, %scan3A_43 : i32
    %scan3A_45 = arith.constant 1 : i32
    scf.for %scan3A_60 = %scan3A_42 to %scan3A_44 step %scan3A_45  : i32 {
      %mul3A_61 = arith.constant 1 : i32
      %mul3A_62 = arith.muli %scan3A_60, %mul3A_61 : i32
      %add3A_63 = arith.constant 0 : i32
      %add3A_64 = arith.addi %add3A_63, %mul3A_62 : i32
      %mul3A_65 = arith.constant 2 : i32
      %mul3A_66 = arith.muli %add3A_64, %mul3A_65 : i32
      %add3A_67 = arith.constant 1 : i32
      %add3A_68 = arith.addi %mul3A_66, %add3A_67 : i32
      %dma_start3A_69 = arith.constant 0 : i32
      %dma_start3A_70 = tpu.memref_slice %arg7[%add3A_68, %dma_start3A_69] : memref<81x128xi32, #tpu.memory_space<vmem>> -> memref<1x128xi32, #tpu.memory_space<vmem>>
      %dma_start3A_71 = tpu.memref_squeeze %dma_start3A_70 : memref<1x128xi32, #tpu.memory_space<vmem>> -> memref<128xi32, #tpu.memory_space<vmem>>
      %dma_start3A_72 = arith.constant 0 : i32
      %dma_start3A_73 = arith.constant 0 : i32
      %dma_start3A_74 = tpu.memref_slice %arg2[%dma_start3A_72, %dma_start3A_73] : memref<10240x64xf32, #tpu.memory_space<hbm>> -> memref<10240x64xf32, #tpu.memory_space<hbm>>
      tpu.enqueue_indirect_dma source(%dma_start3A_74 : memref<10240x64xf32, #tpu.memory_space<hbm>>) target(%arg10 : memref<128x64xf32, #tpu.memory_space<vmem>>) offsets(%dma_start3A_71 : memref<128xi32, #tpu.memory_space<vmem>>) semaphore(%arg14 : memref<!tpu.dma_semaphore, #tpu.memory_space<semaphore_mem>>)
      %dma_wait3A_75 = arith.constant 0 : i32
      %dma_wait3A_76 = tpu.memref_slice %arg7[%mul3A_66, %dma_wait3A_75] : memref<81x128xi32, #tpu.memory_space<vmem>> -> memref<1x128xi32, #tpu.memory_space<vmem>>
      %dma_wait3A_77 = tpu.memref_squeeze %dma_wait3A_76 : memref<1x128xi32, #tpu.memory_space<vmem>> -> memref<128xi32, #tpu.memory_space<vmem>>
      %dma_wait3A_78 = arith.constant 0 : i32
      %dma_wait3A_79 = arith.constant 0 : i32
      %dma_wait3A_80 = tpu.memref_slice %arg2[%dma_wait3A_78, %dma_wait3A_79] : memref<10240x64xf32, #tpu.memory_space<hbm>> -> memref<10240x64xf32, #tpu.memory_space<hbm>>
      tpu.wait_indirect_dma semaphore(%arg13 : memref<!tpu.dma_semaphore, #tpu.memory_space<semaphore_mem>>) src(%dma_wait3A_80 : memref<10240x64xf32, #tpu.memory_space<hbm>>) dst(%arg9 : memref<128x64xf32, #tpu.memory_space<vmem>>)
      "tpu.region"() ({
        %run_scoped3A_99 = tpu.sem_alloc : memref<!tpu.dma_semaphore, #tpu.memory_space<semaphore_mem>>
        %dma_start3A_100 = arith.constant 0 : i32
        %dma_start3A_101 = tpu.memref_slice %arg8[%mul3A_66, %dma_start3A_100] : memref<81x128xi32, #tpu.memory_space<vmem>> -> memref<1x128xi32, #tpu.memory_space<vmem>>
        %dma_start3A_102 = tpu.memref_squeeze %dma_start3A_101 : memref<1x128xi32, #tpu.memory_space<vmem>> -> memref<128xi32, #tpu.memory_space<vmem>>
        %dma_start3A_103 = arith.constant 0 : i32
        %dma_start3A_104 = arith.constant 0 : i32
        %dma_start3A_105 = tpu.memref_slice %arg12[%dma_start3A_103, %dma_start3A_104] : memref<10240x64xf32, #tpu.memory_space<vmem_shared>> -> memref<10240x64xf32, #tpu.memory_space<vmem_shared>>
        tpu.enqueue_indirect_dma source(%arg9 : memref<128x64xf32, #tpu.memory_space<vmem>>) target(%dma_start3A_105 : memref<10240x64xf32, #tpu.memory_space<vmem_shared>>) offsets(%dma_start3A_102 : memref<128xi32, #tpu.memory_space<vmem>>) semaphore(%run_scoped3A_99 : memref<!tpu.dma_semaphore, #tpu.memory_space<semaphore_mem>>) {add = true}
        %dma_wait3A_106 = arith.constant 0 : i32
        %dma_wait3A_107 = tpu.memref_slice %arg8[%mul3A_66, %dma_wait3A_106] : memref<81x128xi32, #tpu.memory_space<vmem>> -> memref<1x128xi32, #tpu.memory_space<vmem>>
        %dma_wait3A_108 = tpu.memref_squeeze %dma_wait3A_107 : memref<1x128xi32, #tpu.memory_space<vmem>> -> memref<128xi32, #tpu.memory_space<vmem>>
        %dma_wait3A_109 = arith.constant 0 : i32
        %dma_wait3A_110 = arith.constant 0 : i32
        %dma_wait3A_111 = tpu.memref_slice %arg12[%dma_wait3A_109, %dma_wait3A_110] : memref<10240x64xf32, #tpu.memory_space<vmem_shared>> -> memref<10240x64xf32, #tpu.memory_space<vmem_shared>>
        tpu.wait_indirect_dma semaphore(%run_scoped3A_99 : memref<!tpu.dma_semaphore, #tpu.memory_space<semaphore_mem>>) src(%arg9 : memref<128x64xf32, #tpu.memory_space<vmem>>) dst(%dma_wait3A_111 : memref<10240x64xf32, #tpu.memory_space<vmem_shared>>)
        tpu.yield
      }) : () -> ()
      %add3A_81 = arith.constant 2 : i32
      %add3A_82 = arith.addi %mul3A_66, %add3A_81 : i32
      %dma_start3A_83 = arith.constant 0 : i32
      %dma_start3A_84 = tpu.memref_slice %arg7[%add3A_82, %dma_start3A_83] : memref<81x128xi32, #tpu.memory_space<vmem>> -> memref<1x128xi32, #tpu.memory_space<vmem>>
      %dma_start3A_85 = tpu.memref_squeeze %dma_start3A_84 : memref<1x128xi32, #tpu.memory_space<vmem>> -> memref<128xi32, #tpu.memory_space<vmem>>
      %dma_start3A_86 = arith.constant 0 : i32
      %dma_start3A_87 = arith.constant 0 : i32
      %dma_start3A_88 = tpu.memref_slice %arg2[%dma_start3A_86, %dma_start3A_87] : memref<10240x64xf32, #tpu.memory_space<hbm>> -> memref<10240x64xf32, #tpu.memory_space<hbm>>
      tpu.enqueue_indirect_dma source(%dma_start3A_88 : memref<10240x64xf32, #tpu.memory_space<hbm>>) target(%arg9 : memref<128x64xf32, #tpu.memory_space<vmem>>) offsets(%dma_start3A_85 : memref<128xi32, #tpu.memory_space<vmem>>) semaphore(%arg13 : memref<!tpu.dma_semaphore, #tpu.memory_space<semaphore_mem>>)
      %add3A_89 = arith.constant 1 : i32
      %add3A_90 = arith.addi %mul3A_66, %add3A_89 : i32
      %dma_wait3A_91 = arith.constant 0 : i32
      %dma_wait3A_92 = tpu.memref_slice %arg7[%add3A_90, %dma_wait3A_91] : memref<81x128xi32, #tpu.memory_space<vmem>> -> memref<1x128xi32, #tpu.memory_space<vmem>>
      %dma_wait3A_93 = tpu.memref_squeeze %dma_wait3A_92 : memref<1x128xi32, #tpu.memory_space<vmem>> -> memref<128xi32, #tpu.memory_space<vmem>>
      %dma_wait3A_94 = arith.constant 0 : i32
      %dma_wait3A_95 = arith.constant 0 : i32
      %dma_wait3A_96 = tpu.memref_slice %arg2[%dma_wait3A_94, %dma_wait3A_95] : memref<10240x64xf32, #tpu.memory_space<hbm>> -> memref<10240x64xf32, #tpu.memory_space<hbm>>
      tpu.wait_indirect_dma semaphore(%arg14 : memref<!tpu.dma_semaphore, #tpu.memory_space<semaphore_mem>>) src(%dma_wait3A_96 : memref<10240x64xf32, #tpu.memory_space<hbm>>) dst(%arg10 : memref<128x64xf32, #tpu.memory_space<vmem>>)
      %add3A_97 = arith.constant 1 : i32
      %add3A_98 = arith.addi %mul3A_66, %add3A_97 : i32
      "tpu.region"() ({
        %run_scoped3A_99 = tpu.sem_alloc : memref<!tpu.dma_semaphore, #tpu.memory_space<semaphore_mem>>
        %dma_start3A_100 = arith.constant 0 : i32
        %dma_start3A_101 = tpu.memref_slice %arg8[%add3A_98, %dma_start3A_100] : memref<81x128xi32, #tpu.memory_space<vmem>> -> memref<1x128xi32, #tpu.memory_space<vmem>>
        %dma_start3A_102 = tpu.memref_squeeze %dma_start3A_101 : memref<1x128xi32, #tpu.memory_space<vmem>> -> memref<128xi32, #tpu.memory_space<vmem>>
        %dma_start3A_103 = arith.constant 0 : i32
        %dma_start3A_104 = arith.constant 0 : i32
        %dma_start3A_105 = tpu.memref_slice %arg12[%dma_start3A_103, %dma_start3A_104] : memref<10240x64xf32, #tpu.memory_space<vmem_shared>> -> memref<10240x64xf32, #tpu.memory_space<vmem_shared>>
        tpu.enqueue_indirect_dma source(%arg10 : memref<128x64xf32, #tpu.memory_space<vmem>>) target(%dma_start3A_105 : memref<10240x64xf32, #tpu.memory_space<vmem_shared>>) offsets(%dma_start3A_102 : memref<128xi32, #tpu.memory_space<vmem>>) semaphore(%run_scoped3A_99 : memref<!tpu.dma_semaphore, #tpu.memory_space<semaphore_mem>>) {add = true}
        %dma_wait3A_106 = arith.constant 0 : i32
        %dma_wait3A_107 = tpu.memref_slice %arg8[%add3A_98, %dma_wait3A_106] : memref<81x128xi32, #tpu.memory_space<vmem>> -> memref<1x128xi32, #tpu.memory_space<vmem>>
        %dma_wait3A_108 = tpu.memref_squeeze %dma_wait3A_107 : memref<1x128xi32, #tpu.memory_space<vmem>> -> memref<128xi32, #tpu.memory_space<vmem>>
        %dma_wait3A_109 = arith.constant 0 : i32
        %dma_wait3A_110 = arith.constant 0 : i32
        %dma_wait3A_111 = tpu.memref_slice %arg12[%dma_wait3A_109, %dma_wait3A_110] : memref<10240x64xf32, #tpu.memory_space<vmem_shared>> -> memref<10240x64xf32, #tpu.memory_space<vmem_shared>>
        tpu.wait_indirect_dma semaphore(%run_scoped3A_99 : memref<!tpu.dma_semaphore, #tpu.memory_space<semaphore_mem>>) src(%arg10 : memref<128x64xf32, #tpu.memory_space<vmem>>) dst(%dma_wait3A_111 : memref<10240x64xf32, #tpu.memory_space<vmem_shared>>)
        tpu.yield
      }) : () -> ()
    }
    %scan3A_46 = arith.constant 40 : i32
    %dma_wait3A_47 = arith.constant 80 : i32
    %dma_wait3A_48 = arith.constant 0 : i32
    %dma_wait3A_49 = tpu.memref_slice %arg7[%dma_wait3A_47, %dma_wait3A_48] : memref<81x128xi32, #tpu.memory_space<vmem>> -> memref<1x128xi32, #tpu.memory_space<vmem>>
    %dma_wait3A_50 = tpu.memref_squeeze %dma_wait3A_49 : memref<1x128xi32, #tpu.memory_space<vmem>> -> memref<128xi32, #tpu.memory_space<vmem>>
    %dma_wait3A_51 = arith.constant 0 : i32
    %dma_wait3A_52 = arith.constant 0 : i32
    %dma_wait3A_53 = tpu.memref_slice %arg2[%dma_wait3A_51, %dma_wait3A_52] : memref<10240x64xf32, #tpu.memory_space<hbm>> -> memref<10240x64xf32, #tpu.memory_space<hbm>>
    tpu.wait_indirect_dma semaphore(%arg13 : memref<!tpu.dma_semaphore, #tpu.memory_space<semaphore_mem>>) src(%dma_wait3A_53 : memref<10240x64xf32, #tpu.memory_space<hbm>>) dst(%arg9 : memref<128x64xf32, #tpu.memory_space<vmem>>)
    %run_scoped3A = arith.constant 80 : i32
    "tpu.region"() ({
      %run_scoped3A_60 = tpu.sem_alloc : memref<!tpu.dma_semaphore, #tpu.memory_space<semaphore_mem>>
      %dma_start3A_61 = arith.constant 0 : i32
      %dma_start3A_62 = tpu.memref_slice %arg8[%run_scoped3A, %dma_start3A_61] : memref<81x128xi32, #tpu.memory_space<vmem>> -> memref<1x128xi32, #tpu.memory_space<vmem>>
      %dma_start3A_63 = tpu.memref_squeeze %dma_start3A_62 : memref<1x128xi32, #tpu.memory_space<vmem>> -> memref<128xi32, #tpu.memory_space<vmem>>
      %dma_start3A_64 = arith.constant 0 : i32
      %dma_start3A_65 = arith.constant 0 : i32
      %dma_start3A_66 = tpu.memref_slice %arg12[%dma_start3A_64, %dma_start3A_65] : memref<10240x64xf32, #tpu.memory_space<vmem_shared>> -> memref<10240x64xf32, #tpu.memory_space<vmem_shared>>
      tpu.enqueue_indirect_dma source(%arg9 : memref<128x64xf32, #tpu.memory_space<vmem>>) target(%dma_start3A_66 : memref<10240x64xf32, #tpu.memory_space<vmem_shared>>) offsets(%dma_start3A_63 : memref<128xi32, #tpu.memory_space<vmem>>) semaphore(%run_scoped3A_60 : memref<!tpu.dma_semaphore, #tpu.memory_space<semaphore_mem>>) {add = true}
      %dma_wait3A_67 = arith.constant 0 : i32
      %dma_wait3A_68 = tpu.memref_slice %arg8[%run_scoped3A, %dma_wait3A_67] : memref<81x128xi32, #tpu.memory_space<vmem>> -> memref<1x128xi32, #tpu.memory_space<vmem>>
      %dma_wait3A_69 = tpu.memref_squeeze %dma_wait3A_68 : memref<1x128xi32, #tpu.memory_space<vmem>> -> memref<128xi32, #tpu.memory_space<vmem>>
      %dma_wait3A_70 = arith.constant 0 : i32
      %dma_wait3A_71 = arith.constant 0 : i32
      %dma_wait3A_72 = tpu.memref_slice %arg12[%dma_wait3A_70, %dma_wait3A_71] : memref<10240x64xf32, #tpu.memory_space<vmem_shared>> -> memref<10240x64xf32, #tpu.memory_space<vmem_shared>>
      tpu.wait_indirect_dma semaphore(%run_scoped3A_60 : memref<!tpu.dma_semaphore, #tpu.memory_space<semaphore_mem>>) src(%arg9 : memref<128x64xf32, #tpu.memory_space<vmem>>) dst(%dma_wait3A_72 : memref<10240x64xf32, #tpu.memory_space<vmem_shared>>)
      tpu.yield
    }) : () -> ()
    %barrier3A_54 = arith.constant 0 : index
    tpu.barrier barrier_id(%barrier3A_54)
    %scan3A_55 = arith.constant 0 : i32
    %scan3A_56 = arith.constant 5 : i32
    %scan3A_57 = arith.addi %scan3A_55, %scan3A_56 : i32
    %scan3A_58 = arith.constant 1 : i32
    scf.for %scan3A_60 = %scan3A_55 to %scan3A_57 step %scan3A_58  : i32 {
      %mul3A_61 = arith.constant 1 : i32
      %mul3A_62 = arith.muli %scan3A_60, %mul3A_61 : i32
      %add3A_63 = arith.constant 0 : i32
      %add3A_64 = arith.addi %add3A_63, %mul3A_62 : i32
      %mul3A_65 = arith.constant 640 : i32
      %mul3A_66 = arith.muli %arg1, %mul3A_65 : i32
      %mul3A_67 = arith.constant 128 : i32
      %mul3A_68 = arith.muli %add3A_64, %mul3A_67 : i32
      %add3A_69 = arith.addi %mul3A_66, %mul3A_68 : i32
      "tpu.region"() ({
        %run_scoped3A_70 = tpu.sem_alloc : memref<!tpu.dma_semaphore, #tpu.memory_space<semaphore_mem>>
        %dma_start3A_71 = arith.constant 0 : i32
        %dma_start3A_72 = tpu.memref_slice %arg12[%add3A_69, %dma_start3A_71] : memref<10240x64xf32, #tpu.memory_space<vmem_shared>> -> memref<128x64xf32, #tpu.memory_space<vmem_shared>>
        %dma_start3A_73 = arith.constant 0 : i32
        %dma_start3A_74 = tpu.memref_slice %arg12[%add3A_69, %dma_start3A_73] : memref<10240x64xf32, #tpu.memory_space<vmem_shared>> -> memref<128x64xf32, #tpu.memory_space<vmem_shared>>
        tpu.enqueue_dma source(%dma_start3A_74 : memref<128x64xf32, #tpu.memory_space<vmem_shared>>) target(%arg11 : memref<128x64xf32, #tpu.memory_space<vmem>>) target_semaphore(%run_scoped3A_70 : memref<!tpu.dma_semaphore, #tpu.memory_space<semaphore_mem>>)
        %dma_wait3A_75 = arith.constant 0 : i32
        %dma_wait3A_76 = tpu.memref_slice %arg12[%add3A_69, %dma_wait3A_75] : memref<10240x64xf32, #tpu.memory_space<vmem_shared>> -> memref<128x64xf32, #tpu.memory_space<vmem_shared>>
        %dma_wait3A_77 = arith.constant 0 : i32
        %dma_wait3A_78 = tpu.memref_slice %arg12[%add3A_69, %dma_wait3A_77] : memref<10240x64xf32, #tpu.memory_space<vmem_shared>> -> memref<128x64xf32, #tpu.memory_space<vmem_shared>>
        tpu.wait_dma2 semaphore(%run_scoped3A_70 : memref<!tpu.dma_semaphore, #tpu.memory_space<semaphore_mem>>) src(%dma_wait3A_78 : memref<128x64xf32, #tpu.memory_space<vmem_shared>>) dst(%arg11 : memref<128x64xf32, #tpu.memory_space<vmem>>)
        tpu.yield
      }) : () -> ()
      "tpu.region"() ({
        %run_scoped3A_70 = tpu.sem_alloc : memref<!tpu.dma_semaphore, #tpu.memory_space<semaphore_mem>>
        %dma_start3A_71 = arith.constant 0 : i32
        %dma_start3A_72 = tpu.memref_slice %arg6[%arg0, %add3A_69, %dma_start3A_71] : memref<2x10240x64xf32, #tpu.memory_space<hbm>> -> memref<1x128x64xf32, #tpu.memory_space<hbm>>
        %dma_start3A_73 = tpu.memref_squeeze %dma_start3A_72 : memref<1x128x64xf32, #tpu.memory_space<hbm>> -> memref<128x64xf32, #tpu.memory_space<hbm>>
        %dma_start3A_74 = arith.constant 0 : i32
        %dma_start3A_75 = tpu.memref_slice %arg6[%arg0, %add3A_69, %dma_start3A_74] : memref<2x10240x64xf32, #tpu.memory_space<hbm>> -> memref<1x128x64xf32, #tpu.memory_space<hbm>>
        %dma_start3A_76 = tpu.memref_squeeze %dma_start3A_75 : memref<1x128x64xf32, #tpu.memory_space<hbm>> -> memref<128x64xf32, #tpu.memory_space<hbm>>
        tpu.enqueue_dma source(%arg11 : memref<128x64xf32, #tpu.memory_space<vmem>>) target(%dma_start3A_76 : memref<128x64xf32, #tpu.memory_space<hbm>>) target_semaphore(%run_scoped3A_70 : memref<!tpu.dma_semaphore, #tpu.memory_space<semaphore_mem>>)
        %dma_wait3A_77 = arith.constant 0 : i32
        %dma_wait3A_78 = tpu.memref_slice %arg6[%arg0, %add3A_69, %dma_wait3A_77] : memref<2x10240x64xf32, #tpu.memory_space<hbm>> -> memref<1x128x64xf32, #tpu.memory_space<hbm>>
        %dma_wait3A_79 = tpu.memref_squeeze %dma_wait3A_78 : memref<1x128x64xf32, #tpu.memory_space<hbm>> -> memref<128x64xf32, #tpu.memory_space<hbm>>
        %dma_wait3A_80 = arith.constant 0 : i32
        %dma_wait3A_81 = tpu.memref_slice %arg6[%arg0, %add3A_69, %dma_wait3A_80] : memref<2x10240x64xf32, #tpu.memory_space<hbm>> -> memref<1x128x64xf32, #tpu.memory_space<hbm>>
        %dma_wait3A_82 = tpu.memref_squeeze %dma_wait3A_81 : memref<1x128x64xf32, #tpu.memory_space<hbm>> -> memref<128x64xf32, #tpu.memory_space<hbm>>
        tpu.wait_dma2 semaphore(%run_scoped3A_70 : memref<!tpu.dma_semaphore, #tpu.memory_space<semaphore_mem>>) src(%arg11 : memref<128x64xf32, #tpu.memory_space<vmem>>) dst(%dma_wait3A_82 : memref<128x64xf32, #tpu.memory_space<hbm>>)
        tpu.yield
      }) : () -> ()
    }
    %scan3A_59 = arith.constant 5 : i32
    return
  }
}

#map = affine_map<(d0, d1) -> (0, 0)>
#map1 = affine_map<(d0, d1) -> (0, 0, 0)>
module attributes {stable_mosaic.version = 14 : i64} {
  func.func @scat(%arg0: i32, %arg1: i32, %arg2: memref<10240x64xf32, #tpu.memory_space<hbm>>, %arg3: memref<32x81x128xi32, #tpu.memory_space<hbm>>, %arg4: memref<32x81x128xi32, #tpu.memory_space<hbm>>, %arg5: memref<128x64xf32, #tpu.memory_space<hbm>>, %arg6: memref<2x10240x64xf32, #tpu.memory_space<hbm>>, %arg7: memref<81x128xi32, #tpu.memory_space<vmem>>, %arg8: memref<81x128xi32, #tpu.memory_space<vmem>>, %arg9: memref<128x64xf32, #tpu.memory_space<vmem>>, %arg10: memref<128x64xf32, #tpu.memory_space<vmem>>, %arg11: memref<128x64xf32, #tpu.memory_space<vmem>>, %arg12: memref<10240x64xf32, #tpu.memory_space<vmem_shared>>, %arg13: memref<!tpu.dma_semaphore, #tpu.memory_space<semaphore_mem>>, %arg14: memref<!tpu.dma_semaphore, #tpu.memory_space<semaphore_mem>>) attributes {dimension_semantics = [#tpu.dimension_semantics<core_parallel>, #tpu.dimension_semantics<subcore_parallel>], iteration_bounds = array<i64: 2, 16>, scalar_prefetch = 0 : i64, scratch_operands = 8 : i64, tpu.core_type = #tpu.core_type<sc_vector_subcore>, window_params = [{transform_indices = #map}, {transform_indices = #map1}, {transform_indices = #map1}, {transform_indices = #map}, {transform_indices = #map1}]} {
    %mul3A = arith.constant 16 : i32
    %mul3A_0 = arith.muli %arg0, %mul3A : i32
    %add3A = arith.addi %mul3A_0, %arg1 : i32
    %dma_start3A = arith.constant 0 : i32
    %dma_start3A_1 = arith.constant 0 : i32
    %dma_start3A_2 = tpu.memref_slice %arg3[%add3A, %dma_start3A, %dma_start3A_1] : memref<32x81x128xi32, #tpu.memory_space<hbm>> -> memref<1x81x128xi32, #tpu.memory_space<hbm>>
    %dma_start3A_3 = tpu.memref_squeeze %dma_start3A_2 : memref<1x81x128xi32, #tpu.memory_space<hbm>> -> memref<81x128xi32, #tpu.memory_space<hbm>>
    %dma_start3A_4 = arith.constant 0 : i32
    %dma_start3A_5 = arith.constant 0 : i32
    %dma_start3A_6 = tpu.memref_slice %arg3[%add3A, %dma_start3A_4, %dma_start3A_5] : memref<32x81x128xi32, #tpu.memory_space<hbm>> -> memref<1x81x128xi32, #tpu.memory_space<hbm>>
    %dma_start3A_7 = tpu.memref_squeeze %dma_start3A_6 : memref<1x81x128xi32, #tpu.memory_space<hbm>> -> memref<81x128xi32, #tpu.memory_space<hbm>>
    tpu.enqueue_dma source(%dma_start3A_7 : memref<81x128xi32, #tpu.memory_space<hbm>>) target(%arg7 : memref<81x128xi32, #tpu.memory_space<vmem>>) target_semaphore(%arg13 : memref<!tpu.dma_semaphore, #tpu.memory_space<semaphore_mem>>)
    %dma_start3A_8 = arith.constant 0 : i32
    %dma_start3A_9 = arith.constant 0 : i32
    %dma_start3A_10 = tpu.memref_slice %arg4[%add3A, %dma_start3A_8, %dma_start3A_9] : memref<32x81x128xi32, #tpu.memory_space<hbm>> -> memref<1x81x128xi32, #tpu.memory_space<hbm>>
    %dma_start3A_11 = tpu.memref_squeeze %dma_start3A_10 : memref<1x81x128xi32, #tpu.memory_space<hbm>> -> memref<81x128xi32, #tpu.memory_space<hbm>>
    %dma_start3A_12 = arith.constant 0 : i32
    %dma_start3A_13 = arith.constant 0 : i32
    %dma_start3A_14 = tpu.memref_slice %arg4[%add3A, %dma_start3A_12, %dma_start3A_13] : memref<32x81x128xi32, #tpu.memory_space<hbm>> -> memref<1x81x128xi32, #tpu.memory_space<hbm>>
    %dma_start3A_15 = tpu.memref_squeeze %dma_start3A_14 : memref<1x81x128xi32, #tpu.memory_space<hbm>> -> memref<81x128xi32, #tpu.memory_space<hbm>>
    tpu.enqueue_dma source(%dma_start3A_15 : memref<81x128xi32, #tpu.memory_space<hbm>>) target(%arg8 : memref<81x128xi32, #tpu.memory_space<vmem>>) target_semaphore(%arg14 : memref<!tpu.dma_semaphore, #tpu.memory_space<semaphore_mem>>)
    "tpu.region"() ({
      %run_scoped3A_60 = tpu.sem_alloc : memref<!tpu.dma_semaphore, #tpu.memory_space<semaphore_mem>>
      tpu.enqueue_dma source(%arg5 : memref<128x64xf32, #tpu.memory_space<hbm>>) target(%arg11 : memref<128x64xf32, #tpu.memory_space<vmem>>) target_semaphore(%run_scoped3A_60 : memref<!tpu.dma_semaphore, #tpu.memory_space<semaphore_mem>>)
      tpu.wait_dma2 semaphore(%run_scoped3A_60 : memref<!tpu.dma_semaphore, #tpu.memory_space<semaphore_mem>>) src(%arg5 : memref<128x64xf32, #tpu.memory_space<hbm>>) dst(%arg11 : memref<128x64xf32, #tpu.memory_space<vmem>>)
      tpu.yield
    }) : () -> ()
    %scan3A = arith.constant 0 : i32
    %scan3A_16 = arith.constant 5 : i32
    %scan3A_17 = arith.addi %scan3A, %scan3A_16 : i32
    %scan3A_18 = arith.constant 1 : i32
    scf.for %scan3A_60 = %scan3A to %scan3A_17 step %scan3A_18  : i32 {
      %mul3A_61 = arith.constant 1 : i32
      %mul3A_62 = arith.muli %scan3A_60, %mul3A_61 : i32
      %add3A_63 = arith.constant 0 : i32
      %add3A_64 = arith.addi %add3A_63, %mul3A_62 : i32
      %mul3A_65 = arith.constant 640 : i32
      %mul3A_66 = arith.muli %arg1, %mul3A_65 : i32
      %mul3A_67 = arith.constant 128 : i32
      %mul3A_68 = arith.muli %add3A_64, %mul3A_67 : i32
      %add3A_69 = arith.addi %mul3A_66, %mul3A_68 : i32
      "tpu.region"() ({
        %run_scoped3A_70 = tpu.sem_alloc : memref<!tpu.dma_semaphore, #tpu.memory_space<semaphore_mem>>
        %dma_start3A_71 = arith.constant 0 : i32
        %dma_start3A_72 = tpu.memref_slice %arg12[%add3A_69, %dma_start3A_71] : memref<10240x64xf32, #tpu.memory_space<vmem_shared>> -> memref<128x64xf32, #tpu.memory_space<vmem_shared>>
        %dma_start3A_73 = arith.constant 0 : i32
        %dma_start3A_74 = tpu.memref_slice %arg12[%add3A_69, %dma_start3A_73] : memref<10240x64xf32, #tpu.memory_space<vmem_shared>> -> memref<128x64xf32, #tpu.memory_space<vmem_shared>>
        tpu.enqueue_dma source(%arg11 : memref<128x64xf32, #tpu.memory_space<vmem>>) target(%dma_start3A_74 : memref<128x64xf32, #tpu.memory_space<vmem_shared>>) target_semaphore(%run_scoped3A_70 : memref<!tpu.dma_semaphore, #tpu.memory_space<semaphore_mem>>)
        %dma_wait3A_75 = arith.constant 0 : i32
        %dma_wait3A_76 = tpu.memref_slice %arg12[%add3A_69, %dma_wait3A_75] : memref<10240x64xf32, #tpu.memory_space<vmem_shared>> -> memref<128x64xf32, #tpu.memory_space<vmem_shared>>
        %dma_wait3A_77 = arith.constant 0 : i32
        %dma_wait3A_78 = tpu.memref_slice %arg12[%add3A_69, %dma_wait3A_77] : memref<10240x64xf32, #tpu.memory_space<vmem_shared>> -> memref<128x64xf32, #tpu.memory_space<vmem_shared>>
        tpu.wait_dma2 semaphore(%run_scoped3A_70 : memref<!tpu.dma_semaphore, #tpu.memory_space<semaphore_mem>>) src(%arg11 : memref<128x64xf32, #tpu.memory_space<vmem>>) dst(%dma_wait3A_78 : memref<128x64xf32, #tpu.memory_space<vmem_shared>>)
        tpu.yield
      }) : () -> ()
    }
    %scan3A_19 = arith.constant 5 : i32
    %dma_wait3A = arith.constant 0 : i32
    %dma_wait3A_20 = arith.constant 0 : i32
    %dma_wait3A_21 = tpu.memref_slice %arg3[%add3A, %dma_wait3A, %dma_wait3A_20] : memref<32x81x128xi32, #tpu.memory_space<hbm>> -> memref<1x81x128xi32, #tpu.memory_space<hbm>>
    %dma_wait3A_22 = tpu.memref_squeeze %dma_wait3A_21 : memref<1x81x128xi32, #tpu.memory_space<hbm>> -> memref<81x128xi32, #tpu.memory_space<hbm>>
    %dma_wait3A_23 = arith.constant 0 : i32
    %dma_wait3A_24 = arith.constant 0 : i32
    %dma_wait3A_25 = tpu.memref_slice %arg3[%add3A, %dma_wait3A_23, %dma_wait3A_24] : memref<32x81x128xi32, #tpu.memory_space<hbm>> -> memref<1x81x128xi32, #tpu.memory_space<hbm>>
    %dma_wait3A_26 = tpu.memref_squeeze %dma_wait3A_25 : memref<1x81x128xi32, #tpu.memory_space<hbm>> -> memref<81x128xi32, #tpu.memory_space<hbm>>
    tpu.wait_dma2 semaphore(%arg13 : memref<!tpu.dma_semaphore, #tpu.memory_space<semaphore_mem>>) src(%dma_wait3A_26 : memref<81x128xi32, #tpu.memory_space<hbm>>) dst(%arg7 : memref<81x128xi32, #tpu.memory_space<vmem>>)
    %dma_wait3A_27 = arith.constant 0 : i32
    %dma_wait3A_28 = arith.constant 0 : i32
    %dma_wait3A_29 = tpu.memref_slice %arg4[%add3A, %dma_wait3A_27, %dma_wait3A_28] : memref<32x81x128xi32, #tpu.memory_space<hbm>> -> memref<1x81x128xi32, #tpu.memory_space<hbm>>
    %dma_wait3A_30 = tpu.memref_squeeze %dma_wait3A_29 : memref<1x81x128xi32, #tpu.memory_space<hbm>> -> memref<81x128xi32, #tpu.memory_space<hbm>>
    %dma_wait3A_31 = arith.constant 0 : i32
    %dma_wait3A_32 = arith.constant 0 : i32
    %dma_wait3A_33 = tpu.memref_slice %arg4[%add3A, %dma_wait3A_31, %dma_wait3A_32] : memref<32x81x128xi32, #tpu.memory_space<hbm>> -> memref<1x81x128xi32, #tpu.memory_space<hbm>>
    %dma_wait3A_34 = tpu.memref_squeeze %dma_wait3A_33 : memref<1x81x128xi32, #tpu.memory_space<hbm>> -> memref<81x128xi32, #tpu.memory_space<hbm>>
    tpu.wait_dma2 semaphore(%arg14 : memref<!tpu.dma_semaphore, #tpu.memory_space<semaphore_mem>>) src(%dma_wait3A_34 : memref<81x128xi32, #tpu.memory_space<hbm>>) dst(%arg8 : memref<81x128xi32, #tpu.memory_space<vmem>>)
    %barrier3A = arith.constant 0 : index
    tpu.barrier barrier_id(%barrier3A)
    %dma_start3A_35 = arith.constant 0 : i32
    %dma_start3A_36 = arith.constant 0 : i32
    %dma_start3A_37 = tpu.memref_slice %arg7[%dma_start3A_35, %dma_start3A_36] : memref<81x128xi32, #tpu.memory_space<vmem>> -> memref<1x128xi32, #tpu.memory_space<vmem>>
    %dma_start3A_38 = tpu.memref_squeeze %dma_start3A_37 : memref<1x128xi32, #tpu.memory_space<vmem>> -> memref<128xi32, #tpu.memory_space<vmem>>
    %dma_start3A_39 = arith.constant 0 : i32
    %dma_start3A_40 = arith.constant 0 : i32
    %dma_start3A_41 = tpu.memref_slice %arg2[%dma_start3A_39, %dma_start3A_40] : memref<10240x64xf32, #tpu.memory_space<hbm>> -> memref<10240x64xf32, #tpu.memory_space<hbm>>
    tpu.enqueue_indirect_dma source(%dma_start3A_41 : memref<10240x64xf32, #tpu.memory_space<hbm>>) target(%arg9 : memref<128x64xf32, #tpu.memory_space<vmem>>) offsets(%dma_start3A_38 : memref<128xi32, #tpu.memory_space<vmem>>) semaphore(%arg13 : memref<!tpu.dma_semaphore, #tpu.memory_space<semaphore_mem>>)
    %scan3A_42 = arith.constant 0 : i32
    %scan3A_43 = arith.constant 40 : i32
    %scan3A_44 = arith.addi %scan3A_42, %scan3A_43 : i32
    %scan3A_45 = arith.constant 1 : i32
    scf.for %scan3A_60 = %scan3A_42 to %scan3A_44 step %scan3A_45  : i32 {
      %mul3A_61 = arith.constant 1 : i32
      %mul3A_62 = arith.muli %scan3A_60, %mul3A_61 : i32
      %add3A_63 = arith.constant 0 : i32
      %add3A_64 = arith.addi %add3A_63, %mul3A_62 : i32
      %mul3A_65 = arith.constant 2 : i32
      %mul3A_66 = arith.muli %add3A_64, %mul3A_65 : i32
      %add3A_67 = arith.constant 1 : i32
      %add3A_68 = arith.addi %mul3A_66, %add3A_67 : i32
      %dma_start3A_69 = arith.constant 0 : i32
      %dma_start3A_70 = tpu.memref_slice %arg7[%add3A_68, %dma_start3A_69] : memref<81x128xi32, #tpu.memory_space<vmem>> -> memref<1x128xi32, #tpu.memory_space<vmem>>
      %dma_start3A_71 = tpu.memref_squeeze %dma_start3A_70 : memref<1x128xi32, #tpu.memory_space<vmem>> -> memref<128xi32, #tpu.memory_space<vmem>>
      %dma_start3A_72 = arith.constant 0 : i32
      %dma_start3A_73 = arith.constant 0 : i32
      %dma_start3A_74 = tpu.memref_slice %arg2[%dma_start3A_72, %dma_start3A_73] : memref<10240x64xf32, #tpu.memory_space<hbm>> -> memref<10240x64xf32, #tpu.memory_space<hbm>>
      tpu.enqueue_indirect_dma source(%dma_start3A_74 : memref<10240x64xf32, #tpu.memory_space<hbm>>) target(%arg10 : memref<128x64xf32, #tpu.memory_space<vmem>>) offsets(%dma_start3A_71 : memref<128xi32, #tpu.memory_space<vmem>>) semaphore(%arg14 : memref<!tpu.dma_semaphore, #tpu.memory_space<semaphore_mem>>)
      %dma_wait3A_75 = arith.constant 0 : i32
      %dma_wait3A_76 = tpu.memref_slice %arg7[%mul3A_66, %dma_wait3A_75] : memref<81x128xi32, #tpu.memory_space<vmem>> -> memref<1x128xi32, #tpu.memory_space<vmem>>
      %dma_wait3A_77 = tpu.memref_squeeze %dma_wait3A_76 : memref<1x128xi32, #tpu.memory_space<vmem>> -> memref<128xi32, #tpu.memory_space<vmem>>
      %dma_wait3A_78 = arith.constant 0 : i32
      %dma_wait3A_79 = arith.constant 0 : i32
      %dma_wait3A_80 = tpu.memref_slice %arg2[%dma_wait3A_78, %dma_wait3A_79] : memref<10240x64xf32, #tpu.memory_space<hbm>> -> memref<10240x64xf32, #tpu.memory_space<hbm>>
      tpu.wait_indirect_dma semaphore(%arg13 : memref<!tpu.dma_semaphore, #tpu.memory_space<semaphore_mem>>) src(%dma_wait3A_80 : memref<10240x64xf32, #tpu.memory_space<hbm>>) dst(%arg9 : memref<128x64xf32, #tpu.memory_space<vmem>>)
      "tpu.region"() ({
        %run_scoped3A_99 = tpu.sem_alloc : memref<!tpu.dma_semaphore, #tpu.memory_space<semaphore_mem>>
        %dma_start3A_100 = arith.constant 0 : i32
        %dma_start3A_101 = tpu.memref_slice %arg8[%mul3A_66, %dma_start3A_100] : memref<81x128xi32, #tpu.memory_space<vmem>> -> memref<1x128xi32, #tpu.memory_space<vmem>>
        %dma_start3A_102 = tpu.memref_squeeze %dma_start3A_101 : memref<1x128xi32, #tpu.memory_space<vmem>> -> memref<128xi32, #tpu.memory_space<vmem>>
        %dma_start3A_103 = arith.constant 0 : i32
        %dma_start3A_104 = arith.constant 0 : i32
        %dma_start3A_105 = tpu.memref_slice %arg12[%dma_start3A_103, %dma_start3A_104] : memref<10240x64xf32, #tpu.memory_space<vmem_shared>> -> memref<10240x64xf32, #tpu.memory_space<vmem_shared>>
        tpu.enqueue_indirect_dma source(%arg9 : memref<128x64xf32, #tpu.memory_space<vmem>>) target(%dma_start3A_105 : memref<10240x64xf32, #tpu.memory_space<vmem_shared>>) offsets(%dma_start3A_102 : memref<128xi32, #tpu.memory_space<vmem>>) semaphore(%run_scoped3A_99 : memref<!tpu.dma_semaphore, #tpu.memory_space<semaphore_mem>>) {add = true}
        %dma_wait3A_106 = arith.constant 0 : i32
        %dma_wait3A_107 = tpu.memref_slice %arg8[%mul3A_66, %dma_wait3A_106] : memref<81x128xi32, #tpu.memory_space<vmem>> -> memref<1x128xi32, #tpu.memory_space<vmem>>
        %dma_wait3A_108 = tpu.memref_squeeze %dma_wait3A_107 : memref<1x128xi32, #tpu.memory_space<vmem>> -> memref<128xi32, #tpu.memory_space<vmem>>
        %dma_wait3A_109 = arith.constant 0 : i32
        %dma_wait3A_110 = arith.constant 0 : i32
        %dma_wait3A_111 = tpu.memref_slice %arg12[%dma_wait3A_109, %dma_wait3A_110] : memref<10240x64xf32, #tpu.memory_space<vmem_shared>> -> memref<10240x64xf32, #tpu.memory_space<vmem_shared>>
        tpu.wait_indirect_dma semaphore(%run_scoped3A_99 : memref<!tpu.dma_semaphore, #tpu.memory_space<semaphore_mem>>) src(%arg9 : memref<128x64xf32, #tpu.memory_space<vmem>>) dst(%dma_wait3A_111 : memref<10240x64xf32, #tpu.memory_space<vmem_shared>>)
        tpu.yield
      }) : () -> ()
      %add3A_81 = arith.constant 2 : i32
      %add3A_82 = arith.addi %mul3A_66, %add3A_81 : i32
      %dma_start3A_83 = arith.constant 0 : i32
      %dma_start3A_84 = tpu.memref_slice %arg7[%add3A_82, %dma_start3A_83] : memref<81x128xi32, #tpu.memory_space<vmem>> -> memref<1x128xi32, #tpu.memory_space<vmem>>
      %dma_start3A_85 = tpu.memref_squeeze %dma_start3A_84 : memref<1x128xi32, #tpu.memory_space<vmem>> -> memref<128xi32, #tpu.memory_space<vmem>>
      %dma_start3A_86 = arith.constant 0 : i32
      %dma_start3A_87 = arith.constant 0 : i32
      %dma_start3A_88 = tpu.memref_slice %arg2[%dma_start3A_86, %dma_start3A_87] : memref<10240x64xf32, #tpu.memory_space<hbm>> -> memref<10240x64xf32, #tpu.memory_space<hbm>>
      tpu.enqueue_indirect_dma source(%dma_start3A_88 : memref<10240x64xf32, #tpu.memory_space<hbm>>) target(%arg9 : memref<128x64xf32, #tpu.memory_space<vmem>>) offsets(%dma_start3A_85 : memref<128xi32, #tpu.memory_space<vmem>>) semaphore(%arg13 : memref<!tpu.dma_semaphore, #tpu.memory_space<semaphore_mem>>)
      %add3A_89 = arith.constant 1 : i32
      %add3A_90 = arith.addi %mul3A_66, %add3A_89 : i32
      %dma_wait3A_91 = arith.constant 0 : i32
      %dma_wait3A_92 = tpu.memref_slice %arg7[%add3A_90, %dma_wait3A_91] : memref<81x128xi32, #tpu.memory_space<vmem>> -> memref<1x128xi32, #tpu.memory_space<vmem>>
      %dma_wait3A_93 = tpu.memref_squeeze %dma_wait3A_92 : memref<1x128xi32, #tpu.memory_space<vmem>> -> memref<128xi32, #tpu.memory_space<vmem>>
      %dma_wait3A_94 = arith.constant 0 : i32
      %dma_wait3A_95 = arith.constant 0 : i32
      %dma_wait3A_96 = tpu.memref_slice %arg2[%dma_wait3A_94, %dma_wait3A_95] : memref<10240x64xf32, #tpu.memory_space<hbm>> -> memref<10240x64xf32, #tpu.memory_space<hbm>>
      tpu.wait_indirect_dma semaphore(%arg14 : memref<!tpu.dma_semaphore, #tpu.memory_space<semaphore_mem>>) src(%dma_wait3A_96 : memref<10240x64xf32, #tpu.memory_space<hbm>>) dst(%arg10 : memref<128x64xf32, #tpu.memory_space<vmem>>)
      %add3A_97 = arith.constant 1 : i32
      %add3A_98 = arith.addi %mul3A_66, %add3A_97 : i32
      "tpu.region"() ({
        %run_scoped3A_99 = tpu.sem_alloc : memref<!tpu.dma_semaphore, #tpu.memory_space<semaphore_mem>>
        %dma_start3A_100 = arith.constant 0 : i32
        %dma_start3A_101 = tpu.memref_slice %arg8[%add3A_98, %dma_start3A_100] : memref<81x128xi32, #tpu.memory_space<vmem>> -> memref<1x128xi32, #tpu.memory_space<vmem>>
        %dma_start3A_102 = tpu.memref_squeeze %dma_start3A_101 : memref<1x128xi32, #tpu.memory_space<vmem>> -> memref<128xi32, #tpu.memory_space<vmem>>
        %dma_start3A_103 = arith.constant 0 : i32
        %dma_start3A_104 = arith.constant 0 : i32
        %dma_start3A_105 = tpu.memref_slice %arg12[%dma_start3A_103, %dma_start3A_104] : memref<10240x64xf32, #tpu.memory_space<vmem_shared>> -> memref<10240x64xf32, #tpu.memory_space<vmem_shared>>
        tpu.enqueue_indirect_dma source(%arg10 : memref<128x64xf32, #tpu.memory_space<vmem>>) target(%dma_start3A_105 : memref<10240x64xf32, #tpu.memory_space<vmem_shared>>) offsets(%dma_start3A_102 : memref<128xi32, #tpu.memory_space<vmem>>) semaphore(%run_scoped3A_99 : memref<!tpu.dma_semaphore, #tpu.memory_space<semaphore_mem>>) {add = true}
        %dma_wait3A_106 = arith.constant 0 : i32
        %dma_wait3A_107 = tpu.memref_slice %arg8[%add3A_98, %dma_wait3A_106] : memref<81x128xi32, #tpu.memory_space<vmem>> -> memref<1x128xi32, #tpu.memory_space<vmem>>
        %dma_wait3A_108 = tpu.memref_squeeze %dma_wait3A_107 : memref<1x128xi32, #tpu.memory_space<vmem>> -> memref<128xi32, #tpu.memory_space<vmem>>
        %dma_wait3A_109 = arith.constant 0 : i32
        %dma_wait3A_110 = arith.constant 0 : i32
        %dma_wait3A_111 = tpu.memref_slice %arg12[%dma_wait3A_109, %dma_wait3A_110] : memref<10240x64xf32, #tpu.memory_space<vmem_shared>> -> memref<10240x64xf32, #tpu.memory_space<vmem_shared>>
        tpu.wait_indirect_dma semaphore(%run_scoped3A_99 : memref<!tpu.dma_semaphore, #tpu.memory_space<semaphore_mem>>) src(%arg10 : memref<128x64xf32, #tpu.memory_space<vmem>>) dst(%dma_wait3A_111 : memref<10240x64xf32, #tpu.memory_space<vmem_shared>>)
        tpu.yield
      }) : () -> ()
    }
    %scan3A_46 = arith.constant 40 : i32
    %dma_wait3A_47 = arith.constant 80 : i32
    %dma_wait3A_48 = arith.constant 0 : i32
    %dma_wait3A_49 = tpu.memref_slice %arg7[%dma_wait3A_47, %dma_wait3A_48] : memref<81x128xi32, #tpu.memory_space<vmem>> -> memref<1x128xi32, #tpu.memory_space<vmem>>
    %dma_wait3A_50 = tpu.memref_squeeze %dma_wait3A_49 : memref<1x128xi32, #tpu.memory_space<vmem>> -> memref<128xi32, #tpu.memory_space<vmem>>
    %dma_wait3A_51 = arith.constant 0 : i32
    %dma_wait3A_52 = arith.constant 0 : i32
    %dma_wait3A_53 = tpu.memref_slice %arg2[%dma_wait3A_51, %dma_wait3A_52] : memref<10240x64xf32, #tpu.memory_space<hbm>> -> memref<10240x64xf32, #tpu.memory_space<hbm>>
    tpu.wait_indirect_dma semaphore(%arg13 : memref<!tpu.dma_semaphore, #tpu.memory_space<semaphore_mem>>) src(%dma_wait3A_53 : memref<10240x64xf32, #tpu.memory_space<hbm>>) dst(%arg9 : memref<128x64xf32, #tpu.memory_space<vmem>>)
    %run_scoped3A = arith.constant 80 : i32
    "tpu.region"() ({
      %run_scoped3A_60 = tpu.sem_alloc : memref<!tpu.dma_semaphore, #tpu.memory_space<semaphore_mem>>
      %dma_start3A_61 = arith.constant 0 : i32
      %dma_start3A_62 = tpu.memref_slice %arg8[%run_scoped3A, %dma_start3A_61] : memref<81x128xi32, #tpu.memory_space<vmem>> -> memref<1x128xi32, #tpu.memory_space<vmem>>
      %dma_start3A_63 = tpu.memref_squeeze %dma_start3A_62 : memref<1x128xi32, #tpu.memory_space<vmem>> -> memref<128xi32, #tpu.memory_space<vmem>>
      %dma_start3A_64 = arith.constant 0 : i32
      %dma_start3A_65 = arith.constant 0 : i32
      %dma_start3A_66 = tpu.memref_slice %arg12[%dma_start3A_64, %dma_start3A_65] : memref<10240x64xf32, #tpu.memory_space<vmem_shared>> -> memref<10240x64xf32, #tpu.memory_space<vmem_shared>>
      tpu.enqueue_indirect_dma source(%arg9 : memref<128x64xf32, #tpu.memory_space<vmem>>) target(%dma_start3A_66 : memref<10240x64xf32, #tpu.memory_space<vmem_shared>>) offsets(%dma_start3A_63 : memref<128xi32, #tpu.memory_space<vmem>>) semaphore(%run_scoped3A_60 : memref<!tpu.dma_semaphore, #tpu.memory_space<semaphore_mem>>) {add = true}
      %dma_wait3A_67 = arith.constant 0 : i32
      %dma_wait3A_68 = tpu.memref_slice %arg8[%run_scoped3A, %dma_wait3A_67] : memref<81x128xi32, #tpu.memory_space<vmem>> -> memref<1x128xi32, #tpu.memory_space<vmem>>
      %dma_wait3A_69 = tpu.memref_squeeze %dma_wait3A_68 : memref<1x128xi32, #tpu.memory_space<vmem>> -> memref<128xi32, #tpu.memory_space<vmem>>
      %dma_wait3A_70 = arith.constant 0 : i32
      %dma_wait3A_71 = arith.constant 0 : i32
      %dma_wait3A_72 = tpu.memref_slice %arg12[%dma_wait3A_70, %dma_wait3A_71] : memref<10240x64xf32, #tpu.memory_space<vmem_shared>> -> memref<10240x64xf32, #tpu.memory_space<vmem_shared>>
      tpu.wait_indirect_dma semaphore(%run_scoped3A_60 : memref<!tpu.dma_semaphore, #tpu.memory_space<semaphore_mem>>) src(%arg9 : memref<128x64xf32, #tpu.memory_space<vmem>>) dst(%dma_wait3A_72 : memref<10240x64xf32, #tpu.memory_space<vmem_shared>>)
      tpu.yield
    }) : () -> ()
    %barrier3A_54 = arith.constant 0 : index
    tpu.barrier barrier_id(%barrier3A_54)
    %scan3A_55 = arith.constant 0 : i32
    %scan3A_56 = arith.constant 5 : i32
    %scan3A_57 = arith.addi %scan3A_55, %scan3A_56 : i32
    %scan3A_58 = arith.constant 1 : i32
    scf.for %scan3A_60 = %scan3A_55 to %scan3A_57 step %scan3A_58  : i32 {
      %mul3A_61 = arith.constant 1 : i32
      %mul3A_62 = arith.muli %scan3A_60, %mul3A_61 : i32
      %add3A_63 = arith.constant 0 : i32
      %add3A_64 = arith.addi %add3A_63, %mul3A_62 : i32
      %mul3A_65 = arith.constant 640 : i32
      %mul3A_66 = arith.muli %arg1, %mul3A_65 : i32
      %mul3A_67 = arith.constant 128 : i32
      %mul3A_68 = arith.muli %add3A_64, %mul3A_67 : i32
      %add3A_69 = arith.addi %mul3A_66, %mul3A_68 : i32
      "tpu.region"() ({
        %run_scoped3A_70 = tpu.sem_alloc : memref<!tpu.dma_semaphore, #tpu.memory_space<semaphore_mem>>
        %dma_start3A_71 = arith.constant 0 : i32
        %dma_start3A_72 = tpu.memref_slice %arg12[%add3A_69, %dma_start3A_71] : memref<10240x64xf32, #tpu.memory_space<vmem_shared>> -> memref<128x64xf32, #tpu.memory_space<vmem_shared>>
        %dma_start3A_73 = arith.constant 0 : i32
        %dma_start3A_74 = tpu.memref_slice %arg12[%add3A_69, %dma_start3A_73] : memref<10240x64xf32, #tpu.memory_space<vmem_shared>> -> memref<128x64xf32, #tpu.memory_space<vmem_shared>>
        tpu.enqueue_dma source(%dma_start3A_74 : memref<128x64xf32, #tpu.memory_space<vmem_shared>>) target(%arg11 : memref<128x64xf32, #tpu.memory_space<vmem>>) target_semaphore(%run_scoped3A_70 : memref<!tpu.dma_semaphore, #tpu.memory_space<semaphore_mem>>)
        %dma_wait3A_75 = arith.constant 0 : i32
        %dma_wait3A_76 = tpu.memref_slice %arg12[%add3A_69, %dma_wait3A_75] : memref<10240x64xf32, #tpu.memory_space<vmem_shared>> -> memref<128x64xf32, #tpu.memory_space<vmem_shared>>
        %dma_wait3A_77 = arith.constant 0 : i32
        %dma_wait3A_78 = tpu.memref_slice %arg12[%add3A_69, %dma_wait3A_77] : memref<10240x64xf32, #tpu.memory_space<vmem_shared>> -> memref<128x64xf32, #tpu.memory_space<vmem_shared>>
        tpu.wait_dma2 semaphore(%run_scoped3A_70 : memref<!tpu.dma_semaphore, #tpu.memory_space<semaphore_mem>>) src(%dma_wait3A_78 : memref<128x64xf32, #tpu.memory_space<vmem_shared>>) dst(%arg11 : memref<128x64xf32, #tpu.memory_space<vmem>>)
        tpu.yield
      }) : () -> ()
      "tpu.region"() ({
        %run_scoped3A_70 = tpu.sem_alloc : memref<!tpu.dma_semaphore, #tpu.memory_space<semaphore_mem>>
        %dma_start3A_71 = arith.constant 0 : i32
        %dma_start3A_72 = tpu.memref_slice %arg6[%arg0, %add3A_69, %dma_start3A_71] : memref<2x10240x64xf32, #tpu.memory_space<hbm>> -> memref<1x128x64xf32, #tpu.memory_space<hbm>>
        %dma_start3A_73 = tpu.memref_squeeze %dma_start3A_72 : memref<1x128x64xf32, #tpu.memory_space<hbm>> -> memref<128x64xf32, #tpu.memory_space<hbm>>
        %dma_start3A_74 = arith.constant 0 : i32
        %dma_start3A_75 = tpu.memref_slice %arg6[%arg0, %add3A_69, %dma_start3A_74] : memref<2x10240x64xf32, #tpu.memory_space<hbm>> -> memref<1x128x64xf32, #tpu.memory_space<hbm>>
        %dma_start3A_76 = tpu.memref_squeeze %dma_start3A_75 : memref<1x128x64xf32, #tpu.memory_space<hbm>> -> memref<128x64xf32, #tpu.memory_space<hbm>>
        tpu.enqueue_dma source(%arg11 : memref<128x64xf32, #tpu.memory_space<vmem>>) target(%dma_start3A_76 : memref<128x64xf32, #tpu.memory_space<hbm>>) target_semaphore(%run_scoped3A_70 : memref<!tpu.dma_semaphore, #tpu.memory_space<semaphore_mem>>)
        %dma_wait3A_77 = arith.constant 0 : i32
        %dma_wait3A_78 = tpu.memref_slice %arg6[%arg0, %add3A_69, %dma_wait3A_77] : memref<2x10240x64xf32, #tpu.memory_space<hbm>> -> memref<1x128x64xf32, #tpu.memory_space<hbm>>
        %dma_wait3A_79 = tpu.memref_squeeze %dma_wait3A_78 : memref<1x128x64xf32, #tpu.memory_space<hbm>> -> memref<128x64xf32, #tpu.memory_space<hbm>>
        %dma_wait3A_80 = arith.constant 0 : i32
        %dma_wait3A_81 = tpu.memref_slice %arg6[%arg0, %add3A_69, %dma_wait3A_80] : memref<2x10240x64xf32, #tpu.memory_space<hbm>> -> memref<1x128x64xf32, #tpu.memory_space<hbm>>
        %dma_wait3A_82 = tpu.memref_squeeze %dma_wait3A_81 : memref<1x128x64xf32, #tpu.memory_space<hbm>> -> memref<128x64xf32, #tpu.memory_space<hbm>>
        tpu.wait_dma2 semaphore(%run_scoped3A_70 : memref<!tpu.dma_semaphore, #tpu.memory_space<semaphore_mem>>) src(%arg11 : memref<128x64xf32, #tpu.memory_space<vmem>>) dst(%dma_wait3A_82 : memref<128x64xf32, #tpu.memory_space<hbm>>)
        tpu.yield
      }) : () -> ()
    }
    %scan3A_59 = arith.constant 5 : i32
    return
  }
}

module attributes {stable_mosaic.version = 14 : i64} {
  func.func @_layer0_body(%arg0: i32, %arg1: memref<2x1024x64xf32, #tpu.memory_space<vmem>>, %arg2: memref<2x1024x64xf32, #tpu.memory_space<vmem>>, %arg3: memref<1024x128xf32, #tpu.memory_space<vmem>>, %arg4: memref<1x1x1024xi32, #tpu.memory_space<vmem>>, %arg5: memref<128x64xf32, #tpu.memory_space<vmem>>, %arg6: memref<1x64xf32, #tpu.memory_space<vmem>>, %arg7: memref<64x64xf32, #tpu.memory_space<vmem>>, %arg8: memref<1x64xf32, #tpu.memory_space<vmem>>, %arg9: memref<1024x64xf32, #tpu.memory_space<vmem>>, %arg10: memref<64x64xf32, #tpu.memory_space<vmem>>) attributes {dimension_semantics = [#tpu.dimension_semantics<arbitrary>], iteration_bounds = array<i64: 10>, scalar_prefetch = 0 : i64, scratch_operands = 0 : i64, tpu.core_type = #tpu.core_type<tc>, window_params = [{transform_indices = @transform_0, window_bounds = array<i64: 2, 1024, 64>}, {transform_indices = @transform_1, window_bounds = array<i64: 2, 1024, 64>}, {transform_indices = @transform_2, window_bounds = array<i64: 1024, 128>}, {transform_indices = @transform_3, window_bounds = array<i64: 1, 1, 1024>}, {pipeline_mode = #tpu.pipeline_mode<synchronous>, transform_indices = @transform_4, window_bounds = array<i64: 128, 64>}, {pipeline_mode = #tpu.pipeline_mode<synchronous>, transform_indices = @transform_5, window_bounds = array<i64: 1, 64>}, {pipeline_mode = #tpu.pipeline_mode<synchronous>, transform_indices = @transform_6, window_bounds = array<i64: 64, 64>}, {pipeline_mode = #tpu.pipeline_mode<synchronous>, transform_indices = @transform_7, window_bounds = array<i64: 1, 64>}, {transform_indices = @transform_8, window_bounds = array<i64: 1024, 64>}, {pipeline_mode = #tpu.pipeline_mode<synchronous>, transform_indices = @transform_9, window_bounds = array<i64: 64, 64>}]} {
    %get3A = arith.constant 0 : index
    %get3A_0 = arith.constant 0 : index
    %get3A_1 = arith.constant 0 : index
    %get3A_2 = vector.load %arg1[%get3A, %get3A_0, %get3A_1] : memref<2x1024x64xf32, #tpu.memory_space<vmem>>, vector<1x1024x64xf32>
    %get3A_3 = vector.shape_cast %get3A_2 : vector<1x1024x64xf32> to vector<1024x64xf32>
    %get3A_4 = arith.constant 1 : index
    %get3A_5 = arith.constant 0 : index
    %get3A_6 = arith.constant 0 : index
    %get3A_7 = vector.load %arg1[%get3A_4, %get3A_5, %get3A_6] : memref<2x1024x64xf32, #tpu.memory_space<vmem>>, vector<1x1024x64xf32>
    %get3A_8 = vector.shape_cast %get3A_7 : vector<1x1024x64xf32> to vector<1024x64xf32>
    %add3A = arith.addf %get3A_3, %get3A_8 : vector<1024x64xf32>
    %get3A_9 = arith.constant 0 : index
    %get3A_10 = arith.constant 0 : index
    %get3A_11 = vector.load %arg3[%get3A_9, %get3A_10] : memref<1024x128xf32, #tpu.memory_space<vmem>>, vector<1024x64xf32>
    %add3A_12 = arith.addf %add3A, %get3A_11 : vector<1024x64xf32>
    %get3A_13 = arith.constant 0 : index
    %get3A_14 = arith.constant 0 : index
    %get3A_15 = arith.constant 0 : index
    %get3A_16 = vector.load %arg2[%get3A_13, %get3A_14, %get3A_15] : memref<2x1024x64xf32, #tpu.memory_space<vmem>>, vector<1x1024x64xf32>
    %get3A_17 = vector.shape_cast %get3A_16 : vector<1x1024x64xf32> to vector<1024x64xf32>
    %get3A_18 = arith.constant 1 : index
    %get3A_19 = arith.constant 0 : index
    %get3A_20 = arith.constant 0 : index
    %get3A_21 = vector.load %arg2[%get3A_18, %get3A_19, %get3A_20] : memref<2x1024x64xf32, #tpu.memory_space<vmem>>, vector<1x1024x64xf32>
    %get3A_22 = vector.shape_cast %get3A_21 : vector<1x1024x64xf32> to vector<1024x64xf32>
    %add3A_23 = arith.addf %get3A_17, %get3A_22 : vector<1024x64xf32>
    %get3A_24 = arith.constant 0 : index
    %get3A_25 = arith.constant 64 : index
    %get3A_26 = vector.load %arg3[%get3A_24, %get3A_25] : memref<1024x128xf32, #tpu.memory_space<vmem>>, vector<1024x64xf32>
    %add3A_27 = arith.addf %add3A_23, %get3A_26 : vector<1024x64xf32>
    %get3A_28 = arith.constant 0 : index
    %get3A_29 = arith.constant 0 : index
    %get3A_30 = vector.load %arg5[%get3A_28, %get3A_29] : memref<128x64xf32, #tpu.memory_space<vmem>>, vector<64x64xf32>
    %get3A_31 = arith.constant 64 : index
    %get3A_32 = arith.constant 0 : index
    %get3A_33 = vector.load %arg5[%get3A_31, %get3A_32] : memref<128x64xf32, #tpu.memory_space<vmem>>, vector<64x64xf32>
    %dot_general3A = arith.constant dense<0.000000e+00> : vector<1024x64xf32>
    %dot_general3A_34 = tpu.matmul %add3A_12, %get3A_30, %dot_general3A {dimension_numbers = #tpu.dot_dimension_numbers<[1], [0], [0], [1], [0, 0, 1, 1], [], []>, transpose_lhs_hint = false} : vector<1024x64xf32>, vector<64x64xf32>, vector<1024x64xf32> -> vector<1024x64xf32>
    %dot_general3A_35 = arith.constant dense<0.000000e+00> : vector<1024x64xf32>
    %dot_general3A_36 = tpu.matmul %add3A_27, %get3A_33, %dot_general3A_35 {dimension_numbers = #tpu.dot_dimension_numbers<[1], [0], [0], [1], [0, 0, 1, 1], [], []>, transpose_lhs_hint = false} : vector<1024x64xf32>, vector<64x64xf32>, vector<1024x64xf32> -> vector<1024x64xf32>
    %add3A_37 = arith.addf %dot_general3A_34, %dot_general3A_36 : vector<1024x64xf32>
    %get3A_38 = arith.constant 0 : index
    %get3A_39 = arith.constant 0 : index
    %get3A_40 = vector.load %arg6[%get3A_38, %get3A_39] : memref<1x64xf32, #tpu.memory_space<vmem>>, vector<1x64xf32>
    %add3A_41 = vector.broadcast %get3A_40 : vector<1x64xf32> to vector<1024x64xf32>
    %add3A_42 = arith.addf %add3A_37, %add3A_41 : vector<1024x64xf32>
    %max3A = arith.constant 0.000000e+00 : f32
    %max3A_43 = vector.broadcast %max3A : f32 to vector<1024x64xf32>
    %max3A_44 = arith.maximumf %add3A_42, %max3A_43 : vector<1024x64xf32>
    %get3A_45 = arith.constant 0 : index
    %get3A_46 = arith.constant 0 : index
    %get3A_47 = vector.load %arg7[%get3A_45, %get3A_46] : memref<64x64xf32, #tpu.memory_space<vmem>>, vector<64x64xf32>
    %dot_general3A_48 = arith.constant dense<0.000000e+00> : vector<1024x64xf32>
    %dot_general3A_49 = tpu.matmul %max3A_44, %get3A_47, %dot_general3A_48 {dimension_numbers = #tpu.dot_dimension_numbers<[1], [0], [0], [1], [0, 0, 1, 1], [], []>, transpose_lhs_hint = false} : vector<1024x64xf32>, vector<64x64xf32>, vector<1024x64xf32> -> vector<1024x64xf32>
    %get3A_50 = arith.constant 0 : index
    %get3A_51 = arith.constant 0 : index
    %get3A_52 = vector.load %arg8[%get3A_50, %get3A_51] : memref<1x64xf32, #tpu.memory_space<vmem>>, vector<1x64xf32>
    %add3A_53 = vector.broadcast %get3A_52 : vector<1x64xf32> to vector<1024x64xf32>
    %add3A_54 = arith.addf %dot_general3A_49, %add3A_53 : vector<1024x64xf32>
    %max3A_55 = arith.constant 0.000000e+00 : f32
    %max3A_56 = vector.broadcast %max3A_55 : f32 to vector<1024x64xf32>
    %max3A_57 = arith.maximumf %add3A_54, %max3A_56 : vector<1024x64xf32>
    %swap3A = arith.constant 0 : index
    %swap3A_58 = arith.constant 0 : index
    %swap3A_59 = vector.load %arg9[%swap3A, %swap3A_58] : memref<1024x64xf32, #tpu.memory_space<vmem>>, vector<1024x64xf32>
    tpu.vector_store %arg9[%swap3A, %swap3A_58], %max3A_57 {strides = array<i32>} : memref<1024x64xf32, #tpu.memory_space<vmem>>, vector<1024x64xf32>,
    %get3A_60 = arith.constant 0 : index
    %get3A_61 = arith.constant 0 : index
    %get3A_62 = arith.constant 0 : index
    %get3A_63 = vector.load %arg4[%get3A_60, %get3A_61, %get3A_62] : memref<1x1x1024xi32, #tpu.memory_space<vmem>>, vector<1x1x1024xi32>
    %get3A_64 = vector.shape_cast %get3A_63 : vector<1x1x1024xi32> to vector<1024xi32>
    %broadcast_in_dim3A = vector.shape_cast %get3A_64 : vector<1024xi32> to vector<1024x1xi32>
    %iota3A = tpu.iota {dimensions = array<i32: 1>} : vector<1024x64xi32>
    %eq3A = vector.broadcast %broadcast_in_dim3A : vector<1024x1xi32> to vector<1024x64xi32>
    %eq3A_65 = arith.cmpi eq, %eq3A, %iota3A : vector<1024x64xi32>
    %convert_element_type3A = arith.extui %eq3A_65 : vector<1024x64xi1> to vector<1024x64xi32>
    %convert_element_type3A_66 = arith.sitofp %convert_element_type3A : vector<1024x64xi32> to vector<1024x64xf32>
    %dot_general3A_67 = arith.constant dense<0.000000e+00> : vector<64x64xf32>
    %dot_general3A_68 = tpu.matmul %convert_element_type3A_66, %max3A_57, %dot_general3A_67 {dimension_numbers = #tpu.dot_dimension_numbers<[0], [0], [1], [1], [0, 1, 1, 1], [], []>, transpose_lhs_hint = false} : vector<1024x64xf32>, vector<1024x64xf32>, vector<64x64xf32> -> vector<64x64xf32>
    %eq3A_69 = arith.constant 0 : i32
    %eq3A_70 = arith.cmpi eq, %arg0, %eq3A_69 : i32
    %convert_element_type3A_71 = arith.extui %eq3A_70 : i1 to i32
    %cond3A = arith.constant 0 : i32
    %cond3A_72 = arith.cmpi ne, %convert_element_type3A_71, %cond3A : i32
    scf.if %cond3A_72 {
      %swap3A_77 = arith.constant 0 : index
      %swap3A_78 = arith.constant 0 : index
      %swap3A_79 = vector.load %arg10[%swap3A_77, %swap3A_78] : memref<64x64xf32, #tpu.memory_space<vmem>>, vector<64x64xf32>
      tpu.vector_store %arg10[%swap3A_77, %swap3A_78], %dot_general3A_68 {strides = array<i32>} : memref<64x64xf32, #tpu.memory_space<vmem>>, vector<64x64xf32>,
    } else {
    }
    %gt3A = arith.constant 0 : i32
    %gt3A_73 = arith.cmpi sgt, %arg0, %gt3A : i32
    %convert_element_type3A_74 = arith.extui %gt3A_73 : i1 to i32
    %cond3A_75 = arith.constant 0 : i32
    %cond3A_76 = arith.cmpi ne, %convert_element_type3A_74, %cond3A_75 : i32
    scf.if %cond3A_76 {
      %get3A_77 = arith.constant 0 : index
      %get3A_78 = arith.constant 0 : index
      %get3A_79 = vector.load %arg10[%get3A_77, %get3A_78] : memref<64x64xf32, #tpu.memory_space<vmem>>, vector<64x64xf32>
      %add3A_80 = arith.addf %get3A_79, %dot_general3A_68 : vector<64x64xf32>
      %swap3A_81 = arith.constant 0 : index
      %swap3A_82 = arith.constant 0 : index
      %swap3A_83 = vector.load %arg10[%swap3A_81, %swap3A_82] : memref<64x64xf32, #tpu.memory_space<vmem>>, vector<64x64xf32>
      tpu.vector_store %arg10[%swap3A_81, %swap3A_82], %add3A_80 {strides = array<i32>} : memref<64x64xf32, #tpu.memory_space<vmem>>, vector<64x64xf32>,
    } else {
    }
    return
  }
  func.func @transform_0(%arg0: i32) -> (i32, i32, i32) {
    %c0_i32 = arith.constant 0 : i32
    %c0_i32_0 = arith.constant 0 : i32
    %c0_i32_1 = arith.constant 0 : i32
    return %c0_i32, %arg0, %c0_i32_0 : i32, i32, i32
  }
  func.func @transform_1(%arg0: i32) -> (i32, i32, i32) {
    %c0_i32 = arith.constant 0 : i32
    %c0_i32_0 = arith.constant 0 : i32
    %c0_i32_1 = arith.constant 0 : i32
    return %c0_i32, %arg0, %c0_i32_0 : i32, i32, i32
  }
  func.func @transform_2(%arg0: i32) -> (i32, i32) {
    %c0_i32 = arith.constant 0 : i32
    %c0_i32_0 = arith.constant 0 : i32
    return %arg0, %c0_i32 : i32, i32
  }
  func.func @transform_3(%arg0: i32) -> (i32, i32, i32) {
    %c0_i32 = arith.constant 0 : i32
    %c0_i32_0 = arith.constant 0 : i32
    %c0_i32_1 = arith.constant 0 : i32
    return %arg0, %c0_i32, %c0_i32_0 : i32, i32, i32
  }
  func.func @transform_4(%arg0: i32) -> (i32, i32) {
    %c0_i32 = arith.constant 0 : i32
    %c0_i32_0 = arith.constant 0 : i32
    %c0_i32_1 = arith.constant 0 : i32
    return %c0_i32, %c0_i32_0 : i32, i32
  }
  func.func @transform_5(%arg0: i32) -> (i32, i32) {
    %c0_i32 = arith.constant 0 : i32
    %c0_i32_0 = arith.constant 0 : i32
    %c0_i32_1 = arith.constant 0 : i32
    return %c0_i32, %c0_i32_0 : i32, i32
  }
  func.func @transform_6(%arg0: i32) -> (i32, i32) {
    %c0_i32 = arith.constant 0 : i32
    %c0_i32_0 = arith.constant 0 : i32
    %c0_i32_1 = arith.constant 0 : i32
    return %c0_i32, %c0_i32_0 : i32, i32
  }
  func.func @transform_7(%arg0: i32) -> (i32, i32) {
    %c0_i32 = arith.constant 0 : i32
    %c0_i32_0 = arith.constant 0 : i32
    %c0_i32_1 = arith.constant 0 : i32
    return %c0_i32, %c0_i32_0 : i32, i32
  }
  func.func @transform_8(%arg0: i32) -> (i32, i32) {
    %c0_i32 = arith.constant 0 : i32
    %c0_i32_0 = arith.constant 0 : i32
    return %arg0, %c0_i32 : i32, i32
  }
  func.func @transform_9(%arg0: i32) -> (i32, i32) {
    %c0_i32 = arith.constant 0 : i32
    %c0_i32_0 = arith.constant 0 : i32
    %c0_i32_1 = arith.constant 0 : i32
    return %c0_i32, %c0_i32_0 : i32, i32
  }
}

module attributes {stable_mosaic.version = 14 : i64} {
  func.func @_layer_body(%arg0: i32, %arg1: memref<2x1024x64xf32, #tpu.memory_space<vmem>>, %arg2: memref<1024x64xf32, #tpu.memory_space<vmem>>, %arg3: memref<1x1x1024xi32, #tpu.memory_space<vmem>>, %arg4: memref<64x64xf32, #tpu.memory_space<vmem>>, %arg5: memref<1x64xf32, #tpu.memory_space<vmem>>, %arg6: memref<64x64xf32, #tpu.memory_space<vmem>>, %arg7: memref<1x64xf32, #tpu.memory_space<vmem>>, %arg8: memref<1024x64xf32, #tpu.memory_space<vmem>>, %arg9: memref<64x64xf32, #tpu.memory_space<vmem>>) attributes {dimension_semantics = [#tpu.dimension_semantics<arbitrary>], iteration_bounds = array<i64: 10>, scalar_prefetch = 0 : i64, scratch_operands = 0 : i64, tpu.core_type = #tpu.core_type<tc>, window_params = [{transform_indices = @transform_0, window_bounds = array<i64: 2, 1024, 64>}, {transform_indices = @transform_1, window_bounds = array<i64: 1024, 64>}, {transform_indices = @transform_2, window_bounds = array<i64: 1, 1, 1024>}, {pipeline_mode = #tpu.pipeline_mode<synchronous>, transform_indices = @transform_3, window_bounds = array<i64: 64, 64>}, {pipeline_mode = #tpu.pipeline_mode<synchronous>, transform_indices = @transform_4, window_bounds = array<i64: 1, 64>}, {pipeline_mode = #tpu.pipeline_mode<synchronous>, transform_indices = @transform_5, window_bounds = array<i64: 64, 64>}, {pipeline_mode = #tpu.pipeline_mode<synchronous>, transform_indices = @transform_6, window_bounds = array<i64: 1, 64>}, {transform_indices = @transform_7, window_bounds = array<i64: 1024, 64>}, {pipeline_mode = #tpu.pipeline_mode<synchronous>, transform_indices = @transform_8, window_bounds = array<i64: 64, 64>}]} {
    %get3A = arith.constant 0 : index
    %get3A_0 = arith.constant 0 : index
    %get3A_1 = arith.constant 0 : index
    %get3A_2 = vector.load %arg1[%get3A, %get3A_0, %get3A_1] : memref<2x1024x64xf32, #tpu.memory_space<vmem>>, vector<1x1024x64xf32>
    %get3A_3 = vector.shape_cast %get3A_2 : vector<1x1024x64xf32> to vector<1024x64xf32>
    %get3A_4 = arith.constant 1 : index
    %get3A_5 = arith.constant 0 : index
    %get3A_6 = arith.constant 0 : index
    %get3A_7 = vector.load %arg1[%get3A_4, %get3A_5, %get3A_6] : memref<2x1024x64xf32, #tpu.memory_space<vmem>>, vector<1x1024x64xf32>
    %get3A_8 = vector.shape_cast %get3A_7 : vector<1x1024x64xf32> to vector<1024x64xf32>
    %add3A = arith.addf %get3A_3, %get3A_8 : vector<1024x64xf32>
    %get3A_9 = arith.constant 0 : index
    %get3A_10 = arith.constant 0 : index
    %get3A_11 = vector.load %arg2[%get3A_9, %get3A_10] : memref<1024x64xf32, #tpu.memory_space<vmem>>, vector<1024x64xf32>
    %add3A_12 = arith.addf %add3A, %get3A_11 : vector<1024x64xf32>
    %get3A_13 = arith.constant 0 : index
    %get3A_14 = arith.constant 0 : index
    %get3A_15 = vector.load %arg4[%get3A_13, %get3A_14] : memref<64x64xf32, #tpu.memory_space<vmem>>, vector<64x64xf32>
    %dot_general3A = arith.constant dense<0.000000e+00> : vector<1024x64xf32>
    %dot_general3A_16 = tpu.matmul %add3A_12, %get3A_15, %dot_general3A {dimension_numbers = #tpu.dot_dimension_numbers<[1], [0], [0], [1], [0, 0, 1, 1], [], []>, transpose_lhs_hint = false} : vector<1024x64xf32>, vector<64x64xf32>, vector<1024x64xf32> -> vector<1024x64xf32>
    %get3A_17 = arith.constant 0 : index
    %get3A_18 = arith.constant 0 : index
    %get3A_19 = vector.load %arg5[%get3A_17, %get3A_18] : memref<1x64xf32, #tpu.memory_space<vmem>>, vector<1x64xf32>
    %add3A_20 = vector.broadcast %get3A_19 : vector<1x64xf32> to vector<1024x64xf32>
    %add3A_21 = arith.addf %dot_general3A_16, %add3A_20 : vector<1024x64xf32>
    %max3A = arith.constant 0.000000e+00 : f32
    %max3A_22 = vector.broadcast %max3A : f32 to vector<1024x64xf32>
    %max3A_23 = arith.maximumf %add3A_21, %max3A_22 : vector<1024x64xf32>
    %get3A_24 = arith.constant 0 : index
    %get3A_25 = arith.constant 0 : index
    %get3A_26 = vector.load %arg6[%get3A_24, %get3A_25] : memref<64x64xf32, #tpu.memory_space<vmem>>, vector<64x64xf32>
    %dot_general3A_27 = arith.constant dense<0.000000e+00> : vector<1024x64xf32>
    %dot_general3A_28 = tpu.matmul %max3A_23, %get3A_26, %dot_general3A_27 {dimension_numbers = #tpu.dot_dimension_numbers<[1], [0], [0], [1], [0, 0, 1, 1], [], []>, transpose_lhs_hint = false} : vector<1024x64xf32>, vector<64x64xf32>, vector<1024x64xf32> -> vector<1024x64xf32>
    %get3A_29 = arith.constant 0 : index
    %get3A_30 = arith.constant 0 : index
    %get3A_31 = vector.load %arg7[%get3A_29, %get3A_30] : memref<1x64xf32, #tpu.memory_space<vmem>>, vector<1x64xf32>
    %add3A_32 = vector.broadcast %get3A_31 : vector<1x64xf32> to vector<1024x64xf32>
    %add3A_33 = arith.addf %dot_general3A_28, %add3A_32 : vector<1024x64xf32>
    %max3A_34 = arith.constant 0.000000e+00 : f32
    %max3A_35 = vector.broadcast %max3A_34 : f32 to vector<1024x64xf32>
    %max3A_36 = arith.maximumf %add3A_33, %max3A_35 : vector<1024x64xf32>
    %swap3A = arith.constant 0 : index
    %swap3A_37 = arith.constant 0 : index
    %swap3A_38 = vector.load %arg8[%swap3A, %swap3A_37] : memref<1024x64xf32, #tpu.memory_space<vmem>>, vector<1024x64xf32>
    tpu.vector_store %arg8[%swap3A, %swap3A_37], %max3A_36 {strides = array<i32>} : memref<1024x64xf32, #tpu.memory_space<vmem>>, vector<1024x64xf32>,
    %get3A_39 = arith.constant 0 : index
    %get3A_40 = arith.constant 0 : index
    %get3A_41 = arith.constant 0 : index
    %get3A_42 = vector.load %arg3[%get3A_39, %get3A_40, %get3A_41] : memref<1x1x1024xi32, #tpu.memory_space<vmem>>, vector<1x1x1024xi32>
    %get3A_43 = vector.shape_cast %get3A_42 : vector<1x1x1024xi32> to vector<1024xi32>
    %broadcast_in_dim3A = vector.shape_cast %get3A_43 : vector<1024xi32> to vector<1024x1xi32>
    %iota3A = tpu.iota {dimensions = array<i32: 1>} : vector<1024x64xi32>
    %eq3A = vector.broadcast %broadcast_in_dim3A : vector<1024x1xi32> to vector<1024x64xi32>
    %eq3A_44 = arith.cmpi eq, %eq3A, %iota3A : vector<1024x64xi32>
    %convert_element_type3A = arith.extui %eq3A_44 : vector<1024x64xi1> to vector<1024x64xi32>
    %convert_element_type3A_45 = arith.sitofp %convert_element_type3A : vector<1024x64xi32> to vector<1024x64xf32>
    %dot_general3A_46 = arith.constant dense<0.000000e+00> : vector<64x64xf32>
    %dot_general3A_47 = tpu.matmul %convert_element_type3A_45, %max3A_36, %dot_general3A_46 {dimension_numbers = #tpu.dot_dimension_numbers<[0], [0], [1], [1], [0, 1, 1, 1], [], []>, transpose_lhs_hint = false} : vector<1024x64xf32>, vector<1024x64xf32>, vector<64x64xf32> -> vector<64x64xf32>
    %eq3A_48 = arith.constant 0 : i32
    %eq3A_49 = arith.cmpi eq, %arg0, %eq3A_48 : i32
    %convert_element_type3A_50 = arith.extui %eq3A_49 : i1 to i32
    %cond3A = arith.constant 0 : i32
    %cond3A_51 = arith.cmpi ne, %convert_element_type3A_50, %cond3A : i32
    scf.if %cond3A_51 {
      %swap3A_56 = arith.constant 0 : index
      %swap3A_57 = arith.constant 0 : index
      %swap3A_58 = vector.load %arg9[%swap3A_56, %swap3A_57] : memref<64x64xf32, #tpu.memory_space<vmem>>, vector<64x64xf32>
      tpu.vector_store %arg9[%swap3A_56, %swap3A_57], %dot_general3A_47 {strides = array<i32>} : memref<64x64xf32, #tpu.memory_space<vmem>>, vector<64x64xf32>,
    } else {
    }
    %gt3A = arith.constant 0 : i32
    %gt3A_52 = arith.cmpi sgt, %arg0, %gt3A : i32
    %convert_element_type3A_53 = arith.extui %gt3A_52 : i1 to i32
    %cond3A_54 = arith.constant 0 : i32
    %cond3A_55 = arith.cmpi ne, %convert_element_type3A_53, %cond3A_54 : i32
    scf.if %cond3A_55 {
      %get3A_56 = arith.constant 0 : index
      %get3A_57 = arith.constant 0 : index
      %get3A_58 = vector.load %arg9[%get3A_56, %get3A_57] : memref<64x64xf32, #tpu.memory_space<vmem>>, vector<64x64xf32>
      %add3A_59 = arith.addf %get3A_58, %dot_general3A_47 : vector<64x64xf32>
      %swap3A_60 = arith.constant 0 : index
      %swap3A_61 = arith.constant 0 : index
      %swap3A_62 = vector.load %arg9[%swap3A_60, %swap3A_61] : memref<64x64xf32, #tpu.memory_space<vmem>>, vector<64x64xf32>
      tpu.vector_store %arg9[%swap3A_60, %swap3A_61], %add3A_59 {strides = array<i32>} : memref<64x64xf32, #tpu.memory_space<vmem>>, vector<64x64xf32>,
    } else {
    }
    return
  }
  func.func @transform_0(%arg0: i32) -> (i32, i32, i32) {
    %c0_i32 = arith.constant 0 : i32
    %c0_i32_0 = arith.constant 0 : i32
    %c0_i32_1 = arith.constant 0 : i32
    return %c0_i32, %arg0, %c0_i32_0 : i32, i32, i32
  }
  func.func @transform_1(%arg0: i32) -> (i32, i32) {
    %c0_i32 = arith.constant 0 : i32
    %c0_i32_0 = arith.constant 0 : i32
    return %arg0, %c0_i32 : i32, i32
  }
  func.func @transform_2(%arg0: i32) -> (i32, i32, i32) {
    %c0_i32 = arith.constant 0 : i32
    %c0_i32_0 = arith.constant 0 : i32
    %c0_i32_1 = arith.constant 0 : i32
    return %arg0, %c0_i32, %c0_i32_0 : i32, i32, i32
  }
  func.func @transform_3(%arg0: i32) -> (i32, i32) {
    %c0_i32 = arith.constant 0 : i32
    %c0_i32_0 = arith.constant 0 : i32
    %c0_i32_1 = arith.constant 0 : i32
    return %c0_i32, %c0_i32_0 : i32, i32
  }
  func.func @transform_4(%arg0: i32) -> (i32, i32) {
    %c0_i32 = arith.constant 0 : i32
    %c0_i32_0 = arith.constant 0 : i32
    %c0_i32_1 = arith.constant 0 : i32
    return %c0_i32, %c0_i32_0 : i32, i32
  }
  func.func @transform_5(%arg0: i32) -> (i32, i32) {
    %c0_i32 = arith.constant 0 : i32
    %c0_i32_0 = arith.constant 0 : i32
    %c0_i32_1 = arith.constant 0 : i32
    return %c0_i32, %c0_i32_0 : i32, i32
  }
  func.func @transform_6(%arg0: i32) -> (i32, i32) {
    %c0_i32 = arith.constant 0 : i32
    %c0_i32_0 = arith.constant 0 : i32
    %c0_i32_1 = arith.constant 0 : i32
    return %c0_i32, %c0_i32_0 : i32, i32
  }
  func.func @transform_7(%arg0: i32) -> (i32, i32) {
    %c0_i32 = arith.constant 0 : i32
    %c0_i32_0 = arith.constant 0 : i32
    return %arg0, %c0_i32 : i32, i32
  }
  func.func @transform_8(%arg0: i32) -> (i32, i32) {
    %c0_i32 = arith.constant 0 : i32
    %c0_i32_0 = arith.constant 0 : i32
    %c0_i32_1 = arith.constant 0 : i32
    return %c0_i32, %c0_i32_0 : i32, i32
  }
}

module attributes {stable_mosaic.version = 14 : i64} {
  func.func @_layer_body(%arg0: i32, %arg1: memref<2x1024x64xf32, #tpu.memory_space<vmem>>, %arg2: memref<1024x64xf32, #tpu.memory_space<vmem>>, %arg3: memref<1x1x1024xi32, #tpu.memory_space<vmem>>, %arg4: memref<64x64xf32, #tpu.memory_space<vmem>>, %arg5: memref<1x64xf32, #tpu.memory_space<vmem>>, %arg6: memref<64x64xf32, #tpu.memory_space<vmem>>, %arg7: memref<1x64xf32, #tpu.memory_space<vmem>>, %arg8: memref<1024x64xf32, #tpu.memory_space<vmem>>, %arg9: memref<64x64xf32, #tpu.memory_space<vmem>>) attributes {dimension_semantics = [#tpu.dimension_semantics<arbitrary>], iteration_bounds = array<i64: 10>, scalar_prefetch = 0 : i64, scratch_operands = 0 : i64, tpu.core_type = #tpu.core_type<tc>, window_params = [{transform_indices = @transform_0, window_bounds = array<i64: 2, 1024, 64>}, {transform_indices = @transform_1, window_bounds = array<i64: 1024, 64>}, {transform_indices = @transform_2, window_bounds = array<i64: 1, 1, 1024>}, {pipeline_mode = #tpu.pipeline_mode<synchronous>, transform_indices = @transform_3, window_bounds = array<i64: 64, 64>}, {pipeline_mode = #tpu.pipeline_mode<synchronous>, transform_indices = @transform_4, window_bounds = array<i64: 1, 64>}, {pipeline_mode = #tpu.pipeline_mode<synchronous>, transform_indices = @transform_5, window_bounds = array<i64: 64, 64>}, {pipeline_mode = #tpu.pipeline_mode<synchronous>, transform_indices = @transform_6, window_bounds = array<i64: 1, 64>}, {transform_indices = @transform_7, window_bounds = array<i64: 1024, 64>}, {pipeline_mode = #tpu.pipeline_mode<synchronous>, transform_indices = @transform_8, window_bounds = array<i64: 64, 64>}]} {
    %get3A = arith.constant 0 : index
    %get3A_0 = arith.constant 0 : index
    %get3A_1 = arith.constant 0 : index
    %get3A_2 = vector.load %arg1[%get3A, %get3A_0, %get3A_1] : memref<2x1024x64xf32, #tpu.memory_space<vmem>>, vector<1x1024x64xf32>
    %get3A_3 = vector.shape_cast %get3A_2 : vector<1x1024x64xf32> to vector<1024x64xf32>
    %get3A_4 = arith.constant 1 : index
    %get3A_5 = arith.constant 0 : index
    %get3A_6 = arith.constant 0 : index
    %get3A_7 = vector.load %arg1[%get3A_4, %get3A_5, %get3A_6] : memref<2x1024x64xf32, #tpu.memory_space<vmem>>, vector<1x1024x64xf32>
    %get3A_8 = vector.shape_cast %get3A_7 : vector<1x1024x64xf32> to vector<1024x64xf32>
    %add3A = arith.addf %get3A_3, %get3A_8 : vector<1024x64xf32>
    %get3A_9 = arith.constant 0 : index
    %get3A_10 = arith.constant 0 : index
    %get3A_11 = vector.load %arg2[%get3A_9, %get3A_10] : memref<1024x64xf32, #tpu.memory_space<vmem>>, vector<1024x64xf32>
    %add3A_12 = arith.addf %add3A, %get3A_11 : vector<1024x64xf32>
    %get3A_13 = arith.constant 0 : index
    %get3A_14 = arith.constant 0 : index
    %get3A_15 = vector.load %arg4[%get3A_13, %get3A_14] : memref<64x64xf32, #tpu.memory_space<vmem>>, vector<64x64xf32>
    %dot_general3A = arith.constant dense<0.000000e+00> : vector<1024x64xf32>
    %dot_general3A_16 = tpu.matmul %add3A_12, %get3A_15, %dot_general3A {dimension_numbers = #tpu.dot_dimension_numbers<[1], [0], [0], [1], [0, 0, 1, 1], [], []>, transpose_lhs_hint = false} : vector<1024x64xf32>, vector<64x64xf32>, vector<1024x64xf32> -> vector<1024x64xf32>
    %get3A_17 = arith.constant 0 : index
    %get3A_18 = arith.constant 0 : index
    %get3A_19 = vector.load %arg5[%get3A_17, %get3A_18] : memref<1x64xf32, #tpu.memory_space<vmem>>, vector<1x64xf32>
    %add3A_20 = vector.broadcast %get3A_19 : vector<1x64xf32> to vector<1024x64xf32>
    %add3A_21 = arith.addf %dot_general3A_16, %add3A_20 : vector<1024x64xf32>
    %max3A = arith.constant 0.000000e+00 : f32
    %max3A_22 = vector.broadcast %max3A : f32 to vector<1024x64xf32>
    %max3A_23 = arith.maximumf %add3A_21, %max3A_22 : vector<1024x64xf32>
    %get3A_24 = arith.constant 0 : index
    %get3A_25 = arith.constant 0 : index
    %get3A_26 = vector.load %arg6[%get3A_24, %get3A_25] : memref<64x64xf32, #tpu.memory_space<vmem>>, vector<64x64xf32>
    %dot_general3A_27 = arith.constant dense<0.000000e+00> : vector<1024x64xf32>
    %dot_general3A_28 = tpu.matmul %max3A_23, %get3A_26, %dot_general3A_27 {dimension_numbers = #tpu.dot_dimension_numbers<[1], [0], [0], [1], [0, 0, 1, 1], [], []>, transpose_lhs_hint = false} : vector<1024x64xf32>, vector<64x64xf32>, vector<1024x64xf32> -> vector<1024x64xf32>
    %get3A_29 = arith.constant 0 : index
    %get3A_30 = arith.constant 0 : index
    %get3A_31 = vector.load %arg7[%get3A_29, %get3A_30] : memref<1x64xf32, #tpu.memory_space<vmem>>, vector<1x64xf32>
    %add3A_32 = vector.broadcast %get3A_31 : vector<1x64xf32> to vector<1024x64xf32>
    %add3A_33 = arith.addf %dot_general3A_28, %add3A_32 : vector<1024x64xf32>
    %max3A_34 = arith.constant 0.000000e+00 : f32
    %max3A_35 = vector.broadcast %max3A_34 : f32 to vector<1024x64xf32>
    %max3A_36 = arith.maximumf %add3A_33, %max3A_35 : vector<1024x64xf32>
    %swap3A = arith.constant 0 : index
    %swap3A_37 = arith.constant 0 : index
    %swap3A_38 = vector.load %arg8[%swap3A, %swap3A_37] : memref<1024x64xf32, #tpu.memory_space<vmem>>, vector<1024x64xf32>
    tpu.vector_store %arg8[%swap3A, %swap3A_37], %max3A_36 {strides = array<i32>} : memref<1024x64xf32, #tpu.memory_space<vmem>>, vector<1024x64xf32>,
    %get3A_39 = arith.constant 0 : index
    %get3A_40 = arith.constant 0 : index
    %get3A_41 = arith.constant 0 : index
    %get3A_42 = vector.load %arg3[%get3A_39, %get3A_40, %get3A_41] : memref<1x1x1024xi32, #tpu.memory_space<vmem>>, vector<1x1x1024xi32>
    %get3A_43 = vector.shape_cast %get3A_42 : vector<1x1x1024xi32> to vector<1024xi32>
    %broadcast_in_dim3A = vector.shape_cast %get3A_43 : vector<1024xi32> to vector<1024x1xi32>
    %iota3A = tpu.iota {dimensions = array<i32: 1>} : vector<1024x64xi32>
    %eq3A = vector.broadcast %broadcast_in_dim3A : vector<1024x1xi32> to vector<1024x64xi32>
    %eq3A_44 = arith.cmpi eq, %eq3A, %iota3A : vector<1024x64xi32>
    %convert_element_type3A = arith.extui %eq3A_44 : vector<1024x64xi1> to vector<1024x64xi32>
    %convert_element_type3A_45 = arith.sitofp %convert_element_type3A : vector<1024x64xi32> to vector<1024x64xf32>
    %dot_general3A_46 = arith.constant dense<0.000000e+00> : vector<64x64xf32>
    %dot_general3A_47 = tpu.matmul %convert_element_type3A_45, %max3A_36, %dot_general3A_46 {dimension_numbers = #tpu.dot_dimension_numbers<[0], [0], [1], [1], [0, 1, 1, 1], [], []>, transpose_lhs_hint = false} : vector<1024x64xf32>, vector<1024x64xf32>, vector<64x64xf32> -> vector<64x64xf32>
    %eq3A_48 = arith.constant 0 : i32
    %eq3A_49 = arith.cmpi eq, %arg0, %eq3A_48 : i32
    %convert_element_type3A_50 = arith.extui %eq3A_49 : i1 to i32
    %cond3A = arith.constant 0 : i32
    %cond3A_51 = arith.cmpi ne, %convert_element_type3A_50, %cond3A : i32
    scf.if %cond3A_51 {
      %swap3A_56 = arith.constant 0 : index
      %swap3A_57 = arith.constant 0 : index
      %swap3A_58 = vector.load %arg9[%swap3A_56, %swap3A_57] : memref<64x64xf32, #tpu.memory_space<vmem>>, vector<64x64xf32>
      tpu.vector_store %arg9[%swap3A_56, %swap3A_57], %dot_general3A_47 {strides = array<i32>} : memref<64x64xf32, #tpu.memory_space<vmem>>, vector<64x64xf32>,
    } else {
    }
    %gt3A = arith.constant 0 : i32
    %gt3A_52 = arith.cmpi sgt, %arg0, %gt3A : i32
    %convert_element_type3A_53 = arith.extui %gt3A_52 : i1 to i32
    %cond3A_54 = arith.constant 0 : i32
    %cond3A_55 = arith.cmpi ne, %convert_element_type3A_53, %cond3A_54 : i32
    scf.if %cond3A_55 {
      %get3A_56 = arith.constant 0 : index
      %get3A_57 = arith.constant 0 : index
      %get3A_58 = vector.load %arg9[%get3A_56, %get3A_57] : memref<64x64xf32, #tpu.memory_space<vmem>>, vector<64x64xf32>
      %add3A_59 = arith.addf %get3A_58, %dot_general3A_47 : vector<64x64xf32>
      %swap3A_60 = arith.constant 0 : index
      %swap3A_61 = arith.constant 0 : index
      %swap3A_62 = vector.load %arg9[%swap3A_60, %swap3A_61] : memref<64x64xf32, #tpu.memory_space<vmem>>, vector<64x64xf32>
      tpu.vector_store %arg9[%swap3A_60, %swap3A_61], %add3A_59 {strides = array<i32>} : memref<64x64xf32, #tpu.memory_space<vmem>>, vector<64x64xf32>,
    } else {
    }
    return
  }
  func.func @transform_0(%arg0: i32) -> (i32, i32, i32) {
    %c0_i32 = arith.constant 0 : i32
    %c0_i32_0 = arith.constant 0 : i32
    %c0_i32_1 = arith.constant 0 : i32
    return %c0_i32, %arg0, %c0_i32_0 : i32, i32, i32
  }
  func.func @transform_1(%arg0: i32) -> (i32, i32) {
    %c0_i32 = arith.constant 0 : i32
    %c0_i32_0 = arith.constant 0 : i32
    return %arg0, %c0_i32 : i32, i32
  }
  func.func @transform_2(%arg0: i32) -> (i32, i32, i32) {
    %c0_i32 = arith.constant 0 : i32
    %c0_i32_0 = arith.constant 0 : i32
    %c0_i32_1 = arith.constant 0 : i32
    return %arg0, %c0_i32, %c0_i32_0 : i32, i32, i32
  }
  func.func @transform_3(%arg0: i32) -> (i32, i32) {
    %c0_i32 = arith.constant 0 : i32
    %c0_i32_0 = arith.constant 0 : i32
    %c0_i32_1 = arith.constant 0 : i32
    return %c0_i32, %c0_i32_0 : i32, i32
  }
  func.func @transform_4(%arg0: i32) -> (i32, i32) {
    %c0_i32 = arith.constant 0 : i32
    %c0_i32_0 = arith.constant 0 : i32
    %c0_i32_1 = arith.constant 0 : i32
    return %c0_i32, %c0_i32_0 : i32, i32
  }
  func.func @transform_5(%arg0: i32) -> (i32, i32) {
    %c0_i32 = arith.constant 0 : i32
    %c0_i32_0 = arith.constant 0 : i32
    %c0_i32_1 = arith.constant 0 : i32
    return %c0_i32, %c0_i32_0 : i32, i32
  }
  func.func @transform_6(%arg0: i32) -> (i32, i32) {
    %c0_i32 = arith.constant 0 : i32
    %c0_i32_0 = arith.constant 0 : i32
    %c0_i32_1 = arith.constant 0 : i32
    return %c0_i32, %c0_i32_0 : i32, i32
  }
  func.func @transform_7(%arg0: i32) -> (i32, i32) {
    %c0_i32 = arith.constant 0 : i32
    %c0_i32_0 = arith.constant 0 : i32
    return %arg0, %c0_i32 : i32, i32
  }
  func.func @transform_8(%arg0: i32) -> (i32, i32) {
    %c0_i32 = arith.constant 0 : i32
    %c0_i32_0 = arith.constant 0 : i32
    %c0_i32_1 = arith.constant 0 : i32
    return %c0_i32, %c0_i32_0 : i32, i32
  }
}

module attributes {stable_mosaic.version = 14 : i64} {
  func.func @_head_body(%arg0: memref<64x320xf32, #tpu.memory_space<vmem>>, %arg1: memref<320x64xf32, #tpu.memory_space<vmem>>, %arg2: memref<1x64xf32, #tpu.memory_space<vmem>>, %arg3: memref<64x128xf32, #tpu.memory_space<vmem>>, %arg4: memref<1x128xf32, #tpu.memory_space<vmem>>, %arg5: memref<64x128xf32, #tpu.memory_space<vmem>>) attributes {dimension_semantics = [], scalar_prefetch = 0 : i64, scratch_operands = 0 : i64, tpu.core_type = #tpu.core_type<tc>} {
    %get3A = arith.constant 0 : index
    %get3A_0 = arith.constant 0 : index
    %get3A_1 = vector.load %arg0[%get3A, %get3A_0] : memref<64x320xf32, #tpu.memory_space<vmem>>, vector<64x320xf32>
    %get3A_2 = arith.constant 0 : index
    %get3A_3 = arith.constant 0 : index
    %get3A_4 = vector.load %arg1[%get3A_2, %get3A_3] : memref<320x64xf32, #tpu.memory_space<vmem>>, vector<320x64xf32>
    %dot_general3A = arith.constant dense<0.000000e+00> : vector<64x64xf32>
    %dot_general3A_5 = tpu.matmul %get3A_1, %get3A_4, %dot_general3A {dimension_numbers = #tpu.dot_dimension_numbers<[1], [0], [0], [1], [0, 0, 1, 1], [], []>, transpose_lhs_hint = false} : vector<64x320xf32>, vector<320x64xf32>, vector<64x64xf32> -> vector<64x64xf32>
    %get3A_6 = arith.constant 0 : index
    %get3A_7 = arith.constant 0 : index
    %get3A_8 = vector.load %arg2[%get3A_6, %get3A_7] : memref<1x64xf32, #tpu.memory_space<vmem>>, vector<1x64xf32>
    %add3A = vector.broadcast %get3A_8 : vector<1x64xf32> to vector<64x64xf32>
    %add3A_9 = arith.addf %dot_general3A_5, %add3A : vector<64x64xf32>
    %gt3A = arith.constant 0.000000e+00 : f32
    %gt3A_10 = vector.broadcast %gt3A : f32 to vector<64x64xf32>
    %gt3A_11 = arith.cmpf ogt, %add3A_9, %gt3A_10 : vector<64x64xf32>
    %mul3A = arith.constant 0.00999999977 : f32
    %mul3A_12 = vector.broadcast %mul3A : f32 to vector<64x64xf32>
    %mul3A_13 = arith.mulf %mul3A_12, %add3A_9 : vector<64x64xf32>
    %select_n3A = arith.select %gt3A_11, %add3A_9, %mul3A_13 : vector<64x64xi1>, vector<64x64xf32>
    %get3A_14 = arith.constant 0 : index
    %get3A_15 = arith.constant 0 : index
    %get3A_16 = vector.load %arg3[%get3A_14, %get3A_15] : memref<64x128xf32, #tpu.memory_space<vmem>>, vector<64x128xf32>
    %dot_general3A_17 = arith.constant dense<0.000000e+00> : vector<64x128xf32>
    %dot_general3A_18 = tpu.matmul %select_n3A, %get3A_16, %dot_general3A_17 {dimension_numbers = #tpu.dot_dimension_numbers<[1], [0], [0], [1], [0, 0, 1, 1], [], []>, transpose_lhs_hint = false} : vector<64x64xf32>, vector<64x128xf32>, vector<64x128xf32> -> vector<64x128xf32>
    %get3A_19 = arith.constant 0 : index
    %get3A_20 = arith.constant 0 : index
    %get3A_21 = vector.load %arg4[%get3A_19, %get3A_20] : memref<1x128xf32, #tpu.memory_space<vmem>>, vector<1x128xf32>
    %add3A_22 = vector.broadcast %get3A_21 : vector<1x128xf32> to vector<64x128xf32>
    %add3A_23 = arith.addf %dot_general3A_18, %add3A_22 : vector<64x128xf32>
    %logistic3A = arith.negf %add3A_23 : vector<64x128xf32>
    %logistic3A_24 = math.exp %logistic3A : vector<64x128xf32>
    %logistic3A_25 = arith.constant 1.000000e+00 : f32
    %logistic3A_26 = vector.broadcast %logistic3A_25 : f32 to vector<64x128xf32>
    %logistic3A_27 = arith.addf %logistic3A_26, %logistic3A_24 : vector<64x128xf32>
    %logistic3A_28 = arith.divf %logistic3A_26, %logistic3A_27 : vector<64x128xf32>
    %swap3A = arith.constant 0 : index
    %swap3A_29 = arith.constant 0 : index
    %swap3A_30 = vector.load %arg5[%swap3A, %swap3A_29] : memref<64x128xf32, #tpu.memory_space<vmem>>, vector<64x128xf32>
    tpu.vector_store %arg5[%swap3A, %swap3A_29], %logistic3A_28 {strides = array<i32>} : memref<64x128xf32, #tpu.memory_space<vmem>>, vector<64x128xf32>,
    return
  }
}

</mosaic_0001>

<sc_bundles>
// kernel: gather_offload_async_start.1
scs
__scs_entry_jumppad:
0x0: {  	(pc) =	sbr.rel $0x88, $3  }
0x1: {  	(tag) =	ssettag $0x0;
	lr =	simm.s32 $0x1  }
0x2: {  	[smem:$0x3F86] =	sst lr;
	_ =	strace $0xD0000000  }
0x3: {  	_ = 	snop  }
0x4: {  	_ = 	snop  }
0x5: {  	_ = 	snop  }
0x6: {  	_ = 	snop  }
0x7: {  	_ = 	snop  }
__scs_overlays_trampoline_lowered:
0x8: {  	[smem:$0x3F95] =	sst s0  }
0x9: {  	[smem:$0x3F96] =	sst s1  }
0xa: {  	[smem:$0x3F97] =	sst s2  }
0xb: {  	[smem:$0x3F98] =	sst s3  }
0xc: {  	[smem:$0x3F99] =	sst s4  }
0xd: {  	[smem:$0x3F9A] =	sst s5  }
0xe: {  	[smem:$0x3F9B] =	sst s6  }
0xf: {  	[smem:$0x3F9C] =	sst s7  }
0x10: {  	[smem:$0x3F9D] =	sst s8  }
0x11: {  	[smem:$0x3F9E] =	sst s9;
	s0 =	simm.s32 @!p0 $0x0  }
0x12: {  	s1 =	sld [smem:$0x3F84];
	s0 =	simm.s32 @p0 $0x1  }
0x13: {  	[smem:$0x3F9F] =	sst s0;
	s0 =	simm.s32 @!p1 $0x0  }
0x14: {  	s2 =	sld [smem:$0x3F83];
	s0 =	simm.s32 @p1 $0x1  }
0x15: {  	[smem:$0x3FA0] =	sst s0;
	s0 =	simm.s32 @!p2 $0x0  }
0x16: {  	s3 =	sld [smem:$0x3FDB];
	s0 =	simm.s32 @p2 $0x1  }
0x17: {  	s4 =	simm.s32 $0x1BF5;
	[smem:$0x3FA2] =	sst s0  }
0x18: {  	s0 =	sld [smem:$0x3F85];
	_ =	swait.ge [sflag:s4], $0x0  }
0x19: {  	s7 =	sld [smem:$0x3F86]  }
0x1a: {  	s8 =	sadd.s32 $0xFFFFE003, lr  }
0x1b: {  	s9 =	sadd.s32 $0xFFFFFEF7, lr;
	s5 =	simm.s32 $0xFFFFFFFF;
	p2 =	slt.u32 s8, $0xFFFFF086  }
0x1c: {  	p1 =	slt.u32 s9, $0xF7A;
	s5 =	simm.s32 @!p2 $0x0  }
0x1d: {  	s5 =	simm.s32 @p1 $0x1;
	p0 =	seq.s32 s7, s2  }
0x1e: {  	s7 =	smul.u32 @!p0 $0xF7A, s2;
	p2 =	seq.s32 @!p0 s5, $0x0  }
0x1f: {  	s9 =	smul.u32 $0xF7A, s1;
	s8 =	simm.s32 @!p0 $0x1BF5;
	p2 =	por !p2, p0  }
0x20: {  	[sflag:s8] =	ssyncset.s32 @!p0 $0xFFFFF086;
	s6 =	sadd.s32 @!p0 s3, s7;
	s7 =	simm.s32 @!p0 $0x108  }
0x21: {  	s3 =	sadd.s32 s3, s9;
	s6 =	sadd.s32 @!p0 $0x88, s6;
	s7 =	simm.s32 @p2 $0x1082  }
0x22: {  	[simem:s7], [sflag:s8] =	dma.local @!p0 [hbm:s6], $0xF7A  }
0x23: {  	s9 =	sor.u32 $0xD0000000, s2;
	s6 =	simm.s32 $0x108;
	_ =	swait.ge @!p0 [sflag:s8], $0x0  }
0x24: {  	s3 =	sadd.s32 $0x88, s3;
	s6 =	simm.s32 @!p1 $0x1082;
	[sflag:s4] =	ssyncset.s32 $0xFFFFF086  }
0x25: {  	[simem:s6], [sflag:s4] =	dma.local [hbm:s3], $0xF7A  }
0x26: {  	[smem:$0x3F86] =	sst s1;
	(tag) =	ssettag s2;
	_ =	strace s9  }
0x27: {  	s1 =	sld [smem:$0x3F96]  }
0x28: {  	s2 =	sld [smem:$0x3F97]  }
0x29: {  	s4 =	sld [smem:$0x3F99]  }
0x2a: {  	p0 =	seq.s32 s5, $0x0;
	s5 =	sld [smem:$0x3F9A]  }
0x2b: {  	s6 =	sld [smem:$0x3F9B]  }
0x2c: {  	s7 =	sld [smem:$0x3F9C]  }
0x2d: {  	s3 =	simm.s32 $0x108;
	s8 =	sld [smem:$0x3F9D]  }
0x2e: {  	s3 =	simm.s32 @!p0 $0x1082;
	s9 =	sld [smem:$0x3F9E]  }
0x2f: {  	lr =	sadd.s32 s0, s3;
	s0 =	sld [smem:$0x3F95]  }
0x30: {  	s3 =	sld [smem:$0x3F98]  }
0x31: {  	[smem:$0x3FA1] =	sst s10  }
0x32: {  	s10 =	sld [smem:$0x3F9F];
	_ =	sdelay $0x3  }
0x33: {  	p0 =	seq.s32 s10, $0x1;
	s10 =	sld [smem:$0x3FA1];
	_ =	sdelay $0x3  }
0x34: {  	[smem:$0x3FA1] =	sst s10  }
0x35: {  	s10 =	sld [smem:$0x3FA0];
	_ =	sdelay $0x3  }
0x36: {  	p1 =	seq.s32 s10, $0x1;
	s10 =	sld [smem:$0x3FA1];
	_ =	sdelay $0x3  }
0x37: {  	[smem:$0x3FA1] =	sst s10  }
0x38: {  	s10 =	sld [smem:$0x3FA2]  }
0x39: {  	_ = 	snop;
	(pc) =	sbr.ind lr, $3  }
0x3a: {  	_ = 	snop  }
0x3b: {  	_ = 	snop  }
0x3c: {  	p2 =	seq.s32 s10, $0x1;
	s10 =	sld [smem:$0x3FA1]  }
0x3d: {  	_ =	shalt  }
0x3e: {  	_ =	shalt  }
0x3f: {  	_ =	shalt  }
0x40: {  	_ =	shalt  }
0x41: {  	_ =	shalt  }
0x42: {  	_ =	shalt  }
0x43: {  	_ =	shalt  }
0x44: {  	_ =	shalt  }
0x45: {  	_ =	shalt  }
0x46: {  	_ =	shalt  }
0x47: {  	_ =	shalt  }
0x48: {  	_ =	shalt  }
0x49: {  	_ =	shalt  }
0x4a: {  	_ =	shalt  }
0x4b: {  	_ =	shalt  }
0x4c: {  	_ =	shalt  }
0x4d: {  	_ =	shalt  }
0x4e: {  	_ =	shalt  }
0x4f: {  	_ =	shalt  }
0x50: {  	_ =	shalt  }
0x51: {  	_ =	shalt  }
0x52: {  	_ =	shalt  }
0x53: {  	_ =	shalt  }
0x54: {  	_ =	shalt  }
0x55: {  	_ =	shalt  }
0x56: {  	_ =	shalt  }
0x57: {  	_ =	shalt  }
0x58: {  	_ =	shalt  }
0x59: {  	_ =	shalt  }
0x5a: {  	_ =	shalt  }
0x5b: {  	_ =	shalt  }
0x5c: {  	_ =	shalt  }
0x5d: {  	_ =	shalt  }
0x5e: {  	_ =	shalt  }
0x5f: {  	_ =	shalt  }
0x60: {  	_ =	shalt  }
0x61: {  	_ =	shalt  }
0x62: {  	_ =	shalt  }
0x63: {  	_ =	shalt  }
0x64: {  	_ =	shalt  }
0x65: {  	_ =	shalt  }
0x66: {  	_ =	shalt  }
0x67: {  	_ =	shalt  }
0x68: {  	_ =	shalt  }
0x69: {  	_ =	shalt  }
0x6a: {  	_ =	shalt  }
0x6b: {  	_ =	shalt  }
0x6c: {  	_ =	shalt  }
0x6d: {  	_ =	shalt  }
0x6e: {  	_ =	shalt  }
0x6f: {  	_ =	shalt  }
0x70: {  	_ =	shalt  }
0x71: {  	_ =	shalt  }
0x72: {  	_ =	shalt  }
0x73: {  	_ =	shalt  }
0x74: {  	_ =	shalt  }
0x75: {  	_ =	shalt  }
0x76: {  	_ =	shalt  }
0x77: {  	_ =	shalt  }
0x78: {  	_ =	shalt  }
0x79: {  	_ =	shalt  }
0x7a: {  	_ =	shalt  }
0x7b: {  	_ =	shalt  }
0x7c: {  	_ =	shalt  }
0x7d: {  	_ =	shalt  }
0x7e: {  	_ =	shalt  }
0x7f: {  	_ =	shalt  }
0x80: {  	_ =	shalt  }
0x81: {  	_ =	shalt  }
0x82: {  	_ =	shalt  }
0x83: {  	_ =	shalt  }
0x84: {  	_ =	shalt  }
0x85: {  	_ =	shalt  }
0x86: {  	_ =	shalt  }
0x87: {  	_ =	shalt  }
.Lfunc_end0:
.L_simem_size_0:
called_computation.1_lowered:
.L_overlay_start_0:
0x88: {  	s2 =	sld [smem:$0x3FD9]  }
0x89: {  	s3 =	sld [smem:$0x3FFE];
	_ =	sdelay $0x1  }
0x8a: {  	s1 =	srdreg.scid  }
0x8b: {  	s0 =	sand.u32 $0x1, s1  }
0x8c: {  	s16 =	sshll.u32 s0, $0xA;
	s2 =	sadd.s32 s3, s2  }
0x8d: {  	s2 =	sadd.s32 s2, s16  }
0x8e: {  	[smem:$0x3FAD] =	sst s2  }
0x8f: {  	_ = 	snop  }
0x90: {  	(tm) =	ssettm $0x1  }
0x91: {  	s17 =	sld [smem:$0x3FFB];
	_ =	sdelay $0x3  }
0x92: {  	_ =	strace s17  }
0x93: {  	s2 =	sld [smem:$0x3FFC];
	_ =	sdelay $0x3  }
0x94: {  	_ =	strace s2  }
0x95: {  	s2 =	sld [smem:$0x3FFD];
	_ =	sdelay $0x3  }
0x96: {  	_ =	strace s2  }
0x97: {  	_ =	strace $0x8FFFFFFF  }
0x98: {  	s18 =	sld [smem:$0x3FDB];
	_ =	sdelay $0x1  }
0x99: {  	s19 =	simm.s32 $_scs_section_size  }
0x9a: {  	s4 =	simm.s32 $_size__tile_overlayer_lowered;
	s5 =	simm.s32 $_tile_overlayer_lowered  }
0x9b: {  	s22 =	simm.s32 $0x1BFF;
	s21 =	sshll.u32 s5, $0x1;
	s2 =	sadd.s32 s19, s18  }
0x9c: {  	s6 =	simm.s32 $0x0;
	s20 =	sshll.u32 s4, $0x1;
	s4 =	sadd.s32 s21, s2  }
0x9d: {  	[timem:s6], [sflag:s22] =	dma.local [hbm:s4], s20  }
0x9e: {  	_ =	swait.ge [sflag:s22], s20  }
0x9f: {  	s3 =	ssub.s32 $0x0, s20;
	[sflag:s22] =	ssyncset.done $0x0  }
0xa0: {  	[sflag:s22] =	ssyncadd.s32 s3;
	_ =	sdelay $0x1  }
0xa1: {  	s23 =	simm.s32 $0x1B8B  }
0xa2: {  	_ =	swait.ge [sflag:s23], $0x1  }
0xa3: {  	[sflag:s23] =	ssyncset.done $0x0  }
0xa4: {  	s25 =	simm.s32 $0x1B8E;
	s24 =	sld [smem:$0x3FFE];
	[sflag:s23] =	ssyncadd.s32 $0xFFFFFFFF  }
0xa5: {  	s26 =	simm.s32 $execute0_lowered;
	[smem:$0x3FD2] =	sst s25  }
0xa6: {  	s4 =	sshll.u32 s26, $0x1;
	_ =	strace $0x80000046;
	[dreg:$0x1] =	wrdreg $0xFFFFFFFF  }
0xa7: {  	s28 =	simm.s32 $_size_execute0_lowered;
	s2 =	sadd.s32 s2, s4;
	[dreg:$0x0] =	wrdreg $0x0  }
0xa8: {  	s4 =	sshll.u32 s28, $0x1;
	[dreg:$0x2] =	wrdreg s2  }
0xa9: {  	[dreg:$0x3] =	wrdreg s4  }
0xaa: {  	[dreg:$0x4] =	wrdreg $0xC0  }
0xab: {  	_ =	task [dreg:s6], $0x5FFFF  }
0xac: {  	[dreg:$0x1] =	wrdreg $0xFFFFFFFF  }
0xad: {  	[dreg:$0x0] =	wrdreg $0x60  }
0xae: {  	[dreg:$0x2] =	wrdreg s24  }
0xaf: {  	[dreg:$0x3] =	wrdreg $0x9  }
0xb0: {  	_ =	task.clear_ibuf [dreg:s6], $0x4FFFF;
	_ =	strace $0x90000046  }
0xb1: {  	s29 =	simm.s32 $0x9;
	_ =	strace $0x80000048  }
0xb2: {  	_ =	swait.ge [sflag:s29], $0x1  }
0xb3: {  	[sflag:s29] =	ssyncadd.s32 $0xFFFFFFFF  }
0xb4: {  	_ =	strace $0x90000048  }
0xb5: {  	_ =	sfence  }
0xb6: {  	s30 =	sld [smem:$0x0];
	_ =	sdelay $0x2  }
0xb7: {  	s31 =	sshll.u32 s1, $0xD;
	s1 =	sshrl.u32 s1, $0x2  }
0xb8: {  	s3 =	sand.u32 $0x4000, s31;
	s1 =	sadd.s32 s1, s30  }
0xb9: {  	s0 =	sor.u32 s3, s0;
	s1 =	sshll.u32 s1, $0x11  }
0xba: {  	s0 =	sor.u32 s1, s0  }
0xbb: {  	s0 =	sadd.s32 $0x8F2B, s0  }
0xbc: {  	[sflag:s0] =	ssyncadd.remote.s32 $0x1  }
0xbd: {  	_ =	sfence.sel $0xFFFF  }
0xbe: {  	[dreg:$0x0] =	wrdreg $0xFFFFFFFF;
	(pc) =	sbr.abs _section_cstart, $3  }
0xbf: {  	[dreg:$0x1] =	wrdreg $0xFFFFFFFF  }
0xc0: {  	_ =	task.clear_ibuf [dreg:s6], $0x2FFFF;
	_ =	strace $0x9FFFFFFF  }
0xc1: {  	(tm) =	ssettm $0x7FFFFFFF  }
tec
execute0_lowered:
.L_overlay_start_1:
0x0: {  	(tag) =	ssettag $0x1  }
0x1: {  	s8 =	rddreg [dreg:$0x0];
	s1 =	stileid.u32  }
0x2: {  	s2 =	srdreg.scid;
	s0 =	rddreg [dreg:$0x1]  }
0x3: {  	_ =	strace $0x80000047;
	s5 =	simm.s32 $0x1;
	s9 =	simm.s32 $0x1  }
0x4: {  	s10 =	simm.s32 $0x3;
	s2 =	sand.u32 $0x1, s2;
	s3 =	sshll.u32 s1, $0x1  }
0x5: {  	s13 =	simm.s32 $0x0;
	s12 =	simm.s32 $0x0;
	s6 =	sor.u32 s3, s2  }
0x6: {  	[sflag:s5] =	ssyncpa.u1 $0x0;
	s2 =	sadd.s32 $0x10C00, s8;
	s4 =	smul.u32 $0x2400, s6  }
0x7: {  	s3 =	sadd.s32 $0x25000, s8;
	p0 =	slt.u32 s6, $0x5;
	s6 =	simm.s32 $0x48000  }
.Ltmp0:
0x8: {  	s6 =	simm.s32 @!p0 $0x0;
	s7 =	ssub.s32 $0x51000, s4;
	(pc) =	sbr.rel .LBB2_1-.Ltmp0, $4  }
0x9: {  	s9 =	simm.s32 @!p0 $0x0;
	p0 =	sne.s32 s7, s6;
	s7 =	simm.s32 $0x1  }
0xa: {  	s8 =	sadd.s32 $0x7F200, s8;
	s6 =	simm.s32 $0x2;
	s7 =	simm.s32 @!p0 $0x0  }
0xb: {  	s11 =	smov.u32 s4;
	[sflag:s6] =	ssyncpa.u1 $0x0;
	s7 =	sadd.s32 s9, s7  }
0xc: {  	vm0 =	vmmov $0xffff;
	[sflag:s10] =	ssyncpa.u1 $0x0;
	s10 =	simm.s32 $0x0;
	s9 =	sadd.s32 $0x1, s7  }
.LBB2_4:
0xd: {  	vm1 =	veq.s32 v4, $0x80000000;
	v56 =	vand.u32 $0x1F, v4;
	v6 =	vand.u32 $0x3FFF, v6  }
0xe: {  	v2 =	vor.u32 v2, v5;
	v59 =	vshrl.u32 v1, $0x5;
	v60 =	vand.u32 $0x1F, v1  }
0xf: {  	v4 =	vsel vm1, $0xFFFFFFFF, v56;
	v6 =	vsel vm1, $0xFFFFFFFF, v6;
	v2 =	vor.u32 v3, v2  }
0x10: {  	vm1 =	veq.s32 v1, $0x80000000;
	v5 =	vand.u32 $0x3FFF, v59;
	v7 =	vshrl.u32 v4, $0x3  }
0x11: {  	v57 =	vshll.u32 v6, $0x3;
	v4 =	vshll.u32 v4, $0x7;
	v1 =	vsel vm1, $0xFFFFFFFF, v60  }
0x12: {  	v5 =	vsel vm1, $0xFFFFFFFF, v5;
	v6 =	vand.u32 $0x7F, v6;
	v7 =	vmul.u32 $0x14400, v7  }
0x13: {  	v58 =	vand.u32 $0xFFFFFC00, v57;
	v4 =	vand.u32 $0x380, v4;
	v61 =	vshrl.u32 v1, $0x3  }
0x14: {  	v62 =	vshll.u32 v5, $0x3;
	v3 =	vadd.s32 v7, v58;
	v7 =	vmul.u32 $0x14400, v61  }
0x15: {  	v1 =	vshll.u32 v1, $0x7;
	v3 =	vor.u32 v4, v3;
	v4 =	vand.u32 $0xFFFFFC00, v62  }
0x16: {  	v1 =	vand.u32 $0x380, v1;
	v3 =	vor.u32 v6, v3;
	v4 =	vadd.s32 v7, v4  }
0x17: {  	[tilespmem:s16], [sflag:$0x1] =	stream.indirect_vreg.gather [hbm4b:s2+s10], $0x1, v0, vm0, $0x4038;
	v63 =	vand.u32 $0x7F, v5;
	v1 =	vor.u32 v1, v4;
	[tilespmem:$0x9000] =	vst v63  }
0x18: {  	s15 =	sadd.s32 $0x10, s15;
	(ifvalue) =	ssetifvalue $0x7FFFFFFF;
	v0 =	vor.u32 v63, v1  }
0x19: {  	[tilespmem:s15], [sflag:$0x1] =	stream.indirect_vreg.gather [hbm4b:s2+s10], $0x1, v2, vm0, $0x4038;
	[tilespmem:$0x9000] =	vst v63  }
0x1a: {  	s15 =	sadd.s32 $0x10, s15;
	(ifvalue) =	ssetifvalue $0x7FFFFFFF  }
0x1b: {  	[tilespmem:s15], [sflag:$0x1] =	stream.indirect_vreg.gather [hbm4b:s2+s10], $0x1, v3, vm0, $0x4038;
	[tilespmem:$0x9000] =	vst v63  }
0x1c: {  	s15 =	sadd.s32 $0x10, s15;
	(ifvalue) =	ssetifvalue $0x7FFFFFFF  }
0x1d: {  	[tilespmem:s15], [sflag:$0x1] =	stream.indirect_vreg.gather [hbm4b:s2+s10], $0x1, v0, vm0, $0x4038;
	[tilespmem:$0x9000] =	vst v63  }
0x1e: {  	_ =	swait.ge [sflag:s5], $0x2400  }
0x1f: {  	s30 =	sshrl.u32 s13, $0x3;
	[sflag:s5] =	ssyncset.done $0x0  }
0x20: {  	s31 =	sand.u32 $0x7, s13;
	s15 =	sadd.s32 s8, s30;
	[sflag:s5] =	ssyncadd.s32 $0xFFFFDC00  }
0x21: {  	[hbm4b:s15+s31] =	stream.linear.scatter [tilespmem:s14], [sflag:$0x3], $0x2400, $0x38;
	[tilespmem:$0x9000] =	vst v63  }
.LBB2_5:
0x22: {  	s15 =	sadd.s32 $0x48000, s11  }
0x23: {  	p1 =	sgt.s32 s15, $0x50FFF  }
0x24: {  	s15 =	smov.u32 @p1 s4;
	p1 =	sne.s32 s12, s9  }
.Ltmp1:
0x25: {  	p0 =	slt.u32 s12, $0x2;
	(pc) =	sbr.rel @!p1 .LBB2_6-.Ltmp1, $4  }
0x26: {  	s14 =	simm.s32 @!p0 $0x3  }
0x27: {  	_ =	swait.ge @!p0 [sflag:s14], $0x2400  }
0x28: {  	s16 =	sadd.s32 $0x1, s12;
	s13 =	smov.u32 s11;
	[sflag:s14] =	ssyncset.done @!p0 $0x0  }
0x29: {  	s12 =	smov.u32 s16;
	s11 =	smov.u32 s15;
	[sflag:s14] =	ssyncadd.s32 @!p0 $0xFFFFDC00  }
.LBB2_1:
0x2a: {  	p0 =	sge.u32 s12, s7  }
0x2b: {  	s14 =	sxor.u32 @!p0 $0x1, s12  }
0x2c: {  	s14 =	smul.u32 @!p0 $0x9000, s14  }
0x2d: {  	s31 =	sadd.s32 $0xFFFFFFFF, s12;
	s15 =	sshrl.u32 @!p0 s11, $0x3  }
0x2e: {  	s16 =	sand.u32 @!p0 $0x7, s11;
	s15 =	sadd.s32 @!p0 s3, s15;
	s14 =	sshra.s32 @!p0 s14, $0x2  }
0x2f: {  	[tilespmem:s14], [sflag:$0x2] =	stream.linear.gather @!p0 [hbm4b:s15+s16], $0x2400, $0x38;
	[tilespmem:$0x9000] =	vst v63  }
0x30: {  	p0 =	sge.u32 s31, s7  }
.Ltmp2:
0x31: {  	_ = 	snop;
	(pc) =	sbr.rel @p0 .LBB2_5-.Ltmp2, $1  }
0x32: {  	_ =	sdelay $0x3  }
0x33: {  	s14 =	sand.u32 $0x1, s12  }
0x34: {  	_ =	swait.ge [sflag:s6], $0x2400;
	p0 =	seq.s32 s14, $0x1;
	s14 =	simm.s32 $0x2400  }
0x35: {  	[sflag:s6] =	ssyncset.done $0x0;
	s14 =	simm.s32 @!p0 $0x0  }
0x36: {  	[sflag:s6] =	ssyncadd.s32 $0xFFFFDC00;
	(ifvalue) =	ssetifvalue $0x7FFFFFFF;
	v0 =	vld.msk [tilespmem:s14+$0x0 ss:$0x1], $0xffff  }
0x37: {  	s15 =	sadd.s32 $0x10, s14  }
0x38: {  	v1 =	vld.msk [tilespmem:s15+$0x0 ss:$0x1], $0xffff;
	_ =	sdelay $0x2  }
0x39: {  	v2 =	vshrl.u32 v0, $0x5  }
0x3a: {  	vm1 =	veq.s32 v0, $0x80000000;
	v0 =	vand.u32 $0x1F, v0;
	v2 =	vand.u32 $0x3FFF, v2  }
0x3b: {  	v0 =	vsel vm1, $0xFFFFFFFF, v0;
	v6 =	vshrl.u32 v1, $0x5;
	v2 =	vsel vm1, $0xFFFFFFFF, v2  }
0x3c: {  	v3 =	vshrl.u32 v0, $0x3;
	v0 =	vshll.u32 v0, $0x7;
	vm1 =	veq.s32 v1, $0x80000000  }
0x3d: {  	s15 =	sadd.s32 $0x10, s15;
	v1 =	vand.u32 $0x1F, v1;
	v4 =	vshll.u32 v2, $0x3;
	v3 =	vmul.u32 $0x14400, v3  }
0x3e: {  	v0 =	vand.u32 $0x380, v0;
	v7 =	vand.u32 $0x7F, v2;
	v5 =	vand.u32 $0xFFFFFC00, v4;
	v4 =	vld.msk [tilespmem:s15+$0x0 ss:$0x1], $0xffff  }
0x3f: {  	v1 =	vsel vm1, $0xFFFFFFFF, v1;
	v2 =	vadd.s32 v3, v5;
	v3 =	vand.u32 $0x3FFF, v6  }
0x40: {  	v3 =	vsel vm1, $0xFFFFFFFF, v3;
	v0 =	vor.u32 v0, v2;
	v2 =	vshrl.u32 v1, $0x3  }
0x41: {  	v1 =	vshll.u32 v1, $0x7;
	v5 =	vshll.u32 v3, $0x3;
	v8 =	vmul.u32 $0x14400, v2  }
0x42: {  	s18 =	simm.s32 $0x30;
	s14 =	sor.u32 $0x4800, s14;
	s17 =	sadd.s32 $0x10, s15;
	v2 =	vand.u32 $0x380, v1;
	v0 =	vor.u32 v7, v0;
	v5 =	vand.u32 $0xFFFFFC00, v5  }
0x43: {  	s16 =	smov.u32 s14;
	s15 =	smov.u32 s14;
	v1 =	vld.msk [tilespmem:s17+$0x0 ss:$0x1], $0xffff;
	v3 =	vand.u32 $0x7F, v3;
	(ifvalue) =	ssetifvalue $0x7FFFFFFF;
	v6 =	vshrl.u32 v4, $0x5;
	v5 =	vadd.s32 v8, v5  }
.LBB2_3:
0x44: {  	s18 =	sadd.s32 $0x10, s18  }
0x45: {  	vm1 =	veq.s32 v4, $0x80000000;
	v4 =	vand.u32 $0x1F, v4;
	v6 =	vand.u32 $0x3FFF, v6;
	s15 =	sadd.s32 $0x10, s15;
	p0 =	slt.u32 s18, $0x23F0  }
.Ltmp3:
0x46: {  	v5 =	vor.u32 v2, v5;
	v4 =	vsel vm1, $0xFFFFFFFF, v4;
	v7 =	vsel vm1, $0xFFFFFFFF, v6;
	(pc) =	sbr.rel @p0 .LBB2_3-.Ltmp3, $4  }
0x47: {  	v2 =	vshrl.u32 v4, $0x3;
	v6 =	vshll.u32 v7, $0x3;
	v4 =	vshll.u32 v4, $0x7;
	[tilespmem:s16], [sflag:$0x1] =	stream.indirect_vreg.gather [hbm4b:s2+s10], $0x1, v0, vm0, $0x4038;
	[tilespmem:$0x9000] =	vst v63  }
0x48: {  	v0 =	vor.u32 v3, v5;
	s16 =	smov.u32 s15;
	v8 =	vmul.u32 $0x14400, v2;
	v2 =	vand.u32 $0x380, v4  }
0x49: {  	s17 =	sadd.s32 $0x10, s17;
	v9 =	vand.u32 $0xFFFFFC00, v6  }
0x4a: {  	v3 =	vand.u32 $0x7F, v7;
	v6 =	vshrl.u32 v1, $0x5;
	v5 =	vadd.s32 v8, v9;
	(ifvalue) =	ssetifvalue $0x7FFFFFFF;
	v4 =	vmovc v1;
	v1 =	vld.msk [tilespmem:s17+$0x0 ss:$0x1], $0xffff  }
.Ltmp4:
0x4b: {  	_ = 	snop;
	(pc) =	sbr.rel .LBB2_4-.Ltmp4, $1  }
0x4c: {  	_ =	sdelay $0x3  }
.LBB2_6:
0x4d: {  	_ =	sfence.sel $0x180000  }
0x4e: {  	s2 =	simm.s32 $0x2;
	[bflag:$0x0] =	sbarrier.arrive $0xFFFF  }
0x4f: {  	s30 =	simm.s32 $0x3;
	[sflag:s2] =	ssyncpa.u1 $0x1  }
0x50: {  	s31 =	simm.s32 $0x1;
	[sflag:s30] =	ssyncpa.u1 $0x1  }
0x51: {  	[sflag:s31] =	ssyncpa.u1 $0x1  }
0x52: {  	p0 =	sne.s32 s1, $0x0;
	_ =	strace $0x90000047  }
0x53: {  	s0 =	sadd.s32 @!p0 $0x100000, s0;
	[bflag:$0x2] =	sbarrier.arrive $0xFFFF  }
0x54: {  	[sflag:s0] =	ssyncadd.tile.s32 @!p0 $0x1;
	_ =	shalt  }
.Lfunc_end2:
_tile_overlayer_lowered:
.L_overlay_start_2:
0x55: {  	(tag) =	ssettag $0x2  }
0x56: {  	s0 =	rddreg [dreg:$0x0];
	s2 =	stileid.u32  }
0x57: {  	s1 =	rddreg [dreg:$0x1];
	p0 =	sne.s32 s2, $0x0  }
0x58: {  	s3 =	rddreg [dreg:$0x2];
	[bflag:$0x3] =	sbarrier.arrive $0xFFFF;
	s2 =	simm.s32 @!p0 $0x1C01  }
0x59: {  	[timem:s3], [sflag:s2] =	dma.local @!p0 [hbm:s0], s1  }
0x5a: {  	s0 =	simm.s32 @!p0 $0x1  }
0x5b: {  	_ =	swait.ge @!p0 [sflag:s0], s1  }
0x5c: {  	s1 =	ssub.s32 @!p0 $0x0, s1;
	[sflag:s0] =	ssyncset.done @!p0 $0x0  }
0x5d: {  	[sflag:s0] =	ssyncadd.s32 @!p0 s1  }
0x5e: {  	[bflag:$0x3] =	sbarrier.arrive $0xFFFF  }
0x5f: {  	_ =	shalt  }

// kernel: gather_offload_async_start
scs
__scs_entry_jumppad:
0x0: {  	(pc) =	sbr.rel $0x88, $3  }
0x1: {  	(tag) =	ssettag $0x0;
	lr =	simm.s32 $0x1  }
0x2: {  	[smem:$0x3F86] =	sst lr;
	_ =	strace $0xD0000000  }
0x3: {  	_ = 	snop  }
0x4: {  	_ = 	snop  }
0x5: {  	_ = 	snop  }
0x6: {  	_ = 	snop  }
0x7: {  	_ = 	snop  }
__scs_overlays_trampoline_lowered:
0x8: {  	[smem:$0x3F95] =	sst s0  }
0x9: {  	[smem:$0x3F96] =	sst s1  }
0xa: {  	[smem:$0x3F97] =	sst s2  }
0xb: {  	[smem:$0x3F98] =	sst s3  }
0xc: {  	[smem:$0x3F99] =	sst s4  }
0xd: {  	[smem:$0x3F9A] =	sst s5  }
0xe: {  	[smem:$0x3F9B] =	sst s6  }
0xf: {  	[smem:$0x3F9C] =	sst s7  }
0x10: {  	[smem:$0x3F9D] =	sst s8  }
0x11: {  	[smem:$0x3F9E] =	sst s9;
	s0 =	simm.s32 @!p0 $0x0  }
0x12: {  	s1 =	sld [smem:$0x3F84];
	s0 =	simm.s32 @p0 $0x1  }
0x13: {  	[smem:$0x3F9F] =	sst s0;
	s0 =	simm.s32 @!p1 $0x0  }
0x14: {  	s2 =	sld [smem:$0x3F83];
	s0 =	simm.s32 @p1 $0x1  }
0x15: {  	[smem:$0x3FA0] =	sst s0;
	s0 =	simm.s32 @!p2 $0x0  }
0x16: {  	s3 =	sld [smem:$0x3FDB];
	s0 =	simm.s32 @p2 $0x1  }
0x17: {  	s4 =	simm.s32 $0x1BF5;
	[smem:$0x3FA2] =	sst s0  }
0x18: {  	s0 =	sld [smem:$0x3F85];
	_ =	swait.ge [sflag:s4], $0x0  }
0x19: {  	s7 =	sld [smem:$0x3F86]  }
0x1a: {  	s8 =	sadd.s32 $0xFFFFE003, lr  }
0x1b: {  	s9 =	sadd.s32 $0xFFFFFEF7, lr;
	s5 =	simm.s32 $0xFFFFFFFF;
	p2 =	slt.u32 s8, $0xFFFFF086  }
0x1c: {  	p1 =	slt.u32 s9, $0xF7A;
	s5 =	simm.s32 @!p2 $0x0  }
0x1d: {  	s5 =	simm.s32 @p1 $0x1;
	p0 =	seq.s32 s7, s2  }
0x1e: {  	s7 =	smul.u32 @!p0 $0xF7A, s2;
	p2 =	seq.s32 @!p0 s5, $0x0  }
0x1f: {  	s9 =	smul.u32 $0xF7A, s1;
	s8 =	simm.s32 @!p0 $0x1BF5;
	p2 =	por !p2, p0  }
0x20: {  	[sflag:s8] =	ssyncset.s32 @!p0 $0xFFFFF086;
	s6 =	sadd.s32 @!p0 s3, s7;
	s7 =	simm.s32 @!p0 $0x108  }
0x21: {  	s3 =	sadd.s32 s3, s9;
	s6 =	sadd.s32 @!p0 $0x88, s6;
	s7 =	simm.s32 @p2 $0x1082  }
0x22: {  	[simem:s7], [sflag:s8] =	dma.local @!p0 [hbm:s6], $0xF7A  }
0x23: {  	s9 =	sor.u32 $0xD0000000, s2;
	s6 =	simm.s32 $0x108;
	_ =	swait.ge @!p0 [sflag:s8], $0x0  }
0x24: {  	s3 =	sadd.s32 $0x88, s3;
	s6 =	simm.s32 @!p1 $0x1082;
	[sflag:s4] =	ssyncset.s32 $0xFFFFF086  }
0x25: {  	[simem:s6], [sflag:s4] =	dma.local [hbm:s3], $0xF7A  }
0x26: {  	[smem:$0x3F86] =	sst s1;
	(tag) =	ssettag s2;
	_ =	strace s9  }
0x27: {  	s1 =	sld [smem:$0x3F96]  }
0x28: {  	s2 =	sld [smem:$0x3F97]  }
0x29: {  	s4 =	sld [smem:$0x3F99]  }
0x2a: {  	p0 =	seq.s32 s5, $0x0;
	s5 =	sld [smem:$0x3F9A]  }
0x2b: {  	s6 =	sld [smem:$0x3F9B]  }
0x2c: {  	s7 =	sld [smem:$0x3F9C]  }
0x2d: {  	s3 =	simm.s32 $0x108;
	s8 =	sld [smem:$0x3F9D]  }
0x2e: {  	s3 =	simm.s32 @!p0 $0x1082;
	s9 =	sld [smem:$0x3F9E]  }
0x2f: {  	lr =	sadd.s32 s0, s3;
	s0 =	sld [smem:$0x3F95]  }
0x30: {  	s3 =	sld [smem:$0x3F98]  }
0x31: {  	[smem:$0x3FA1] =	sst s10  }
0x32: {  	s10 =	sld [smem:$0x3F9F];
	_ =	sdelay $0x3  }
0x33: {  	p0 =	seq.s32 s10, $0x1;
	s10 =	sld [smem:$0x3FA1];
	_ =	sdelay $0x3  }
0x34: {  	[smem:$0x3FA1] =	sst s10  }
0x35: {  	s10 =	sld [smem:$0x3FA0];
	_ =	sdelay $0x3  }
0x36: {  	p1 =	seq.s32 s10, $0x1;
	s10 =	sld [smem:$0x3FA1];
	_ =	sdelay $0x3  }
0x37: {  	[smem:$0x3FA1] =	sst s10  }
0x38: {  	s10 =	sld [smem:$0x3FA2]  }
0x39: {  	_ = 	snop;
	(pc) =	sbr.ind lr, $3  }
0x3a: {  	_ = 	snop  }
0x3b: {  	_ = 	snop  }
0x3c: {  	p2 =	seq.s32 s10, $0x1;
	s10 =	sld [smem:$0x3FA1]  }
0x3d: {  	_ =	shalt  }
0x3e: {  	_ =	shalt  }
0x3f: {  	_ =	shalt  }
0x40: {  	_ =	shalt  }
0x41: {  	_ =	shalt  }
0x42: {  	_ =	shalt  }
0x43: {  	_ =	shalt  }
0x44: {  	_ =	shalt  }
0x45: {  	_ =	shalt  }
0x46: {  	_ =	shalt  }
0x47: {  	_ =	shalt  }
0x48: {  	_ =	shalt  }
0x49: {  	_ =	shalt  }
0x4a: {  	_ =	shalt  }
0x4b: {  	_ =	shalt  }
0x4c: {  	_ =	shalt  }
0x4d: {  	_ =	shalt  }
0x4e: {  	_ =	shalt  }
0x4f: {  	_ =	shalt  }
0x50: {  	_ =	shalt  }
0x51: {  	_ =	shalt  }
0x52: {  	_ =	shalt  }
0x53: {  	_ =	shalt  }
0x54: {  	_ =	shalt  }
0x55: {  	_ =	shalt  }
0x56: {  	_ =	shalt  }
0x57: {  	_ =	shalt  }
0x58: {  	_ =	shalt  }
0x59: {  	_ =	shalt  }
0x5a: {  	_ =	shalt  }
0x5b: {  	_ =	shalt  }
0x5c: {  	_ =	shalt  }
0x5d: {  	_ =	shalt  }
0x5e: {  	_ =	shalt  }
0x5f: {  	_ =	shalt  }
0x60: {  	_ =	shalt  }
0x61: {  	_ =	shalt  }
0x62: {  	_ =	shalt  }
0x63: {  	_ =	shalt  }
0x64: {  	_ =	shalt  }
0x65: {  	_ =	shalt  }
0x66: {  	_ =	shalt  }
0x67: {  	_ =	shalt  }
0x68: {  	_ =	shalt  }
0x69: {  	_ =	shalt  }
0x6a: {  	_ =	shalt  }
0x6b: {  	_ =	shalt  }
0x6c: {  	_ =	shalt  }
0x6d: {  	_ =	shalt  }
0x6e: {  	_ =	shalt  }
0x6f: {  	_ =	shalt  }
0x70: {  	_ =	shalt  }
0x71: {  	_ =	shalt  }
0x72: {  	_ =	shalt  }
0x73: {  	_ =	shalt  }
0x74: {  	_ =	shalt  }
0x75: {  	_ =	shalt  }
0x76: {  	_ =	shalt  }
0x77: {  	_ =	shalt  }
0x78: {  	_ =	shalt  }
0x79: {  	_ =	shalt  }
0x7a: {  	_ =	shalt  }
0x7b: {  	_ =	shalt  }
0x7c: {  	_ =	shalt  }
0x7d: {  	_ =	shalt  }
0x7e: {  	_ =	shalt  }
0x7f: {  	_ =	shalt  }
0x80: {  	_ =	shalt  }
0x81: {  	_ =	shalt  }
0x82: {  	_ =	shalt  }
0x83: {  	_ =	shalt  }
0x84: {  	_ =	shalt  }
0x85: {  	_ =	shalt  }
0x86: {  	_ =	shalt  }
0x87: {  	_ =	shalt  }
.Lfunc_end0:
.L_simem_size_0:
called_computation_lowered:
.L_overlay_start_0:
0x88: {  	s2 =	sld [smem:$0x3FD9]  }
0x89: {  	s3 =	sld [smem:$0x3FFE];
	_ =	sdelay $0x1  }
0x8a: {  	s1 =	srdreg.scid  }
0x8b: {  	s0 =	sand.u32 $0x1, s1  }
0x8c: {  	s16 =	sshll.u32 s0, $0xA;
	s2 =	sadd.s32 s3, s2  }
0x8d: {  	s2 =	sadd.s32 s2, s16  }
0x8e: {  	[smem:$0x3FAD] =	sst s2  }
0x8f: {  	_ = 	snop  }
0x90: {  	(tm) =	ssettm $0x1  }
0x91: {  	s17 =	sld [smem:$0x3FFB];
	_ =	sdelay $0x3  }
0x92: {  	_ =	strace s17  }
0x93: {  	s2 =	sld [smem:$0x3FFC];
	_ =	sdelay $0x3  }
0x94: {  	_ =	strace s2  }
0x95: {  	s2 =	sld [smem:$0x3FFD];
	_ =	sdelay $0x3  }
0x96: {  	_ =	strace s2  }
0x97: {  	_ =	strace $0x8FFFFFFF  }
0x98: {  	s18 =	sld [smem:$0x3FDB];
	_ =	sdelay $0x1  }
0x99: {  	s19 =	simm.s32 $_scs_section_size  }
0x9a: {  	s4 =	simm.s32 $_size__tile_overlayer_lowered;
	s5 =	simm.s32 $_tile_overlayer_lowered  }
0x9b: {  	s22 =	simm.s32 $0x1BFF;
	s21 =	sshll.u32 s5, $0x1;
	s2 =	sadd.s32 s19, s18  }
0x9c: {  	s6 =	simm.s32 $0x0;
	s20 =	sshll.u32 s4, $0x1;
	s4 =	sadd.s32 s21, s2  }
0x9d: {  	[timem:s6], [sflag:s22] =	dma.local [hbm:s4], s20  }
0x9e: {  	_ =	swait.ge [sflag:s22], s20  }
0x9f: {  	s3 =	ssub.s32 $0x0, s20;
	[sflag:s22] =	ssyncset.done $0x0  }
0xa0: {  	[sflag:s22] =	ssyncadd.s32 s3;
	_ =	sdelay $0x1  }
0xa1: {  	s23 =	simm.s32 $0x1B8B  }
0xa2: {  	_ =	swait.ge [sflag:s23], $0x1  }
0xa3: {  	[sflag:s23] =	ssyncset.done $0x0  }
0xa4: {  	s25 =	simm.s32 $0x1B8E;
	s24 =	sld [smem:$0x3FFE];
	[sflag:s23] =	ssyncadd.s32 $0xFFFFFFFF  }
0xa5: {  	s26 =	simm.s32 $execute0_lowered;
	[smem:$0x3FD2] =	sst s25  }
0xa6: {  	s4 =	sshll.u32 s26, $0x1;
	_ =	strace $0x80000049;
	[dreg:$0x1] =	wrdreg $0xFFFFFFFF  }
0xa7: {  	s28 =	simm.s32 $_size_execute0_lowered;
	s2 =	sadd.s32 s2, s4;
	[dreg:$0x0] =	wrdreg $0x0  }
0xa8: {  	s4 =	sshll.u32 s28, $0x1;
	[dreg:$0x2] =	wrdreg s2  }
0xa9: {  	[dreg:$0x3] =	wrdreg s4  }
0xaa: {  	[dreg:$0x4] =	wrdreg $0xC0  }
0xab: {  	_ =	task [dreg:s6], $0x5FFFF  }
0xac: {  	[dreg:$0x1] =	wrdreg $0xFFFFFFFF  }
0xad: {  	[dreg:$0x0] =	wrdreg $0x60  }
0xae: {  	[dreg:$0x2] =	wrdreg s24  }
0xaf: {  	[dreg:$0x3] =	wrdreg $0x9  }
0xb0: {  	_ =	task.clear_ibuf [dreg:s6], $0x4FFFF;
	_ =	strace $0x90000049  }
0xb1: {  	s29 =	simm.s32 $0x9;
	_ =	strace $0x8000004B  }
0xb2: {  	_ =	swait.ge [sflag:s29], $0x1  }
0xb3: {  	[sflag:s29] =	ssyncadd.s32 $0xFFFFFFFF  }
0xb4: {  	_ =	strace $0x9000004B  }
0xb5: {  	_ =	sfence  }
0xb6: {  	s30 =	sld [smem:$0x0];
	_ =	sdelay $0x2  }
0xb7: {  	s31 =	sshll.u32 s1, $0xD;
	s1 =	sshrl.u32 s1, $0x2  }
0xb8: {  	s3 =	sand.u32 $0x4000, s31;
	s1 =	sadd.s32 s1, s30  }
0xb9: {  	s0 =	sor.u32 s3, s0;
	s1 =	sshll.u32 s1, $0x11  }
0xba: {  	s0 =	sor.u32 s1, s0  }
0xbb: {  	s0 =	sadd.s32 $0x8F2B, s0  }
0xbc: {  	[sflag:s0] =	ssyncadd.remote.s32 $0x1  }
0xbd: {  	_ =	sfence.sel $0xFFFF  }
0xbe: {  	[dreg:$0x0] =	wrdreg $0xFFFFFFFF;
	(pc) =	sbr.abs _section_cstart, $3  }
0xbf: {  	[dreg:$0x1] =	wrdreg $0xFFFFFFFF  }
0xc0: {  	_ =	task.clear_ibuf [dreg:s6], $0x2FFFF;
	_ =	strace $0x9FFFFFFF  }
0xc1: {  	(tm) =	ssettm $0x7FFFFFFF  }
tec
execute0_lowered:
.L_overlay_start_1:
0x0: {  	(tag) =	ssettag $0x1  }
0x1: {  	s8 =	rddreg [dreg:$0x0];
	s1 =	stileid.u32  }
0x2: {  	s2 =	srdreg.scid;
	s0 =	rddreg [dreg:$0x1]  }
0x3: {  	_ =	strace $0x8000004A;
	s5 =	simm.s32 $0x1;
	s9 =	simm.s32 $0x1  }
0x4: {  	s10 =	simm.s32 $0x3;
	s2 =	sand.u32 $0x1, s2;
	s3 =	sshll.u32 s1, $0x1  }
0x5: {  	s13 =	simm.s32 $0x0;
	s12 =	simm.s32 $0x0;
	s6 =	sor.u32 s3, s2  }
0x6: {  	[sflag:s5] =	ssyncpa.u1 $0x0;
	s2 =	sadd.s32 $0x6A00, s8;
	s4 =	smul.u32 $0x2400, s6  }
0x7: {  	s3 =	sadd.s32 $0x25000, s8;
	p0 =	slt.u32 s6, $0x5;
	s6 =	simm.s32 $0x48000  }
.Ltmp0:
0x8: {  	s6 =	simm.s32 @!p0 $0x0;
	s7 =	ssub.s32 $0x51000, s4;
	(pc) =	sbr.rel .LBB2_1-.Ltmp0, $4  }
0x9: {  	s9 =	simm.s32 @!p0 $0x0;
	p0 =	sne.s32 s7, s6;
	s7 =	simm.s32 $0x1  }
0xa: {  	s8 =	sadd.s32 $0x7F200, s8;
	s6 =	simm.s32 $0x2;
	s7 =	simm.s32 @!p0 $0x0  }
0xb: {  	s11 =	smov.u32 s4;
	[sflag:s6] =	ssyncpa.u1 $0x0;
	s7 =	sadd.s32 s9, s7  }
0xc: {  	vm0 =	vmmov $0xffff;
	[sflag:s10] =	ssyncpa.u1 $0x0;
	s10 =	simm.s32 $0x0;
	s9 =	sadd.s32 $0x1, s7  }
.LBB2_4:
0xd: {  	vm1 =	veq.s32 v4, $0x80000000;
	v56 =	vand.u32 $0x1F, v4;
	v6 =	vand.u32 $0x3FFF, v6  }
0xe: {  	v2 =	vor.u32 v2, v5;
	v59 =	vshrl.u32 v1, $0x5;
	v60 =	vand.u32 $0x1F, v1  }
0xf: {  	v4 =	vsel vm1, $0xFFFFFFFF, v56;
	v6 =	vsel vm1, $0xFFFFFFFF, v6;
	v2 =	vor.u32 v3, v2  }
0x10: {  	vm1 =	veq.s32 v1, $0x80000000;
	v5 =	vand.u32 $0x3FFF, v59;
	v7 =	vshrl.u32 v4, $0x3  }
0x11: {  	v57 =	vshll.u32 v6, $0x3;
	v4 =	vshll.u32 v4, $0x7;
	v1 =	vsel vm1, $0xFFFFFFFF, v60  }
0x12: {  	v5 =	vsel vm1, $0xFFFFFFFF, v5;
	v6 =	vand.u32 $0x7F, v6;
	v7 =	vmul.u32 $0x14400, v7  }
0x13: {  	v58 =	vand.u32 $0xFFFFFC00, v57;
	v4 =	vand.u32 $0x380, v4;
	v61 =	vshrl.u32 v1, $0x3  }
0x14: {  	v62 =	vshll.u32 v5, $0x3;
	v3 =	vadd.s32 v7, v58;
	v7 =	vmul.u32 $0x14400, v61  }
0x15: {  	v1 =	vshll.u32 v1, $0x7;
	v3 =	vor.u32 v4, v3;
	v4 =	vand.u32 $0xFFFFFC00, v62  }
0x16: {  	v1 =	vand.u32 $0x380, v1;
	v3 =	vor.u32 v6, v3;
	v4 =	vadd.s32 v7, v4  }
0x17: {  	[tilespmem:s16], [sflag:$0x1] =	stream.indirect_vreg.gather [hbm4b:s2+s10], $0x1, v0, vm0, $0x4038;
	v63 =	vand.u32 $0x7F, v5;
	v1 =	vor.u32 v1, v4;
	[tilespmem:$0x9000] =	vst v63  }
0x18: {  	s15 =	sadd.s32 $0x10, s15;
	(ifvalue) =	ssetifvalue $0x7FFFFFFF;
	v0 =	vor.u32 v63, v1  }
0x19: {  	[tilespmem:s15], [sflag:$0x1] =	stream.indirect_vreg.gather [hbm4b:s2+s10], $0x1, v2, vm0, $0x4038;
	[tilespmem:$0x9000] =	vst v63  }
0x1a: {  	s15 =	sadd.s32 $0x10, s15;
	(ifvalue) =	ssetifvalue $0x7FFFFFFF  }
0x1b: {  	[tilespmem:s15], [sflag:$0x1] =	stream.indirect_vreg.gather [hbm4b:s2+s10], $0x1, v3, vm0, $0x4038;
	[tilespmem:$0x9000] =	vst v63  }
0x1c: {  	s15 =	sadd.s32 $0x10, s15;
	(ifvalue) =	ssetifvalue $0x7FFFFFFF  }
0x1d: {  	[tilespmem:s15], [sflag:$0x1] =	stream.indirect_vreg.gather [hbm4b:s2+s10], $0x1, v0, vm0, $0x4038;
	[tilespmem:$0x9000] =	vst v63  }
0x1e: {  	_ =	swait.ge [sflag:s5], $0x2400  }
0x1f: {  	s30 =	sshrl.u32 s13, $0x3;
	[sflag:s5] =	ssyncset.done $0x0  }
0x20: {  	s31 =	sand.u32 $0x7, s13;
	s15 =	sadd.s32 s8, s30;
	[sflag:s5] =	ssyncadd.s32 $0xFFFFDC00  }
0x21: {  	[hbm4b:s15+s31] =	stream.linear.scatter [tilespmem:s14], [sflag:$0x3], $0x2400, $0x38;
	[tilespmem:$0x9000] =	vst v63  }
.LBB2_5:
0x22: {  	s15 =	sadd.s32 $0x48000, s11  }
0x23: {  	p1 =	sgt.s32 s15, $0x50FFF  }
0x24: {  	s15 =	smov.u32 @p1 s4;
	p1 =	sne.s32 s12, s9  }
.Ltmp1:
0x25: {  	p0 =	slt.u32 s12, $0x2;
	(pc) =	sbr.rel @!p1 .LBB2_6-.Ltmp1, $4  }
0x26: {  	s14 =	simm.s32 @!p0 $0x3  }
0x27: {  	_ =	swait.ge @!p0 [sflag:s14], $0x2400  }
0x28: {  	s16 =	sadd.s32 $0x1, s12;
	s13 =	smov.u32 s11;
	[sflag:s14] =	ssyncset.done @!p0 $0x0  }
0x29: {  	s12 =	smov.u32 s16;
	s11 =	smov.u32 s15;
	[sflag:s14] =	ssyncadd.s32 @!p0 $0xFFFFDC00  }
.LBB2_1:
0x2a: {  	p0 =	sge.u32 s12, s7  }
0x2b: {  	s14 =	sxor.u32 @!p0 $0x1, s12  }
0x2c: {  	s14 =	smul.u32 @!p0 $0x9000, s14  }
0x2d: {  	s31 =	sadd.s32 $0xFFFFFFFF, s12;
	s15 =	sshrl.u32 @!p0 s11, $0x3  }
0x2e: {  	s16 =	sand.u32 @!p0 $0x7, s11;
	s15 =	sadd.s32 @!p0 s3, s15;
	s14 =	sshra.s32 @!p0 s14, $0x2  }
0x2f: {  	[tilespmem:s14], [sflag:$0x2] =	stream.linear.gather @!p0 [hbm4b:s15+s16], $0x2400, $0x38;
	[tilespmem:$0x9000] =	vst v63  }
0x30: {  	p0 =	sge.u32 s31, s7  }
.Ltmp2:
0x31: {  	_ = 	snop;
	(pc) =	sbr.rel @p0 .LBB2_5-.Ltmp2, $1  }
0x32: {  	_ =	sdelay $0x3  }
0x33: {  	s14 =	sand.u32 $0x1, s12  }
0x34: {  	_ =	swait.ge [sflag:s6], $0x2400;
	p0 =	seq.s32 s14, $0x1;
	s14 =	simm.s32 $0x2400  }
0x35: {  	[sflag:s6] =	ssyncset.done $0x0;
	s14 =	simm.s32 @!p0 $0x0  }
0x36: {  	[sflag:s6] =	ssyncadd.s32 $0xFFFFDC00;
	(ifvalue) =	ssetifvalue $0x7FFFFFFF;
	v0 =	vld.msk [tilespmem:s14+$0x0 ss:$0x1], $0xffff  }
0x37: {  	s15 =	sadd.s32 $0x10, s14  }
0x38: {  	v1 =	vld.msk [tilespmem:s15+$0x0 ss:$0x1], $0xffff;
	_ =	sdelay $0x2  }
0x39: {  	v2 =	vshrl.u32 v0, $0x5  }
0x3a: {  	vm1 =	veq.s32 v0, $0x80000000;
	v0 =	vand.u32 $0x1F, v0;
	v2 =	vand.u32 $0x3FFF, v2  }
0x3b: {  	v0 =	vsel vm1, $0xFFFFFFFF, v0;
	v6 =	vshrl.u32 v1, $0x5;
	v2 =	vsel vm1, $0xFFFFFFFF, v2  }
0x3c: {  	v3 =	vshrl.u32 v0, $0x3;
	v0 =	vshll.u32 v0, $0x7;
	vm1 =	veq.s32 v1, $0x80000000  }
0x3d: {  	s15 =	sadd.s32 $0x10, s15;
	v1 =	vand.u32 $0x1F, v1;
	v4 =	vshll.u32 v2, $0x3;
	v3 =	vmul.u32 $0x14400, v3  }
0x3e: {  	v0 =	vand.u32 $0x380, v0;
	v7 =	vand.u32 $0x7F, v2;
	v5 =	vand.u32 $0xFFFFFC00, v4;
	v4 =	vld.msk [tilespmem:s15+$0x0 ss:$0x1], $0xffff  }
0x3f: {  	v1 =	vsel vm1, $0xFFFFFFFF, v1;
	v2 =	vadd.s32 v3, v5;
	v3 =	vand.u32 $0x3FFF, v6  }
0x40: {  	v3 =	vsel vm1, $0xFFFFFFFF, v3;
	v0 =	vor.u32 v0, v2;
	v2 =	vshrl.u32 v1, $0x3  }
0x41: {  	v1 =	vshll.u32 v1, $0x7;
	v5 =	vshll.u32 v3, $0x3;
	v8 =	vmul.u32 $0x14400, v2  }
0x42: {  	s18 =	simm.s32 $0x30;
	s14 =	sor.u32 $0x4800, s14;
	s17 =	sadd.s32 $0x10, s15;
	v2 =	vand.u32 $0x380, v1;
	v0 =	vor.u32 v7, v0;
	v5 =	vand.u32 $0xFFFFFC00, v5  }
0x43: {  	s16 =	smov.u32 s14;
	s15 =	smov.u32 s14;
	v1 =	vld.msk [tilespmem:s17+$0x0 ss:$0x1], $0xffff;
	v3 =	vand.u32 $0x7F, v3;
	(ifvalue) =	ssetifvalue $0x7FFFFFFF;
	v6 =	vshrl.u32 v4, $0x5;
	v5 =	vadd.s32 v8, v5  }
.LBB2_3:
0x44: {  	s18 =	sadd.s32 $0x10, s18  }
0x45: {  	vm1 =	veq.s32 v4, $0x80000000;
	v4 =	vand.u32 $0x1F, v4;
	v6 =	vand.u32 $0x3FFF, v6;
	s15 =	sadd.s32 $0x10, s15;
	p0 =	slt.u32 s18, $0x23F0  }
.Ltmp3:
0x46: {  	v5 =	vor.u32 v2, v5;
	v4 =	vsel vm1, $0xFFFFFFFF, v4;
	v7 =	vsel vm1, $0xFFFFFFFF, v6;
	(pc) =	sbr.rel @p0 .LBB2_3-.Ltmp3, $4  }
0x47: {  	v2 =	vshrl.u32 v4, $0x3;
	v6 =	vshll.u32 v7, $0x3;
	v4 =	vshll.u32 v4, $0x7;
	[tilespmem:s16], [sflag:$0x1] =	stream.indirect_vreg.gather [hbm4b:s2+s10], $0x1, v0, vm0, $0x4038;
	[tilespmem:$0x9000] =	vst v63  }
0x48: {  	v0 =	vor.u32 v3, v5;
	s16 =	smov.u32 s15;
	v8 =	vmul.u32 $0x14400, v2;
	v2 =	vand.u32 $0x380, v4  }
0x49: {  	s17 =	sadd.s32 $0x10, s17;
	v9 =	vand.u32 $0xFFFFFC00, v6  }
0x4a: {  	v3 =	vand.u32 $0x7F, v7;
	v6 =	vshrl.u32 v1, $0x5;
	v5 =	vadd.s32 v8, v9;
	(ifvalue) =	ssetifvalue $0x7FFFFFFF;
	v4 =	vmovc v1;
	v1 =	vld.msk [tilespmem:s17+$0x0 ss:$0x1], $0xffff  }
.Ltmp4:
0x4b: {  	_ = 	snop;
	(pc) =	sbr.rel .LBB2_4-.Ltmp4, $1  }
0x4c: {  	_ =	sdelay $0x3  }
.LBB2_6:
0x4d: {  	_ =	sfence.sel $0x180000  }
0x4e: {  	s2 =	simm.s32 $0x2;
	[bflag:$0x0] =	sbarrier.arrive $0xFFFF  }
0x4f: {  	s30 =	simm.s32 $0x3;
	[sflag:s2] =	ssyncpa.u1 $0x1  }
0x50: {  	s31 =	simm.s32 $0x1;
	[sflag:s30] =	ssyncpa.u1 $0x1  }
0x51: {  	[sflag:s31] =	ssyncpa.u1 $0x1  }
0x52: {  	p0 =	sne.s32 s1, $0x0;
	_ =	strace $0x9000004A  }
0x53: {  	s0 =	sadd.s32 @!p0 $0x100000, s0;
	[bflag:$0x2] =	sbarrier.arrive $0xFFFF  }
0x54: {  	[sflag:s0] =	ssyncadd.tile.s32 @!p0 $0x1;
	_ =	shalt  }
.Lfunc_end2:
_tile_overlayer_lowered:
.L_overlay_start_2:
0x55: {  	(tag) =	ssettag $0x2  }
0x56: {  	s0 =	rddreg [dreg:$0x0];
	s2 =	stileid.u32  }
0x57: {  	s1 =	rddreg [dreg:$0x1];
	p0 =	sne.s32 s2, $0x0  }
0x58: {  	s3 =	rddreg [dreg:$0x2];
	[bflag:$0x3] =	sbarrier.arrive $0xFFFF;
	s2 =	simm.s32 @!p0 $0x1C01  }
0x59: {  	[timem:s3], [sflag:s2] =	dma.local @!p0 [hbm:s0], s1  }
0x5a: {  	s0 =	simm.s32 @!p0 $0x1  }
0x5b: {  	_ =	swait.ge @!p0 [sflag:s0], s1  }
0x5c: {  	s1 =	ssub.s32 @!p0 $0x0, s1;
	[sflag:s0] =	ssyncset.done @!p0 $0x0  }
0x5d: {  	[sflag:s0] =	ssyncadd.s32 @!p0 s1  }
0x5e: {  	[bflag:$0x3] =	sbarrier.arrive $0xFFFF  }
0x5f: {  	_ =	shalt  }

// kernel: kernel.14.cloned.1.call-start
scs
__scs_entry_jumppad:
0x0: {  	(pc) =	sbr.rel $0x88, $3  }
0x1: {  	(tag) =	ssettag $0x0;
	lr =	simm.s32 $0x1  }
0x2: {  	[smem:$0x3F86] =	sst lr;
	_ =	strace $0xD0000000  }
0x3: {  	_ = 	snop  }
0x4: {  	_ = 	snop  }
0x5: {  	_ = 	snop  }
0x6: {  	_ = 	snop  }
0x7: {  	_ = 	snop  }
__scs_overlays_trampoline_lowered:
0x8: {  	[smem:$0x3F95] =	sst s0  }
0x9: {  	[smem:$0x3F96] =	sst s1  }
0xa: {  	[smem:$0x3F97] =	sst s2  }
0xb: {  	[smem:$0x3F98] =	sst s3  }
0xc: {  	[smem:$0x3F99] =	sst s4  }
0xd: {  	[smem:$0x3F9A] =	sst s5  }
0xe: {  	[smem:$0x3F9B] =	sst s6  }
0xf: {  	[smem:$0x3F9C] =	sst s7  }
0x10: {  	[smem:$0x3F9D] =	sst s8  }
0x11: {  	[smem:$0x3F9E] =	sst s9;
	s0 =	simm.s32 @!p0 $0x0  }
0x12: {  	s1 =	sld [smem:$0x3F84];
	s0 =	simm.s32 @p0 $0x1  }
0x13: {  	[smem:$0x3F9F] =	sst s0;
	s0 =	simm.s32 @!p1 $0x0  }
0x14: {  	s2 =	sld [smem:$0x3F83];
	s0 =	simm.s32 @p1 $0x1  }
0x15: {  	[smem:$0x3FA0] =	sst s0;
	s0 =	simm.s32 @!p2 $0x0  }
0x16: {  	s3 =	sld [smem:$0x3FDB];
	s0 =	simm.s32 @p2 $0x1  }
0x17: {  	s4 =	simm.s32 $0x1BF5;
	[smem:$0x3FA2] =	sst s0  }
0x18: {  	s0 =	sld [smem:$0x3F85];
	_ =	swait.ge [sflag:s4], $0x0  }
0x19: {  	s7 =	sld [smem:$0x3F86]  }
0x1a: {  	s8 =	sadd.s32 $0xFFFFE003, lr  }
0x1b: {  	s9 =	sadd.s32 $0xFFFFFEF7, lr;
	s5 =	simm.s32 $0xFFFFFFFF;
	p2 =	slt.u32 s8, $0xFFFFF086  }
0x1c: {  	p1 =	slt.u32 s9, $0xF7A;
	s5 =	simm.s32 @!p2 $0x0  }
0x1d: {  	s5 =	simm.s32 @p1 $0x1;
	p0 =	seq.s32 s7, s2  }
0x1e: {  	s7 =	smul.u32 @!p0 $0xF7A, s2;
	p2 =	seq.s32 @!p0 s5, $0x0  }
0x1f: {  	s9 =	smul.u32 $0xF7A, s1;
	s8 =	simm.s32 @!p0 $0x1BF5;
	p2 =	por !p2, p0  }
0x20: {  	[sflag:s8] =	ssyncset.s32 @!p0 $0xFFFFF086;
	s6 =	sadd.s32 @!p0 s3, s7;
	s7 =	simm.s32 @!p0 $0x108  }
0x21: {  	s3 =	sadd.s32 s3, s9;
	s6 =	sadd.s32 @!p0 $0x88, s6;
	s7 =	simm.s32 @p2 $0x1082  }
0x22: {  	[simem:s7], [sflag:s8] =	dma.local @!p0 [hbm:s6], $0xF7A  }
0x23: {  	s9 =	sor.u32 $0xD0000000, s2;
	s6 =	simm.s32 $0x108;
	_ =	swait.ge @!p0 [sflag:s8], $0x0  }
0x24: {  	s3 =	sadd.s32 $0x88, s3;
	s6 =	simm.s32 @!p1 $0x1082;
	[sflag:s4] =	ssyncset.s32 $0xFFFFF086  }
0x25: {  	[simem:s6], [sflag:s4] =	dma.local [hbm:s3], $0xF7A  }
0x26: {  	[smem:$0x3F86] =	sst s1;
	(tag) =	ssettag s2;
	_ =	strace s9  }
0x27: {  	s1 =	sld [smem:$0x3F96]  }
0x28: {  	s2 =	sld [smem:$0x3F97]  }
0x29: {  	s4 =	sld [smem:$0x3F99]  }
0x2a: {  	p0 =	seq.s32 s5, $0x0;
	s5 =	sld [smem:$0x3F9A]  }
0x2b: {  	s6 =	sld [smem:$0x3F9B]  }
0x2c: {  	s7 =	sld [smem:$0x3F9C]  }
0x2d: {  	s3 =	simm.s32 $0x108;
	s8 =	sld [smem:$0x3F9D]  }
0x2e: {  	s3 =	simm.s32 @!p0 $0x1082;
	s9 =	sld [smem:$0x3F9E]  }
0x2f: {  	lr =	sadd.s32 s0, s3;
	s0 =	sld [smem:$0x3F95]  }
0x30: {  	s3 =	sld [smem:$0x3F98]  }
0x31: {  	[smem:$0x3FA1] =	sst s10  }
0x32: {  	s10 =	sld [smem:$0x3F9F];
	_ =	sdelay $0x3  }
0x33: {  	p0 =	seq.s32 s10, $0x1;
	s10 =	sld [smem:$0x3FA1];
	_ =	sdelay $0x3  }
0x34: {  	[smem:$0x3FA1] =	sst s10  }
0x35: {  	s10 =	sld [smem:$0x3FA0];
	_ =	sdelay $0x3  }
0x36: {  	p1 =	seq.s32 s10, $0x1;
	s10 =	sld [smem:$0x3FA1];
	_ =	sdelay $0x3  }
0x37: {  	[smem:$0x3FA1] =	sst s10  }
0x38: {  	s10 =	sld [smem:$0x3FA2]  }
0x39: {  	_ = 	snop;
	(pc) =	sbr.ind lr, $3  }
0x3a: {  	_ = 	snop  }
0x3b: {  	_ = 	snop  }
0x3c: {  	p2 =	seq.s32 s10, $0x1;
	s10 =	sld [smem:$0x3FA1]  }
0x3d: {  	_ =	shalt  }
0x3e: {  	_ =	shalt  }
0x3f: {  	_ =	shalt  }
0x40: {  	_ =	shalt  }
0x41: {  	_ =	shalt  }
0x42: {  	_ =	shalt  }
0x43: {  	_ =	shalt  }
0x44: {  	_ =	shalt  }
0x45: {  	_ =	shalt  }
0x46: {  	_ =	shalt  }
0x47: {  	_ =	shalt  }
0x48: {  	_ =	shalt  }
0x49: {  	_ =	shalt  }
0x4a: {  	_ =	shalt  }
0x4b: {  	_ =	shalt  }
0x4c: {  	_ =	shalt  }
0x4d: {  	_ =	shalt  }
0x4e: {  	_ =	shalt  }
0x4f: {  	_ =	shalt  }
0x50: {  	_ =	shalt  }
0x51: {  	_ =	shalt  }
0x52: {  	_ =	shalt  }
0x53: {  	_ =	shalt  }
0x54: {  	_ =	shalt  }
0x55: {  	_ =	shalt  }
0x56: {  	_ =	shalt  }
0x57: {  	_ =	shalt  }
0x58: {  	_ =	shalt  }
0x59: {  	_ =	shalt  }
0x5a: {  	_ =	shalt  }
0x5b: {  	_ =	shalt  }
0x5c: {  	_ =	shalt  }
0x5d: {  	_ =	shalt  }
0x5e: {  	_ =	shalt  }
0x5f: {  	_ =	shalt  }
0x60: {  	_ =	shalt  }
0x61: {  	_ =	shalt  }
0x62: {  	_ =	shalt  }
0x63: {  	_ =	shalt  }
0x64: {  	_ =	shalt  }
0x65: {  	_ =	shalt  }
0x66: {  	_ =	shalt  }
0x67: {  	_ =	shalt  }
0x68: {  	_ =	shalt  }
0x69: {  	_ =	shalt  }
0x6a: {  	_ =	shalt  }
0x6b: {  	_ =	shalt  }
0x6c: {  	_ =	shalt  }
0x6d: {  	_ =	shalt  }
0x6e: {  	_ =	shalt  }
0x6f: {  	_ =	shalt  }
0x70: {  	_ =	shalt  }
0x71: {  	_ =	shalt  }
0x72: {  	_ =	shalt  }
0x73: {  	_ =	shalt  }
0x74: {  	_ =	shalt  }
0x75: {  	_ =	shalt  }
0x76: {  	_ =	shalt  }
0x77: {  	_ =	shalt  }
0x78: {  	_ =	shalt  }
0x79: {  	_ =	shalt  }
0x7a: {  	_ =	shalt  }
0x7b: {  	_ =	shalt  }
0x7c: {  	_ =	shalt  }
0x7d: {  	_ =	shalt  }
0x7e: {  	_ =	shalt  }
0x7f: {  	_ =	shalt  }
0x80: {  	_ =	shalt  }
0x81: {  	_ =	shalt  }
0x82: {  	_ =	shalt  }
0x83: {  	_ =	shalt  }
0x84: {  	_ =	shalt  }
0x85: {  	_ =	shalt  }
0x86: {  	_ =	shalt  }
0x87: {  	_ =	shalt  }
.Lfunc_end0:
.L_simem_size_0:
called_computation.2_lowered:
.L_overlay_start_0:
0x88: {  	s2 =	sld [smem:$0x3FD9]  }
0x89: {  	s3 =	sld [smem:$0x3FFE];
	_ =	sdelay $0x1  }
0x8a: {  	s1 =	srdreg.scid  }
0x8b: {  	s0 =	sand.u32 $0x1, s1  }
0x8c: {  	s17 =	sshll.u32 s0, $0xA;
	s2 =	sadd.s32 s3, s2  }
0x8d: {  	s2 =	sadd.s32 s2, s17  }
0x8e: {  	[smem:$0x3FAD] =	sst s2  }
0x8f: {  	_ = 	snop  }
0x90: {  	s18 =	sld [smem:$0x3FD0];
	(tm) =	ssettm $0x1  }
0x91: {  	s19 =	sld [smem:$0x3FFB];
	_ =	sdelay $0x3  }
0x92: {  	_ =	strace s19  }
0x93: {  	s2 =	sld [smem:$0x3FFC];
	_ =	sdelay $0x3  }
0x94: {  	_ =	strace s2  }
0x95: {  	s2 =	sld [smem:$0x3FFD];
	_ =	sdelay $0x3  }
0x96: {  	_ =	strace s2  }
0x97: {  	_ =	strace $0x8FFFFFFF  }
0x98: {  	s20 =	sld [smem:$0x3FDB];
	_ =	sdelay $0x1  }
0x99: {  	s4 =	simm.s32 $_scs_section_size  }
0x9a: {  	s5 =	simm.s32 $_size__tile_overlayer_lowered;
	s6 =	simm.s32 $_tile_overlayer_lowered  }
0x9b: {  	s7 =	simm.s32 $0x1BFF;
	s21 =	sshll.u32 s6, $0x1;
	s4 =	sadd.s32 s4, s20  }
0x9c: {  	s22 =	simm.s32 $0x0;
	s5 =	sshll.u32 s5, $0x1;
	s6 =	sadd.s32 s21, s4  }
0x9d: {  	[timem:s22], [sflag:s7] =	dma.local [hbm:s6], s5  }
0x9e: {  	_ =	swait.ge [sflag:s7], s5  }
0x9f: {  	s5 =	ssub.s32 $0x0, s5;
	[sflag:s7] =	ssyncset.done $0x0  }
0xa0: {  	[sflag:s7] =	ssyncadd.s32 s5;
	_ =	sdelay $0x1  }
0xa1: {  	s23 =	simm.s32 $0x1B8B  }
0xa2: {  	_ =	swait.ge [sflag:s23], $0x1  }
0xa3: {  	[sflag:s23] =	ssyncset.done $0x0  }
0xa4: {  	[sflag:s23] =	ssyncadd.s32 $0xFFFFFFFF  }
0xa5: {  	s5 =	sld [smem:$0x0]  }
0xa6: {  	s6 =	sand.u32 $0xFFFFFFFE, s1  }
0xa7: {  	p0 =	sne.s32 s1, s6  }
0xa8: {  	s6 =	sshll.u32 @p0 s6, $0xE  }
0xa9: {  	s6 =	sadd.s32 @p0 $0x11B8D, s6;
	s7 =	sshll.u32 @p0 s5, $0x11  }
0xaa: {  	s6 =	sor.u32 @p0 s7, s6  }
0xab: {  	[sflag:s6] =	ssyncadd.remote.s32 @p0 $0x1;
	_ =	sdelay $0x1  }
0xac: {  	s6 =	simm.s32 @p0 $0x1B8D  }
0xad: {  	_ =	swait.eq @p0 [sflag:s6], $0x1  }
0xae: {  	[sflag:s6] =	ssyncadd.s32 @p0 $0xFFFFFFFF  }
0xaf: {  	s7 =	sshll.u32 @!p0 s1, $0xE  }
0xb0: {  	s7 =	sor.u32 @!p0 $0x4000, s7;
	s6 =	simm.s32 @!p0 $0x1B8D  }
0xb1: {  	s5 =	sshll.u32 @!p0 s5, $0x11;
	s7 =	sadd.s32 @!p0 $0x11B8D, s7;
	_ =	swait.eq @!p0 [sflag:s6], $0x1  }
0xb2: {  	s5 =	sor.u32 @!p0 s5, s7;
	[sflag:s6] =	ssyncadd.s32 @!p0 $0xFFFFFFFF  }
0xb3: {  	s25 =	simm.s32 $0x1B8E;
	s24 =	sld [smem:$0x3FFE];
	[sflag:s5] =	ssyncadd.remote.s32 @!p0 $0x1  }
0xb4: {  	s26 =	simm.s32 $execute0_lowered;
	[smem:$0x3FD2] =	sst s25  }
0xb5: {  	s6 =	sshll.u32 s26, $0x1;
	_ =	strace $0x8000004F;
	[dreg:$0x1] =	wrdreg $0xFFFFFFFF  }
0xb6: {  	s28 =	simm.s32 $_size_execute0_lowered;
	s4 =	sadd.s32 s4, s6;
	[dreg:$0x0] =	wrdreg $0x0  }
0xb7: {  	s6 =	sshll.u32 s28, $0x1;
	[dreg:$0x2] =	wrdreg s4  }
0xb8: {  	[dreg:$0x3] =	wrdreg s6  }
0xb9: {  	[dreg:$0x4] =	wrdreg $0xC0  }
0xba: {  	_ =	task [dreg:s22], $0x5FFFF  }
0xbb: {  	[dreg:$0x1] =	wrdreg $0xFFFFFFFF  }
0xbc: {  	[dreg:$0x0] =	wrdreg $0x60  }
0xbd: {  	[dreg:$0x2] =	wrdreg s24  }
0xbe: {  	[dreg:$0x3] =	wrdreg s18  }
0xbf: {  	[dreg:$0x4] =	wrdreg $0xB1000  }
0xc0: {  	[dreg:$0x5] =	wrdreg $0x9  }
0xc1: {  	_ =	task.clear_ibuf [dreg:s22], $0x6FFFF;
	_ =	strace $0x9000004F  }
0xc2: {  	s29 =	simm.s32 $0x9;
	_ =	strace $0x80000051  }
0xc3: {  	_ =	swait.ge [sflag:s29], $0x1  }
0xc4: {  	[sflag:s29] =	ssyncadd.s32 $0xFFFFFFFF  }
0xc5: {  	_ =	strace $0x90000051  }
0xc6: {  	_ =	sfence  }
0xc7: {  	s30 =	sld [smem:$0x0];
	_ =	sdelay $0x2  }
0xc8: {  	s31 =	sshll.u32 s1, $0xD;
	s1 =	sshrl.u32 s1, $0x2  }
0xc9: {  	s4 =	sand.u32 $0x4000, s31;
	s1 =	sadd.s32 s1, s30  }
0xca: {  	s0 =	sor.u32 s4, s0;
	s1 =	sshll.u32 s1, $0x11  }
0xcb: {  	s0 =	sor.u32 s1, s0  }
0xcc: {  	s0 =	sadd.s32 $0x8F2B, s0  }
0xcd: {  	[sflag:s0] =	ssyncadd.remote.s32 $0x1  }
0xce: {  	_ =	sfence.sel $0xFFFF  }
0xcf: {  	[dreg:$0x0] =	wrdreg $0xFFFFFFFF;
	(pc) =	sbr.abs _section_cstart, $3  }
0xd0: {  	[dreg:$0x1] =	wrdreg $0xFFFFFFFF  }
0xd1: {  	_ =	task.clear_ibuf [dreg:s22], $0x2FFFF;
	_ =	strace $0x9FFFFFFF  }
0xd2: {  	(tm) =	ssettm $0x7FFFFFFF  }
0xd3: {  	_ =	shalt  }
tec
execute0_lowered:
.L_overlay_start_1:
0x0: {  	(tag) =	ssettag $0x1  }
0x1: {  	s0 =	rddreg [dreg:$0x0]  }
0x2: {  	s2 =	rddreg [dreg:$0x2];
	s1 =	srdreg.scid;
	s4 =	simm.s32 $0x0  }
0x3: {  	s9 =	stileid.u32;
	s28 =	simm.s32 $0x1;
	s29 =	simm.s32 $0x2  }
0x4: {  	s30 =	simm.s32 $0x80;
	s31 =	simm.s32 $0x5100;
	s1 =	sand.u32 $0x1, s1  }
0x5: {  	[smem:$0x7FF] =	sst s4;
	s5 =	sadd.s32 $0x38C00, s0;
	s8 =	smul.u32 $0x28000, s9  }
0x6: {  	s19 =	smul.u32 $0xA000, s9;
	s3 =	sshll.u32 s1, $0x4;
	_ =	strace $0x80000050  }
0x7: {  	s6 =	ssub.s32 $0x2, s1;
	s1 =	smul.u32 $0xA0000, s1;
	s3 =	sor.u32 s9, s3  }
0x8: {  	s7 =	sshrl.u32 s6, $0x1;
	s8 =	sshrl.u32 s8, $0x2;
	s22 =	sadd.s32 s19, s2  }
0x9: {  	s16 =	sadd.s32 $0x2000, s19;
	s25 =	sadd.s32 $0x4000, s19;
	s20 =	sadd.s32 $0x6000, s19  }
0xa: {  	s3 =	smul.u32 $0x510, s3;
	s10 =	ssub.s32 s6, s7;
	s8 =	sadd.s32 s8, s2  }
0xb: {  	[dreg:$0x6] =	wrdreg s22;
	s23 =	sadd.s32 s1, s19;
	s17 =	sadd.s32 s1, s16  }
0xc: {  	s16 =	sadd.s32 s16, s2;
	s18 =	sadd.s32 s25, s2;
	s22 =	sadd.s32 $0x8000, s19  }
0xd: {  	s10 =	smax.u32 s10, $0x1;
	s11 =	sadd.s32 $0x2000, s8;
	s12 =	sadd.s32 $0x4000, s8  }
0xe: {  	s13 =	sadd.s32 $0x6000, s8;
	s14 =	sadd.s32 $0x8000, s8;
	s3 =	sadd.s32 s3, s0  }
0xf: {  	s24 =	sshrl.u32 s17, $0x3;
	s0 =	sadd.s32 $0x4CC00, s0;
	s21 =	sadd.s32 $0x7F200, s3  }
0x10: {  	s3 =	sadd.s32 $0x6A00, s3;
	s17 =	sadd.s32 s0, s24;
	[dreg:$0x4] =	wrdreg s21  }
0x11: {  	[dreg:$0x5] =	wrdreg s3;
	s3 =	sshrl.u32 s23, $0x3;
	s21 =	sadd.s32 s1, s20  }
0x12: {  	s20 =	sadd.s32 s20, s2;
	s15 =	sadd.s32 s0, s3;
	s3 =	sadd.s32 s1, s25  }
0x13: {  	s26 =	sshrl.u32 s21, $0x3;
	s1 =	sadd.s32 s1, s22;
	s22 =	sadd.s32 s22, s2  }
0x14: {  	s25 =	simm.s32 $0x9100;
	s3 =	sshrl.u32 s3, $0x3;
	s21 =	sadd.s32 s0, s26  }
0x15: {  	s1 =	sshrl.u32 s1, $0x3;
	s26 =	simm.s32 $0x3;
	s19 =	sadd.s32 s0, s3  }
0x16: {  	s23 =	sadd.s32 s0, s1;
	s0 =	simm.s32 $0x7100;
	s1 =	simm.s32 $0x0  }
.LBB2_1:
0x17: {  	s3 =	rddreg [dreg:$0x4]  }
0x18: {  	[tilespmem:s4], [sflag:$0x1] =	stream.linear.gather [hbm4b:s3+s4], $0x2880, $0x38;
	[tilespmem:$0x15100] =	vst v63  }
0x19: {  	s9 =	rddreg [dreg:$0x5];
	s6 =	simm.s32 $0x2880  }
0x1a: {  	[tilespmem:s6], [sflag:$0x2] =	stream.linear.gather [hbm4b:s9+s4], $0x2880, $0x38;
	[tilespmem:$0x15100] =	vst v63  }
0x1b: {  	s24 =	rddreg [dreg:$0x1]  }
0x1c: {  	[tilespmem:s25], [sflag:$0x3] =	stream.linear.gather [hbm4b:s24+s4], $0x2000, $0x38;
	[tilespmem:$0x15100] =	vst v63  }
0x1d: {  	_ =	swait.ge [sflag:s26], $0x2000  }
0x1e: {  	[sflag:s26] =	ssyncset.done $0x0  }
0x1f: {  	[sflag:s26] =	ssyncadd.s32 $0xFFFFE000  }
0x20: {  	[spmem:s8] =	stream.linear.scatter [tilespmem:s25], [sflag:$0x3], $0x2000, $0x38;
	[tilespmem:$0x15100] =	vst v63  }
0x21: {  	_ =	swait.ge [sflag:s26], $0x2000  }
0x22: {  	[sflag:s26] =	ssyncset.done $0x0  }
0x23: {  	[sflag:s26] =	ssyncadd.s32 $0xFFFFE000  }
0x24: {  	[spmem:s11] =	stream.linear.scatter [tilespmem:s25], [sflag:$0x3], $0x2000, $0x38;
	[tilespmem:$0x15100] =	vst v63  }
0x25: {  	_ =	swait.ge [sflag:s26], $0x2000  }
0x26: {  	[sflag:s26] =	ssyncset.done $0x0  }
0x27: {  	[sflag:s26] =	ssyncadd.s32 $0xFFFFE000  }
0x28: {  	[spmem:s12] =	stream.linear.scatter [tilespmem:s25], [sflag:$0x3], $0x2000, $0x38;
	[tilespmem:$0x15100] =	vst v63  }
0x29: {  	_ =	swait.ge [sflag:s26], $0x2000  }
0x2a: {  	[sflag:s26] =	ssyncset.done $0x0  }
0x2b: {  	[sflag:s26] =	ssyncadd.s32 $0xFFFFE000  }
0x2c: {  	[spmem:s13] =	stream.linear.scatter [tilespmem:s25], [sflag:$0x3], $0x2000, $0x38;
	[tilespmem:$0x15100] =	vst v63  }
0x2d: {  	_ =	swait.ge [sflag:s26], $0x2000  }
0x2e: {  	[sflag:s26] =	ssyncset.done $0x0  }
0x2f: {  	[sflag:s26] =	ssyncadd.s32 $0xFFFFE000  }
0x30: {  	[spmem:s14] =	stream.linear.scatter [tilespmem:s25], [sflag:$0x3], $0x2000, $0x38;
	[tilespmem:$0x15100] =	vst v63  }
0x31: {  	_ =	swait.ge [sflag:s26], $0x2000  }
0x32: {  	[sflag:s26] =	ssyncset.done $0x0  }
0x33: {  	[sflag:s26] =	ssyncadd.s32 $0xFFFFE000  }
0x34: {  	_ =	swait.ge [sflag:s28], $0x2880  }
0x35: {  	[sflag:s28] =	ssyncset.done $0x0  }
0x36: {  	[sflag:s28] =	ssyncadd.s32 $0xFFFFD780  }
0x37: {  	_ =	swait.ge [sflag:s29], $0x2880  }
0x38: {  	[sflag:s29] =	ssyncset.done $0x0  }
0x39: {  	[sflag:s29] =	ssyncadd.s32 $0xFFFFD780  }
0x3a: {  	[bflag:$0x0] =	sbarrier.arrive $0xFFFF  }
0x3b: {  	[tilespmem:s31], [sflag:$0x1] =	stream.indirect.gather [hbm4b:s5+s30], $0x40, s4, s30, $0xb8;
	[tilespmem:$0x15100] =	vst v63  }
0x3c: {  	s6 =	simm.s32 $0x80  }
0x3d: {  	[tilespmem:s0], [sflag:$0x2] =	stream.indirect.gather [hbm4b:s5+s30], $0x40, s6, s30, $0xb8;
	[tilespmem:$0x15100] =	vst v63  }
0x3e: {  	_ =	swait.ge [sflag:s28], $0x2000  }
0x3f: {  	[sflag:s28] =	ssyncset.done $0x0  }
0x40: {  	s7 =	simm.s32 $0x2880;
	[sflag:s28] =	ssyncadd.s32 $0xFFFFE000  }
0x41: {  	[spmem:s2] =	stream.indirect.scatter.add.f32 [tilespmem:s31], [sflag:$0x3], $0x40, s7, s30, $0xb8;
	[tilespmem:$0x15100] =	vst v63  }
0x42: {  	_ =	swait.ge [sflag:s26], $0x2000  }
0x43: {  	[sflag:s26] =	ssyncset.done $0x0  }
0x44: {  	s9 =	simm.s32 $0x100;
	[sflag:s26] =	ssyncadd.s32 $0xFFFFE000  }
0x45: {  	[tilespmem:s31], [sflag:$0x1] =	stream.indirect.gather [hbm4b:s5+s30], $0x40, s9, s30, $0xb8;
	[tilespmem:$0x15100] =	vst v63  }
0x46: {  	_ =	swait.ge [sflag:s29], $0x2000  }
0x47: {  	[sflag:s29] =	ssyncset.done $0x0  }
0x48: {  	s24 =	simm.s32 $0x2900;
	[sflag:s29] =	ssyncadd.s32 $0xFFFFE000  }
0x49: {  	[spmem:s2] =	stream.indirect.scatter.add.f32 [tilespmem:s0], [sflag:$0x3], $0x40, s24, s30, $0xb8;
	[tilespmem:$0x15100] =	vst v63  }
0x4a: {  	_ =	swait.ge [sflag:s26], $0x2000  }
0x4b: {  	s3 =	simm.s32 $0x800;
	s24 =	simm.s32 $0x100;
	[sflag:s26] =	ssyncset.done $0x0  }
.LBB2_2:
0x4c: {  	s6 =	sadd.s32 $0x80, s24  }
0x4d: {  	[sflag:s26] =	ssyncadd.s32 $0xFFFFE000;
	s7 =	smov.u32 s3;
	s9 =	sadd.s32 $0x400, s3  }
0x4e: {  	[tilespmem:s0], [sflag:$0x2] =	stream.indirect.gather [hbm4b:s5+s30], $0x40, s6, s30, $0xb8;
	[tilespmem:$0x15100] =	vst v63  }
0x4f: {  	p0 =	sne.s32 s3, $0x9C00;
	_ =	swait.ge [sflag:s28], $0x2000  }
0x50: {  	[sflag:s28] =	ssyncset.done $0x0  }
0x51: {  	s3 =	sadd.s32 $0x2880, s24;
	[sflag:s28] =	ssyncadd.s32 $0xFFFFE000  }
0x52: {  	[spmem:s2] =	stream.indirect.scatter.add.f32 [tilespmem:s31], [sflag:$0x3], $0x40, s3, s30, $0xb8;
	[tilespmem:$0x15100] =	vst v63  }
0x53: {  	_ =	swait.ge [sflag:s26], $0x2000  }
0x54: {  	[sflag:s26] =	ssyncset.done $0x0  }
0x55: {  	s3 =	sadd.s32 $0x100, s24;
	[sflag:s26] =	ssyncadd.s32 $0xFFFFE000  }
0x56: {  	[tilespmem:s31], [sflag:$0x1] =	stream.indirect.gather [hbm4b:s5+s30], $0x40, s3, s30, $0xb8;
	[tilespmem:$0x15100] =	vst v63  }
0x57: {  	_ =	swait.ge [sflag:s29], $0x2000  }
.Ltmp0:
0x58: {  	[sflag:s29] =	ssyncset.done $0x0;
	(pc) =	sbr.rel @p0 .LBB2_2-.Ltmp0, $4  }
0x59: {  	s3 =	sadd.s32 $0x2900, s24;
	[sflag:s29] =	ssyncadd.s32 $0xFFFFE000  }
0x5a: {  	[spmem:s2] =	stream.indirect.scatter.add.f32 [tilespmem:s0], [sflag:$0x3], $0x40, s3, s30, $0xb8;
	[tilespmem:$0x15100] =	vst v63  }
0x5b: {  	_ =	swait.ge [sflag:s26], $0x2000  }
0x5c: {  	s24 =	sshra.s32 s7, $0x2;
	s3 =	smov.u32 s9;
	[sflag:s26] =	ssyncset.done $0x0  }
0x5d: {  	s3 =	sadd.s32 $0x80, s24;
	[sflag:s26] =	ssyncadd.s32 $0xFFFFE000  }
0x5e: {  	[tilespmem:s0], [sflag:$0x2] =	stream.indirect.gather [hbm4b:s5+s30], $0x40, s3, s30, $0xb8;
	[tilespmem:$0x15100] =	vst v63  }
0x5f: {  	_ =	swait.ge [sflag:s28], $0x2000  }
0x60: {  	[sflag:s28] =	ssyncset.done $0x0  }
0x61: {  	s9 =	sadd.s32 $0x2880, s24;
	[sflag:s28] =	ssyncadd.s32 $0xFFFFE000  }
0x62: {  	[spmem:s2] =	stream.indirect.scatter.add.f32 [tilespmem:s31], [sflag:$0x3], $0x40, s9, s30, $0xb8;
	[tilespmem:$0x15100] =	vst v63  }
0x63: {  	_ =	swait.ge [sflag:s26], $0x2000  }
0x64: {  	[sflag:s26] =	ssyncset.done $0x0  }
0x65: {  	s6 =	sadd.s32 $0x100, s24;
	[sflag:s26] =	ssyncadd.s32 $0xFFFFE000  }
0x66: {  	[tilespmem:s31], [sflag:$0x1] =	stream.indirect.gather [hbm4b:s5+s30], $0x40, s6, s30, $0xb8;
	[tilespmem:$0x15100] =	vst v63  }
0x67: {  	_ =	swait.ge [sflag:s29], $0x2000  }
0x68: {  	[sflag:s29] =	ssyncset.done $0x0  }
0x69: {  	s7 =	sadd.s32 $0x2900, s24;
	[sflag:s29] =	ssyncadd.s32 $0xFFFFE000  }
0x6a: {  	[spmem:s2] =	stream.indirect.scatter.add.f32 [tilespmem:s0], [sflag:$0x3], $0x40, s7, s30, $0xb8;
	[tilespmem:$0x15100] =	vst v63  }
0x6b: {  	_ =	swait.ge [sflag:s26], $0x2000  }
0x6c: {  	[sflag:s26] =	ssyncset.done $0x0  }
0x6d: {  	[sflag:s26] =	ssyncadd.s32 $0xFFFFE000  }
0x6e: {  	_ =	swait.ge [sflag:s28], $0x2000  }
0x6f: {  	[sflag:s28] =	ssyncset.done $0x0  }
0x70: {  	s9 =	simm.s32 $0x5080;
	[sflag:s28] =	ssyncadd.s32 $0xFFFFE000  }
0x71: {  	[spmem:s2] =	stream.indirect.scatter.add.f32 [tilespmem:s31], [sflag:$0x3], $0x40, s9, s30, $0xb8;
	[tilespmem:$0x15100] =	vst v63  }
0x72: {  	_ =	swait.ge [sflag:s26], $0x2000  }
0x73: {  	[sflag:s26] =	ssyncset.done $0x0  }
0x74: {  	[sflag:s26] =	ssyncadd.s32 $0xFFFFE000  }
0x75: {  	[bflag:$0x0] =	sbarrier.arrive $0xFFFF  }
0x76: {  	s24 =	rddreg [dreg:$0x6]  }
0x77: {  	[tilespmem:s25], [sflag:$0x3] =	stream.linear.gather [spmem:s24], $0x2000, $0x38;
	[tilespmem:$0x15100] =	vst v63  }
0x78: {  	_ =	swait.ge [sflag:s26], $0x2000  }
0x79: {  	[sflag:s26] =	ssyncset.done $0x0  }
0x7a: {  	[sflag:s26] =	ssyncadd.s32 $0xFFFFE000  }
0x7b: {  	[hbm4b:s15+s4] =	stream.linear.scatter [tilespmem:s25], [sflag:$0x3], $0x2000, $0x38;
	[tilespmem:$0x15100] =	vst v63  }
0x7c: {  	_ =	swait.ge [sflag:s26], $0x2000  }
0x7d: {  	[sflag:s26] =	ssyncset.done $0x0  }
0x7e: {  	[sflag:s26] =	ssyncadd.s32 $0xFFFFE000  }
0x7f: {  	[tilespmem:s25], [sflag:$0x3] =	stream.linear.gather [spmem:s16], $0x2000, $0x38;
	[tilespmem:$0x15100] =	vst v63  }
0x80: {  	_ =	swait.ge [sflag:s26], $0x2000  }
0x81: {  	[sflag:s26] =	ssyncset.done $0x0  }
0x82: {  	[sflag:s26] =	ssyncadd.s32 $0xFFFFE000  }
0x83: {  	[hbm4b:s17+s4] =	stream.linear.scatter [tilespmem:s25], [sflag:$0x3], $0x2000, $0x38;
	[tilespmem:$0x15100] =	vst v63  }
0x84: {  	_ =	swait.ge [sflag:s26], $0x2000  }
0x85: {  	[sflag:s26] =	ssyncset.done $0x0  }
0x86: {  	[sflag:s26] =	ssyncadd.s32 $0xFFFFE000  }
0x87: {  	[tilespmem:s25], [sflag:$0x3] =	stream.linear.gather [spmem:s18], $0x2000, $0x38;
	[tilespmem:$0x15100] =	vst v63  }
0x88: {  	_ =	swait.ge [sflag:s26], $0x2000  }
0x89: {  	[sflag:s26] =	ssyncset.done $0x0  }
0x8a: {  	[sflag:s26] =	ssyncadd.s32 $0xFFFFE000  }
0x8b: {  	[hbm4b:s19+s4] =	stream.linear.scatter [tilespmem:s25], [sflag:$0x3], $0x2000, $0x38;
	[tilespmem:$0x15100] =	vst v63  }
0x8c: {  	_ =	swait.ge [sflag:s26], $0x2000  }
0x8d: {  	[sflag:s26] =	ssyncset.done $0x0  }
0x8e: {  	[sflag:s26] =	ssyncadd.s32 $0xFFFFE000  }
0x8f: {  	[tilespmem:s25], [sflag:$0x3] =	stream.linear.gather [spmem:s20], $0x2000, $0x38;
	[tilespmem:$0x15100] =	vst v63  }
0x90: {  	_ =	swait.ge [sflag:s26], $0x2000  }
0x91: {  	[sflag:s26] =	ssyncset.done $0x0  }
0x92: {  	[sflag:s26] =	ssyncadd.s32 $0xFFFFE000  }
0x93: {  	[hbm4b:s21+s4] =	stream.linear.scatter [tilespmem:s25], [sflag:$0x3], $0x2000, $0x38;
	[tilespmem:$0x15100] =	vst v63  }
0x94: {  	_ =	swait.ge [sflag:s26], $0x2000  }
0x95: {  	[sflag:s26] =	ssyncset.done $0x0  }
0x96: {  	[sflag:s26] =	ssyncadd.s32 $0xFFFFE000  }
0x97: {  	[tilespmem:s25], [sflag:$0x3] =	stream.linear.gather [spmem:s22], $0x2000, $0x38;
	[tilespmem:$0x15100] =	vst v63  }
0x98: {  	s1 =	sadd.s32 $0x1, s1;
	_ =	swait.ge [sflag:s26], $0x2000  }
0x99: {  	p0 =	sne.s32 s1, s10;
	[sflag:s26] =	ssyncset.done $0x0  }
.Ltmp1:
0x9a: {  	[sflag:s26] =	ssyncadd.s32 $0xFFFFE000;
	(pc) =	sbr.rel @p0 .LBB2_1-.Ltmp1, $4  }
0x9b: {  	[hbm4b:s23+s4] =	stream.linear.scatter [tilespmem:s25], [sflag:$0x3], $0x2000, $0x38;
	[tilespmem:$0x15100] =	vst v63  }
0x9c: {  	_ =	swait.ge [sflag:s26], $0x2000  }
0x9d: {  	[sflag:s26] =	ssyncset.done $0x0  }
0x9e: {  	[sflag:s26] =	ssyncadd.s32 $0xFFFFE000  }
0x9f: {  	_ =	sfence.sel $0x180000  }
0xa0: {  	[bflag:$0x0] =	sbarrier.arrive $0xFFFF  }
0xa1: {  	_ =	strace $0x90000050  }
0xa2: {  	s0 =	stileid.u32;
	[bflag:$0x2] =	sbarrier.arrive $0xFFFF  }
0xa3: {  	p0 =	sne.s32 s0, $0x0;
	s0 =	rddreg [dreg:$0x3]  }
0xa4: {  	s0 =	sadd.s32 @!p0 $0x100000, s0  }
0xa5: {  	[sflag:s0] =	ssyncadd.tile.s32 @!p0 $0x1;
	_ =	shalt  }
.Lfunc_end2:
_tile_overlayer_lowered:
.L_overlay_start_2:
0xa6: {  	(tag) =	ssettag $0x2  }
0xa7: {  	s0 =	rddreg [dreg:$0x0];
	s2 =	stileid.u32  }
0xa8: {  	s1 =	rddreg [dreg:$0x1];
	p0 =	sne.s32 s2, $0x0  }
0xa9: {  	s3 =	rddreg [dreg:$0x2];
	[bflag:$0x3] =	sbarrier.arrive $0xFFFF;
	s2 =	simm.s32 @!p0 $0x1C03  }
0xaa: {  	[timem:s3], [sflag:s2] =	dma.local @!p0 [hbm:s0], s1  }
0xab: {  	s0 =	simm.s32 @!p0 $0x3  }
0xac: {  	_ =	swait.ge @!p0 [sflag:s0], s1  }
0xad: {  	s1 =	ssub.s32 @!p0 $0x0, s1;
	[sflag:s0] =	ssyncset.done @!p0 $0x0  }
0xae: {  	[sflag:s0] =	ssyncadd.s32 @!p0 s1  }
0xaf: {  	[bflag:$0x3] =	sbarrier.arrive $0xFFFF  }
0xb0: {  	_ =	shalt  }

// kernel: kernel.17.cloned.1.call-start
scs
__scs_entry_jumppad:
0x0: {  	(pc) =	sbr.rel $0x88, $3  }
0x1: {  	(tag) =	ssettag $0x0;
	lr =	simm.s32 $0x1  }
0x2: {  	[smem:$0x3F86] =	sst lr;
	_ =	strace $0xD0000000  }
0x3: {  	_ = 	snop  }
0x4: {  	_ = 	snop  }
0x5: {  	_ = 	snop  }
0x6: {  	_ = 	snop  }
0x7: {  	_ = 	snop  }
__scs_overlays_trampoline_lowered:
0x8: {  	[smem:$0x3F95] =	sst s0  }
0x9: {  	[smem:$0x3F96] =	sst s1  }
0xa: {  	[smem:$0x3F97] =	sst s2  }
0xb: {  	[smem:$0x3F98] =	sst s3  }
0xc: {  	[smem:$0x3F99] =	sst s4  }
0xd: {  	[smem:$0x3F9A] =	sst s5  }
0xe: {  	[smem:$0x3F9B] =	sst s6  }
0xf: {  	[smem:$0x3F9C] =	sst s7  }
0x10: {  	[smem:$0x3F9D] =	sst s8  }
0x11: {  	[smem:$0x3F9E] =	sst s9;
	s0 =	simm.s32 @!p0 $0x0  }
0x12: {  	s1 =	sld [smem:$0x3F84];
	s0 =	simm.s32 @p0 $0x1  }
0x13: {  	[smem:$0x3F9F] =	sst s0;
	s0 =	simm.s32 @!p1 $0x0  }
0x14: {  	s2 =	sld [smem:$0x3F83];
	s0 =	simm.s32 @p1 $0x1  }
0x15: {  	[smem:$0x3FA0] =	sst s0;
	s0 =	simm.s32 @!p2 $0x0  }
0x16: {  	s3 =	sld [smem:$0x3FDB];
	s0 =	simm.s32 @p2 $0x1  }
0x17: {  	s4 =	simm.s32 $0x1BF5;
	[smem:$0x3FA2] =	sst s0  }
0x18: {  	s0 =	sld [smem:$0x3F85];
	_ =	swait.ge [sflag:s4], $0x0  }
0x19: {  	s7 =	sld [smem:$0x3F86]  }
0x1a: {  	s8 =	sadd.s32 $0xFFFFE003, lr  }
0x1b: {  	s9 =	sadd.s32 $0xFFFFFEF7, lr;
	s5 =	simm.s32 $0xFFFFFFFF;
	p2 =	slt.u32 s8, $0xFFFFF086  }
0x1c: {  	p1 =	slt.u32 s9, $0xF7A;
	s5 =	simm.s32 @!p2 $0x0  }
0x1d: {  	s5 =	simm.s32 @p1 $0x1;
	p0 =	seq.s32 s7, s2  }
0x1e: {  	s7 =	smul.u32 @!p0 $0xF7A, s2;
	p2 =	seq.s32 @!p0 s5, $0x0  }
0x1f: {  	s9 =	smul.u32 $0xF7A, s1;
	s8 =	simm.s32 @!p0 $0x1BF5;
	p2 =	por !p2, p0  }
0x20: {  	[sflag:s8] =	ssyncset.s32 @!p0 $0xFFFFF086;
	s6 =	sadd.s32 @!p0 s3, s7;
	s7 =	simm.s32 @!p0 $0x108  }
0x21: {  	s3 =	sadd.s32 s3, s9;
	s6 =	sadd.s32 @!p0 $0x88, s6;
	s7 =	simm.s32 @p2 $0x1082  }
0x22: {  	[simem:s7], [sflag:s8] =	dma.local @!p0 [hbm:s6], $0xF7A  }
0x23: {  	s9 =	sor.u32 $0xD0000000, s2;
	s6 =	simm.s32 $0x108;
	_ =	swait.ge @!p0 [sflag:s8], $0x0  }
0x24: {  	s3 =	sadd.s32 $0x88, s3;
	s6 =	simm.s32 @!p1 $0x1082;
	[sflag:s4] =	ssyncset.s32 $0xFFFFF086  }
0x25: {  	[simem:s6], [sflag:s4] =	dma.local [hbm:s3], $0xF7A  }
0x26: {  	[smem:$0x3F86] =	sst s1;
	(tag) =	ssettag s2;
	_ =	strace s9  }
0x27: {  	s1 =	sld [smem:$0x3F96]  }
0x28: {  	s2 =	sld [smem:$0x3F97]  }
0x29: {  	s4 =	sld [smem:$0x3F99]  }
0x2a: {  	p0 =	seq.s32 s5, $0x0;
	s5 =	sld [smem:$0x3F9A]  }
0x2b: {  	s6 =	sld [smem:$0x3F9B]  }
0x2c: {  	s7 =	sld [smem:$0x3F9C]  }
0x2d: {  	s3 =	simm.s32 $0x108;
	s8 =	sld [smem:$0x3F9D]  }
0x2e: {  	s3 =	simm.s32 @!p0 $0x1082;
	s9 =	sld [smem:$0x3F9E]  }
0x2f: {  	lr =	sadd.s32 s0, s3;
	s0 =	sld [smem:$0x3F95]  }
0x30: {  	s3 =	sld [smem:$0x3F98]  }
0x31: {  	[smem:$0x3FA1] =	sst s10  }
0x32: {  	s10 =	sld [smem:$0x3F9F];
	_ =	sdelay $0x3  }
0x33: {  	p0 =	seq.s32 s10, $0x1;
	s10 =	sld [smem:$0x3FA1];
	_ =	sdelay $0x3  }
0x34: {  	[smem:$0x3FA1] =	sst s10  }
0x35: {  	s10 =	sld [smem:$0x3FA0];
	_ =	sdelay $0x3  }
0x36: {  	p1 =	seq.s32 s10, $0x1;
	s10 =	sld [smem:$0x3FA1];
	_ =	sdelay $0x3  }
0x37: {  	[smem:$0x3FA1] =	sst s10  }
0x38: {  	s10 =	sld [smem:$0x3FA2]  }
0x39: {  	_ = 	snop;
	(pc) =	sbr.ind lr, $3  }
0x3a: {  	_ = 	snop  }
0x3b: {  	_ = 	snop  }
0x3c: {  	p2 =	seq.s32 s10, $0x1;
	s10 =	sld [smem:$0x3FA1]  }
0x3d: {  	_ =	shalt  }
0x3e: {  	_ =	shalt  }
0x3f: {  	_ =	shalt  }
0x40: {  	_ =	shalt  }
0x41: {  	_ =	shalt  }
0x42: {  	_ =	shalt  }
0x43: {  	_ =	shalt  }
0x44: {  	_ =	shalt  }
0x45: {  	_ =	shalt  }
0x46: {  	_ =	shalt  }
0x47: {  	_ =	shalt  }
0x48: {  	_ =	shalt  }
0x49: {  	_ =	shalt  }
0x4a: {  	_ =	shalt  }
0x4b: {  	_ =	shalt  }
0x4c: {  	_ =	shalt  }
0x4d: {  	_ =	shalt  }
0x4e: {  	_ =	shalt  }
0x4f: {  	_ =	shalt  }
0x50: {  	_ =	shalt  }
0x51: {  	_ =	shalt  }
0x52: {  	_ =	shalt  }
0x53: {  	_ =	shalt  }
0x54: {  	_ =	shalt  }
0x55: {  	_ =	shalt  }
0x56: {  	_ =	shalt  }
0x57: {  	_ =	shalt  }
0x58: {  	_ =	shalt  }
0x59: {  	_ =	shalt  }
0x5a: {  	_ =	shalt  }
0x5b: {  	_ =	shalt  }
0x5c: {  	_ =	shalt  }
0x5d: {  	_ =	shalt  }
0x5e: {  	_ =	shalt  }
0x5f: {  	_ =	shalt  }
0x60: {  	_ =	shalt  }
0x61: {  	_ =	shalt  }
0x62: {  	_ =	shalt  }
0x63: {  	_ =	shalt  }
0x64: {  	_ =	shalt  }
0x65: {  	_ =	shalt  }
0x66: {  	_ =	shalt  }
0x67: {  	_ =	shalt  }
0x68: {  	_ =	shalt  }
0x69: {  	_ =	shalt  }
0x6a: {  	_ =	shalt  }
0x6b: {  	_ =	shalt  }
0x6c: {  	_ =	shalt  }
0x6d: {  	_ =	shalt  }
0x6e: {  	_ =	shalt  }
0x6f: {  	_ =	shalt  }
0x70: {  	_ =	shalt  }
0x71: {  	_ =	shalt  }
0x72: {  	_ =	shalt  }
0x73: {  	_ =	shalt  }
0x74: {  	_ =	shalt  }
0x75: {  	_ =	shalt  }
0x76: {  	_ =	shalt  }
0x77: {  	_ =	shalt  }
0x78: {  	_ =	shalt  }
0x79: {  	_ =	shalt  }
0x7a: {  	_ =	shalt  }
0x7b: {  	_ =	shalt  }
0x7c: {  	_ =	shalt  }
0x7d: {  	_ =	shalt  }
0x7e: {  	_ =	shalt  }
0x7f: {  	_ =	shalt  }
0x80: {  	_ =	shalt  }
0x81: {  	_ =	shalt  }
0x82: {  	_ =	shalt  }
0x83: {  	_ =	shalt  }
0x84: {  	_ =	shalt  }
0x85: {  	_ =	shalt  }
0x86: {  	_ =	shalt  }
0x87: {  	_ =	shalt  }
.Lfunc_end0:
.L_simem_size_0:
called_computation.3_lowered:
.L_overlay_start_0:
0x88: {  	s2 =	sld [smem:$0x3FD9]  }
0x89: {  	s3 =	sld [smem:$0x3FFE];
	_ =	sdelay $0x1  }
0x8a: {  	s1 =	srdreg.scid  }
0x8b: {  	s0 =	sand.u32 $0x1, s1  }
0x8c: {  	s17 =	sshll.u32 s0, $0xA;
	s2 =	sadd.s32 s3, s2  }
0x8d: {  	s2 =	sadd.s32 s2, s17  }
0x8e: {  	[smem:$0x3FAD] =	sst s2  }
0x8f: {  	_ = 	snop  }
0x90: {  	s2 =	sld [smem:$0x3FD0];
	(tm) =	ssettm $0x1  }
0x91: {  	s18 =	sld [smem:$0x3FFB];
	_ =	sdelay $0x3  }
0x92: {  	_ =	strace s18  }
0x93: {  	s3 =	sld [smem:$0x3FFC];
	_ =	sdelay $0x3  }
0x94: {  	_ =	strace s3  }
0x95: {  	s3 =	sld [smem:$0x3FFD];
	_ =	sdelay $0x3  }
0x96: {  	_ =	strace s3  }
0x97: {  	_ =	strace $0x8FFFFFFF  }
0x98: {  	s19 =	sld [smem:$0x3FDB];
	_ =	sdelay $0x1  }
0x99: {  	s4 =	simm.s32 $_scs_section_size  }
0x9a: {  	s5 =	simm.s32 $_size__tile_overlayer_lowered;
	s6 =	simm.s32 $_tile_overlayer_lowered  }
0x9b: {  	s22 =	simm.s32 $0x1BFF;
	s21 =	sshll.u32 s6, $0x1;
	s3 =	sadd.s32 s4, s19  }
0x9c: {  	s7 =	simm.s32 $0x0;
	s20 =	sshll.u32 s5, $0x1;
	s5 =	sadd.s32 s21, s3  }
0x9d: {  	[timem:s7], [sflag:s22] =	dma.local [hbm:s5], s20  }
0x9e: {  	_ =	swait.ge [sflag:s22], s20  }
0x9f: {  	s4 =	ssub.s32 $0x0, s20;
	[sflag:s22] =	ssyncset.done $0x0  }
0xa0: {  	[sflag:s22] =	ssyncadd.s32 s4;
	_ =	sdelay $0x1  }
0xa1: {  	s23 =	simm.s32 $0x1B8B  }
0xa2: {  	_ =	swait.ge [sflag:s23], $0x1  }
0xa3: {  	[sflag:s23] =	ssyncset.done $0x0  }
0xa4: {  	s25 =	simm.s32 $0x1B8E;
	s24 =	sld [smem:$0x3FFE];
	[sflag:s23] =	ssyncadd.s32 $0xFFFFFFFF  }
0xa5: {  	s26 =	simm.s32 $execute0_lowered;
	[smem:$0x3FD2] =	sst s25  }
0xa6: {  	s5 =	sshll.u32 s26, $0x1;
	_ =	strace $0x8000004C;
	[dreg:$0x1] =	wrdreg $0xFFFFFFFF  }
0xa7: {  	s28 =	simm.s32 $_size_execute0_lowered;
	s3 =	sadd.s32 s3, s5;
	[dreg:$0x0] =	wrdreg $0x0  }
0xa8: {  	s5 =	sshll.u32 s28, $0x1;
	[dreg:$0x2] =	wrdreg s3  }
0xa9: {  	[dreg:$0x3] =	wrdreg s5  }
0xaa: {  	[dreg:$0x4] =	wrdreg $0xC0  }
0xab: {  	_ =	task [dreg:s7], $0x5FFFF  }
0xac: {  	[dreg:$0x1] =	wrdreg $0xFFFFFFFF  }
0xad: {  	[dreg:$0x0] =	wrdreg $0x60  }
0xae: {  	[dreg:$0x2] =	wrdreg s24  }
0xaf: {  	[dreg:$0x3] =	wrdreg s2  }
0xb0: {  	[dreg:$0x4] =	wrdreg $0xB1000  }
0xb1: {  	[dreg:$0x5] =	wrdreg $0xA  }
0xb2: {  	_ =	task.clear_ibuf [dreg:s7], $0x6FFFF;
	_ =	strace $0x9000004C  }
0xb3: {  	s29 =	simm.s32 $0xA;
	_ =	strace $0x8000004E  }
0xb4: {  	_ =	swait.ge [sflag:s29], $0x1  }
0xb5: {  	[sflag:s29] =	ssyncadd.s32 $0xFFFFFFFF  }
0xb6: {  	_ =	strace $0x9000004E  }
0xb7: {  	_ =	sfence  }
0xb8: {  	s30 =	sld [smem:$0x0];
	_ =	sdelay $0x2  }
0xb9: {  	s31 =	sshll.u32 s1, $0xD;
	s1 =	sshrl.u32 s1, $0x2  }
0xba: {  	s3 =	sand.u32 $0x4000, s31;
	s1 =	sadd.s32 s1, s30  }
0xbb: {  	s0 =	sor.u32 s3, s0;
	s1 =	sshll.u32 s1, $0x11  }
0xbc: {  	s0 =	sor.u32 s1, s0  }
0xbd: {  	s0 =	sadd.s32 $0x8F2B, s0  }
0xbe: {  	[sflag:s0] =	ssyncadd.remote.s32 $0x1  }
0xbf: {  	_ =	sfence.sel $0xFFFF  }
0xc0: {  	[dreg:$0x0] =	wrdreg $0xFFFFFFFF;
	(pc) =	sbr.abs _section_cstart, $3  }
0xc1: {  	[dreg:$0x1] =	wrdreg $0xFFFFFFFF  }
0xc2: {  	_ =	task.clear_ibuf [dreg:s7], $0x2FFFF;
	_ =	strace $0x9FFFFFFF  }
0xc3: {  	(tm) =	ssettm $0x7FFFFFFF  }
tec
execute0_lowered:
.L_overlay_start_1:
0x0: {  	(tag) =	ssettag $0x1  }
0x1: {  	s0 =	rddreg [dreg:$0x0]  }
0x2: {  	s2 =	rddreg [dreg:$0x2];
	s1 =	srdreg.scid;
	s4 =	simm.s32 $0x0  }
0x3: {  	s9 =	stileid.u32;
	s28 =	simm.s32 $0x1;
	s29 =	simm.s32 $0x2  }
0x4: {  	s30 =	simm.s32 $0x80;
	s31 =	simm.s32 $0x5100;
	s1 =	sand.u32 $0x1, s1  }
0x5: {  	[smem:$0x7FF] =	sst s4;
	s5 =	sadd.s32 $0x89400, s0;
	s8 =	smul.u32 $0x28000, s9  }
0x6: {  	s19 =	smul.u32 $0xA000, s9;
	s3 =	sshll.u32 s1, $0x4;
	_ =	strace $0x8000004D  }
0x7: {  	s6 =	ssub.s32 $0x2, s1;
	s1 =	smul.u32 $0xA0000, s1;
	s3 =	sor.u32 s9, s3  }
0x8: {  	s7 =	sshrl.u32 s6, $0x1;
	s8 =	sshrl.u32 s8, $0x2;
	s22 =	sadd.s32 s19, s2  }
0x9: {  	s16 =	sadd.s32 $0x2000, s19;
	s25 =	sadd.s32 $0x4000, s19;
	s20 =	sadd.s32 $0x6000, s19  }
0xa: {  	s3 =	smul.u32 $0x510, s3;
	s10 =	ssub.s32 s6, s7;
	s8 =	sadd.s32 s8, s2  }
0xb: {  	[dreg:$0x6] =	wrdreg s22;
	s23 =	sadd.s32 s1, s19;
	s17 =	sadd.s32 s1, s16  }
0xc: {  	s16 =	sadd.s32 s16, s2;
	s18 =	sadd.s32 s25, s2;
	s22 =	sadd.s32 $0x8000, s19  }
0xd: {  	s10 =	smax.u32 s10, $0x1;
	s11 =	sadd.s32 $0x2000, s8;
	s12 =	sadd.s32 $0x4000, s8  }
0xe: {  	s13 =	sadd.s32 $0x6000, s8;
	s14 =	sadd.s32 $0x8000, s8;
	s3 =	sadd.s32 s3, s0  }
0xf: {  	s24 =	sshrl.u32 s17, $0x3;
	s0 =	sadd.s32 $0x10C00, s0;
	s21 =	sadd.s32 $0x7F200, s3  }
0x10: {  	s3 =	sadd.s32 $0x6A00, s3;
	s17 =	sadd.s32 s0, s24;
	[dreg:$0x4] =	wrdreg s21  }
0x11: {  	[dreg:$0x5] =	wrdreg s3;
	s3 =	sshrl.u32 s23, $0x3;
	s21 =	sadd.s32 s1, s20  }
0x12: {  	s20 =	sadd.s32 s20, s2;
	s15 =	sadd.s32 s0, s3;
	s3 =	sadd.s32 s1, s25  }
0x13: {  	s26 =	sshrl.u32 s21, $0x3;
	s1 =	sadd.s32 s1, s22;
	s22 =	sadd.s32 s22, s2  }
0x14: {  	s25 =	simm.s32 $0x9100;
	s3 =	sshrl.u32 s3, $0x3;
	s21 =	sadd.s32 s0, s26  }
0x15: {  	s1 =	sshrl.u32 s1, $0x3;
	s26 =	simm.s32 $0x3;
	s19 =	sadd.s32 s0, s3  }
0x16: {  	s23 =	sadd.s32 s0, s1;
	s0 =	simm.s32 $0x7100;
	s1 =	simm.s32 $0x0  }
.LBB2_1:
0x17: {  	s3 =	rddreg [dreg:$0x4]  }
0x18: {  	[tilespmem:s4], [sflag:$0x1] =	stream.linear.gather [hbm4b:s3+s4], $0x2880, $0x38;
	[tilespmem:$0x15100] =	vst v63  }
0x19: {  	s9 =	rddreg [dreg:$0x5];
	s6 =	simm.s32 $0x2880  }
0x1a: {  	[tilespmem:s6], [sflag:$0x2] =	stream.linear.gather [hbm4b:s9+s4], $0x2880, $0x38;
	[tilespmem:$0x15100] =	vst v63  }
0x1b: {  	s24 =	rddreg [dreg:$0x1]  }
0x1c: {  	[tilespmem:s25], [sflag:$0x3] =	stream.linear.gather [hbm4b:s24+s4], $0x2000, $0x38;
	[tilespmem:$0x15100] =	vst v63  }
0x1d: {  	_ =	swait.ge [sflag:s26], $0x2000  }
0x1e: {  	[sflag:s26] =	ssyncset.done $0x0  }
0x1f: {  	[sflag:s26] =	ssyncadd.s32 $0xFFFFE000  }
0x20: {  	[spmem:s8] =	stream.linear.scatter [tilespmem:s25], [sflag:$0x3], $0x2000, $0x38;
	[tilespmem:$0x15100] =	vst v63  }
0x21: {  	_ =	swait.ge [sflag:s26], $0x2000  }
0x22: {  	[sflag:s26] =	ssyncset.done $0x0  }
0x23: {  	[sflag:s26] =	ssyncadd.s32 $0xFFFFE000  }
0x24: {  	[spmem:s11] =	stream.linear.scatter [tilespmem:s25], [sflag:$0x3], $0x2000, $0x38;
	[tilespmem:$0x15100] =	vst v63  }
0x25: {  	_ =	swait.ge [sflag:s26], $0x2000  }
0x26: {  	[sflag:s26] =	ssyncset.done $0x0  }
0x27: {  	[sflag:s26] =	ssyncadd.s32 $0xFFFFE000  }
0x28: {  	[spmem:s12] =	stream.linear.scatter [tilespmem:s25], [sflag:$0x3], $0x2000, $0x38;
	[tilespmem:$0x15100] =	vst v63  }
0x29: {  	_ =	swait.ge [sflag:s26], $0x2000  }
0x2a: {  	[sflag:s26] =	ssyncset.done $0x0  }
0x2b: {  	[sflag:s26] =	ssyncadd.s32 $0xFFFFE000  }
0x2c: {  	[spmem:s13] =	stream.linear.scatter [tilespmem:s25], [sflag:$0x3], $0x2000, $0x38;
	[tilespmem:$0x15100] =	vst v63  }
0x2d: {  	_ =	swait.ge [sflag:s26], $0x2000  }
0x2e: {  	[sflag:s26] =	ssyncset.done $0x0  }
0x2f: {  	[sflag:s26] =	ssyncadd.s32 $0xFFFFE000  }
0x30: {  	[spmem:s14] =	stream.linear.scatter [tilespmem:s25], [sflag:$0x3], $0x2000, $0x38;
	[tilespmem:$0x15100] =	vst v63  }
0x31: {  	_ =	swait.ge [sflag:s26], $0x2000  }
0x32: {  	[sflag:s26] =	ssyncset.done $0x0  }
0x33: {  	[sflag:s26] =	ssyncadd.s32 $0xFFFFE000  }
0x34: {  	_ =	swait.ge [sflag:s28], $0x2880  }
0x35: {  	[sflag:s28] =	ssyncset.done $0x0  }
0x36: {  	[sflag:s28] =	ssyncadd.s32 $0xFFFFD780  }
0x37: {  	_ =	swait.ge [sflag:s29], $0x2880  }
0x38: {  	[sflag:s29] =	ssyncset.done $0x0  }
0x39: {  	[sflag:s29] =	ssyncadd.s32 $0xFFFFD780  }
0x3a: {  	[bflag:$0x0] =	sbarrier.arrive $0xFFFF  }
0x3b: {  	[tilespmem:s31], [sflag:$0x1] =	stream.indirect.gather [hbm4b:s5+s30], $0x40, s4, s30, $0xb8;
	[tilespmem:$0x15100] =	vst v63  }
0x3c: {  	s6 =	simm.s32 $0x80  }
0x3d: {  	[tilespmem:s0], [sflag:$0x2] =	stream.indirect.gather [hbm4b:s5+s30], $0x40, s6, s30, $0xb8;
	[tilespmem:$0x15100] =	vst v63  }
0x3e: {  	_ =	swait.ge [sflag:s28], $0x2000  }
0x3f: {  	[sflag:s28] =	ssyncset.done $0x0  }
0x40: {  	s7 =	simm.s32 $0x2880;
	[sflag:s28] =	ssyncadd.s32 $0xFFFFE000  }
0x41: {  	[spmem:s2] =	stream.indirect.scatter.add.f32 [tilespmem:s31], [sflag:$0x3], $0x40, s7, s30, $0xb8;
	[tilespmem:$0x15100] =	vst v63  }
0x42: {  	_ =	swait.ge [sflag:s26], $0x2000  }
0x43: {  	[sflag:s26] =	ssyncset.done $0x0  }
0x44: {  	s9 =	simm.s32 $0x100;
	[sflag:s26] =	ssyncadd.s32 $0xFFFFE000  }
0x45: {  	[tilespmem:s31], [sflag:$0x1] =	stream.indirect.gather [hbm4b:s5+s30], $0x40, s9, s30, $0xb8;
	[tilespmem:$0x15100] =	vst v63  }
0x46: {  	_ =	swait.ge [sflag:s29], $0x2000  }
0x47: {  	[sflag:s29] =	ssyncset.done $0x0  }
0x48: {  	s24 =	simm.s32 $0x2900;
	[sflag:s29] =	ssyncadd.s32 $0xFFFFE000  }
0x49: {  	[spmem:s2] =	stream.indirect.scatter.add.f32 [tilespmem:s0], [sflag:$0x3], $0x40, s24, s30, $0xb8;
	[tilespmem:$0x15100] =	vst v63  }
0x4a: {  	_ =	swait.ge [sflag:s26], $0x2000  }
0x4b: {  	s3 =	simm.s32 $0x800;
	s24 =	simm.s32 $0x100;
	[sflag:s26] =	ssyncset.done $0x0  }
.LBB2_2:
0x4c: {  	s6 =	sadd.s32 $0x80, s24  }
0x4d: {  	[sflag:s26] =	ssyncadd.s32 $0xFFFFE000;
	s7 =	smov.u32 s3;
	s9 =	sadd.s32 $0x400, s3  }
0x4e: {  	[tilespmem:s0], [sflag:$0x2] =	stream.indirect.gather [hbm4b:s5+s30], $0x40, s6, s30, $0xb8;
	[tilespmem:$0x15100] =	vst v63  }
0x4f: {  	p0 =	sne.s32 s3, $0x9C00;
	_ =	swait.ge [sflag:s28], $0x2000  }
0x50: {  	[sflag:s28] =	ssyncset.done $0x0  }
0x51: {  	s3 =	sadd.s32 $0x2880, s24;
	[sflag:s28] =	ssyncadd.s32 $0xFFFFE000  }
0x52: {  	[spmem:s2] =	stream.indirect.scatter.add.f32 [tilespmem:s31], [sflag:$0x3], $0x40, s3, s30, $0xb8;
	[tilespmem:$0x15100] =	vst v63  }
0x53: {  	_ =	swait.ge [sflag:s26], $0x2000  }
0x54: {  	[sflag:s26] =	ssyncset.done $0x0  }
0x55: {  	s3 =	sadd.s32 $0x100, s24;
	[sflag:s26] =	ssyncadd.s32 $0xFFFFE000  }
0x56: {  	[tilespmem:s31], [sflag:$0x1] =	stream.indirect.gather [hbm4b:s5+s30], $0x40, s3, s30, $0xb8;
	[tilespmem:$0x15100] =	vst v63  }
0x57: {  	_ =	swait.ge [sflag:s29], $0x2000  }
.Ltmp0:
0x58: {  	[sflag:s29] =	ssyncset.done $0x0;
	(pc) =	sbr.rel @p0 .LBB2_2-.Ltmp0, $4  }
0x59: {  	s3 =	sadd.s32 $0x2900, s24;
	[sflag:s29] =	ssyncadd.s32 $0xFFFFE000  }
0x5a: {  	[spmem:s2] =	stream.indirect.scatter.add.f32 [tilespmem:s0], [sflag:$0x3], $0x40, s3, s30, $0xb8;
	[tilespmem:$0x15100] =	vst v63  }
0x5b: {  	_ =	swait.ge [sflag:s26], $0x2000  }
0x5c: {  	s24 =	sshra.s32 s7, $0x2;
	s3 =	smov.u32 s9;
	[sflag:s26] =	ssyncset.done $0x0  }
0x5d: {  	s3 =	sadd.s32 $0x80, s24;
	[sflag:s26] =	ssyncadd.s32 $0xFFFFE000  }
0x5e: {  	[tilespmem:s0], [sflag:$0x2] =	stream.indirect.gather [hbm4b:s5+s30], $0x40, s3, s30, $0xb8;
	[tilespmem:$0x15100] =	vst v63  }
0x5f: {  	_ =	swait.ge [sflag:s28], $0x2000  }
0x60: {  	[sflag:s28] =	ssyncset.done $0x0  }
0x61: {  	s9 =	sadd.s32 $0x2880, s24;
	[sflag:s28] =	ssyncadd.s32 $0xFFFFE000  }
0x62: {  	[spmem:s2] =	stream.indirect.scatter.add.f32 [tilespmem:s31], [sflag:$0x3], $0x40, s9, s30, $0xb8;
	[tilespmem:$0x15100] =	vst v63  }
0x63: {  	_ =	swait.ge [sflag:s26], $0x2000  }
0x64: {  	[sflag:s26] =	ssyncset.done $0x0  }
0x65: {  	s6 =	sadd.s32 $0x100, s24;
	[sflag:s26] =	ssyncadd.s32 $0xFFFFE000  }
0x66: {  	[tilespmem:s31], [sflag:$0x1] =	stream.indirect.gather [hbm4b:s5+s30], $0x40, s6, s30, $0xb8;
	[tilespmem:$0x15100] =	vst v63  }
0x67: {  	_ =	swait.ge [sflag:s29], $0x2000  }
0x68: {  	[sflag:s29] =	ssyncset.done $0x0  }
0x69: {  	s7 =	sadd.s32 $0x2900, s24;
	[sflag:s29] =	ssyncadd.s32 $0xFFFFE000  }
0x6a: {  	[spmem:s2] =	stream.indirect.scatter.add.f32 [tilespmem:s0], [sflag:$0x3], $0x40, s7, s30, $0xb8;
	[tilespmem:$0x15100] =	vst v63  }
0x6b: {  	_ =	swait.ge [sflag:s26], $0x2000  }
0x6c: {  	[sflag:s26] =	ssyncset.done $0x0  }
0x6d: {  	[sflag:s26] =	ssyncadd.s32 $0xFFFFE000  }
0x6e: {  	_ =	swait.ge [sflag:s28], $0x2000  }
0x6f: {  	[sflag:s28] =	ssyncset.done $0x0  }
0x70: {  	s9 =	simm.s32 $0x5080;
	[sflag:s28] =	ssyncadd.s32 $0xFFFFE000  }
0x71: {  	[spmem:s2] =	stream.indirect.scatter.add.f32 [tilespmem:s31], [sflag:$0x3], $0x40, s9, s30, $0xb8;
	[tilespmem:$0x15100] =	vst v63  }
0x72: {  	_ =	swait.ge [sflag:s26], $0x2000  }
0x73: {  	[sflag:s26] =	ssyncset.done $0x0  }
0x74: {  	[sflag:s26] =	ssyncadd.s32 $0xFFFFE000  }
0x75: {  	[bflag:$0x0] =	sbarrier.arrive $0xFFFF  }
0x76: {  	s24 =	rddreg [dreg:$0x6]  }
0x77: {  	[tilespmem:s25], [sflag:$0x3] =	stream.linear.gather [spmem:s24], $0x2000, $0x38;
	[tilespmem:$0x15100] =	vst v63  }
0x78: {  	_ =	swait.ge [sflag:s26], $0x2000  }
0x79: {  	[sflag:s26] =	ssyncset.done $0x0  }
0x7a: {  	[sflag:s26] =	ssyncadd.s32 $0xFFFFE000  }
0x7b: {  	[hbm4b:s15+s4] =	stream.linear.scatter [tilespmem:s25], [sflag:$0x3], $0x2000, $0x38;
	[tilespmem:$0x15100] =	vst v63  }
0x7c: {  	_ =	swait.ge [sflag:s26], $0x2000  }
0x7d: {  	[sflag:s26] =	ssyncset.done $0x0  }
0x7e: {  	[sflag:s26] =	ssyncadd.s32 $0xFFFFE000  }
0x7f: {  	[tilespmem:s25], [sflag:$0x3] =	stream.linear.gather [spmem:s16], $0x2000, $0x38;
	[tilespmem:$0x15100] =	vst v63  }
0x80: {  	_ =	swait.ge [sflag:s26], $0x2000  }
0x81: {  	[sflag:s26] =	ssyncset.done $0x0  }
0x82: {  	[sflag:s26] =	ssyncadd.s32 $0xFFFFE000  }
0x83: {  	[hbm4b:s17+s4] =	stream.linear.scatter [tilespmem:s25], [sflag:$0x3], $0x2000, $0x38;
	[tilespmem:$0x15100] =	vst v63  }
0x84: {  	_ =	swait.ge [sflag:s26], $0x2000  }
0x85: {  	[sflag:s26] =	ssyncset.done $0x0  }
0x86: {  	[sflag:s26] =	ssyncadd.s32 $0xFFFFE000  }
0x87: {  	[tilespmem:s25], [sflag:$0x3] =	stream.linear.gather [spmem:s18], $0x2000, $0x38;
	[tilespmem:$0x15100] =	vst v63  }
0x88: {  	_ =	swait.ge [sflag:s26], $0x2000  }
0x89: {  	[sflag:s26] =	ssyncset.done $0x0  }
0x8a: {  	[sflag:s26] =	ssyncadd.s32 $0xFFFFE000  }
0x8b: {  	[hbm4b:s19+s4] =	stream.linear.scatter [tilespmem:s25], [sflag:$0x3], $0x2000, $0x38;
	[tilespmem:$0x15100] =	vst v63  }
0x8c: {  	_ =	swait.ge [sflag:s26], $0x2000  }
0x8d: {  	[sflag:s26] =	ssyncset.done $0x0  }
0x8e: {  	[sflag:s26] =	ssyncadd.s32 $0xFFFFE000  }
0x8f: {  	[tilespmem:s25], [sflag:$0x3] =	stream.linear.gather [spmem:s20], $0x2000, $0x38;
	[tilespmem:$0x15100] =	vst v63  }
0x90: {  	_ =	swait.ge [sflag:s26], $0x2000  }
0x91: {  	[sflag:s26] =	ssyncset.done $0x0  }
0x92: {  	[sflag:s26] =	ssyncadd.s32 $0xFFFFE000  }
0x93: {  	[hbm4b:s21+s4] =	stream.linear.scatter [tilespmem:s25], [sflag:$0x3], $0x2000, $0x38;
	[tilespmem:$0x15100] =	vst v63  }
0x94: {  	_ =	swait.ge [sflag:s26], $0x2000  }
0x95: {  	[sflag:s26] =	ssyncset.done $0x0  }
0x96: {  	[sflag:s26] =	ssyncadd.s32 $0xFFFFE000  }
0x97: {  	[tilespmem:s25], [sflag:$0x3] =	stream.linear.gather [spmem:s22], $0x2000, $0x38;
	[tilespmem:$0x15100] =	vst v63  }
0x98: {  	s1 =	sadd.s32 $0x1, s1;
	_ =	swait.ge [sflag:s26], $0x2000  }
0x99: {  	p0 =	sne.s32 s1, s10;
	[sflag:s26] =	ssyncset.done $0x0  }
.Ltmp1:
0x9a: {  	[sflag:s26] =	ssyncadd.s32 $0xFFFFE000;
	(pc) =	sbr.rel @p0 .LBB2_1-.Ltmp1, $4  }
0x9b: {  	[hbm4b:s23+s4] =	stream.linear.scatter [tilespmem:s25], [sflag:$0x3], $0x2000, $0x38;
	[tilespmem:$0x15100] =	vst v63  }
0x9c: {  	_ =	swait.ge [sflag:s26], $0x2000  }
0x9d: {  	[sflag:s26] =	ssyncset.done $0x0  }
0x9e: {  	[sflag:s26] =	ssyncadd.s32 $0xFFFFE000  }
0x9f: {  	_ =	sfence.sel $0x180000  }
0xa0: {  	[bflag:$0x0] =	sbarrier.arrive $0xFFFF  }
0xa1: {  	_ =	strace $0x9000004D  }
0xa2: {  	s0 =	stileid.u32;
	[bflag:$0x2] =	sbarrier.arrive $0xFFFF  }
0xa3: {  	p0 =	sne.s32 s0, $0x0;
	s0 =	rddreg [dreg:$0x3]  }
0xa4: {  	s0 =	sadd.s32 @!p0 $0x100000, s0  }
0xa5: {  	[sflag:s0] =	ssyncadd.tile.s32 @!p0 $0x1;
	_ =	shalt  }
.Lfunc_end2:
_tile_overlayer_lowered:
.L_overlay_start_2:
0xa6: {  	(tag) =	ssettag $0x2  }
0xa7: {  	s0 =	rddreg [dreg:$0x0];
	s2 =	stileid.u32  }
0xa8: {  	s1 =	rddreg [dreg:$0x1];
	p0 =	sne.s32 s2, $0x0  }
0xa9: {  	s3 =	rddreg [dreg:$0x2];
	[bflag:$0x3] =	sbarrier.arrive $0xFFFF;
	s2 =	simm.s32 @!p0 $0x1C03  }
0xaa: {  	[timem:s3], [sflag:s2] =	dma.local @!p0 [hbm:s0], s1  }
0xab: {  	s0 =	simm.s32 @!p0 $0x3  }
0xac: {  	_ =	swait.ge @!p0 [sflag:s0], s1  }
0xad: {  	s1 =	ssub.s32 @!p0 $0x0, s1;
	[sflag:s0] =	ssyncset.done @!p0 $0x0  }
0xae: {  	[sflag:s0] =	ssyncadd.s32 @!p0 s1  }
0xaf: {  	[bflag:$0x3] =	sbarrier.arrive $0xFFFF  }
0xb0: {  	_ =	shalt  }

// kernel: kernel.20.cloned.1.call-start
scs
__scs_entry_jumppad:
0x0: {  	(pc) =	sbr.rel $0x88, $3  }
0x1: {  	(tag) =	ssettag $0x0;
	lr =	simm.s32 $0x1  }
0x2: {  	[smem:$0x3F86] =	sst lr;
	_ =	strace $0xD0000000  }
0x3: {  	_ = 	snop  }
0x4: {  	_ = 	snop  }
0x5: {  	_ = 	snop  }
0x6: {  	_ = 	snop  }
0x7: {  	_ = 	snop  }
__scs_overlays_trampoline_lowered:
0x8: {  	[smem:$0x3F95] =	sst s0  }
0x9: {  	[smem:$0x3F96] =	sst s1  }
0xa: {  	[smem:$0x3F97] =	sst s2  }
0xb: {  	[smem:$0x3F98] =	sst s3  }
0xc: {  	[smem:$0x3F99] =	sst s4  }
0xd: {  	[smem:$0x3F9A] =	sst s5  }
0xe: {  	[smem:$0x3F9B] =	sst s6  }
0xf: {  	[smem:$0x3F9C] =	sst s7  }
0x10: {  	[smem:$0x3F9D] =	sst s8  }
0x11: {  	[smem:$0x3F9E] =	sst s9;
	s0 =	simm.s32 @!p0 $0x0  }
0x12: {  	s1 =	sld [smem:$0x3F84];
	s0 =	simm.s32 @p0 $0x1  }
0x13: {  	[smem:$0x3F9F] =	sst s0;
	s0 =	simm.s32 @!p1 $0x0  }
0x14: {  	s2 =	sld [smem:$0x3F83];
	s0 =	simm.s32 @p1 $0x1  }
0x15: {  	[smem:$0x3FA0] =	sst s0;
	s0 =	simm.s32 @!p2 $0x0  }
0x16: {  	s3 =	sld [smem:$0x3FDB];
	s0 =	simm.s32 @p2 $0x1  }
0x17: {  	s4 =	simm.s32 $0x1BF5;
	[smem:$0x3FA2] =	sst s0  }
0x18: {  	s0 =	sld [smem:$0x3F85];
	_ =	swait.ge [sflag:s4], $0x0  }
0x19: {  	s7 =	sld [smem:$0x3F86]  }
0x1a: {  	s8 =	sadd.s32 $0xFFFFE003, lr  }
0x1b: {  	s9 =	sadd.s32 $0xFFFFFEF7, lr;
	s5 =	simm.s32 $0xFFFFFFFF;
	p2 =	slt.u32 s8, $0xFFFFF086  }
0x1c: {  	p1 =	slt.u32 s9, $0xF7A;
	s5 =	simm.s32 @!p2 $0x0  }
0x1d: {  	s5 =	simm.s32 @p1 $0x1;
	p0 =	seq.s32 s7, s2  }
0x1e: {  	s7 =	smul.u32 @!p0 $0xF7A, s2;
	p2 =	seq.s32 @!p0 s5, $0x0  }
0x1f: {  	s9 =	smul.u32 $0xF7A, s1;
	s8 =	simm.s32 @!p0 $0x1BF5;
	p2 =	por !p2, p0  }
0x20: {  	[sflag:s8] =	ssyncset.s32 @!p0 $0xFFFFF086;
	s6 =	sadd.s32 @!p0 s3, s7;
	s7 =	simm.s32 @!p0 $0x108  }
0x21: {  	s3 =	sadd.s32 s3, s9;
	s6 =	sadd.s32 @!p0 $0x88, s6;
	s7 =	simm.s32 @p2 $0x1082  }
0x22: {  	[simem:s7], [sflag:s8] =	dma.local @!p0 [hbm:s6], $0xF7A  }
0x23: {  	s9 =	sor.u32 $0xD0000000, s2;
	s6 =	simm.s32 $0x108;
	_ =	swait.ge @!p0 [sflag:s8], $0x0  }
0x24: {  	s3 =	sadd.s32 $0x88, s3;
	s6 =	simm.s32 @!p1 $0x1082;
	[sflag:s4] =	ssyncset.s32 $0xFFFFF086  }
0x25: {  	[simem:s6], [sflag:s4] =	dma.local [hbm:s3], $0xF7A  }
0x26: {  	[smem:$0x3F86] =	sst s1;
	(tag) =	ssettag s2;
	_ =	strace s9  }
0x27: {  	s1 =	sld [smem:$0x3F96]  }
0x28: {  	s2 =	sld [smem:$0x3F97]  }
0x29: {  	s4 =	sld [smem:$0x3F99]  }
0x2a: {  	p0 =	seq.s32 s5, $0x0;
	s5 =	sld [smem:$0x3F9A]  }
0x2b: {  	s6 =	sld [smem:$0x3F9B]  }
0x2c: {  	s7 =	sld [smem:$0x3F9C]  }
0x2d: {  	s3 =	simm.s32 $0x108;
	s8 =	sld [smem:$0x3F9D]  }
0x2e: {  	s3 =	simm.s32 @!p0 $0x1082;
	s9 =	sld [smem:$0x3F9E]  }
0x2f: {  	lr =	sadd.s32 s0, s3;
	s0 =	sld [smem:$0x3F95]  }
0x30: {  	s3 =	sld [smem:$0x3F98]  }
0x31: {  	[smem:$0x3FA1] =	sst s10  }
0x32: {  	s10 =	sld [smem:$0x3F9F];
	_ =	sdelay $0x3  }
0x33: {  	p0 =	seq.s32 s10, $0x1;
	s10 =	sld [smem:$0x3FA1];
	_ =	sdelay $0x3  }
0x34: {  	[smem:$0x3FA1] =	sst s10  }
0x35: {  	s10 =	sld [smem:$0x3FA0];
	_ =	sdelay $0x3  }
0x36: {  	p1 =	seq.s32 s10, $0x1;
	s10 =	sld [smem:$0x3FA1];
	_ =	sdelay $0x3  }
0x37: {  	[smem:$0x3FA1] =	sst s10  }
0x38: {  	s10 =	sld [smem:$0x3FA2]  }
0x39: {  	_ = 	snop;
	(pc) =	sbr.ind lr, $3  }
0x3a: {  	_ = 	snop  }
0x3b: {  	_ = 	snop  }
0x3c: {  	p2 =	seq.s32 s10, $0x1;
	s10 =	sld [smem:$0x3FA1]  }
0x3d: {  	_ =	shalt  }
0x3e: {  	_ =	shalt  }
0x3f: {  	_ =	shalt  }
0x40: {  	_ =	shalt  }
0x41: {  	_ =	shalt  }
0x42: {  	_ =	shalt  }
0x43: {  	_ =	shalt  }
0x44: {  	_ =	shalt  }
0x45: {  	_ =	shalt  }
0x46: {  	_ =	shalt  }
0x47: {  	_ =	shalt  }
0x48: {  	_ =	shalt  }
0x49: {  	_ =	shalt  }
0x4a: {  	_ =	shalt  }
0x4b: {  	_ =	shalt  }
0x4c: {  	_ =	shalt  }
0x4d: {  	_ =	shalt  }
0x4e: {  	_ =	shalt  }
0x4f: {  	_ =	shalt  }
0x50: {  	_ =	shalt  }
0x51: {  	_ =	shalt  }
0x52: {  	_ =	shalt  }
0x53: {  	_ =	shalt  }
0x54: {  	_ =	shalt  }
0x55: {  	_ =	shalt  }
0x56: {  	_ =	shalt  }
0x57: {  	_ =	shalt  }
0x58: {  	_ =	shalt  }
0x59: {  	_ =	shalt  }
0x5a: {  	_ =	shalt  }
0x5b: {  	_ =	shalt  }
0x5c: {  	_ =	shalt  }
0x5d: {  	_ =	shalt  }
0x5e: {  	_ =	shalt  }
0x5f: {  	_ =	shalt  }
0x60: {  	_ =	shalt  }
0x61: {  	_ =	shalt  }
0x62: {  	_ =	shalt  }
0x63: {  	_ =	shalt  }
0x64: {  	_ =	shalt  }
0x65: {  	_ =	shalt  }
0x66: {  	_ =	shalt  }
0x67: {  	_ =	shalt  }
0x68: {  	_ =	shalt  }
0x69: {  	_ =	shalt  }
0x6a: {  	_ =	shalt  }
0x6b: {  	_ =	shalt  }
0x6c: {  	_ =	shalt  }
0x6d: {  	_ =	shalt  }
0x6e: {  	_ =	shalt  }
0x6f: {  	_ =	shalt  }
0x70: {  	_ =	shalt  }
0x71: {  	_ =	shalt  }
0x72: {  	_ =	shalt  }
0x73: {  	_ =	shalt  }
0x74: {  	_ =	shalt  }
0x75: {  	_ =	shalt  }
0x76: {  	_ =	shalt  }
0x77: {  	_ =	shalt  }
0x78: {  	_ =	shalt  }
0x79: {  	_ =	shalt  }
0x7a: {  	_ =	shalt  }
0x7b: {  	_ =	shalt  }
0x7c: {  	_ =	shalt  }
0x7d: {  	_ =	shalt  }
0x7e: {  	_ =	shalt  }
0x7f: {  	_ =	shalt  }
0x80: {  	_ =	shalt  }
0x81: {  	_ =	shalt  }
0x82: {  	_ =	shalt  }
0x83: {  	_ =	shalt  }
0x84: {  	_ =	shalt  }
0x85: {  	_ =	shalt  }
0x86: {  	_ =	shalt  }
0x87: {  	_ =	shalt  }
.Lfunc_end0:
.L_simem_size_0:
called_computation.4_lowered:
.L_overlay_start_0:
0x88: {  	s2 =	sld [smem:$0x3FD9]  }
0x89: {  	s3 =	sld [smem:$0x3FFE];
	_ =	sdelay $0x1  }
0x8a: {  	s1 =	srdreg.scid  }
0x8b: {  	s0 =	sand.u32 $0x1, s1  }
0x8c: {  	s17 =	sshll.u32 s0, $0xA;
	s2 =	sadd.s32 s3, s2  }
0x8d: {  	s2 =	sadd.s32 s2, s17  }
0x8e: {  	[smem:$0x3FAD] =	sst s2  }
0x8f: {  	_ = 	snop  }
0x90: {  	s2 =	sld [smem:$0x3FD0];
	(tm) =	ssettm $0x1  }
0x91: {  	s18 =	sld [smem:$0x3FFB];
	_ =	sdelay $0x3  }
0x92: {  	_ =	strace s18  }
0x93: {  	s3 =	sld [smem:$0x3FFC];
	_ =	sdelay $0x3  }
0x94: {  	_ =	strace s3  }
0x95: {  	s3 =	sld [smem:$0x3FFD];
	_ =	sdelay $0x3  }
0x96: {  	_ =	strace s3  }
0x97: {  	_ =	strace $0x8FFFFFFF  }
0x98: {  	s19 =	sld [smem:$0x3FDB];
	_ =	sdelay $0x1  }
0x99: {  	s4 =	simm.s32 $_scs_section_size  }
0x9a: {  	s5 =	simm.s32 $_size__tile_overlayer_lowered;
	s6 =	simm.s32 $_tile_overlayer_lowered  }
0x9b: {  	s22 =	simm.s32 $0x1BFF;
	s21 =	sshll.u32 s6, $0x1;
	s3 =	sadd.s32 s4, s19  }
0x9c: {  	s7 =	simm.s32 $0x0;
	s20 =	sshll.u32 s5, $0x1;
	s5 =	sadd.s32 s21, s3  }
0x9d: {  	[timem:s7], [sflag:s22] =	dma.local [hbm:s5], s20  }
0x9e: {  	_ =	swait.ge [sflag:s22], s20  }
0x9f: {  	s4 =	ssub.s32 $0x0, s20;
	[sflag:s22] =	ssyncset.done $0x0  }
0xa0: {  	[sflag:s22] =	ssyncadd.s32 s4;
	_ =	sdelay $0x1  }
0xa1: {  	s23 =	simm.s32 $0x1B8B  }
0xa2: {  	_ =	swait.ge [sflag:s23], $0x1  }
0xa3: {  	[sflag:s23] =	ssyncset.done $0x0  }
0xa4: {  	s25 =	simm.s32 $0x1B8E;
	s24 =	sld [smem:$0x3FFE];
	[sflag:s23] =	ssyncadd.s32 $0xFFFFFFFF  }
0xa5: {  	s26 =	simm.s32 $execute0_lowered;
	[smem:$0x3FD2] =	sst s25  }
0xa6: {  	s5 =	sshll.u32 s26, $0x1;
	_ =	strace $0x80000052;
	[dreg:$0x1] =	wrdreg $0xFFFFFFFF  }
0xa7: {  	s28 =	simm.s32 $_size_execute0_lowered;
	s3 =	sadd.s32 s3, s5;
	[dreg:$0x0] =	wrdreg $0x0  }
0xa8: {  	s5 =	sshll.u32 s28, $0x1;
	[dreg:$0x2] =	wrdreg s3  }
0xa9: {  	[dreg:$0x3] =	wrdreg s5  }
0xaa: {  	[dreg:$0x4] =	wrdreg $0xC0  }
0xab: {  	_ =	task [dreg:s7], $0x5FFFF  }
0xac: {  	[dreg:$0x1] =	wrdreg $0xFFFFFFFF  }
0xad: {  	[dreg:$0x0] =	wrdreg $0x60  }
0xae: {  	[dreg:$0x2] =	wrdreg s24  }
0xaf: {  	[dreg:$0x3] =	wrdreg s2  }
0xb0: {  	[dreg:$0x4] =	wrdreg $0xB1000  }
0xb1: {  	[dreg:$0x5] =	wrdreg $0x9  }
0xb2: {  	_ =	task.clear_ibuf [dreg:s7], $0x6FFFF;
	_ =	strace $0x90000052  }
0xb3: {  	s29 =	simm.s32 $0x9;
	_ =	strace $0x80000054  }
0xb4: {  	_ =	swait.ge [sflag:s29], $0x1  }
0xb5: {  	[sflag:s29] =	ssyncadd.s32 $0xFFFFFFFF  }
0xb6: {  	_ =	strace $0x90000054  }
0xb7: {  	_ =	sfence  }
0xb8: {  	s30 =	sld [smem:$0x0];
	_ =	sdelay $0x2  }
0xb9: {  	s31 =	sshll.u32 s1, $0xD;
	s1 =	sshrl.u32 s1, $0x2  }
0xba: {  	s3 =	sand.u32 $0x4000, s31;
	s1 =	sadd.s32 s1, s30  }
0xbb: {  	s0 =	sor.u32 s3, s0;
	s1 =	sshll.u32 s1, $0x11  }
0xbc: {  	s0 =	sor.u32 s1, s0  }
0xbd: {  	s0 =	sadd.s32 $0x8F2B, s0  }
0xbe: {  	[sflag:s0] =	ssyncadd.remote.s32 $0x1  }
0xbf: {  	_ =	sfence.sel $0xFFFF  }
0xc0: {  	[dreg:$0x0] =	wrdreg $0xFFFFFFFF;
	(pc) =	sbr.abs _section_cstart, $3  }
0xc1: {  	[dreg:$0x1] =	wrdreg $0xFFFFFFFF  }
0xc2: {  	_ =	task.clear_ibuf [dreg:s7], $0x2FFFF;
	_ =	strace $0x9FFFFFFF  }
0xc3: {  	(tm) =	ssettm $0x7FFFFFFF  }
tec
execute0_lowered:
.L_overlay_start_1:
0x0: {  	(tag) =	ssettag $0x1  }
0x1: {  	s0 =	rddreg [dreg:$0x0]  }
0x2: {  	s2 =	rddreg [dreg:$0x2];
	s1 =	srdreg.scid;
	s4 =	simm.s32 $0x0  }
0x3: {  	s9 =	stileid.u32;
	s28 =	simm.s32 $0x1;
	s29 =	simm.s32 $0x2  }
0x4: {  	s30 =	simm.s32 $0x80;
	s31 =	simm.s32 $0x5100;
	s1 =	sand.u32 $0x1, s1  }
0x5: {  	[smem:$0x7FF] =	sst s4;
	s5 =	sadd.s32 $0x10C00, s0;
	s8 =	smul.u32 $0x28000, s9  }
0x6: {  	s19 =	smul.u32 $0xA000, s9;
	s3 =	sshll.u32 s1, $0x4;
	_ =	strace $0x80000053  }
0x7: {  	s6 =	ssub.s32 $0x2, s1;
	s1 =	smul.u32 $0xA0000, s1;
	s3 =	sor.u32 s9, s3  }
0x8: {  	s7 =	sshrl.u32 s6, $0x1;
	s8 =	sshrl.u32 s8, $0x2;
	s22 =	sadd.s32 s19, s2  }
0x9: {  	s16 =	sadd.s32 $0x2000, s19;
	s25 =	sadd.s32 $0x4000, s19;
	s20 =	sadd.s32 $0x6000, s19  }
0xa: {  	s3 =	smul.u32 $0x510, s3;
	s10 =	ssub.s32 s6, s7;
	s8 =	sadd.s32 s8, s2  }
0xb: {  	[dreg:$0x6] =	wrdreg s22;
	s23 =	sadd.s32 s1, s19;
	s17 =	sadd.s32 s1, s16  }
0xc: {  	s16 =	sadd.s32 s16, s2;
	s18 =	sadd.s32 s25, s2;
	s22 =	sadd.s32 $0x8000, s19  }
0xd: {  	s10 =	smax.u32 s10, $0x1;
	s11 =	sadd.s32 $0x2000, s8;
	s12 =	sadd.s32 $0x4000, s8  }
0xe: {  	s13 =	sadd.s32 $0x6000, s8;
	s14 =	sadd.s32 $0x8000, s8;
	s3 =	sadd.s32 s3, s0  }
0xf: {  	s24 =	sshrl.u32 s17, $0x3;
	s0 =	sadd.s32 $0x24C00, s0;
	s21 =	sadd.s32 $0x7F200, s3  }
0x10: {  	s3 =	sadd.s32 $0x6A00, s3;
	s17 =	sadd.s32 s0, s24;
	[dreg:$0x4] =	wrdreg s21  }
0x11: {  	[dreg:$0x5] =	wrdreg s3;
	s3 =	sshrl.u32 s23, $0x3;
	s21 =	sadd.s32 s1, s20  }
0x12: {  	s20 =	sadd.s32 s20, s2;
	s15 =	sadd.s32 s0, s3;
	s3 =	sadd.s32 s1, s25  }
0x13: {  	s26 =	sshrl.u32 s21, $0x3;
	s1 =	sadd.s32 s1, s22;
	s22 =	sadd.s32 s22, s2  }
0x14: {  	s25 =	simm.s32 $0x9100;
	s3 =	sshrl.u32 s3, $0x3;
	s21 =	sadd.s32 s0, s26  }
0x15: {  	s1 =	sshrl.u32 s1, $0x3;
	s26 =	simm.s32 $0x3;
	s19 =	sadd.s32 s0, s3  }
0x16: {  	s23 =	sadd.s32 s0, s1;
	s0 =	simm.s32 $0x7100;
	s1 =	simm.s32 $0x0  }
.LBB2_1:
0x17: {  	s3 =	rddreg [dreg:$0x4]  }
0x18: {  	[tilespmem:s4], [sflag:$0x1] =	stream.linear.gather [hbm4b:s3+s4], $0x2880, $0x38;
	[tilespmem:$0x15100] =	vst v63  }
0x19: {  	s9 =	rddreg [dreg:$0x5];
	s6 =	simm.s32 $0x2880  }
0x1a: {  	[tilespmem:s6], [sflag:$0x2] =	stream.linear.gather [hbm4b:s9+s4], $0x2880, $0x38;
	[tilespmem:$0x15100] =	vst v63  }
0x1b: {  	s24 =	rddreg [dreg:$0x1]  }
0x1c: {  	[tilespmem:s25], [sflag:$0x3] =	stream.linear.gather [hbm4b:s24+s4], $0x2000, $0x38;
	[tilespmem:$0x15100] =	vst v63  }
0x1d: {  	_ =	swait.ge [sflag:s26], $0x2000  }
0x1e: {  	[sflag:s26] =	ssyncset.done $0x0  }
0x1f: {  	[sflag:s26] =	ssyncadd.s32 $0xFFFFE000  }
0x20: {  	[spmem:s8] =	stream.linear.scatter [tilespmem:s25], [sflag:$0x3], $0x2000, $0x38;
	[tilespmem:$0x15100] =	vst v63  }
0x21: {  	_ =	swait.ge [sflag:s26], $0x2000  }
0x22: {  	[sflag:s26] =	ssyncset.done $0x0  }
0x23: {  	[sflag:s26] =	ssyncadd.s32 $0xFFFFE000  }
0x24: {  	[spmem:s11] =	stream.linear.scatter [tilespmem:s25], [sflag:$0x3], $0x2000, $0x38;
	[tilespmem:$0x15100] =	vst v63  }
0x25: {  	_ =	swait.ge [sflag:s26], $0x2000  }
0x26: {  	[sflag:s26] =	ssyncset.done $0x0  }
0x27: {  	[sflag:s26] =	ssyncadd.s32 $0xFFFFE000  }
0x28: {  	[spmem:s12] =	stream.linear.scatter [tilespmem:s25], [sflag:$0x3], $0x2000, $0x38;
	[tilespmem:$0x15100] =	vst v63  }
0x29: {  	_ =	swait.ge [sflag:s26], $0x2000  }
0x2a: {  	[sflag:s26] =	ssyncset.done $0x0  }
0x2b: {  	[sflag:s26] =	ssyncadd.s32 $0xFFFFE000  }
0x2c: {  	[spmem:s13] =	stream.linear.scatter [tilespmem:s25], [sflag:$0x3], $0x2000, $0x38;
	[tilespmem:$0x15100] =	vst v63  }
0x2d: {  	_ =	swait.ge [sflag:s26], $0x2000  }
0x2e: {  	[sflag:s26] =	ssyncset.done $0x0  }
0x2f: {  	[sflag:s26] =	ssyncadd.s32 $0xFFFFE000  }
0x30: {  	[spmem:s14] =	stream.linear.scatter [tilespmem:s25], [sflag:$0x3], $0x2000, $0x38;
	[tilespmem:$0x15100] =	vst v63  }
0x31: {  	_ =	swait.ge [sflag:s26], $0x2000  }
0x32: {  	[sflag:s26] =	ssyncset.done $0x0  }
0x33: {  	[sflag:s26] =	ssyncadd.s32 $0xFFFFE000  }
0x34: {  	_ =	swait.ge [sflag:s28], $0x2880  }
0x35: {  	[sflag:s28] =	ssyncset.done $0x0  }
0x36: {  	[sflag:s28] =	ssyncadd.s32 $0xFFFFD780  }
0x37: {  	_ =	swait.ge [sflag:s29], $0x2880  }
0x38: {  	[sflag:s29] =	ssyncset.done $0x0  }
0x39: {  	[sflag:s29] =	ssyncadd.s32 $0xFFFFD780  }
0x3a: {  	[bflag:$0x0] =	sbarrier.arrive $0xFFFF  }
0x3b: {  	[tilespmem:s31], [sflag:$0x1] =	stream.indirect.gather [hbm4b:s5+s30], $0x40, s4, s30, $0xb8;
	[tilespmem:$0x15100] =	vst v63  }
0x3c: {  	s6 =	simm.s32 $0x80  }
0x3d: {  	[tilespmem:s0], [sflag:$0x2] =	stream.indirect.gather [hbm4b:s5+s30], $0x40, s6, s30, $0xb8;
	[tilespmem:$0x15100] =	vst v63  }
0x3e: {  	_ =	swait.ge [sflag:s28], $0x2000  }
0x3f: {  	[sflag:s28] =	ssyncset.done $0x0  }
0x40: {  	s7 =	simm.s32 $0x2880;
	[sflag:s28] =	ssyncadd.s32 $0xFFFFE000  }
0x41: {  	[spmem:s2] =	stream.indirect.scatter.add.f32 [tilespmem:s31], [sflag:$0x3], $0x40, s7, s30, $0xb8;
	[tilespmem:$0x15100] =	vst v63  }
0x42: {  	_ =	swait.ge [sflag:s26], $0x2000  }
0x43: {  	[sflag:s26] =	ssyncset.done $0x0  }
0x44: {  	s9 =	simm.s32 $0x100;
	[sflag:s26] =	ssyncadd.s32 $0xFFFFE000  }
0x45: {  	[tilespmem:s31], [sflag:$0x1] =	stream.indirect.gather [hbm4b:s5+s30], $0x40, s9, s30, $0xb8;
	[tilespmem:$0x15100] =	vst v63  }
0x46: {  	_ =	swait.ge [sflag:s29], $0x2000  }
0x47: {  	[sflag:s29] =	ssyncset.done $0x0  }
0x48: {  	s24 =	simm.s32 $0x2900;
	[sflag:s29] =	ssyncadd.s32 $0xFFFFE000  }
0x49: {  	[spmem:s2] =	stream.indirect.scatter.add.f32 [tilespmem:s0], [sflag:$0x3], $0x40, s24, s30, $0xb8;
	[tilespmem:$0x15100] =	vst v63  }
0x4a: {  	_ =	swait.ge [sflag:s26], $0x2000  }
0x4b: {  	s3 =	simm.s32 $0x800;
	s24 =	simm.s32 $0x100;
	[sflag:s26] =	ssyncset.done $0x0  }
.LBB2_2:
0x4c: {  	s6 =	sadd.s32 $0x80, s24  }
0x4d: {  	[sflag:s26] =	ssyncadd.s32 $0xFFFFE000;
	s7 =	smov.u32 s3;
	s9 =	sadd.s32 $0x400, s3  }
0x4e: {  	[tilespmem:s0], [sflag:$0x2] =	stream.indirect.gather [hbm4b:s5+s30], $0x40, s6, s30, $0xb8;
	[tilespmem:$0x15100] =	vst v63  }
0x4f: {  	p0 =	sne.s32 s3, $0x9C00;
	_ =	swait.ge [sflag:s28], $0x2000  }
0x50: {  	[sflag:s28] =	ssyncset.done $0x0  }
0x51: {  	s3 =	sadd.s32 $0x2880, s24;
	[sflag:s28] =	ssyncadd.s32 $0xFFFFE000  }
0x52: {  	[spmem:s2] =	stream.indirect.scatter.add.f32 [tilespmem:s31], [sflag:$0x3], $0x40, s3, s30, $0xb8;
	[tilespmem:$0x15100] =	vst v63  }
0x53: {  	_ =	swait.ge [sflag:s26], $0x2000  }
0x54: {  	[sflag:s26] =	ssyncset.done $0x0  }
0x55: {  	s3 =	sadd.s32 $0x100, s24;
	[sflag:s26] =	ssyncadd.s32 $0xFFFFE000  }
0x56: {  	[tilespmem:s31], [sflag:$0x1] =	stream.indirect.gather [hbm4b:s5+s30], $0x40, s3, s30, $0xb8;
	[tilespmem:$0x15100] =	vst v63  }
0x57: {  	_ =	swait.ge [sflag:s29], $0x2000  }
.Ltmp0:
0x58: {  	[sflag:s29] =	ssyncset.done $0x0;
	(pc) =	sbr.rel @p0 .LBB2_2-.Ltmp0, $4  }
0x59: {  	s3 =	sadd.s32 $0x2900, s24;
	[sflag:s29] =	ssyncadd.s32 $0xFFFFE000  }
0x5a: {  	[spmem:s2] =	stream.indirect.scatter.add.f32 [tilespmem:s0], [sflag:$0x3], $0x40, s3, s30, $0xb8;
	[tilespmem:$0x15100] =	vst v63  }
0x5b: {  	_ =	swait.ge [sflag:s26], $0x2000  }
0x5c: {  	s24 =	sshra.s32 s7, $0x2;
	s3 =	smov.u32 s9;
	[sflag:s26] =	ssyncset.done $0x0  }
0x5d: {  	s3 =	sadd.s32 $0x80, s24;
	[sflag:s26] =	ssyncadd.s32 $0xFFFFE000  }
0x5e: {  	[tilespmem:s0], [sflag:$0x2] =	stream.indirect.gather [hbm4b:s5+s30], $0x40, s3, s30, $0xb8;
	[tilespmem:$0x15100] =	vst v63  }
0x5f: {  	_ =	swait.ge [sflag:s28], $0x2000  }
0x60: {  	[sflag:s28] =	ssyncset.done $0x0  }
0x61: {  	s9 =	sadd.s32 $0x2880, s24;
	[sflag:s28] =	ssyncadd.s32 $0xFFFFE000  }
0x62: {  	[spmem:s2] =	stream.indirect.scatter.add.f32 [tilespmem:s31], [sflag:$0x3], $0x40, s9, s30, $0xb8;
	[tilespmem:$0x15100] =	vst v63  }
0x63: {  	_ =	swait.ge [sflag:s26], $0x2000  }
0x64: {  	[sflag:s26] =	ssyncset.done $0x0  }
0x65: {  	s6 =	sadd.s32 $0x100, s24;
	[sflag:s26] =	ssyncadd.s32 $0xFFFFE000  }
0x66: {  	[tilespmem:s31], [sflag:$0x1] =	stream.indirect.gather [hbm4b:s5+s30], $0x40, s6, s30, $0xb8;
	[tilespmem:$0x15100] =	vst v63  }
0x67: {  	_ =	swait.ge [sflag:s29], $0x2000  }
0x68: {  	[sflag:s29] =	ssyncset.done $0x0  }
0x69: {  	s7 =	sadd.s32 $0x2900, s24;
	[sflag:s29] =	ssyncadd.s32 $0xFFFFE000  }
0x6a: {  	[spmem:s2] =	stream.indirect.scatter.add.f32 [tilespmem:s0], [sflag:$0x3], $0x40, s7, s30, $0xb8;
	[tilespmem:$0x15100] =	vst v63  }
0x6b: {  	_ =	swait.ge [sflag:s26], $0x2000  }
0x6c: {  	[sflag:s26] =	ssyncset.done $0x0  }
0x6d: {  	[sflag:s26] =	ssyncadd.s32 $0xFFFFE000  }
0x6e: {  	_ =	swait.ge [sflag:s28], $0x2000  }
0x6f: {  	[sflag:s28] =	ssyncset.done $0x0  }
0x70: {  	s9 =	simm.s32 $0x5080;
	[sflag:s28] =	ssyncadd.s32 $0xFFFFE000  }
0x71: {  	[spmem:s2] =	stream.indirect.scatter.add.f32 [tilespmem:s31], [sflag:$0x3], $0x40, s9, s30, $0xb8;
	[tilespmem:$0x15100] =	vst v63  }
0x72: {  	_ =	swait.ge [sflag:s26], $0x2000  }
0x73: {  	[sflag:s26] =	ssyncset.done $0x0  }
0x74: {  	[sflag:s26] =	ssyncadd.s32 $0xFFFFE000  }
0x75: {  	[bflag:$0x0] =	sbarrier.arrive $0xFFFF  }
0x76: {  	s24 =	rddreg [dreg:$0x6]  }
0x77: {  	[tilespmem:s25], [sflag:$0x3] =	stream.linear.gather [spmem:s24], $0x2000, $0x38;
	[tilespmem:$0x15100] =	vst v63  }
0x78: {  	_ =	swait.ge [sflag:s26], $0x2000  }
0x79: {  	[sflag:s26] =	ssyncset.done $0x0  }
0x7a: {  	[sflag:s26] =	ssyncadd.s32 $0xFFFFE000  }
0x7b: {  	[hbm4b:s15+s4] =	stream.linear.scatter [tilespmem:s25], [sflag:$0x3], $0x2000, $0x38;
	[tilespmem:$0x15100] =	vst v63  }
0x7c: {  	_ =	swait.ge [sflag:s26], $0x2000  }
0x7d: {  	[sflag:s26] =	ssyncset.done $0x0  }
0x7e: {  	[sflag:s26] =	ssyncadd.s32 $0xFFFFE000  }
0x7f: {  	[tilespmem:s25], [sflag:$0x3] =	stream.linear.gather [spmem:s16], $0x2000, $0x38;
	[tilespmem:$0x15100] =	vst v63  }
0x80: {  	_ =	swait.ge [sflag:s26], $0x2000  }
0x81: {  	[sflag:s26] =	ssyncset.done $0x0  }
0x82: {  	[sflag:s26] =	ssyncadd.s32 $0xFFFFE000  }
0x83: {  	[hbm4b:s17+s4] =	stream.linear.scatter [tilespmem:s25], [sflag:$0x3], $0x2000, $0x38;
	[tilespmem:$0x15100] =	vst v63  }
0x84: {  	_ =	swait.ge [sflag:s26], $0x2000  }
0x85: {  	[sflag:s26] =	ssyncset.done $0x0  }
0x86: {  	[sflag:s26] =	ssyncadd.s32 $0xFFFFE000  }
0x87: {  	[tilespmem:s25], [sflag:$0x3] =	stream.linear.gather [spmem:s18], $0x2000, $0x38;
	[tilespmem:$0x15100] =	vst v63  }
0x88: {  	_ =	swait.ge [sflag:s26], $0x2000  }
0x89: {  	[sflag:s26] =	ssyncset.done $0x0  }
0x8a: {  	[sflag:s26] =	ssyncadd.s32 $0xFFFFE000  }
0x8b: {  	[hbm4b:s19+s4] =	stream.linear.scatter [tilespmem:s25], [sflag:$0x3], $0x2000, $0x38;
	[tilespmem:$0x15100] =	vst v63  }
0x8c: {  	_ =	swait.ge [sflag:s26], $0x2000  }
0x8d: {  	[sflag:s26] =	ssyncset.done $0x0  }
0x8e: {  	[sflag:s26] =	ssyncadd.s32 $0xFFFFE000  }
0x8f: {  	[tilespmem:s25], [sflag:$0x3] =	stream.linear.gather [spmem:s20], $0x2000, $0x38;
	[tilespmem:$0x15100] =	vst v63  }
0x90: {  	_ =	swait.ge [sflag:s26], $0x2000  }
0x91: {  	[sflag:s26] =	ssyncset.done $0x0  }
0x92: {  	[sflag:s26] =	ssyncadd.s32 $0xFFFFE000  }
0x93: {  	[hbm4b:s21+s4] =	stream.linear.scatter [tilespmem:s25], [sflag:$0x3], $0x2000, $0x38;
	[tilespmem:$0x15100] =	vst v63  }
0x94: {  	_ =	swait.ge [sflag:s26], $0x2000  }
0x95: {  	[sflag:s26] =	ssyncset.done $0x0  }
0x96: {  	[sflag:s26] =	ssyncadd.s32 $0xFFFFE000  }
0x97: {  	[tilespmem:s25], [sflag:$0x3] =	stream.linear.gather [spmem:s22], $0x2000, $0x38;
	[tilespmem:$0x15100] =	vst v63  }
0x98: {  	s1 =	sadd.s32 $0x1, s1;
	_ =	swait.ge [sflag:s26], $0x2000  }
0x99: {  	p0 =	sne.s32 s1, s10;
	[sflag:s26] =	ssyncset.done $0x0  }
.Ltmp1:
0x9a: {  	[sflag:s26] =	ssyncadd.s32 $0xFFFFE000;
	(pc) =	sbr.rel @p0 .LBB2_1-.Ltmp1, $4  }
0x9b: {  	[hbm4b:s23+s4] =	stream.linear.scatter [tilespmem:s25], [sflag:$0x3], $0x2000, $0x38;
	[tilespmem:$0x15100] =	vst v63  }
0x9c: {  	_ =	swait.ge [sflag:s26], $0x2000  }
0x9d: {  	[sflag:s26] =	ssyncset.done $0x0  }
0x9e: {  	[sflag:s26] =	ssyncadd.s32 $0xFFFFE000  }
0x9f: {  	_ =	sfence.sel $0x180000  }
0xa0: {  	[bflag:$0x0] =	sbarrier.arrive $0xFFFF  }
0xa1: {  	_ =	strace $0x90000053  }
0xa2: {  	s0 =	stileid.u32;
	[bflag:$0x2] =	sbarrier.arrive $0xFFFF  }
0xa3: {  	p0 =	sne.s32 s0, $0x0;
	s0 =	rddreg [dreg:$0x3]  }
0xa4: {  	s0 =	sadd.s32 @!p0 $0x100000, s0  }
0xa5: {  	[sflag:s0] =	ssyncadd.tile.s32 @!p0 $0x1;
	_ =	shalt  }
.Lfunc_end2:
_tile_overlayer_lowered:
.L_overlay_start_2:
0xa6: {  	(tag) =	ssettag $0x2  }
0xa7: {  	s0 =	rddreg [dreg:$0x0];
	s2 =	stileid.u32  }
0xa8: {  	s1 =	rddreg [dreg:$0x1];
	p0 =	sne.s32 s2, $0x0  }
0xa9: {  	s3 =	rddreg [dreg:$0x2];
	[bflag:$0x3] =	sbarrier.arrive $0xFFFF;
	s2 =	simm.s32 @!p0 $0x1C03  }
0xaa: {  	[timem:s3], [sflag:s2] =	dma.local @!p0 [hbm:s0], s1  }
0xab: {  	s0 =	simm.s32 @!p0 $0x3  }
0xac: {  	_ =	swait.ge @!p0 [sflag:s0], s1  }
0xad: {  	s1 =	ssub.s32 @!p0 $0x0, s1;
	[sflag:s0] =	ssyncset.done @!p0 $0x0  }
0xae: {  	[sflag:s0] =	ssyncadd.s32 @!p0 s1  }
0xaf: {  	[bflag:$0x3] =	sbarrier.arrive $0xFFFF  }
0xb0: {  	_ =	shalt  }

// kernel: kernel.23.cloned.1.call-start
scs
__scs_entry_jumppad:
0x0: {  	(pc) =	sbr.rel $0x88, $3  }
0x1: {  	(tag) =	ssettag $0x0;
	lr =	simm.s32 $0x1  }
0x2: {  	[smem:$0x3F86] =	sst lr;
	_ =	strace $0xD0000000  }
0x3: {  	_ = 	snop  }
0x4: {  	_ = 	snop  }
0x5: {  	_ = 	snop  }
0x6: {  	_ = 	snop  }
0x7: {  	_ = 	snop  }
__scs_overlays_trampoline_lowered:
0x8: {  	[smem:$0x3F95] =	sst s0  }
0x9: {  	[smem:$0x3F96] =	sst s1  }
0xa: {  	[smem:$0x3F97] =	sst s2  }
0xb: {  	[smem:$0x3F98] =	sst s3  }
0xc: {  	[smem:$0x3F99] =	sst s4  }
0xd: {  	[smem:$0x3F9A] =	sst s5  }
0xe: {  	[smem:$0x3F9B] =	sst s6  }
0xf: {  	[smem:$0x3F9C] =	sst s7  }
0x10: {  	[smem:$0x3F9D] =	sst s8  }
0x11: {  	[smem:$0x3F9E] =	sst s9;
	s0 =	simm.s32 @!p0 $0x0  }
0x12: {  	s1 =	sld [smem:$0x3F84];
	s0 =	simm.s32 @p0 $0x1  }
0x13: {  	[smem:$0x3F9F] =	sst s0;
	s0 =	simm.s32 @!p1 $0x0  }
0x14: {  	s2 =	sld [smem:$0x3F83];
	s0 =	simm.s32 @p1 $0x1  }
0x15: {  	[smem:$0x3FA0] =	sst s0;
	s0 =	simm.s32 @!p2 $0x0  }
0x16: {  	s3 =	sld [smem:$0x3FDB];
	s0 =	simm.s32 @p2 $0x1  }
0x17: {  	s4 =	simm.s32 $0x1BF5;
	[smem:$0x3FA2] =	sst s0  }
0x18: {  	s0 =	sld [smem:$0x3F85];
	_ =	swait.ge [sflag:s4], $0x0  }
0x19: {  	s7 =	sld [smem:$0x3F86]  }
0x1a: {  	s8 =	sadd.s32 $0xFFFFE003, lr  }
0x1b: {  	s9 =	sadd.s32 $0xFFFFFEF7, lr;
	s5 =	simm.s32 $0xFFFFFFFF;
	p2 =	slt.u32 s8, $0xFFFFF086  }
0x1c: {  	p1 =	slt.u32 s9, $0xF7A;
	s5 =	simm.s32 @!p2 $0x0  }
0x1d: {  	s5 =	simm.s32 @p1 $0x1;
	p0 =	seq.s32 s7, s2  }
0x1e: {  	s7 =	smul.u32 @!p0 $0xF7A, s2;
	p2 =	seq.s32 @!p0 s5, $0x0  }
0x1f: {  	s9 =	smul.u32 $0xF7A, s1;
	s8 =	simm.s32 @!p0 $0x1BF5;
	p2 =	por !p2, p0  }
0x20: {  	[sflag:s8] =	ssyncset.s32 @!p0 $0xFFFFF086;
	s6 =	sadd.s32 @!p0 s3, s7;
	s7 =	simm.s32 @!p0 $0x108  }
0x21: {  	s3 =	sadd.s32 s3, s9;
	s6 =	sadd.s32 @!p0 $0x88, s6;
	s7 =	simm.s32 @p2 $0x1082  }
0x22: {  	[simem:s7], [sflag:s8] =	dma.local @!p0 [hbm:s6], $0xF7A  }
0x23: {  	s9 =	sor.u32 $0xD0000000, s2;
	s6 =	simm.s32 $0x108;
	_ =	swait.ge @!p0 [sflag:s8], $0x0  }
0x24: {  	s3 =	sadd.s32 $0x88, s3;
	s6 =	simm.s32 @!p1 $0x1082;
	[sflag:s4] =	ssyncset.s32 $0xFFFFF086  }
0x25: {  	[simem:s6], [sflag:s4] =	dma.local [hbm:s3], $0xF7A  }
0x26: {  	[smem:$0x3F86] =	sst s1;
	(tag) =	ssettag s2;
	_ =	strace s9  }
0x27: {  	s1 =	sld [smem:$0x3F96]  }
0x28: {  	s2 =	sld [smem:$0x3F97]  }
0x29: {  	s4 =	sld [smem:$0x3F99]  }
0x2a: {  	p0 =	seq.s32 s5, $0x0;
	s5 =	sld [smem:$0x3F9A]  }
0x2b: {  	s6 =	sld [smem:$0x3F9B]  }
0x2c: {  	s7 =	sld [smem:$0x3F9C]  }
0x2d: {  	s3 =	simm.s32 $0x108;
	s8 =	sld [smem:$0x3F9D]  }
0x2e: {  	s3 =	simm.s32 @!p0 $0x1082;
	s9 =	sld [smem:$0x3F9E]  }
0x2f: {  	lr =	sadd.s32 s0, s3;
	s0 =	sld [smem:$0x3F95]  }
0x30: {  	s3 =	sld [smem:$0x3F98]  }
0x31: {  	[smem:$0x3FA1] =	sst s10  }
0x32: {  	s10 =	sld [smem:$0x3F9F];
	_ =	sdelay $0x3  }
0x33: {  	p0 =	seq.s32 s10, $0x1;
	s10 =	sld [smem:$0x3FA1];
	_ =	sdelay $0x3  }
0x34: {  	[smem:$0x3FA1] =	sst s10  }
0x35: {  	s10 =	sld [smem:$0x3FA0];
	_ =	sdelay $0x3  }
0x36: {  	p1 =	seq.s32 s10, $0x1;
	s10 =	sld [smem:$0x3FA1];
	_ =	sdelay $0x3  }
0x37: {  	[smem:$0x3FA1] =	sst s10  }
0x38: {  	s10 =	sld [smem:$0x3FA2]  }
0x39: {  	_ = 	snop;
	(pc) =	sbr.ind lr, $3  }
0x3a: {  	_ = 	snop  }
0x3b: {  	_ = 	snop  }
0x3c: {  	p2 =	seq.s32 s10, $0x1;
	s10 =	sld [smem:$0x3FA1]  }
0x3d: {  	_ =	shalt  }
0x3e: {  	_ =	shalt  }
0x3f: {  	_ =	shalt  }
0x40: {  	_ =	shalt  }
0x41: {  	_ =	shalt  }
0x42: {  	_ =	shalt  }
0x43: {  	_ =	shalt  }
0x44: {  	_ =	shalt  }
0x45: {  	_ =	shalt  }
0x46: {  	_ =	shalt  }
0x47: {  	_ =	shalt  }
0x48: {  	_ =	shalt  }
0x49: {  	_ =	shalt  }
0x4a: {  	_ =	shalt  }
0x4b: {  	_ =	shalt  }
0x4c: {  	_ =	shalt  }
0x4d: {  	_ =	shalt  }
0x4e: {  	_ =	shalt  }
0x4f: {  	_ =	shalt  }
0x50: {  	_ =	shalt  }
0x51: {  	_ =	shalt  }
0x52: {  	_ =	shalt  }
0x53: {  	_ =	shalt  }
0x54: {  	_ =	shalt  }
0x55: {  	_ =	shalt  }
0x56: {  	_ =	shalt  }
0x57: {  	_ =	shalt  }
0x58: {  	_ =	shalt  }
0x59: {  	_ =	shalt  }
0x5a: {  	_ =	shalt  }
0x5b: {  	_ =	shalt  }
0x5c: {  	_ =	shalt  }
0x5d: {  	_ =	shalt  }
0x5e: {  	_ =	shalt  }
0x5f: {  	_ =	shalt  }
0x60: {  	_ =	shalt  }
0x61: {  	_ =	shalt  }
0x62: {  	_ =	shalt  }
0x63: {  	_ =	shalt  }
0x64: {  	_ =	shalt  }
0x65: {  	_ =	shalt  }
0x66: {  	_ =	shalt  }
0x67: {  	_ =	shalt  }
0x68: {  	_ =	shalt  }
0x69: {  	_ =	shalt  }
0x6a: {  	_ =	shalt  }
0x6b: {  	_ =	shalt  }
0x6c: {  	_ =	shalt  }
0x6d: {  	_ =	shalt  }
0x6e: {  	_ =	shalt  }
0x6f: {  	_ =	shalt  }
0x70: {  	_ =	shalt  }
0x71: {  	_ =	shalt  }
0x72: {  	_ =	shalt  }
0x73: {  	_ =	shalt  }
0x74: {  	_ =	shalt  }
0x75: {  	_ =	shalt  }
0x76: {  	_ =	shalt  }
0x77: {  	_ =	shalt  }
0x78: {  	_ =	shalt  }
0x79: {  	_ =	shalt  }
0x7a: {  	_ =	shalt  }
0x7b: {  	_ =	shalt  }
0x7c: {  	_ =	shalt  }
0x7d: {  	_ =	shalt  }
0x7e: {  	_ =	shalt  }
0x7f: {  	_ =	shalt  }
0x80: {  	_ =	shalt  }
0x81: {  	_ =	shalt  }
0x82: {  	_ =	shalt  }
0x83: {  	_ =	shalt  }
0x84: {  	_ =	shalt  }
0x85: {  	_ =	shalt  }
0x86: {  	_ =	shalt  }
0x87: {  	_ =	shalt  }
.Lfunc_end0:
.L_simem_size_0:
called_computation.5_lowered:
.L_overlay_start_0:
0x88: {  	s2 =	sld [smem:$0x3FD9]  }
0x89: {  	s3 =	sld [smem:$0x3FFE];
	_ =	sdelay $0x1  }
0x8a: {  	s1 =	srdreg.scid  }
0x8b: {  	s0 =	sand.u32 $0x1, s1  }
0x8c: {  	s17 =	sshll.u32 s0, $0xA;
	s2 =	sadd.s32 s3, s2  }
0x8d: {  	s2 =	sadd.s32 s2, s17  }
0x8e: {  	[smem:$0x3FAD] =	sst s2  }
0x8f: {  	_ = 	snop  }
0x90: {  	s2 =	sld [smem:$0x3FD0];
	(tm) =	ssettm $0x1  }
0x91: {  	s18 =	sld [smem:$0x3FFB];
	_ =	sdelay $0x3  }
0x92: {  	_ =	strace s18  }
0x93: {  	s3 =	sld [smem:$0x3FFC];
	_ =	sdelay $0x3  }
0x94: {  	_ =	strace s3  }
0x95: {  	s3 =	sld [smem:$0x3FFD];
	_ =	sdelay $0x3  }
0x96: {  	_ =	strace s3  }
0x97: {  	_ =	strace $0x8FFFFFFF  }
0x98: {  	s19 =	sld [smem:$0x3FDB];
	_ =	sdelay $0x1  }
0x99: {  	s4 =	simm.s32 $_scs_section_size  }
0x9a: {  	s5 =	simm.s32 $_size__tile_overlayer_lowered;
	s6 =	simm.s32 $_tile_overlayer_lowered  }
0x9b: {  	s22 =	simm.s32 $0x1BFF;
	s21 =	sshll.u32 s6, $0x1;
	s3 =	sadd.s32 s4, s19  }
0x9c: {  	s7 =	simm.s32 $0x0;
	s20 =	sshll.u32 s5, $0x1;
	s5 =	sadd.s32 s21, s3  }
0x9d: {  	[timem:s7], [sflag:s22] =	dma.local [hbm:s5], s20  }
0x9e: {  	_ =	swait.ge [sflag:s22], s20  }
0x9f: {  	s4 =	ssub.s32 $0x0, s20;
	[sflag:s22] =	ssyncset.done $0x0  }
0xa0: {  	[sflag:s22] =	ssyncadd.s32 s4;
	_ =	sdelay $0x1  }
0xa1: {  	s23 =	simm.s32 $0x1B8B  }
0xa2: {  	_ =	swait.ge [sflag:s23], $0x1  }
0xa3: {  	[sflag:s23] =	ssyncset.done $0x0  }
0xa4: {  	s25 =	simm.s32 $0x1B8E;
	s24 =	sld [smem:$0x3FFE];
	[sflag:s23] =	ssyncadd.s32 $0xFFFFFFFF  }
0xa5: {  	s26 =	simm.s32 $execute0_lowered;
	[smem:$0x3FD2] =	sst s25  }
0xa6: {  	s5 =	sshll.u32 s26, $0x1;
	_ =	strace $0x80000055;
	[dreg:$0x1] =	wrdreg $0xFFFFFFFF  }
0xa7: {  	s28 =	simm.s32 $_size_execute0_lowered;
	s3 =	sadd.s32 s3, s5;
	[dreg:$0x0] =	wrdreg $0x0  }
0xa8: {  	s5 =	sshll.u32 s28, $0x1;
	[dreg:$0x2] =	wrdreg s3  }
0xa9: {  	[dreg:$0x3] =	wrdreg s5  }
0xaa: {  	[dreg:$0x4] =	wrdreg $0xC0  }
0xab: {  	_ =	task [dreg:s7], $0x5FFFF  }
0xac: {  	[dreg:$0x1] =	wrdreg $0xFFFFFFFF  }
0xad: {  	[dreg:$0x0] =	wrdreg $0x60  }
0xae: {  	[dreg:$0x2] =	wrdreg s24  }
0xaf: {  	[dreg:$0x3] =	wrdreg s2  }
0xb0: {  	[dreg:$0x4] =	wrdreg $0xB1000  }
0xb1: {  	[dreg:$0x5] =	wrdreg $0x9  }
0xb2: {  	_ =	task.clear_ibuf [dreg:s7], $0x6FFFF;
	_ =	strace $0x90000055  }
0xb3: {  	s29 =	simm.s32 $0x9;
	_ =	strace $0x80000057  }
0xb4: {  	_ =	swait.ge [sflag:s29], $0x1  }
0xb5: {  	[sflag:s29] =	ssyncadd.s32 $0xFFFFFFFF  }
0xb6: {  	_ =	strace $0x90000057  }
0xb7: {  	_ =	sfence  }
0xb8: {  	s30 =	sld [smem:$0x0];
	_ =	sdelay $0x2  }
0xb9: {  	s31 =	sshll.u32 s1, $0xD;
	s1 =	sshrl.u32 s1, $0x2  }
0xba: {  	s3 =	sand.u32 $0x4000, s31;
	s1 =	sadd.s32 s1, s30  }
0xbb: {  	s0 =	sor.u32 s3, s0;
	s1 =	sshll.u32 s1, $0x11  }
0xbc: {  	s0 =	sor.u32 s1, s0  }
0xbd: {  	s0 =	sadd.s32 $0x8F2B, s0  }
0xbe: {  	[sflag:s0] =	ssyncadd.remote.s32 $0x1  }
0xbf: {  	_ =	sfence.sel $0xFFFF  }
0xc0: {  	[dreg:$0x0] =	wrdreg $0xFFFFFFFF;
	(pc) =	sbr.abs _section_cstart, $3  }
0xc1: {  	[dreg:$0x1] =	wrdreg $0xFFFFFFFF  }
0xc2: {  	_ =	task.clear_ibuf [dreg:s7], $0x2FFFF;
	_ =	strace $0x9FFFFFFF  }
0xc3: {  	(tm) =	ssettm $0x7FFFFFFF  }
tec
execute0_lowered:
.L_overlay_start_1:
0x0: {  	(tag) =	ssettag $0x1  }
0x1: {  	s0 =	rddreg [dreg:$0x0]  }
0x2: {  	s2 =	rddreg [dreg:$0x2];
	s1 =	srdreg.scid;
	s4 =	simm.s32 $0x0  }
0x3: {  	s9 =	stileid.u32;
	s28 =	simm.s32 $0x1;
	s29 =	simm.s32 $0x2  }
0x4: {  	s30 =	simm.s32 $0x80;
	s31 =	simm.s32 $0x5100;
	s1 =	sand.u32 $0x1, s1  }
0x5: {  	[smem:$0x7FF] =	sst s4;
	s5 =	sadd.s32 $0x10C00, s0;
	s8 =	smul.u32 $0x28000, s9  }
0x6: {  	s19 =	smul.u32 $0xA000, s9;
	s3 =	sshll.u32 s1, $0x4;
	_ =	strace $0x80000056  }
0x7: {  	s6 =	ssub.s32 $0x2, s1;
	s1 =	smul.u32 $0xA0000, s1;
	s3 =	sor.u32 s9, s3  }
0x8: {  	s7 =	sshrl.u32 s6, $0x1;
	s8 =	sshrl.u32 s8, $0x2;
	s22 =	sadd.s32 s19, s2  }
0x9: {  	s16 =	sadd.s32 $0x2000, s19;
	s25 =	sadd.s32 $0x4000, s19;
	s20 =	sadd.s32 $0x6000, s19  }
0xa: {  	s3 =	smul.u32 $0x510, s3;
	s10 =	ssub.s32 s6, s7;
	s8 =	sadd.s32 s8, s2  }
0xb: {  	[dreg:$0x6] =	wrdreg s22;
	s23 =	sadd.s32 s1, s19;
	s17 =	sadd.s32 s1, s16  }
0xc: {  	s16 =	sadd.s32 s16, s2;
	s18 =	sadd.s32 s25, s2;
	s22 =	sadd.s32 $0x8000, s19  }
0xd: {  	s10 =	smax.u32 s10, $0x1;
	s11 =	sadd.s32 $0x2000, s8;
	s12 =	sadd.s32 $0x4000, s8  }
0xe: {  	s13 =	sadd.s32 $0x6000, s8;
	s14 =	sadd.s32 $0x8000, s8;
	s3 =	sadd.s32 s3, s0  }
0xf: {  	s24 =	sshrl.u32 s17, $0x3;
	s0 =	sadd.s32 $0x24C00, s0;
	s21 =	sadd.s32 $0x7F200, s3  }
0x10: {  	s3 =	sadd.s32 $0x6A00, s3;
	s17 =	sadd.s32 s0, s24;
	[dreg:$0x4] =	wrdreg s21  }
0x11: {  	[dreg:$0x5] =	wrdreg s3;
	s3 =	sshrl.u32 s23, $0x3;
	s21 =	sadd.s32 s1, s20  }
0x12: {  	s20 =	sadd.s32 s20, s2;
	s15 =	sadd.s32 s0, s3;
	s3 =	sadd.s32 s1, s25  }
0x13: {  	s26 =	sshrl.u32 s21, $0x3;
	s1 =	sadd.s32 s1, s22;
	s22 =	sadd.s32 s22, s2  }
0x14: {  	s25 =	simm.s32 $0x9100;
	s3 =	sshrl.u32 s3, $0x3;
	s21 =	sadd.s32 s0, s26  }
0x15: {  	s1 =	sshrl.u32 s1, $0x3;
	s26 =	simm.s32 $0x3;
	s19 =	sadd.s32 s0, s3  }
0x16: {  	s23 =	sadd.s32 s0, s1;
	s0 =	simm.s32 $0x7100;
	s1 =	simm.s32 $0x0  }
.LBB2_1:
0x17: {  	s3 =	rddreg [dreg:$0x4]  }
0x18: {  	[tilespmem:s4], [sflag:$0x1] =	stream.linear.gather [hbm4b:s3+s4], $0x2880, $0x38;
	[tilespmem:$0x15100] =	vst v63  }
0x19: {  	s9 =	rddreg [dreg:$0x5];
	s6 =	simm.s32 $0x2880  }
0x1a: {  	[tilespmem:s6], [sflag:$0x2] =	stream.linear.gather [hbm4b:s9+s4], $0x2880, $0x38;
	[tilespmem:$0x15100] =	vst v63  }
0x1b: {  	s24 =	rddreg [dreg:$0x1]  }
0x1c: {  	[tilespmem:s25], [sflag:$0x3] =	stream.linear.gather [hbm4b:s24+s4], $0x2000, $0x38;
	[tilespmem:$0x15100] =	vst v63  }
0x1d: {  	_ =	swait.ge [sflag:s26], $0x2000  }
0x1e: {  	[sflag:s26] =	ssyncset.done $0x0  }
0x1f: {  	[sflag:s26] =	ssyncadd.s32 $0xFFFFE000  }
0x20: {  	[spmem:s8] =	stream.linear.scatter [tilespmem:s25], [sflag:$0x3], $0x2000, $0x38;
	[tilespmem:$0x15100] =	vst v63  }
0x21: {  	_ =	swait.ge [sflag:s26], $0x2000  }
0x22: {  	[sflag:s26] =	ssyncset.done $0x0  }
0x23: {  	[sflag:s26] =	ssyncadd.s32 $0xFFFFE000  }
0x24: {  	[spmem:s11] =	stream.linear.scatter [tilespmem:s25], [sflag:$0x3], $0x2000, $0x38;
	[tilespmem:$0x15100] =	vst v63  }
0x25: {  	_ =	swait.ge [sflag:s26], $0x2000  }
0x26: {  	[sflag:s26] =	ssyncset.done $0x0  }
0x27: {  	[sflag:s26] =	ssyncadd.s32 $0xFFFFE000  }
0x28: {  	[spmem:s12] =	stream.linear.scatter [tilespmem:s25], [sflag:$0x3], $0x2000, $0x38;
	[tilespmem:$0x15100] =	vst v63  }
0x29: {  	_ =	swait.ge [sflag:s26], $0x2000  }
0x2a: {  	[sflag:s26] =	ssyncset.done $0x0  }
0x2b: {  	[sflag:s26] =	ssyncadd.s32 $0xFFFFE000  }
0x2c: {  	[spmem:s13] =	stream.linear.scatter [tilespmem:s25], [sflag:$0x3], $0x2000, $0x38;
	[tilespmem:$0x15100] =	vst v63  }
0x2d: {  	_ =	swait.ge [sflag:s26], $0x2000  }
0x2e: {  	[sflag:s26] =	ssyncset.done $0x0  }
0x2f: {  	[sflag:s26] =	ssyncadd.s32 $0xFFFFE000  }
0x30: {  	[spmem:s14] =	stream.linear.scatter [tilespmem:s25], [sflag:$0x3], $0x2000, $0x38;
	[tilespmem:$0x15100] =	vst v63  }
0x31: {  	_ =	swait.ge [sflag:s26], $0x2000  }
0x32: {  	[sflag:s26] =	ssyncset.done $0x0  }
0x33: {  	[sflag:s26] =	ssyncadd.s32 $0xFFFFE000  }
0x34: {  	_ =	swait.ge [sflag:s28], $0x2880  }
0x35: {  	[sflag:s28] =	ssyncset.done $0x0  }
0x36: {  	[sflag:s28] =	ssyncadd.s32 $0xFFFFD780  }
0x37: {  	_ =	swait.ge [sflag:s29], $0x2880  }
0x38: {  	[sflag:s29] =	ssyncset.done $0x0  }
0x39: {  	[sflag:s29] =	ssyncadd.s32 $0xFFFFD780  }
0x3a: {  	[bflag:$0x0] =	sbarrier.arrive $0xFFFF  }
0x3b: {  	[tilespmem:s31], [sflag:$0x1] =	stream.indirect.gather [hbm4b:s5+s30], $0x40, s4, s30, $0xb8;
	[tilespmem:$0x15100] =	vst v63  }
0x3c: {  	s6 =	simm.s32 $0x80  }
0x3d: {  	[tilespmem:s0], [sflag:$0x2] =	stream.indirect.gather [hbm4b:s5+s30], $0x40, s6, s30, $0xb8;
	[tilespmem:$0x15100] =	vst v63  }
0x3e: {  	_ =	swait.ge [sflag:s28], $0x2000  }
0x3f: {  	[sflag:s28] =	ssyncset.done $0x0  }
0x40: {  	s7 =	simm.s32 $0x2880;
	[sflag:s28] =	ssyncadd.s32 $0xFFFFE000  }
0x41: {  	[spmem:s2] =	stream.indirect.scatter.add.f32 [tilespmem:s31], [sflag:$0x3], $0x40, s7, s30, $0xb8;
	[tilespmem:$0x15100] =	vst v63  }
0x42: {  	_ =	swait.ge [sflag:s26], $0x2000  }
0x43: {  	[sflag:s26] =	ssyncset.done $0x0  }
0x44: {  	s9 =	simm.s32 $0x100;
	[sflag:s26] =	ssyncadd.s32 $0xFFFFE000  }
0x45: {  	[tilespmem:s31], [sflag:$0x1] =	stream.indirect.gather [hbm4b:s5+s30], $0x40, s9, s30, $0xb8;
	[tilespmem:$0x15100] =	vst v63  }
0x46: {  	_ =	swait.ge [sflag:s29], $0x2000  }
0x47: {  	[sflag:s29] =	ssyncset.done $0x0  }
0x48: {  	s24 =	simm.s32 $0x2900;
	[sflag:s29] =	ssyncadd.s32 $0xFFFFE000  }
0x49: {  	[spmem:s2] =	stream.indirect.scatter.add.f32 [tilespmem:s0], [sflag:$0x3], $0x40, s24, s30, $0xb8;
	[tilespmem:$0x15100] =	vst v63  }
0x4a: {  	_ =	swait.ge [sflag:s26], $0x2000  }
0x4b: {  	s3 =	simm.s32 $0x800;
	s24 =	simm.s32 $0x100;
	[sflag:s26] =	ssyncset.done $0x0  }
.LBB2_2:
0x4c: {  	s6 =	sadd.s32 $0x80, s24  }
0x4d: {  	[sflag:s26] =	ssyncadd.s32 $0xFFFFE000;
	s7 =	smov.u32 s3;
	s9 =	sadd.s32 $0x400, s3  }
0x4e: {  	[tilespmem:s0], [sflag:$0x2] =	stream.indirect.gather [hbm4b:s5+s30], $0x40, s6, s30, $0xb8;
	[tilespmem:$0x15100] =	vst v63  }
0x4f: {  	p0 =	sne.s32 s3, $0x9C00;
	_ =	swait.ge [sflag:s28], $0x2000  }
0x50: {  	[sflag:s28] =	ssyncset.done $0x0  }
0x51: {  	s3 =	sadd.s32 $0x2880, s24;
	[sflag:s28] =	ssyncadd.s32 $0xFFFFE000  }
0x52: {  	[spmem:s2] =	stream.indirect.scatter.add.f32 [tilespmem:s31], [sflag:$0x3], $0x40, s3, s30, $0xb8;
	[tilespmem:$0x15100] =	vst v63  }
0x53: {  	_ =	swait.ge [sflag:s26], $0x2000  }
0x54: {  	[sflag:s26] =	ssyncset.done $0x0  }
0x55: {  	s3 =	sadd.s32 $0x100, s24;
	[sflag:s26] =	ssyncadd.s32 $0xFFFFE000  }
0x56: {  	[tilespmem:s31], [sflag:$0x1] =	stream.indirect.gather [hbm4b:s5+s30], $0x40, s3, s30, $0xb8;
	[tilespmem:$0x15100] =	vst v63  }
0x57: {  	_ =	swait.ge [sflag:s29], $0x2000  }
.Ltmp0:
0x58: {  	[sflag:s29] =	ssyncset.done $0x0;
	(pc) =	sbr.rel @p0 .LBB2_2-.Ltmp0, $4  }
0x59: {  	s3 =	sadd.s32 $0x2900, s24;
	[sflag:s29] =	ssyncadd.s32 $0xFFFFE000  }
0x5a: {  	[spmem:s2] =	stream.indirect.scatter.add.f32 [tilespmem:s0], [sflag:$0x3], $0x40, s3, s30, $0xb8;
	[tilespmem:$0x15100] =	vst v63  }
0x5b: {  	_ =	swait.ge [sflag:s26], $0x2000  }
0x5c: {  	s24 =	sshra.s32 s7, $0x2;
	s3 =	smov.u32 s9;
	[sflag:s26] =	ssyncset.done $0x0  }
0x5d: {  	s3 =	sadd.s32 $0x80, s24;
	[sflag:s26] =	ssyncadd.s32 $0xFFFFE000  }
0x5e: {  	[tilespmem:s0], [sflag:$0x2] =	stream.indirect.gather [hbm4b:s5+s30], $0x40, s3, s30, $0xb8;
	[tilespmem:$0x15100] =	vst v63  }
0x5f: {  	_ =	swait.ge [sflag:s28], $0x2000  }
0x60: {  	[sflag:s28] =	ssyncset.done $0x0  }
0x61: {  	s9 =	sadd.s32 $0x2880, s24;
	[sflag:s28] =	ssyncadd.s32 $0xFFFFE000  }
0x62: {  	[spmem:s2] =	stream.indirect.scatter.add.f32 [tilespmem:s31], [sflag:$0x3], $0x40, s9, s30, $0xb8;
	[tilespmem:$0x15100] =	vst v63  }
0x63: {  	_ =	swait.ge [sflag:s26], $0x2000  }
0x64: {  	[sflag:s26] =	ssyncset.done $0x0  }
0x65: {  	s6 =	sadd.s32 $0x100, s24;
	[sflag:s26] =	ssyncadd.s32 $0xFFFFE000  }
0x66: {  	[tilespmem:s31], [sflag:$0x1] =	stream.indirect.gather [hbm4b:s5+s30], $0x40, s6, s30, $0xb8;
	[tilespmem:$0x15100] =	vst v63  }
0x67: {  	_ =	swait.ge [sflag:s29], $0x2000  }
0x68: {  	[sflag:s29] =	ssyncset.done $0x0  }
0x69: {  	s7 =	sadd.s32 $0x2900, s24;
	[sflag:s29] =	ssyncadd.s32 $0xFFFFE000  }
0x6a: {  	[spmem:s2] =	stream.indirect.scatter.add.f32 [tilespmem:s0], [sflag:$0x3], $0x40, s7, s30, $0xb8;
	[tilespmem:$0x15100] =	vst v63  }
0x6b: {  	_ =	swait.ge [sflag:s26], $0x2000  }
0x6c: {  	[sflag:s26] =	ssyncset.done $0x0  }
0x6d: {  	[sflag:s26] =	ssyncadd.s32 $0xFFFFE000  }
0x6e: {  	_ =	swait.ge [sflag:s28], $0x2000  }
0x6f: {  	[sflag:s28] =	ssyncset.done $0x0  }
0x70: {  	s9 =	simm.s32 $0x5080;
	[sflag:s28] =	ssyncadd.s32 $0xFFFFE000  }
0x71: {  	[spmem:s2] =	stream.indirect.scatter.add.f32 [tilespmem:s31], [sflag:$0x3], $0x40, s9, s30, $0xb8;
	[tilespmem:$0x15100] =	vst v63  }
0x72: {  	_ =	swait.ge [sflag:s26], $0x2000  }
0x73: {  	[sflag:s26] =	ssyncset.done $0x0  }
0x74: {  	[sflag:s26] =	ssyncadd.s32 $0xFFFFE000  }
0x75: {  	[bflag:$0x0] =	sbarrier.arrive $0xFFFF  }
0x76: {  	s24 =	rddreg [dreg:$0x6]  }
0x77: {  	[tilespmem:s25], [sflag:$0x3] =	stream.linear.gather [spmem:s24], $0x2000, $0x38;
	[tilespmem:$0x15100] =	vst v63  }
0x78: {  	_ =	swait.ge [sflag:s26], $0x2000  }
0x79: {  	[sflag:s26] =	ssyncset.done $0x0  }
0x7a: {  	[sflag:s26] =	ssyncadd.s32 $0xFFFFE000  }
0x7b: {  	[hbm4b:s15+s4] =	stream.linear.scatter [tilespmem:s25], [sflag:$0x3], $0x2000, $0x38;
	[tilespmem:$0x15100] =	vst v63  }
0x7c: {  	_ =	swait.ge [sflag:s26], $0x2000  }
0x7d: {  	[sflag:s26] =	ssyncset.done $0x0  }
0x7e: {  	[sflag:s26] =	ssyncadd.s32 $0xFFFFE000  }
0x7f: {  	[tilespmem:s25], [sflag:$0x3] =	stream.linear.gather [spmem:s16], $0x2000, $0x38;
	[tilespmem:$0x15100] =	vst v63  }
0x80: {  	_ =	swait.ge [sflag:s26], $0x2000  }
0x81: {  	[sflag:s26] =	ssyncset.done $0x0  }
0x82: {  	[sflag:s26] =	ssyncadd.s32 $0xFFFFE000  }
0x83: {  	[hbm4b:s17+s4] =	stream.linear.scatter [tilespmem:s25], [sflag:$0x3], $0x2000, $0x38;
	[tilespmem:$0x15100] =	vst v63  }
0x84: {  	_ =	swait.ge [sflag:s26], $0x2000  }
0x85: {  	[sflag:s26] =	ssyncset.done $0x0  }
0x86: {  	[sflag:s26] =	ssyncadd.s32 $0xFFFFE000  }
0x87: {  	[tilespmem:s25], [sflag:$0x3] =	stream.linear.gather [spmem:s18], $0x2000, $0x38;
	[tilespmem:$0x15100] =	vst v63  }
0x88: {  	_ =	swait.ge [sflag:s26], $0x2000  }
0x89: {  	[sflag:s26] =	ssyncset.done $0x0  }
0x8a: {  	[sflag:s26] =	ssyncadd.s32 $0xFFFFE000  }
0x8b: {  	[hbm4b:s19+s4] =	stream.linear.scatter [tilespmem:s25], [sflag:$0x3], $0x2000, $0x38;
	[tilespmem:$0x15100] =	vst v63  }
0x8c: {  	_ =	swait.ge [sflag:s26], $0x2000  }
0x8d: {  	[sflag:s26] =	ssyncset.done $0x0  }
0x8e: {  	[sflag:s26] =	ssyncadd.s32 $0xFFFFE000  }
0x8f: {  	[tilespmem:s25], [sflag:$0x3] =	stream.linear.gather [spmem:s20], $0x2000, $0x38;
	[tilespmem:$0x15100] =	vst v63  }
0x90: {  	_ =	swait.ge [sflag:s26], $0x2000  }
0x91: {  	[sflag:s26] =	ssyncset.done $0x0  }
0x92: {  	[sflag:s26] =	ssyncadd.s32 $0xFFFFE000  }
0x93: {  	[hbm4b:s21+s4] =	stream.linear.scatter [tilespmem:s25], [sflag:$0x3], $0x2000, $0x38;
	[tilespmem:$0x15100] =	vst v63  }
0x94: {  	_ =	swait.ge [sflag:s26], $0x2000  }
0x95: {  	[sflag:s26] =	ssyncset.done $0x0  }
0x96: {  	[sflag:s26] =	ssyncadd.s32 $0xFFFFE000  }
0x97: {  	[tilespmem:s25], [sflag:$0x3] =	stream.linear.gather [spmem:s22], $0x2000, $0x38;
	[tilespmem:$0x15100] =	vst v63  }
0x98: {  	s1 =	sadd.s32 $0x1, s1;
	_ =	swait.ge [sflag:s26], $0x2000  }
0x99: {  	p0 =	sne.s32 s1, s10;
	[sflag:s26] =	ssyncset.done $0x0  }
.Ltmp1:
0x9a: {  	[sflag:s26] =	ssyncadd.s32 $0xFFFFE000;
	(pc) =	sbr.rel @p0 .LBB2_1-.Ltmp1, $4  }
0x9b: {  	[hbm4b:s23+s4] =	stream.linear.scatter [tilespmem:s25], [sflag:$0x3], $0x2000, $0x38;
	[tilespmem:$0x15100] =	vst v63  }
0x9c: {  	_ =	swait.ge [sflag:s26], $0x2000  }
0x9d: {  	[sflag:s26] =	ssyncset.done $0x0  }
0x9e: {  	[sflag:s26] =	ssyncadd.s32 $0xFFFFE000  }
0x9f: {  	_ =	sfence.sel $0x180000  }
0xa0: {  	[bflag:$0x0] =	sbarrier.arrive $0xFFFF  }
0xa1: {  	_ =	strace $0x90000056  }
0xa2: {  	s0 =	stileid.u32;
	[bflag:$0x2] =	sbarrier.arrive $0xFFFF  }
0xa3: {  	p0 =	sne.s32 s0, $0x0;
	s0 =	rddreg [dreg:$0x3]  }
0xa4: {  	s0 =	sadd.s32 @!p0 $0x100000, s0  }
0xa5: {  	[sflag:s0] =	ssyncadd.tile.s32 @!p0 $0x1;
	_ =	shalt  }
.Lfunc_end2:
_tile_overlayer_lowered:
.L_overlay_start_2:
0xa6: {  	(tag) =	ssettag $0x2  }
0xa7: {  	s0 =	rddreg [dreg:$0x0];
	s2 =	stileid.u32  }
0xa8: {  	s1 =	rddreg [dreg:$0x1];
	p0 =	sne.s32 s2, $0x0  }
0xa9: {  	s3 =	rddreg [dreg:$0x2];
	[bflag:$0x3] =	sbarrier.arrive $0xFFFF;
	s2 =	simm.s32 @!p0 $0x1C03  }
0xaa: {  	[timem:s3], [sflag:s2] =	dma.local @!p0 [hbm:s0], s1  }
0xab: {  	s0 =	simm.s32 @!p0 $0x3  }
0xac: {  	_ =	swait.ge @!p0 [sflag:s0], s1  }
0xad: {  	s1 =	ssub.s32 @!p0 $0x0, s1;
	[sflag:s0] =	ssyncset.done @!p0 $0x0  }
0xae: {  	[sflag:s0] =	ssyncadd.s32 @!p0 s1  }
0xaf: {  	[bflag:$0x3] =	sbarrier.arrive $0xFFFF  }
0xb0: {  	_ =	shalt  }

// kernel: kernel.26.cloned.1.call-start
scs
__scs_entry_jumppad:
0x0: {  	(pc) =	sbr.rel $0x88, $3  }
0x1: {  	(tag) =	ssettag $0x0;
	lr =	simm.s32 $0x1  }
0x2: {  	[smem:$0x3F86] =	sst lr;
	_ =	strace $0xD0000000  }
0x3: {  	_ = 	snop  }
0x4: {  	_ = 	snop  }
0x5: {  	_ = 	snop  }
0x6: {  	_ = 	snop  }
0x7: {  	_ = 	snop  }
__scs_overlays_trampoline_lowered:
0x8: {  	[smem:$0x3F95] =	sst s0  }
0x9: {  	[smem:$0x3F96] =	sst s1  }
0xa: {  	[smem:$0x3F97] =	sst s2  }
0xb: {  	[smem:$0x3F98] =	sst s3  }
0xc: {  	[smem:$0x3F99] =	sst s4  }
0xd: {  	[smem:$0x3F9A] =	sst s5  }
0xe: {  	[smem:$0x3F9B] =	sst s6  }
0xf: {  	[smem:$0x3F9C] =	sst s7  }
0x10: {  	[smem:$0x3F9D] =	sst s8  }
0x11: {  	[smem:$0x3F9E] =	sst s9;
	s0 =	simm.s32 @!p0 $0x0  }
0x12: {  	s1 =	sld [smem:$0x3F84];
	s0 =	simm.s32 @p0 $0x1  }
0x13: {  	[smem:$0x3F9F] =	sst s0;
	s0 =	simm.s32 @!p1 $0x0  }
0x14: {  	s2 =	sld [smem:$0x3F83];
	s0 =	simm.s32 @p1 $0x1  }
0x15: {  	[smem:$0x3FA0] =	sst s0;
	s0 =	simm.s32 @!p2 $0x0  }
0x16: {  	s3 =	sld [smem:$0x3FDB];
	s0 =	simm.s32 @p2 $0x1  }
0x17: {  	s4 =	simm.s32 $0x1BF5;
	[smem:$0x3FA2] =	sst s0  }
0x18: {  	s0 =	sld [smem:$0x3F85];
	_ =	swait.ge [sflag:s4], $0x0  }
0x19: {  	s7 =	sld [smem:$0x3F86]  }
0x1a: {  	s8 =	sadd.s32 $0xFFFFE003, lr  }
0x1b: {  	s9 =	sadd.s32 $0xFFFFFEF7, lr;
	s5 =	simm.s32 $0xFFFFFFFF;
	p2 =	slt.u32 s8, $0xFFFFF086  }
0x1c: {  	p1 =	slt.u32 s9, $0xF7A;
	s5 =	simm.s32 @!p2 $0x0  }
0x1d: {  	s5 =	simm.s32 @p1 $0x1;
	p0 =	seq.s32 s7, s2  }
0x1e: {  	s7 =	smul.u32 @!p0 $0xF7A, s2;
	p2 =	seq.s32 @!p0 s5, $0x0  }
0x1f: {  	s9 =	smul.u32 $0xF7A, s1;
	s8 =	simm.s32 @!p0 $0x1BF5;
	p2 =	por !p2, p0  }
0x20: {  	[sflag:s8] =	ssyncset.s32 @!p0 $0xFFFFF086;
	s6 =	sadd.s32 @!p0 s3, s7;
	s7 =	simm.s32 @!p0 $0x108  }
0x21: {  	s3 =	sadd.s32 s3, s9;
	s6 =	sadd.s32 @!p0 $0x88, s6;
	s7 =	simm.s32 @p2 $0x1082  }
0x22: {  	[simem:s7], [sflag:s8] =	dma.local @!p0 [hbm:s6], $0xF7A  }
0x23: {  	s9 =	sor.u32 $0xD0000000, s2;
	s6 =	simm.s32 $0x108;
	_ =	swait.ge @!p0 [sflag:s8], $0x0  }
0x24: {  	s3 =	sadd.s32 $0x88, s3;
	s6 =	simm.s32 @!p1 $0x1082;
	[sflag:s4] =	ssyncset.s32 $0xFFFFF086  }
0x25: {  	[simem:s6], [sflag:s4] =	dma.local [hbm:s3], $0xF7A  }
0x26: {  	[smem:$0x3F86] =	sst s1;
	(tag) =	ssettag s2;
	_ =	strace s9  }
0x27: {  	s1 =	sld [smem:$0x3F96]  }
0x28: {  	s2 =	sld [smem:$0x3F97]  }
0x29: {  	s4 =	sld [smem:$0x3F99]  }
0x2a: {  	p0 =	seq.s32 s5, $0x0;
	s5 =	sld [smem:$0x3F9A]  }
0x2b: {  	s6 =	sld [smem:$0x3F9B]  }
0x2c: {  	s7 =	sld [smem:$0x3F9C]  }
0x2d: {  	s3 =	simm.s32 $0x108;
	s8 =	sld [smem:$0x3F9D]  }
0x2e: {  	s3 =	simm.s32 @!p0 $0x1082;
	s9 =	sld [smem:$0x3F9E]  }
0x2f: {  	lr =	sadd.s32 s0, s3;
	s0 =	sld [smem:$0x3F95]  }
0x30: {  	s3 =	sld [smem:$0x3F98]  }
0x31: {  	[smem:$0x3FA1] =	sst s10  }
0x32: {  	s10 =	sld [smem:$0x3F9F];
	_ =	sdelay $0x3  }
0x33: {  	p0 =	seq.s32 s10, $0x1;
	s10 =	sld [smem:$0x3FA1];
	_ =	sdelay $0x3  }
0x34: {  	[smem:$0x3FA1] =	sst s10  }
0x35: {  	s10 =	sld [smem:$0x3FA0];
	_ =	sdelay $0x3  }
0x36: {  	p1 =	seq.s32 s10, $0x1;
	s10 =	sld [smem:$0x3FA1];
	_ =	sdelay $0x3  }
0x37: {  	[smem:$0x3FA1] =	sst s10  }
0x38: {  	s10 =	sld [smem:$0x3FA2]  }
0x39: {  	_ = 	snop;
	(pc) =	sbr.ind lr, $3  }
0x3a: {  	_ = 	snop  }
0x3b: {  	_ = 	snop  }
0x3c: {  	p2 =	seq.s32 s10, $0x1;
	s10 =	sld [smem:$0x3FA1]  }
0x3d: {  	_ =	shalt  }
0x3e: {  	_ =	shalt  }
0x3f: {  	_ =	shalt  }
0x40: {  	_ =	shalt  }
0x41: {  	_ =	shalt  }
0x42: {  	_ =	shalt  }
0x43: {  	_ =	shalt  }
0x44: {  	_ =	shalt  }
0x45: {  	_ =	shalt  }
0x46: {  	_ =	shalt  }
0x47: {  	_ =	shalt  }
0x48: {  	_ =	shalt  }
0x49: {  	_ =	shalt  }
0x4a: {  	_ =	shalt  }
0x4b: {  	_ =	shalt  }
0x4c: {  	_ =	shalt  }
0x4d: {  	_ =	shalt  }
0x4e: {  	_ =	shalt  }
0x4f: {  	_ =	shalt  }
0x50: {  	_ =	shalt  }
0x51: {  	_ =	shalt  }
0x52: {  	_ =	shalt  }
0x53: {  	_ =	shalt  }
0x54: {  	_ =	shalt  }
0x55: {  	_ =	shalt  }
0x56: {  	_ =	shalt  }
0x57: {  	_ =	shalt  }
0x58: {  	_ =	shalt  }
0x59: {  	_ =	shalt  }
0x5a: {  	_ =	shalt  }
0x5b: {  	_ =	shalt  }
0x5c: {  	_ =	shalt  }
0x5d: {  	_ =	shalt  }
0x5e: {  	_ =	shalt  }
0x5f: {  	_ =	shalt  }
0x60: {  	_ =	shalt  }
0x61: {  	_ =	shalt  }
0x62: {  	_ =	shalt  }
0x63: {  	_ =	shalt  }
0x64: {  	_ =	shalt  }
0x65: {  	_ =	shalt  }
0x66: {  	_ =	shalt  }
0x67: {  	_ =	shalt  }
0x68: {  	_ =	shalt  }
0x69: {  	_ =	shalt  }
0x6a: {  	_ =	shalt  }
0x6b: {  	_ =	shalt  }
0x6c: {  	_ =	shalt  }
0x6d: {  	_ =	shalt  }
0x6e: {  	_ =	shalt  }
0x6f: {  	_ =	shalt  }
0x70: {  	_ =	shalt  }
0x71: {  	_ =	shalt  }
0x72: {  	_ =	shalt  }
0x73: {  	_ =	shalt  }
0x74: {  	_ =	shalt  }
0x75: {  	_ =	shalt  }
0x76: {  	_ =	shalt  }
0x77: {  	_ =	shalt  }
0x78: {  	_ =	shalt  }
0x79: {  	_ =	shalt  }
0x7a: {  	_ =	shalt  }
0x7b: {  	_ =	shalt  }
0x7c: {  	_ =	shalt  }
0x7d: {  	_ =	shalt  }
0x7e: {  	_ =	shalt  }
0x7f: {  	_ =	shalt  }
0x80: {  	_ =	shalt  }
0x81: {  	_ =	shalt  }
0x82: {  	_ =	shalt  }
0x83: {  	_ =	shalt  }
0x84: {  	_ =	shalt  }
0x85: {  	_ =	shalt  }
0x86: {  	_ =	shalt  }
0x87: {  	_ =	shalt  }
.Lfunc_end0:
.L_simem_size_0:
called_computation.6_lowered:
.L_overlay_start_0:
0x88: {  	s2 =	sld [smem:$0x3FD9]  }
0x89: {  	s3 =	sld [smem:$0x3FFE];
	_ =	sdelay $0x1  }
0x8a: {  	s1 =	srdreg.scid  }
0x8b: {  	s0 =	sand.u32 $0x1, s1  }
0x8c: {  	s17 =	sshll.u32 s0, $0xA;
	s2 =	sadd.s32 s3, s2  }
0x8d: {  	s2 =	sadd.s32 s2, s17  }
0x8e: {  	[smem:$0x3FAD] =	sst s2  }
0x8f: {  	_ = 	snop  }
0x90: {  	s2 =	sld [smem:$0x3FD0];
	(tm) =	ssettm $0x1  }
0x91: {  	s18 =	sld [smem:$0x3FFB];
	_ =	sdelay $0x3  }
0x92: {  	_ =	strace s18  }
0x93: {  	s3 =	sld [smem:$0x3FFC];
	_ =	sdelay $0x3  }
0x94: {  	_ =	strace s3  }
0x95: {  	s3 =	sld [smem:$0x3FFD];
	_ =	sdelay $0x3  }
0x96: {  	_ =	strace s3  }
0x97: {  	_ =	strace $0x8FFFFFFF  }
0x98: {  	s19 =	sld [smem:$0x3FDB];
	_ =	sdelay $0x1  }
0x99: {  	s4 =	simm.s32 $_scs_section_size  }
0x9a: {  	s5 =	simm.s32 $_size__tile_overlayer_lowered;
	s6 =	simm.s32 $_tile_overlayer_lowered  }
0x9b: {  	s22 =	simm.s32 $0x1BFF;
	s21 =	sshll.u32 s6, $0x1;
	s3 =	sadd.s32 s4, s19  }
0x9c: {  	s7 =	simm.s32 $0x0;
	s20 =	sshll.u32 s5, $0x1;
	s5 =	sadd.s32 s21, s3  }
0x9d: {  	[timem:s7], [sflag:s22] =	dma.local [hbm:s5], s20  }
0x9e: {  	_ =	swait.ge [sflag:s22], s20  }
0x9f: {  	s4 =	ssub.s32 $0x0, s20;
	[sflag:s22] =	ssyncset.done $0x0  }
0xa0: {  	[sflag:s22] =	ssyncadd.s32 s4;
	_ =	sdelay $0x1  }
0xa1: {  	s23 =	simm.s32 $0x1B8B  }
0xa2: {  	_ =	swait.ge [sflag:s23], $0x1  }
0xa3: {  	[sflag:s23] =	ssyncset.done $0x0  }
0xa4: {  	s25 =	simm.s32 $0x1B8E;
	s24 =	sld [smem:$0x3FFE];
	[sflag:s23] =	ssyncadd.s32 $0xFFFFFFFF  }
0xa5: {  	s26 =	simm.s32 $execute0_lowered;
	[smem:$0x3FD2] =	sst s25  }
0xa6: {  	s5 =	sshll.u32 s26, $0x1;
	_ =	strace $0x80000058;
	[dreg:$0x1] =	wrdreg $0xFFFFFFFF  }
0xa7: {  	s28 =	simm.s32 $_size_execute0_lowered;
	s3 =	sadd.s32 s3, s5;
	[dreg:$0x0] =	wrdreg $0x0  }
0xa8: {  	s5 =	sshll.u32 s28, $0x1;
	[dreg:$0x2] =	wrdreg s3  }
0xa9: {  	[dreg:$0x3] =	wrdreg s5  }
0xaa: {  	[dreg:$0x4] =	wrdreg $0xC0  }
0xab: {  	_ =	task [dreg:s7], $0x5FFFF  }
0xac: {  	[dreg:$0x1] =	wrdreg $0xFFFFFFFF  }
0xad: {  	[dreg:$0x0] =	wrdreg $0x60  }
0xae: {  	[dreg:$0x2] =	wrdreg s24  }
0xaf: {  	[dreg:$0x3] =	wrdreg s2  }
0xb0: {  	[dreg:$0x4] =	wrdreg $0xB1000  }
0xb1: {  	[dreg:$0x5] =	wrdreg $0x9  }
0xb2: {  	_ =	task.clear_ibuf [dreg:s7], $0x6FFFF;
	_ =	strace $0x90000058  }
0xb3: {  	s29 =	simm.s32 $0x9;
	_ =	strace $0x8000005A  }
0xb4: {  	_ =	swait.ge [sflag:s29], $0x1  }
0xb5: {  	[sflag:s29] =	ssyncadd.s32 $0xFFFFFFFF  }
0xb6: {  	_ =	strace $0x9000005A  }
0xb7: {  	_ =	sfence  }
0xb8: {  	s30 =	sld [smem:$0x0];
	_ =	sdelay $0x2  }
0xb9: {  	s31 =	sshll.u32 s1, $0xD;
	s1 =	sshrl.u32 s1, $0x2  }
0xba: {  	s3 =	sand.u32 $0x4000, s31;
	s1 =	sadd.s32 s1, s30  }
0xbb: {  	s0 =	sor.u32 s3, s0;
	s1 =	sshll.u32 s1, $0x11  }
0xbc: {  	s0 =	sor.u32 s1, s0  }
0xbd: {  	s0 =	sadd.s32 $0x8F2B, s0  }
0xbe: {  	[sflag:s0] =	ssyncadd.remote.s32 $0x1  }
0xbf: {  	_ =	sfence.sel $0xFFFF  }
0xc0: {  	[dreg:$0x0] =	wrdreg $0xFFFFFFFF;
	(pc) =	sbr.abs _section_cstart, $3  }
0xc1: {  	[dreg:$0x1] =	wrdreg $0xFFFFFFFF  }
0xc2: {  	_ =	task.clear_ibuf [dreg:s7], $0x2FFFF;
	_ =	strace $0x9FFFFFFF  }
0xc3: {  	(tm) =	ssettm $0x7FFFFFFF  }
tec
execute0_lowered:
.L_overlay_start_1:
0x0: {  	(tag) =	ssettag $0x1  }
0x1: {  	s0 =	rddreg [dreg:$0x0]  }
0x2: {  	s2 =	rddreg [dreg:$0x2];
	s1 =	srdreg.scid;
	s4 =	simm.s32 $0x0  }
0x3: {  	s9 =	stileid.u32;
	s28 =	simm.s32 $0x1;
	s29 =	simm.s32 $0x2  }
0x4: {  	s30 =	simm.s32 $0x80;
	s31 =	simm.s32 $0x5100;
	s1 =	sand.u32 $0x1, s1  }
0x5: {  	[smem:$0x7FF] =	sst s4;
	s5 =	sadd.s32 $0x10C00, s0;
	s8 =	smul.u32 $0x28000, s9  }
0x6: {  	s19 =	smul.u32 $0xA000, s9;
	s3 =	sshll.u32 s1, $0x4;
	_ =	strace $0x80000059  }
0x7: {  	s6 =	ssub.s32 $0x2, s1;
	s1 =	smul.u32 $0xA0000, s1;
	s3 =	sor.u32 s9, s3  }
0x8: {  	s7 =	sshrl.u32 s6, $0x1;
	s8 =	sshrl.u32 s8, $0x2;
	s22 =	sadd.s32 s19, s2  }
0x9: {  	s16 =	sadd.s32 $0x2000, s19;
	s25 =	sadd.s32 $0x4000, s19;
	s20 =	sadd.s32 $0x6000, s19  }
0xa: {  	s3 =	smul.u32 $0x510, s3;
	s10 =	ssub.s32 s6, s7;
	s8 =	sadd.s32 s8, s2  }
0xb: {  	[dreg:$0x6] =	wrdreg s22;
	s23 =	sadd.s32 s1, s19;
	s17 =	sadd.s32 s1, s16  }
0xc: {  	s16 =	sadd.s32 s16, s2;
	s18 =	sadd.s32 s25, s2;
	s22 =	sadd.s32 $0x8000, s19  }
0xd: {  	s10 =	smax.u32 s10, $0x1;
	s11 =	sadd.s32 $0x2000, s8;
	s12 =	sadd.s32 $0x4000, s8  }
0xe: {  	s13 =	sadd.s32 $0x6000, s8;
	s14 =	sadd.s32 $0x8000, s8;
	s3 =	sadd.s32 s3, s0  }
0xf: {  	s24 =	sshrl.u32 s17, $0x3;
	s0 =	sadd.s32 $0x24C00, s0;
	s21 =	sadd.s32 $0x7F200, s3  }
0x10: {  	s3 =	sadd.s32 $0x6A00, s3;
	s17 =	sadd.s32 s0, s24;
	[dreg:$0x4] =	wrdreg s21  }
0x11: {  	[dreg:$0x5] =	wrdreg s3;
	s3 =	sshrl.u32 s23, $0x3;
	s21 =	sadd.s32 s1, s20  }
0x12: {  	s20 =	sadd.s32 s20, s2;
	s15 =	sadd.s32 s0, s3;
	s3 =	sadd.s32 s1, s25  }
0x13: {  	s26 =	sshrl.u32 s21, $0x3;
	s1 =	sadd.s32 s1, s22;
	s22 =	sadd.s32 s22, s2  }
0x14: {  	s25 =	simm.s32 $0x9100;
	s3 =	sshrl.u32 s3, $0x3;
	s21 =	sadd.s32 s0, s26  }
0x15: {  	s1 =	sshrl.u32 s1, $0x3;
	s26 =	simm.s32 $0x3;
	s19 =	sadd.s32 s0, s3  }
0x16: {  	s23 =	sadd.s32 s0, s1;
	s0 =	simm.s32 $0x7100;
	s1 =	simm.s32 $0x0  }
.LBB2_1:
0x17: {  	s3 =	rddreg [dreg:$0x4]  }
0x18: {  	[tilespmem:s4], [sflag:$0x1] =	stream.linear.gather [hbm4b:s3+s4], $0x2880, $0x38;
	[tilespmem:$0x15100] =	vst v63  }
0x19: {  	s9 =	rddreg [dreg:$0x5];
	s6 =	simm.s32 $0x2880  }
0x1a: {  	[tilespmem:s6], [sflag:$0x2] =	stream.linear.gather [hbm4b:s9+s4], $0x2880, $0x38;
	[tilespmem:$0x15100] =	vst v63  }
0x1b: {  	s24 =	rddreg [dreg:$0x1]  }
0x1c: {  	[tilespmem:s25], [sflag:$0x3] =	stream.linear.gather [hbm4b:s24+s4], $0x2000, $0x38;
	[tilespmem:$0x15100] =	vst v63  }
0x1d: {  	_ =	swait.ge [sflag:s26], $0x2000  }
0x1e: {  	[sflag:s26] =	ssyncset.done $0x0  }
0x1f: {  	[sflag:s26] =	ssyncadd.s32 $0xFFFFE000  }
0x20: {  	[spmem:s8] =	stream.linear.scatter [tilespmem:s25], [sflag:$0x3], $0x2000, $0x38;
	[tilespmem:$0x15100] =	vst v63  }
0x21: {  	_ =	swait.ge [sflag:s26], $0x2000  }
0x22: {  	[sflag:s26] =	ssyncset.done $0x0  }
0x23: {  	[sflag:s26] =	ssyncadd.s32 $0xFFFFE000  }
0x24: {  	[spmem:s11] =	stream.linear.scatter [tilespmem:s25], [sflag:$0x3], $0x2000, $0x38;
	[tilespmem:$0x15100] =	vst v63  }
0x25: {  	_ =	swait.ge [sflag:s26], $0x2000  }
0x26: {  	[sflag:s26] =	ssyncset.done $0x0  }
0x27: {  	[sflag:s26] =	ssyncadd.s32 $0xFFFFE000  }
0x28: {  	[spmem:s12] =	stream.linear.scatter [tilespmem:s25], [sflag:$0x3], $0x2000, $0x38;
	[tilespmem:$0x15100] =	vst v63  }
0x29: {  	_ =	swait.ge [sflag:s26], $0x2000  }
0x2a: {  	[sflag:s26] =	ssyncset.done $0x0  }
0x2b: {  	[sflag:s26] =	ssyncadd.s32 $0xFFFFE000  }
0x2c: {  	[spmem:s13] =	stream.linear.scatter [tilespmem:s25], [sflag:$0x3], $0x2000, $0x38;
	[tilespmem:$0x15100] =	vst v63  }
0x2d: {  	_ =	swait.ge [sflag:s26], $0x2000  }
0x2e: {  	[sflag:s26] =	ssyncset.done $0x0  }
0x2f: {  	[sflag:s26] =	ssyncadd.s32 $0xFFFFE000  }
0x30: {  	[spmem:s14] =	stream.linear.scatter [tilespmem:s25], [sflag:$0x3], $0x2000, $0x38;
	[tilespmem:$0x15100] =	vst v63  }
0x31: {  	_ =	swait.ge [sflag:s26], $0x2000  }
0x32: {  	[sflag:s26] =	ssyncset.done $0x0  }
0x33: {  	[sflag:s26] =	ssyncadd.s32 $0xFFFFE000  }
0x34: {  	_ =	swait.ge [sflag:s28], $0x2880  }
0x35: {  	[sflag:s28] =	ssyncset.done $0x0  }
0x36: {  	[sflag:s28] =	ssyncadd.s32 $0xFFFFD780  }
0x37: {  	_ =	swait.ge [sflag:s29], $0x2880  }
0x38: {  	[sflag:s29] =	ssyncset.done $0x0  }
0x39: {  	[sflag:s29] =	ssyncadd.s32 $0xFFFFD780  }
0x3a: {  	[bflag:$0x0] =	sbarrier.arrive $0xFFFF  }
0x3b: {  	[tilespmem:s31], [sflag:$0x1] =	stream.indirect.gather [hbm4b:s5+s30], $0x40, s4, s30, $0xb8;
	[tilespmem:$0x15100] =	vst v63  }
0x3c: {  	s6 =	simm.s32 $0x80  }
0x3d: {  	[tilespmem:s0], [sflag:$0x2] =	stream.indirect.gather [hbm4b:s5+s30], $0x40, s6, s30, $0xb8;
	[tilespmem:$0x15100] =	vst v63  }
0x3e: {  	_ =	swait.ge [sflag:s28], $0x2000  }
0x3f: {  	[sflag:s28] =	ssyncset.done $0x0  }
0x40: {  	s7 =	simm.s32 $0x2880;
	[sflag:s28] =	ssyncadd.s32 $0xFFFFE000  }
0x41: {  	[spmem:s2] =	stream.indirect.scatter.add.f32 [tilespmem:s31], [sflag:$0x3], $0x40, s7, s30, $0xb8;
	[tilespmem:$0x15100] =	vst v63  }
0x42: {  	_ =	swait.ge [sflag:s26], $0x2000  }
0x43: {  	[sflag:s26] =	ssyncset.done $0x0  }
0x44: {  	s9 =	simm.s32 $0x100;
	[sflag:s26] =	ssyncadd.s32 $0xFFFFE000  }
0x45: {  	[tilespmem:s31], [sflag:$0x1] =	stream.indirect.gather [hbm4b:s5+s30], $0x40, s9, s30, $0xb8;
	[tilespmem:$0x15100] =	vst v63  }
0x46: {  	_ =	swait.ge [sflag:s29], $0x2000  }
0x47: {  	[sflag:s29] =	ssyncset.done $0x0  }
0x48: {  	s24 =	simm.s32 $0x2900;
	[sflag:s29] =	ssyncadd.s32 $0xFFFFE000  }
0x49: {  	[spmem:s2] =	stream.indirect.scatter.add.f32 [tilespmem:s0], [sflag:$0x3], $0x40, s24, s30, $0xb8;
	[tilespmem:$0x15100] =	vst v63  }
0x4a: {  	_ =	swait.ge [sflag:s26], $0x2000  }
0x4b: {  	s3 =	simm.s32 $0x800;
	s24 =	simm.s32 $0x100;
	[sflag:s26] =	ssyncset.done $0x0  }
.LBB2_2:
0x4c: {  	s6 =	sadd.s32 $0x80, s24  }
0x4d: {  	[sflag:s26] =	ssyncadd.s32 $0xFFFFE000;
	s7 =	smov.u32 s3;
	s9 =	sadd.s32 $0x400, s3  }
0x4e: {  	[tilespmem:s0], [sflag:$0x2] =	stream.indirect.gather [hbm4b:s5+s30], $0x40, s6, s30, $0xb8;
	[tilespmem:$0x15100] =	vst v63  }
0x4f: {  	p0 =	sne.s32 s3, $0x9C00;
	_ =	swait.ge [sflag:s28], $0x2000  }
0x50: {  	[sflag:s28] =	ssyncset.done $0x0  }
0x51: {  	s3 =	sadd.s32 $0x2880, s24;
	[sflag:s28] =	ssyncadd.s32 $0xFFFFE000  }
0x52: {  	[spmem:s2] =	stream.indirect.scatter.add.f32 [tilespmem:s31], [sflag:$0x3], $0x40, s3, s30, $0xb8;
	[tilespmem:$0x15100] =	vst v63  }
0x53: {  	_ =	swait.ge [sflag:s26], $0x2000  }
0x54: {  	[sflag:s26] =	ssyncset.done $0x0  }
0x55: {  	s3 =	sadd.s32 $0x100, s24;
	[sflag:s26] =	ssyncadd.s32 $0xFFFFE000  }
0x56: {  	[tilespmem:s31], [sflag:$0x1] =	stream.indirect.gather [hbm4b:s5+s30], $0x40, s3, s30, $0xb8;
	[tilespmem:$0x15100] =	vst v63  }
0x57: {  	_ =	swait.ge [sflag:s29], $0x2000  }
.Ltmp0:
0x58: {  	[sflag:s29] =	ssyncset.done $0x0;
	(pc) =	sbr.rel @p0 .LBB2_2-.Ltmp0, $4  }
0x59: {  	s3 =	sadd.s32 $0x2900, s24;
	[sflag:s29] =	ssyncadd.s32 $0xFFFFE000  }
0x5a: {  	[spmem:s2] =	stream.indirect.scatter.add.f32 [tilespmem:s0], [sflag:$0x3], $0x40, s3, s30, $0xb8;
	[tilespmem:$0x15100] =	vst v63  }
0x5b: {  	_ =	swait.ge [sflag:s26], $0x2000  }
0x5c: {  	s24 =	sshra.s32 s7, $0x2;
	s3 =	smov.u32 s9;
	[sflag:s26] =	ssyncset.done $0x0  }
0x5d: {  	s3 =	sadd.s32 $0x80, s24;
	[sflag:s26] =	ssyncadd.s32 $0xFFFFE000  }
0x5e: {  	[tilespmem:s0], [sflag:$0x2] =	stream.indirect.gather [hbm4b:s5+s30], $0x40, s3, s30, $0xb8;
	[tilespmem:$0x15100] =	vst v63  }
0x5f: {  	_ =	swait.ge [sflag:s28], $0x2000  }
0x60: {  	[sflag:s28] =	ssyncset.done $0x0  }
0x61: {  	s9 =	sadd.s32 $0x2880, s24;
	[sflag:s28] =	ssyncadd.s32 $0xFFFFE000  }
0x62: {  	[spmem:s2] =	stream.indirect.scatter.add.f32 [tilespmem:s31], [sflag:$0x3], $0x40, s9, s30, $0xb8;
	[tilespmem:$0x15100] =	vst v63  }
0x63: {  	_ =	swait.ge [sflag:s26], $0x2000  }
0x64: {  	[sflag:s26] =	ssyncset.done $0x0  }
0x65: {  	s6 =	sadd.s32 $0x100, s24;
	[sflag:s26] =	ssyncadd.s32 $0xFFFFE000  }
0x66: {  	[tilespmem:s31], [sflag:$0x1] =	stream.indirect.gather [hbm4b:s5+s30], $0x40, s6, s30, $0xb8;
	[tilespmem:$0x15100] =	vst v63  }
0x67: {  	_ =	swait.ge [sflag:s29], $0x2000  }
0x68: {  	[sflag:s29] =	ssyncset.done $0x0  }
0x69: {  	s7 =	sadd.s32 $0x2900, s24;
	[sflag:s29] =	ssyncadd.s32 $0xFFFFE000  }
0x6a: {  	[spmem:s2] =	stream.indirect.scatter.add.f32 [tilespmem:s0], [sflag:$0x3], $0x40, s7, s30, $0xb8;
	[tilespmem:$0x15100] =	vst v63  }
0x6b: {  	_ =	swait.ge [sflag:s26], $0x2000  }
0x6c: {  	[sflag:s26] =	ssyncset.done $0x0  }
0x6d: {  	[sflag:s26] =	ssyncadd.s32 $0xFFFFE000  }
0x6e: {  	_ =	swait.ge [sflag:s28], $0x2000  }
0x6f: {  	[sflag:s28] =	ssyncset.done $0x0  }
0x70: {  	s9 =	simm.s32 $0x5080;
	[sflag:s28] =	ssyncadd.s32 $0xFFFFE000  }
0x71: {  	[spmem:s2] =	stream.indirect.scatter.add.f32 [tilespmem:s31], [sflag:$0x3], $0x40, s9, s30, $0xb8;
	[tilespmem:$0x15100] =	vst v63  }
0x72: {  	_ =	swait.ge [sflag:s26], $0x2000  }
0x73: {  	[sflag:s26] =	ssyncset.done $0x0  }
0x74: {  	[sflag:s26] =	ssyncadd.s32 $0xFFFFE000  }
0x75: {  	[bflag:$0x0] =	sbarrier.arrive $0xFFFF  }
0x76: {  	s24 =	rddreg [dreg:$0x6]  }
0x77: {  	[tilespmem:s25], [sflag:$0x3] =	stream.linear.gather [spmem:s24], $0x2000, $0x38;
	[tilespmem:$0x15100] =	vst v63  }
0x78: {  	_ =	swait.ge [sflag:s26], $0x2000  }
0x79: {  	[sflag:s26] =	ssyncset.done $0x0  }
0x7a: {  	[sflag:s26] =	ssyncadd.s32 $0xFFFFE000  }
0x7b: {  	[hbm4b:s15+s4] =	stream.linear.scatter [tilespmem:s25], [sflag:$0x3], $0x2000, $0x38;
	[tilespmem:$0x15100] =	vst v63  }
0x7c: {  	_ =	swait.ge [sflag:s26], $0x2000  }
0x7d: {  	[sflag:s26] =	ssyncset.done $0x0  }
0x7e: {  	[sflag:s26] =	ssyncadd.s32 $0xFFFFE000  }
0x7f: {  	[tilespmem:s25], [sflag:$0x3] =	stream.linear.gather [spmem:s16], $0x2000, $0x38;
	[tilespmem:$0x15100] =	vst v63  }
0x80: {  	_ =	swait.ge [sflag:s26], $0x2000  }
0x81: {  	[sflag:s26] =	ssyncset.done $0x0  }
0x82: {  	[sflag:s26] =	ssyncadd.s32 $0xFFFFE000  }
0x83: {  	[hbm4b:s17+s4] =	stream.linear.scatter [tilespmem:s25], [sflag:$0x3], $0x2000, $0x38;
	[tilespmem:$0x15100] =	vst v63  }
0x84: {  	_ =	swait.ge [sflag:s26], $0x2000  }
0x85: {  	[sflag:s26] =	ssyncset.done $0x0  }
0x86: {  	[sflag:s26] =	ssyncadd.s32 $0xFFFFE000  }
0x87: {  	[tilespmem:s25], [sflag:$0x3] =	stream.linear.gather [spmem:s18], $0x2000, $0x38;
	[tilespmem:$0x15100] =	vst v63  }
0x88: {  	_ =	swait.ge [sflag:s26], $0x2000  }
0x89: {  	[sflag:s26] =	ssyncset.done $0x0  }
0x8a: {  	[sflag:s26] =	ssyncadd.s32 $0xFFFFE000  }
0x8b: {  	[hbm4b:s19+s4] =	stream.linear.scatter [tilespmem:s25], [sflag:$0x3], $0x2000, $0x38;
	[tilespmem:$0x15100] =	vst v63  }
0x8c: {  	_ =	swait.ge [sflag:s26], $0x2000  }
0x8d: {  	[sflag:s26] =	ssyncset.done $0x0  }
0x8e: {  	[sflag:s26] =	ssyncadd.s32 $0xFFFFE000  }
0x8f: {  	[tilespmem:s25], [sflag:$0x3] =	stream.linear.gather [spmem:s20], $0x2000, $0x38;
	[tilespmem:$0x15100] =	vst v63  }
0x90: {  	_ =	swait.ge [sflag:s26], $0x2000  }
0x91: {  	[sflag:s26] =	ssyncset.done $0x0  }
0x92: {  	[sflag:s26] =	ssyncadd.s32 $0xFFFFE000  }
0x93: {  	[hbm4b:s21+s4] =	stream.linear.scatter [tilespmem:s25], [sflag:$0x3], $0x2000, $0x38;
	[tilespmem:$0x15100] =	vst v63  }
0x94: {  	_ =	swait.ge [sflag:s26], $0x2000  }
0x95: {  	[sflag:s26] =	ssyncset.done $0x0  }
0x96: {  	[sflag:s26] =	ssyncadd.s32 $0xFFFFE000  }
0x97: {  	[tilespmem:s25], [sflag:$0x3] =	stream.linear.gather [spmem:s22], $0x2000, $0x38;
	[tilespmem:$0x15100] =	vst v63  }
0x98: {  	s1 =	sadd.s32 $0x1, s1;
	_ =	swait.ge [sflag:s26], $0x2000  }
0x99: {  	p0 =	sne.s32 s1, s10;
	[sflag:s26] =	ssyncset.done $0x0  }
.Ltmp1:
0x9a: {  	[sflag:s26] =	ssyncadd.s32 $0xFFFFE000;
	(pc) =	sbr.rel @p0 .LBB2_1-.Ltmp1, $4  }
0x9b: {  	[hbm4b:s23+s4] =	stream.linear.scatter [tilespmem:s25], [sflag:$0x3], $0x2000, $0x38;
	[tilespmem:$0x15100] =	vst v63  }
0x9c: {  	_ =	swait.ge [sflag:s26], $0x2000  }
0x9d: {  	[sflag:s26] =	ssyncset.done $0x0  }
0x9e: {  	[sflag:s26] =	ssyncadd.s32 $0xFFFFE000  }
0x9f: {  	_ =	sfence.sel $0x180000  }
0xa0: {  	[bflag:$0x0] =	sbarrier.arrive $0xFFFF  }
0xa1: {  	_ =	strace $0x90000059  }
0xa2: {  	s0 =	stileid.u32;
	[bflag:$0x2] =	sbarrier.arrive $0xFFFF  }
0xa3: {  	p0 =	sne.s32 s0, $0x0;
	s0 =	rddreg [dreg:$0x3]  }
0xa4: {  	s0 =	sadd.s32 @!p0 $0x100000, s0  }
0xa5: {  	[sflag:s0] =	ssyncadd.tile.s32 @!p0 $0x1;
	_ =	shalt  }
.Lfunc_end2:
_tile_overlayer_lowered:
.L_overlay_start_2:
0xa6: {  	(tag) =	ssettag $0x2  }
0xa7: {  	s0 =	rddreg [dreg:$0x0];
	s2 =	stileid.u32  }
0xa8: {  	s1 =	rddreg [dreg:$0x1];
	p0 =	sne.s32 s2, $0x0  }
0xa9: {  	s3 =	rddreg [dreg:$0x2];
	[bflag:$0x3] =	sbarrier.arrive $0xFFFF;
	s2 =	simm.s32 @!p0 $0x1C03  }
0xaa: {  	[timem:s3], [sflag:s2] =	dma.local @!p0 [hbm:s0], s1  }
0xab: {  	s0 =	simm.s32 @!p0 $0x3  }
0xac: {  	_ =	swait.ge @!p0 [sflag:s0], s1  }
0xad: {  	s1 =	ssub.s32 @!p0 $0x0, s1;
	[sflag:s0] =	ssyncset.done @!p0 $0x0  }
0xae: {  	[sflag:s0] =	ssyncadd.s32 @!p0 s1  }
0xaf: {  	[bflag:$0x3] =	sbarrier.arrive $0xFFFF  }
0xb0: {  	_ =	shalt  }

// kernel: kernel.29.cloned.1.call-start
scs
__scs_entry_jumppad:
0x0: {  	(pc) =	sbr.rel $0x88, $3  }
0x1: {  	(tag) =	ssettag $0x0;
	lr =	simm.s32 $0x1  }
0x2: {  	[smem:$0x3F86] =	sst lr;
	_ =	strace $0xD0000000  }
0x3: {  	_ = 	snop  }
0x4: {  	_ = 	snop  }
0x5: {  	_ = 	snop  }
0x6: {  	_ = 	snop  }
0x7: {  	_ = 	snop  }
__scs_overlays_trampoline_lowered:
0x8: {  	[smem:$0x3F95] =	sst s0  }
0x9: {  	[smem:$0x3F96] =	sst s1  }
0xa: {  	[smem:$0x3F97] =	sst s2  }
0xb: {  	[smem:$0x3F98] =	sst s3  }
0xc: {  	[smem:$0x3F99] =	sst s4  }
0xd: {  	[smem:$0x3F9A] =	sst s5  }
0xe: {  	[smem:$0x3F9B] =	sst s6  }
0xf: {  	[smem:$0x3F9C] =	sst s7  }
0x10: {  	[smem:$0x3F9D] =	sst s8  }
0x11: {  	[smem:$0x3F9E] =	sst s9;
	s0 =	simm.s32 @!p0 $0x0  }
0x12: {  	s1 =	sld [smem:$0x3F84];
	s0 =	simm.s32 @p0 $0x1  }
0x13: {  	[smem:$0x3F9F] =	sst s0;
	s0 =	simm.s32 @!p1 $0x0  }
0x14: {  	s2 =	sld [smem:$0x3F83];
	s0 =	simm.s32 @p1 $0x1  }
0x15: {  	[smem:$0x3FA0] =	sst s0;
	s0 =	simm.s32 @!p2 $0x0  }
0x16: {  	s3 =	sld [smem:$0x3FDB];
	s0 =	simm.s32 @p2 $0x1  }
0x17: {  	s4 =	simm.s32 $0x1BF5;
	[smem:$0x3FA2] =	sst s0  }
0x18: {  	s0 =	sld [smem:$0x3F85];
	_ =	swait.ge [sflag:s4], $0x0  }
0x19: {  	s7 =	sld [smem:$0x3F86]  }
0x1a: {  	s8 =	sadd.s32 $0xFFFFE003, lr  }
0x1b: {  	s9 =	sadd.s32 $0xFFFFFEF7, lr;
	s5 =	simm.s32 $0xFFFFFFFF;
	p2 =	slt.u32 s8, $0xFFFFF086  }
0x1c: {  	p1 =	slt.u32 s9, $0xF7A;
	s5 =	simm.s32 @!p2 $0x0  }
0x1d: {  	s5 =	simm.s32 @p1 $0x1;
	p0 =	seq.s32 s7, s2  }
0x1e: {  	s7 =	smul.u32 @!p0 $0xF7A, s2;
	p2 =	seq.s32 @!p0 s5, $0x0  }
0x1f: {  	s9 =	smul.u32 $0xF7A, s1;
	s8 =	simm.s32 @!p0 $0x1BF5;
	p2 =	por !p2, p0  }
0x20: {  	[sflag:s8] =	ssyncset.s32 @!p0 $0xFFFFF086;
	s6 =	sadd.s32 @!p0 s3, s7;
	s7 =	simm.s32 @!p0 $0x108  }
0x21: {  	s3 =	sadd.s32 s3, s9;
	s6 =	sadd.s32 @!p0 $0x88, s6;
	s7 =	simm.s32 @p2 $0x1082  }
0x22: {  	[simem:s7], [sflag:s8] =	dma.local @!p0 [hbm:s6], $0xF7A  }
0x23: {  	s9 =	sor.u32 $0xD0000000, s2;
	s6 =	simm.s32 $0x108;
	_ =	swait.ge @!p0 [sflag:s8], $0x0  }
0x24: {  	s3 =	sadd.s32 $0x88, s3;
	s6 =	simm.s32 @!p1 $0x1082;
	[sflag:s4] =	ssyncset.s32 $0xFFFFF086  }
0x25: {  	[simem:s6], [sflag:s4] =	dma.local [hbm:s3], $0xF7A  }
0x26: {  	[smem:$0x3F86] =	sst s1;
	(tag) =	ssettag s2;
	_ =	strace s9  }
0x27: {  	s1 =	sld [smem:$0x3F96]  }
0x28: {  	s2 =	sld [smem:$0x3F97]  }
0x29: {  	s4 =	sld [smem:$0x3F99]  }
0x2a: {  	p0 =	seq.s32 s5, $0x0;
	s5 =	sld [smem:$0x3F9A]  }
0x2b: {  	s6 =	sld [smem:$0x3F9B]  }
0x2c: {  	s7 =	sld [smem:$0x3F9C]  }
0x2d: {  	s3 =	simm.s32 $0x108;
	s8 =	sld [smem:$0x3F9D]  }
0x2e: {  	s3 =	simm.s32 @!p0 $0x1082;
	s9 =	sld [smem:$0x3F9E]  }
0x2f: {  	lr =	sadd.s32 s0, s3;
	s0 =	sld [smem:$0x3F95]  }
0x30: {  	s3 =	sld [smem:$0x3F98]  }
0x31: {  	[smem:$0x3FA1] =	sst s10  }
0x32: {  	s10 =	sld [smem:$0x3F9F];
	_ =	sdelay $0x3  }
0x33: {  	p0 =	seq.s32 s10, $0x1;
	s10 =	sld [smem:$0x3FA1];
	_ =	sdelay $0x3  }
0x34: {  	[smem:$0x3FA1] =	sst s10  }
0x35: {  	s10 =	sld [smem:$0x3FA0];
	_ =	sdelay $0x3  }
0x36: {  	p1 =	seq.s32 s10, $0x1;
	s10 =	sld [smem:$0x3FA1];
	_ =	sdelay $0x3  }
0x37: {  	[smem:$0x3FA1] =	sst s10  }
0x38: {  	s10 =	sld [smem:$0x3FA2]  }
0x39: {  	_ = 	snop;
	(pc) =	sbr.ind lr, $3  }
0x3a: {  	_ = 	snop  }
0x3b: {  	_ = 	snop  }
0x3c: {  	p2 =	seq.s32 s10, $0x1;
	s10 =	sld [smem:$0x3FA1]  }
0x3d: {  	_ =	shalt  }
0x3e: {  	_ =	shalt  }
0x3f: {  	_ =	shalt  }
0x40: {  	_ =	shalt  }
0x41: {  	_ =	shalt  }
0x42: {  	_ =	shalt  }
0x43: {  	_ =	shalt  }
0x44: {  	_ =	shalt  }
0x45: {  	_ =	shalt  }
0x46: {  	_ =	shalt  }
0x47: {  	_ =	shalt  }
0x48: {  	_ =	shalt  }
0x49: {  	_ =	shalt  }
0x4a: {  	_ =	shalt  }
0x4b: {  	_ =	shalt  }
0x4c: {  	_ =	shalt  }
0x4d: {  	_ =	shalt  }
0x4e: {  	_ =	shalt  }
0x4f: {  	_ =	shalt  }
0x50: {  	_ =	shalt  }
0x51: {  	_ =	shalt  }
0x52: {  	_ =	shalt  }
0x53: {  	_ =	shalt  }
0x54: {  	_ =	shalt  }
0x55: {  	_ =	shalt  }
0x56: {  	_ =	shalt  }
0x57: {  	_ =	shalt  }
0x58: {  	_ =	shalt  }
0x59: {  	_ =	shalt  }
0x5a: {  	_ =	shalt  }
0x5b: {  	_ =	shalt  }
0x5c: {  	_ =	shalt  }
0x5d: {  	_ =	shalt  }
0x5e: {  	_ =	shalt  }
0x5f: {  	_ =	shalt  }
0x60: {  	_ =	shalt  }
0x61: {  	_ =	shalt  }
0x62: {  	_ =	shalt  }
0x63: {  	_ =	shalt  }
0x64: {  	_ =	shalt  }
0x65: {  	_ =	shalt  }
0x66: {  	_ =	shalt  }
0x67: {  	_ =	shalt  }
0x68: {  	_ =	shalt  }
0x69: {  	_ =	shalt  }
0x6a: {  	_ =	shalt  }
0x6b: {  	_ =	shalt  }
0x6c: {  	_ =	shalt  }
0x6d: {  	_ =	shalt  }
0x6e: {  	_ =	shalt  }
0x6f: {  	_ =	shalt  }
0x70: {  	_ =	shalt  }
0x71: {  	_ =	shalt  }
0x72: {  	_ =	shalt  }
0x73: {  	_ =	shalt  }
0x74: {  	_ =	shalt  }
0x75: {  	_ =	shalt  }
0x76: {  	_ =	shalt  }
0x77: {  	_ =	shalt  }
0x78: {  	_ =	shalt  }
0x79: {  	_ =	shalt  }
0x7a: {  	_ =	shalt  }
0x7b: {  	_ =	shalt  }
0x7c: {  	_ =	shalt  }
0x7d: {  	_ =	shalt  }
0x7e: {  	_ =	shalt  }
0x7f: {  	_ =	shalt  }
0x80: {  	_ =	shalt  }
0x81: {  	_ =	shalt  }
0x82: {  	_ =	shalt  }
0x83: {  	_ =	shalt  }
0x84: {  	_ =	shalt  }
0x85: {  	_ =	shalt  }
0x86: {  	_ =	shalt  }
0x87: {  	_ =	shalt  }
.Lfunc_end0:
.L_simem_size_0:
called_computation.7_lowered:
.L_overlay_start_0:
0x88: {  	s2 =	sld [smem:$0x3FD9]  }
0x89: {  	s3 =	sld [smem:$0x3FFE];
	_ =	sdelay $0x1  }
0x8a: {  	s1 =	srdreg.scid  }
0x8b: {  	s0 =	sand.u32 $0x1, s1  }
0x8c: {  	s17 =	sshll.u32 s0, $0xA;
	s2 =	sadd.s32 s3, s2  }
0x8d: {  	s2 =	sadd.s32 s2, s17  }
0x8e: {  	[smem:$0x3FAD] =	sst s2  }
0x8f: {  	_ = 	snop  }
0x90: {  	s2 =	sld [smem:$0x3FD0];
	(tm) =	ssettm $0x1  }
0x91: {  	s18 =	sld [smem:$0x3FFB];
	_ =	sdelay $0x3  }
0x92: {  	_ =	strace s18  }
0x93: {  	s3 =	sld [smem:$0x3FFC];
	_ =	sdelay $0x3  }
0x94: {  	_ =	strace s3  }
0x95: {  	s3 =	sld [smem:$0x3FFD];
	_ =	sdelay $0x3  }
0x96: {  	_ =	strace s3  }
0x97: {  	_ =	strace $0x8FFFFFFF  }
0x98: {  	s19 =	sld [smem:$0x3FDB];
	_ =	sdelay $0x1  }
0x99: {  	s4 =	simm.s32 $_scs_section_size  }
0x9a: {  	s5 =	simm.s32 $_size__tile_overlayer_lowered;
	s6 =	simm.s32 $_tile_overlayer_lowered  }
0x9b: {  	s22 =	simm.s32 $0x1BFF;
	s21 =	sshll.u32 s6, $0x1;
	s3 =	sadd.s32 s4, s19  }
0x9c: {  	s7 =	simm.s32 $0x0;
	s20 =	sshll.u32 s5, $0x1;
	s5 =	sadd.s32 s21, s3  }
0x9d: {  	[timem:s7], [sflag:s22] =	dma.local [hbm:s5], s20  }
0x9e: {  	_ =	swait.ge [sflag:s22], s20  }
0x9f: {  	s4 =	ssub.s32 $0x0, s20;
	[sflag:s22] =	ssyncset.done $0x0  }
0xa0: {  	[sflag:s22] =	ssyncadd.s32 s4;
	_ =	sdelay $0x1  }
0xa1: {  	s23 =	simm.s32 $0x1B8B  }
0xa2: {  	_ =	swait.ge [sflag:s23], $0x1  }
0xa3: {  	[sflag:s23] =	ssyncset.done $0x0  }
0xa4: {  	s25 =	simm.s32 $0x1B8E;
	s24 =	sld [smem:$0x3FFE];
	[sflag:s23] =	ssyncadd.s32 $0xFFFFFFFF  }
0xa5: {  	s26 =	simm.s32 $execute0_lowered;
	[smem:$0x3FD2] =	sst s25  }
0xa6: {  	s5 =	sshll.u32 s26, $0x1;
	_ =	strace $0x8000005B;
	[dreg:$0x1] =	wrdreg $0xFFFFFFFF  }
0xa7: {  	s28 =	simm.s32 $_size_execute0_lowered;
	s3 =	sadd.s32 s3, s5;
	[dreg:$0x0] =	wrdreg $0x0  }
0xa8: {  	s5 =	sshll.u32 s28, $0x1;
	[dreg:$0x2] =	wrdreg s3  }
0xa9: {  	[dreg:$0x3] =	wrdreg s5  }
0xaa: {  	[dreg:$0x4] =	wrdreg $0xC0  }
0xab: {  	_ =	task [dreg:s7], $0x5FFFF  }
0xac: {  	[dreg:$0x1] =	wrdreg $0xFFFFFFFF  }
0xad: {  	[dreg:$0x0] =	wrdreg $0x60  }
0xae: {  	[dreg:$0x2] =	wrdreg s24  }
0xaf: {  	[dreg:$0x3] =	wrdreg s2  }
0xb0: {  	[dreg:$0x4] =	wrdreg $0xB1000  }
0xb1: {  	[dreg:$0x5] =	wrdreg $0x9  }
0xb2: {  	_ =	task.clear_ibuf [dreg:s7], $0x6FFFF;
	_ =	strace $0x9000005B  }
0xb3: {  	s29 =	simm.s32 $0x9;
	_ =	strace $0x8000005D  }
0xb4: {  	_ =	swait.ge [sflag:s29], $0x1  }
0xb5: {  	[sflag:s29] =	ssyncadd.s32 $0xFFFFFFFF  }
0xb6: {  	_ =	strace $0x9000005D  }
0xb7: {  	_ =	sfence  }
0xb8: {  	s30 =	sld [smem:$0x0];
	_ =	sdelay $0x2  }
0xb9: {  	s31 =	sshll.u32 s1, $0xD;
	s1 =	sshrl.u32 s1, $0x2  }
0xba: {  	s3 =	sand.u32 $0x4000, s31;
	s1 =	sadd.s32 s1, s30  }
0xbb: {  	s0 =	sor.u32 s3, s0;
	s1 =	sshll.u32 s1, $0x11  }
0xbc: {  	s0 =	sor.u32 s1, s0  }
0xbd: {  	s0 =	sadd.s32 $0x8F2B, s0  }
0xbe: {  	[sflag:s0] =	ssyncadd.remote.s32 $0x1  }
0xbf: {  	_ =	sfence.sel $0xFFFF  }
0xc0: {  	[dreg:$0x0] =	wrdreg $0xFFFFFFFF;
	(pc) =	sbr.abs _section_cstart, $3  }
0xc1: {  	[dreg:$0x1] =	wrdreg $0xFFFFFFFF  }
0xc2: {  	_ =	task.clear_ibuf [dreg:s7], $0x2FFFF;
	_ =	strace $0x9FFFFFFF  }
0xc3: {  	(tm) =	ssettm $0x7FFFFFFF  }
tec
execute0_lowered:
.L_overlay_start_1:
0x0: {  	(tag) =	ssettag $0x1  }
0x1: {  	s0 =	rddreg [dreg:$0x0]  }
0x2: {  	s2 =	rddreg [dreg:$0x2];
	s1 =	srdreg.scid;
	s4 =	simm.s32 $0x0  }
0x3: {  	s9 =	stileid.u32;
	s28 =	simm.s32 $0x1;
	s29 =	simm.s32 $0x2  }
0x4: {  	s30 =	simm.s32 $0x80;
	s31 =	simm.s32 $0x5100;
	s1 =	sand.u32 $0x1, s1  }
0x5: {  	[smem:$0x7FF] =	sst s4;
	s5 =	sadd.s32 $0x10C00, s0;
	s8 =	smul.u32 $0x28000, s9  }
0x6: {  	s19 =	smul.u32 $0xA000, s9;
	s3 =	sshll.u32 s1, $0x4;
	_ =	strace $0x8000005C  }
0x7: {  	s6 =	ssub.s32 $0x2, s1;
	s1 =	smul.u32 $0xA0000, s1;
	s3 =	sor.u32 s9, s3  }
0x8: {  	s7 =	sshrl.u32 s6, $0x1;
	s8 =	sshrl.u32 s8, $0x2;
	s22 =	sadd.s32 s19, s2  }
0x9: {  	s16 =	sadd.s32 $0x2000, s19;
	s25 =	sadd.s32 $0x4000, s19;
	s20 =	sadd.s32 $0x6000, s19  }
0xa: {  	s3 =	smul.u32 $0x510, s3;
	s10 =	ssub.s32 s6, s7;
	s8 =	sadd.s32 s8, s2  }
0xb: {  	[dreg:$0x6] =	wrdreg s22;
	s23 =	sadd.s32 s1, s19;
	s17 =	sadd.s32 s1, s16  }
0xc: {  	s16 =	sadd.s32 s16, s2;
	s18 =	sadd.s32 s25, s2;
	s22 =	sadd.s32 $0x8000, s19  }
0xd: {  	s10 =	smax.u32 s10, $0x1;
	s11 =	sadd.s32 $0x2000, s8;
	s12 =	sadd.s32 $0x4000, s8  }
0xe: {  	s13 =	sadd.s32 $0x6000, s8;
	s14 =	sadd.s32 $0x8000, s8;
	s3 =	sadd.s32 s3, s0  }
0xf: {  	s24 =	sshrl.u32 s17, $0x3;
	s0 =	sadd.s32 $0x24C00, s0;
	s21 =	sadd.s32 $0x7F200, s3  }
0x10: {  	s3 =	sadd.s32 $0x6A00, s3;
	s17 =	sadd.s32 s0, s24;
	[dreg:$0x4] =	wrdreg s21  }
0x11: {  	[dreg:$0x5] =	wrdreg s3;
	s3 =	sshrl.u32 s23, $0x3;
	s21 =	sadd.s32 s1, s20  }
0x12: {  	s20 =	sadd.s32 s20, s2;
	s15 =	sadd.s32 s0, s3;
	s3 =	sadd.s32 s1, s25  }
0x13: {  	s26 =	sshrl.u32 s21, $0x3;
	s1 =	sadd.s32 s1, s22;
	s22 =	sadd.s32 s22, s2  }
0x14: {  	s25 =	simm.s32 $0x9100;
	s3 =	sshrl.u32 s3, $0x3;
	s21 =	sadd.s32 s0, s26  }
0x15: {  	s1 =	sshrl.u32 s1, $0x3;
	s26 =	simm.s32 $0x3;
	s19 =	sadd.s32 s0, s3  }
0x16: {  	s23 =	sadd.s32 s0, s1;
	s0 =	simm.s32 $0x7100;
	s1 =	simm.s32 $0x0  }
.LBB2_1:
0x17: {  	s3 =	rddreg [dreg:$0x4]  }
0x18: {  	[tilespmem:s4], [sflag:$0x1] =	stream.linear.gather [hbm4b:s3+s4], $0x2880, $0x38;
	[tilespmem:$0x15100] =	vst v63  }
0x19: {  	s9 =	rddreg [dreg:$0x5];
	s6 =	simm.s32 $0x2880  }
0x1a: {  	[tilespmem:s6], [sflag:$0x2] =	stream.linear.gather [hbm4b:s9+s4], $0x2880, $0x38;
	[tilespmem:$0x15100] =	vst v63  }
0x1b: {  	s24 =	rddreg [dreg:$0x1]  }
0x1c: {  	[tilespmem:s25], [sflag:$0x3] =	stream.linear.gather [hbm4b:s24+s4], $0x2000, $0x38;
	[tilespmem:$0x15100] =	vst v63  }
0x1d: {  	_ =	swait.ge [sflag:s26], $0x2000  }
0x1e: {  	[sflag:s26] =	ssyncset.done $0x0  }
0x1f: {  	[sflag:s26] =	ssyncadd.s32 $0xFFFFE000  }
0x20: {  	[spmem:s8] =	stream.linear.scatter [tilespmem:s25], [sflag:$0x3], $0x2000, $0x38;
	[tilespmem:$0x15100] =	vst v63  }
0x21: {  	_ =	swait.ge [sflag:s26], $0x2000  }
0x22: {  	[sflag:s26] =	ssyncset.done $0x0  }
0x23: {  	[sflag:s26] =	ssyncadd.s32 $0xFFFFE000  }
0x24: {  	[spmem:s11] =	stream.linear.scatter [tilespmem:s25], [sflag:$0x3], $0x2000, $0x38;
	[tilespmem:$0x15100] =	vst v63  }
0x25: {  	_ =	swait.ge [sflag:s26], $0x2000  }
0x26: {  	[sflag:s26] =	ssyncset.done $0x0  }
0x27: {  	[sflag:s26] =	ssyncadd.s32 $0xFFFFE000  }
0x28: {  	[spmem:s12] =	stream.linear.scatter [tilespmem:s25], [sflag:$0x3], $0x2000, $0x38;
	[tilespmem:$0x15100] =	vst v63  }
0x29: {  	_ =	swait.ge [sflag:s26], $0x2000  }
0x2a: {  	[sflag:s26] =	ssyncset.done $0x0  }
0x2b: {  	[sflag:s26] =	ssyncadd.s32 $0xFFFFE000  }
0x2c: {  	[spmem:s13] =	stream.linear.scatter [tilespmem:s25], [sflag:$0x3], $0x2000, $0x38;
	[tilespmem:$0x15100] =	vst v63  }
0x2d: {  	_ =	swait.ge [sflag:s26], $0x2000  }
0x2e: {  	[sflag:s26] =	ssyncset.done $0x0  }
0x2f: {  	[sflag:s26] =	ssyncadd.s32 $0xFFFFE000  }
0x30: {  	[spmem:s14] =	stream.linear.scatter [tilespmem:s25], [sflag:$0x3], $0x2000, $0x38;
	[tilespmem:$0x15100] =	vst v63  }
0x31: {  	_ =	swait.ge [sflag:s26], $0x2000  }
0x32: {  	[sflag:s26] =	ssyncset.done $0x0  }
0x33: {  	[sflag:s26] =	ssyncadd.s32 $0xFFFFE000  }
0x34: {  	_ =	swait.ge [sflag:s28], $0x2880  }
0x35: {  	[sflag:s28] =	ssyncset.done $0x0  }
0x36: {  	[sflag:s28] =	ssyncadd.s32 $0xFFFFD780  }
0x37: {  	_ =	swait.ge [sflag:s29], $0x2880  }
0x38: {  	[sflag:s29] =	ssyncset.done $0x0  }
0x39: {  	[sflag:s29] =	ssyncadd.s32 $0xFFFFD780  }
0x3a: {  	[bflag:$0x0] =	sbarrier.arrive $0xFFFF  }
0x3b: {  	[tilespmem:s31], [sflag:$0x1] =	stream.indirect.gather [hbm4b:s5+s30], $0x40, s4, s30, $0xb8;
	[tilespmem:$0x15100] =	vst v63  }
0x3c: {  	s6 =	simm.s32 $0x80  }
0x3d: {  	[tilespmem:s0], [sflag:$0x2] =	stream.indirect.gather [hbm4b:s5+s30], $0x40, s6, s30, $0xb8;
	[tilespmem:$0x15100] =	vst v63  }
0x3e: {  	_ =	swait.ge [sflag:s28], $0x2000  }
0x3f: {  	[sflag:s28] =	ssyncset.done $0x0  }
0x40: {  	s7 =	simm.s32 $0x2880;
	[sflag:s28] =	ssyncadd.s32 $0xFFFFE000  }
0x41: {  	[spmem:s2] =	stream.indirect.scatter.add.f32 [tilespmem:s31], [sflag:$0x3], $0x40, s7, s30, $0xb8;
	[tilespmem:$0x15100] =	vst v63  }
0x42: {  	_ =	swait.ge [sflag:s26], $0x2000  }
0x43: {  	[sflag:s26] =	ssyncset.done $0x0  }
0x44: {  	s9 =	simm.s32 $0x100;
	[sflag:s26] =	ssyncadd.s32 $0xFFFFE000  }
0x45: {  	[tilespmem:s31], [sflag:$0x1] =	stream.indirect.gather [hbm4b:s5+s30], $0x40, s9, s30, $0xb8;
	[tilespmem:$0x15100] =	vst v63  }
0x46: {  	_ =	swait.ge [sflag:s29], $0x2000  }
0x47: {  	[sflag:s29] =	ssyncset.done $0x0  }
0x48: {  	s24 =	simm.s32 $0x2900;
	[sflag:s29] =	ssyncadd.s32 $0xFFFFE000  }
0x49: {  	[spmem:s2] =	stream.indirect.scatter.add.f32 [tilespmem:s0], [sflag:$0x3], $0x40, s24, s30, $0xb8;
	[tilespmem:$0x15100] =	vst v63  }
0x4a: {  	_ =	swait.ge [sflag:s26], $0x2000  }
0x4b: {  	s3 =	simm.s32 $0x800;
	s24 =	simm.s32 $0x100;
	[sflag:s26] =	ssyncset.done $0x0  }
.LBB2_2:
0x4c: {  	s6 =	sadd.s32 $0x80, s24  }
0x4d: {  	[sflag:s26] =	ssyncadd.s32 $0xFFFFE000;
	s7 =	smov.u32 s3;
	s9 =	sadd.s32 $0x400, s3  }
0x4e: {  	[tilespmem:s0], [sflag:$0x2] =	stream.indirect.gather [hbm4b:s5+s30], $0x40, s6, s30, $0xb8;
	[tilespmem:$0x15100] =	vst v63  }
0x4f: {  	p0 =	sne.s32 s3, $0x9C00;
	_ =	swait.ge [sflag:s28], $0x2000  }
0x50: {  	[sflag:s28] =	ssyncset.done $0x0  }
0x51: {  	s3 =	sadd.s32 $0x2880, s24;
	[sflag:s28] =	ssyncadd.s32 $0xFFFFE000  }
0x52: {  	[spmem:s2] =	stream.indirect.scatter.add.f32 [tilespmem:s31], [sflag:$0x3], $0x40, s3, s30, $0xb8;
	[tilespmem:$0x15100] =	vst v63  }
0x53: {  	_ =	swait.ge [sflag:s26], $0x2000  }
0x54: {  	[sflag:s26] =	ssyncset.done $0x0  }
0x55: {  	s3 =	sadd.s32 $0x100, s24;
	[sflag:s26] =	ssyncadd.s32 $0xFFFFE000  }
0x56: {  	[tilespmem:s31], [sflag:$0x1] =	stream.indirect.gather [hbm4b:s5+s30], $0x40, s3, s30, $0xb8;
	[tilespmem:$0x15100] =	vst v63  }
0x57: {  	_ =	swait.ge [sflag:s29], $0x2000  }
.Ltmp0:
0x58: {  	[sflag:s29] =	ssyncset.done $0x0;
	(pc) =	sbr.rel @p0 .LBB2_2-.Ltmp0, $4  }
0x59: {  	s3 =	sadd.s32 $0x2900, s24;
	[sflag:s29] =	ssyncadd.s32 $0xFFFFE000  }
0x5a: {  	[spmem:s2] =	stream.indirect.scatter.add.f32 [tilespmem:s0], [sflag:$0x3], $0x40, s3, s30, $0xb8;
	[tilespmem:$0x15100] =	vst v63  }
0x5b: {  	_ =	swait.ge [sflag:s26], $0x2000  }
0x5c: {  	s24 =	sshra.s32 s7, $0x2;
	s3 =	smov.u32 s9;
	[sflag:s26] =	ssyncset.done $0x0  }
0x5d: {  	s3 =	sadd.s32 $0x80, s24;
	[sflag:s26] =	ssyncadd.s32 $0xFFFFE000  }
0x5e: {  	[tilespmem:s0], [sflag:$0x2] =	stream.indirect.gather [hbm4b:s5+s30], $0x40, s3, s30, $0xb8;
	[tilespmem:$0x15100] =	vst v63  }
0x5f: {  	_ =	swait.ge [sflag:s28], $0x2000  }
0x60: {  	[sflag:s28] =	ssyncset.done $0x0  }
0x61: {  	s9 =	sadd.s32 $0x2880, s24;
	[sflag:s28] =	ssyncadd.s32 $0xFFFFE000  }
0x62: {  	[spmem:s2] =	stream.indirect.scatter.add.f32 [tilespmem:s31], [sflag:$0x3], $0x40, s9, s30, $0xb8;
	[tilespmem:$0x15100] =	vst v63  }
0x63: {  	_ =	swait.ge [sflag:s26], $0x2000  }
0x64: {  	[sflag:s26] =	ssyncset.done $0x0  }
0x65: {  	s6 =	sadd.s32 $0x100, s24;
	[sflag:s26] =	ssyncadd.s32 $0xFFFFE000  }
0x66: {  	[tilespmem:s31], [sflag:$0x1] =	stream.indirect.gather [hbm4b:s5+s30], $0x40, s6, s30, $0xb8;
	[tilespmem:$0x15100] =	vst v63  }
0x67: {  	_ =	swait.ge [sflag:s29], $0x2000  }
0x68: {  	[sflag:s29] =	ssyncset.done $0x0  }
0x69: {  	s7 =	sadd.s32 $0x2900, s24;
	[sflag:s29] =	ssyncadd.s32 $0xFFFFE000  }
0x6a: {  	[spmem:s2] =	stream.indirect.scatter.add.f32 [tilespmem:s0], [sflag:$0x3], $0x40, s7, s30, $0xb8;
	[tilespmem:$0x15100] =	vst v63  }
0x6b: {  	_ =	swait.ge [sflag:s26], $0x2000  }
0x6c: {  	[sflag:s26] =	ssyncset.done $0x0  }
0x6d: {  	[sflag:s26] =	ssyncadd.s32 $0xFFFFE000  }
0x6e: {  	_ =	swait.ge [sflag:s28], $0x2000  }
0x6f: {  	[sflag:s28] =	ssyncset.done $0x0  }
0x70: {  	s9 =	simm.s32 $0x5080;
	[sflag:s28] =	ssyncadd.s32 $0xFFFFE000  }
0x71: {  	[spmem:s2] =	stream.indirect.scatter.add.f32 [tilespmem:s31], [sflag:$0x3], $0x40, s9, s30, $0xb8;
	[tilespmem:$0x15100] =	vst v63  }
0x72: {  	_ =	swait.ge [sflag:s26], $0x2000  }
0x73: {  	[sflag:s26] =	ssyncset.done $0x0  }
0x74: {  	[sflag:s26] =	ssyncadd.s32 $0xFFFFE000  }
0x75: {  	[bflag:$0x0] =	sbarrier.arrive $0xFFFF  }
0x76: {  	s24 =	rddreg [dreg:$0x6]  }
0x77: {  	[tilespmem:s25], [sflag:$0x3] =	stream.linear.gather [spmem:s24], $0x2000, $0x38;
	[tilespmem:$0x15100] =	vst v63  }
0x78: {  	_ =	swait.ge [sflag:s26], $0x2000  }
0x79: {  	[sflag:s26] =	ssyncset.done $0x0  }
0x7a: {  	[sflag:s26] =	ssyncadd.s32 $0xFFFFE000  }
0x7b: {  	[hbm4b:s15+s4] =	stream.linear.scatter [tilespmem:s25], [sflag:$0x3], $0x2000, $0x38;
	[tilespmem:$0x15100] =	vst v63  }
0x7c: {  	_ =	swait.ge [sflag:s26], $0x2000  }
0x7d: {  	[sflag:s26] =	ssyncset.done $0x0  }
0x7e: {  	[sflag:s26] =	ssyncadd.s32 $0xFFFFE000  }
0x7f: {  	[tilespmem:s25], [sflag:$0x3] =	stream.linear.gather [spmem:s16], $0x2000, $0x38;
	[tilespmem:$0x15100] =	vst v63  }
0x80: {  	_ =	swait.ge [sflag:s26], $0x2000  }
0x81: {  	[sflag:s26] =	ssyncset.done $0x0  }
0x82: {  	[sflag:s26] =	ssyncadd.s32 $0xFFFFE000  }
0x83: {  	[hbm4b:s17+s4] =	stream.linear.scatter [tilespmem:s25], [sflag:$0x3], $0x2000, $0x38;
	[tilespmem:$0x15100] =	vst v63  }
0x84: {  	_ =	swait.ge [sflag:s26], $0x2000  }
0x85: {  	[sflag:s26] =	ssyncset.done $0x0  }
0x86: {  	[sflag:s26] =	ssyncadd.s32 $0xFFFFE000  }
0x87: {  	[tilespmem:s25], [sflag:$0x3] =	stream.linear.gather [spmem:s18], $0x2000, $0x38;
	[tilespmem:$0x15100] =	vst v63  }
0x88: {  	_ =	swait.ge [sflag:s26], $0x2000  }
0x89: {  	[sflag:s26] =	ssyncset.done $0x0  }
0x8a: {  	[sflag:s26] =	ssyncadd.s32 $0xFFFFE000  }
0x8b: {  	[hbm4b:s19+s4] =	stream.linear.scatter [tilespmem:s25], [sflag:$0x3], $0x2000, $0x38;
	[tilespmem:$0x15100] =	vst v63  }
0x8c: {  	_ =	swait.ge [sflag:s26], $0x2000  }
0x8d: {  	[sflag:s26] =	ssyncset.done $0x0  }
0x8e: {  	[sflag:s26] =	ssyncadd.s32 $0xFFFFE000  }
0x8f: {  	[tilespmem:s25], [sflag:$0x3] =	stream.linear.gather [spmem:s20], $0x2000, $0x38;
	[tilespmem:$0x15100] =	vst v63  }
0x90: {  	_ =	swait.ge [sflag:s26], $0x2000  }
0x91: {  	[sflag:s26] =	ssyncset.done $0x0  }
0x92: {  	[sflag:s26] =	ssyncadd.s32 $0xFFFFE000  }
0x93: {  	[hbm4b:s21+s4] =	stream.linear.scatter [tilespmem:s25], [sflag:$0x3], $0x2000, $0x38;
	[tilespmem:$0x15100] =	vst v63  }
0x94: {  	_ =	swait.ge [sflag:s26], $0x2000  }
0x95: {  	[sflag:s26] =	ssyncset.done $0x0  }
0x96: {  	[sflag:s26] =	ssyncadd.s32 $0xFFFFE000  }
0x97: {  	[tilespmem:s25], [sflag:$0x3] =	stream.linear.gather [spmem:s22], $0x2000, $0x38;
	[tilespmem:$0x15100] =	vst v63  }
0x98: {  	s1 =	sadd.s32 $0x1, s1;
	_ =	swait.ge [sflag:s26], $0x2000  }
0x99: {  	p0 =	sne.s32 s1, s10;
	[sflag:s26] =	ssyncset.done $0x0  }
.Ltmp1:
0x9a: {  	[sflag:s26] =	ssyncadd.s32 $0xFFFFE000;
	(pc) =	sbr.rel @p0 .LBB2_1-.Ltmp1, $4  }
0x9b: {  	[hbm4b:s23+s4] =	stream.linear.scatter [tilespmem:s25], [sflag:$0x3], $0x2000, $0x38;
	[tilespmem:$0x15100] =	vst v63  }
0x9c: {  	_ =	swait.ge [sflag:s26], $0x2000  }
0x9d: {  	[sflag:s26] =	ssyncset.done $0x0  }
0x9e: {  	[sflag:s26] =	ssyncadd.s32 $0xFFFFE000  }
0x9f: {  	_ =	sfence.sel $0x180000  }
0xa0: {  	[bflag:$0x0] =	sbarrier.arrive $0xFFFF  }
0xa1: {  	_ =	strace $0x9000005C  }
0xa2: {  	s0 =	stileid.u32;
	[bflag:$0x2] =	sbarrier.arrive $0xFFFF  }
0xa3: {  	p0 =	sne.s32 s0, $0x0;
	s0 =	rddreg [dreg:$0x3]  }
0xa4: {  	s0 =	sadd.s32 @!p0 $0x100000, s0  }
0xa5: {  	[sflag:s0] =	ssyncadd.tile.s32 @!p0 $0x1;
	_ =	shalt  }
.Lfunc_end2:
_tile_overlayer_lowered:
.L_overlay_start_2:
0xa6: {  	(tag) =	ssettag $0x2  }
0xa7: {  	s0 =	rddreg [dreg:$0x0];
	s2 =	stileid.u32  }
0xa8: {  	s1 =	rddreg [dreg:$0x1];
	p0 =	sne.s32 s2, $0x0  }
0xa9: {  	s3 =	rddreg [dreg:$0x2];
	[bflag:$0x3] =	sbarrier.arrive $0xFFFF;
	s2 =	simm.s32 @!p0 $0x1C03  }
0xaa: {  	[timem:s3], [sflag:s2] =	dma.local @!p0 [hbm:s0], s1  }
0xab: {  	s0 =	simm.s32 @!p0 $0x3  }
0xac: {  	_ =	swait.ge @!p0 [sflag:s0], s1  }
0xad: {  	s1 =	ssub.s32 @!p0 $0x0, s1;
	[sflag:s0] =	ssyncset.done @!p0 $0x0  }
0xae: {  	[sflag:s0] =	ssyncadd.s32 @!p0 s1  }
0xaf: {  	[bflag:$0x3] =	sbarrier.arrive $0xFFFF  }
0xb0: {  	_ =	shalt  }

</sc_bundles>
